<compile_context>
chip_gen: v7x
topology: tpu7x:2x2x1
jax: 0.10.2.dev20260603
libtpu: 0.0.44.dev20260713+nightly
codegen_flags: <defaults>
</compile_context>

<pallas_src>
import functools

import jax
import jax.numpy as jnp
from jax import lax
from jax.experimental import pallas as pl
from jax.experimental.pallas import tpu as pltpu
from jax.experimental.pallas import tpu_sc as plsc

F32 = jnp.float32

NC, NS = 2, 16
NW = NC * NS
N = 10000
NPAD = 10112
E = 320000
EW = E // NW
CW = 100
NCH = EW // CW
RT = NPAD // NS
DH = 64
DOUT = 128
NBUF = 4
SDEPTH = 2

_mesh = plsc.VectorSubcoreMesh(
    core_axis_name="c", subcore_axis_name="s", num_cores=NC, num_subcores=NS
)
_sc_params = pltpu.CompilerParams(use_tc_tiling_on_sc=False)


def _fill(buf, rows, width, value):
    vec = jnp.full((16,), value, F32)

    @pl.loop(0, rows)
    def _(r):
        for k in range(width // 16):
            buf[r, pl.ds(k * 16, 16)] = vec


def _zero_spmem(buf, accum, r0, width):
    nfull = RT // CW
    rem = RT - nfull * CW

    @pl.loop(0, nfull)
    def _(i):
        pltpu.sync_copy(buf, accum.at[pl.ds(r0 + i * CW, CW)])

    pltpu.sync_copy(buf.at[pl.ds(0, rem)], accum.at[pl.ds(r0 + nfull * CW, rem)])


def _deg_body(dst_hbm, out_hbm, dst_v, ones_v, accum, gsem):
    cid = lax.axis_index("c")
    sid = lax.axis_index("s")
    wid = sid * NC + cid
    r0 = sid * RT

    pltpu.sync_copy(dst_hbm.at[wid], dst_v)
    _fill(ones_v, CW, 16, 0.0)
    _zero_spmem(ones_v, accum, r0, 16)
    _fill(ones_v, CW, 16, 1.0)
    plsc.subcore_barrier()

    def d_start(j, b):
        pltpu.async_copy(ones_v, accum.at[dst_v.at[j]], gsem.at[b], add=True)

    def d_wait(j, b):
        pltpu.make_async_copy(ones_v, accum.at[dst_v.at[j]], gsem.at[b]).wait()

    @pl.loop(0, NCH, step=4)
    def _(j0):
        for b in range(4):
            j = j0 + b

            @pl.when(j - 4 >= 0)
            def _():
                d_wait(j - 4, b)

            d_start(j, b)

    for b in range(4):
        d_wait(NCH - 4 + b, b)

    plsc.subcore_barrier()
    out_off = cid * NPAD + r0
    pltpu.sync_copy(accum.at[pl.ds(r0, RT)], out_hbm.at[pl.ds(out_off, RT)])


_deg_call = functools.partial(
    pl.kernel,
    out_type=jax.ShapeDtypeStruct((2 * NPAD, 16), F32),
    mesh=_mesh,
    scratch_types=[
        pltpu.VMEM((NCH, CW), jnp.int32),
        pltpu.VMEM((CW, 16), F32),
        pltpu.VMEM_SHARED((NPAD, 16), F32),
        pltpu.SemaphoreType.DMA((4,)),
    ],
    compiler_params=_sc_params,
)(_deg_body)


def _agg_body(src_hbm, dst_hbm, p_hbm, out_hbm,
              src_v, dst_v, rowbuf, accum, ptab, gsem, ssem):
    cid = lax.axis_index("c")
    sid = lax.axis_index("s")
    wid = sid * NC + cid
    r0 = sid * RT

    pltpu.sync_copy(src_hbm.at[wid], src_v)
    pltpu.sync_copy(dst_hbm.at[wid], dst_v)
    pltpu.sync_copy(p_hbm.at[pl.ds(r0, RT)], ptab.at[pl.ds(r0, RT)])

    @pl.when(cid == 0)
    def _():
        pltpu.sync_copy(p_hbm.at[pl.ds(r0, RT)], accum.at[pl.ds(r0, RT)])

    @pl.when(cid != 0)
    def _():
        _fill(rowbuf.at[0], CW, DH, 0.0)
        _zero_spmem(rowbuf.at[0], accum, r0, DH)

    plsc.subcore_barrier()

    def g_start(j, b):
        pltpu.async_copy(ptab.at[src_v.at[j]], rowbuf.at[b], gsem.at[b])

    def g_wait(j, b):
        pltpu.make_async_copy(ptab.at[src_v.at[j]], rowbuf.at[b], gsem.at[b]).wait()

    def s_start(j, b):
        pltpu.async_copy(rowbuf.at[b], accum.at[dst_v.at[j]], ssem.at[b], add=True)

    def s_wait(j, b):
        pltpu.make_async_copy(rowbuf.at[b], accum.at[dst_v.at[j]], ssem.at[b]).wait()

    GDEPTH = NBUF - SDEPTH
    for b in range(GDEPTH):
        g_start(b, b)

    @pl.loop(0, NCH, step=NBUF)
    def _(j0):
        for b in range(NBUF):
            j = j0 + b
            g_wait(j, b)
            s_start(j, b)

            @pl.when(j - SDEPTH >= 0)
            def _():
                s_wait(j - SDEPTH, (b + NBUF - SDEPTH) % NBUF)

            @pl.when(j + GDEPTH < NCH)
            def _():
                g_start(j + GDEPTH, (b + GDEPTH) % NBUF)

    for k in range(SDEPTH):
        j = NCH - SDEPTH + k
        s_wait(j, j % NBUF)

    plsc.subcore_barrier()
    out_off = cid * NPAD + r0
    pltpu.sync_copy(accum.at[pl.ds(r0, RT)], out_hbm.at[pl.ds(out_off, RT)])


_agg_call = functools.partial(
    pl.kernel,
    out_type=jax.ShapeDtypeStruct((2 * NPAD, DH), F32),
    mesh=_mesh,
    scratch_types=[
        pltpu.VMEM((NCH, CW), jnp.int32),
        pltpu.VMEM((NCH, CW), jnp.int32),
        pltpu.VMEM((NBUF, CW, DH), F32),
        pltpu.VMEM_SHARED((NPAD, DH), F32),
        pltpu.VMEM_SHARED((NPAD, DH), F32),
        pltpu.SemaphoreType.DMA((NBUF,)),
        pltpu.SemaphoreType.DMA((NBUF,)),
    ],
    compiler_params=_sc_params,
)(_agg_body)


_GRID = 2
_BR = NPAD // _GRID


def _tc_in_body(x_ref, w_ref, deg_ref, p_ref, dinv_ref):
    dv = lax.rsqrt(deg_ref[0, :, :1] + deg_ref[1, :, :1] + 1.0)
    p = jnp.dot(x_ref[...], w_ref[...], preferred_element_type=F32)
    p_ref[...] = p * dv
    dinv_ref[...] = jnp.broadcast_to(dv, dinv_ref.shape)


def _tc_in(x, w1, deg2):
    return pl.pallas_call(
        _tc_in_body,
        grid=(2,),
        in_specs=[
            pl.BlockSpec((5000, 128), lambda j: (j, 0)),
            pl.BlockSpec((128, DH), lambda j: (0, 0)),
            pl.BlockSpec((2, 5000, 16), lambda j: (0, j, 0)),
        ],
        out_specs=[
            pl.BlockSpec((5000, DH), lambda j: (j, 0)),
            pl.BlockSpec((5000, 16), lambda j: (j, 0)),
        ],
        out_shape=[
            jax.ShapeDtypeStruct((NPAD, DH), F32),
            jax.ShapeDtypeStruct((NPAD, 16), F32),
        ],
    )(x, w1, deg2)


def _tc_mid_body(s_ref, dinv_ref, b_ref, w_ref, out_ref):
    dv = dinv_ref[:, :1]
    a = (s_ref[0] + s_ref[1]) * dv
    h = jnp.maximum(a + b_ref[...], 0.0)
    out_ref[...] = jnp.dot(h, w_ref[...], preferred_element_type=F32) * dv


def _tc_mid(s2, dinv, b, w):
    return pl.pallas_call(
        _tc_mid_body,
        grid=(_GRID,),
        in_specs=[
            pl.BlockSpec((2, _BR, DH), lambda j: (0, j, 0)),
            pl.BlockSpec((_BR, 16), lambda j: (j, 0)),
            pl.BlockSpec((1, DH), lambda j: (0, 0)),
            pl.BlockSpec((DH, DH), lambda j: (0, 0)),
        ],
        out_specs=pl.BlockSpec((_BR, DH), lambda j: (j, 0)),
        out_shape=jax.ShapeDtypeStruct((NPAD, DH), F32),
    )(s2, dinv, b, w)


def _tc_out_body(s_ref, dinv_ref, w_ref, b_ref, out_ref):
    a = (s_ref[0] + s_ref[1]) * dinv_ref[:, :1]
    out_ref[...] = jnp.dot(a, w_ref[...], preferred_element_type=F32) + b_ref[...]


def _tc_out(s2, dinv, w3, b3):
    return pl.pallas_call(
        _tc_out_body,
        grid=(2,),
        in_specs=[
            pl.BlockSpec((2, 5000, DH), lambda j: (0, j, 0)),
            pl.BlockSpec((5000, 16), lambda j: (j, 0)),
            pl.BlockSpec((DH, DOUT), lambda j: (0, 0)),
            pl.BlockSpec((1, DOUT), lambda j: (0, 0)),
        ],
        out_specs=pl.BlockSpec((5000, DOUT), lambda j: (j, 0)),
        out_shape=jax.ShapeDtypeStruct((N, DOUT), F32),
    )(s2, dinv, w3, b3)


@jax.jit
def kernel(x, edge_index, W1, b1, W2, b2, W3, b3):
    ei = edge_index.astype(jnp.int32)
    src = ei[0].reshape(NW, NCH, CW)
    dst = ei[1].reshape(NW, NCH, CW)

    deg2 = _deg_call(dst).reshape(2, NPAD, 16)
    p1, dinv = _tc_in(x, W1, deg2)
    s1 = _agg_call(src, dst, p1).reshape(2, NPAD, DH)
    p2 = _tc_mid(s1, dinv, b1.reshape(1, DH), W2)
    s2 = _agg_call(src, dst, p2).reshape(2, NPAD, DH)
    p3 = _tc_mid(s2, dinv, b2.reshape(1, DH), jnp.eye(DH, dtype=F32))
    s3 = _agg_call(src, dst, p3).reshape(2, NPAD, DH)
    return _tc_out(s3, dinv, W3, b3.reshape(1, DOUT))

# --- scband reference (transcript-rebuilt; emitter-appended) ---
"""Pipeline reference for scband-net-25829933318546 (READ-ONLY COPY).

The authoritative reference and input builder live on the scoring server;
editing this copy changes nothing except your own understanding.
"""

import jax, jax.numpy as jnp
import numpy as np


def gcn_conv(x, edge_index, W, b):
    # PyG GCNConv: add self-loops, symmetric normalization D^-1/2 (A+I) D^-1/2 X W + b
    N = x.shape[0]
    loop = jnp.arange(N, dtype=edge_index.dtype)
    src = jnp.concatenate([edge_index[0], loop])
    dst = jnp.concatenate([edge_index[1], loop])
    deg = jnp.zeros((N,), dtype=x.dtype).at[dst].add(1.0)
    dinv = jnp.where(deg > 0, 1.0 / jnp.sqrt(deg), 0.0)
    norm = dinv[src] * dinv[dst]
    h = x @ W
    msg = h[src] * norm[:, None]
    out = jnp.zeros((N, h.shape[1]), dtype=x.dtype).at[dst].add(msg)
    return out + b


def setup_inputs(seed: int = 0) -> dict:
    key = jax.random.key(seed)
    ks = jax.random.split(key, 8)
    N, E = 10000, 320000
    d_in, d_h, d_out = 128, 64, 128
    x = jax.random.normal(ks[0], (N, d_in), dtype=jnp.float32)
    edge_index = jax.random.randint(ks[1], (2, E), 0, N).astype(jnp.int64)
    W1 = jax.random.normal(ks[2], (d_in, d_h), dtype=jnp.float32) * 0.05
    b1 = jnp.zeros((d_h,), dtype=jnp.float32)
    W2 = jax.random.normal(ks[3], (d_h, d_h), dtype=jnp.float32) * 0.05
    b2 = jnp.zeros((d_h,), dtype=jnp.float32)
    W3 = jax.random.normal(ks[4], (d_h, d_out), dtype=jnp.float32) * 0.05
    b3 = jnp.zeros((d_out,), dtype=jnp.float32)
    return {"x": x, "edge_index": edge_index, "W1": W1, "b1": b1, "W2": W2, "b2": b2, "W3": W3, "b3": b3}


def reference(x, edge_index, W1, b1, W2, b2, W3, b3):
    h = jax.nn.relu(gcn_conv(x, edge_index, W1, b1))
    h = jax.nn.relu(gcn_conv(h, edge_index, W2, b2))
    out = gcn_conv(h, edge_index, W3, b3)
    return out

if __name__ == "__main__":
    import jax
    _d = setup_inputs()
    print(jax.jit(kernel)(*tuple(_d.values())))

</pallas_src>

<mosaic_0001>
#map = affine_map<(d0, d1) -> (0, 0, 0)>
#map1 = affine_map<(d0, d1) -> (0, 0)>
module attributes {stable_mosaic.version = 14 : i64} {
  func.func @_deg_body(%arg0: i32, %arg1: i32, %arg2: memref<32x100x100xi32, #tpu.memory_space<hbm>>, %arg3: memref<20224x16xf32, #tpu.memory_space<hbm>>, %arg4: memref<100x100xi32, #tpu.memory_space<vmem>>, %arg5: memref<100x16xf32, #tpu.memory_space<vmem>>, %arg6: memref<10112x16xf32, #tpu.memory_space<vmem_shared>>, %arg7: memref<4x!tpu.dma_semaphore, #tpu.memory_space<semaphore_mem>>) attributes {dimension_semantics = [#tpu.dimension_semantics<core_parallel>, #tpu.dimension_semantics<subcore_parallel>], iteration_bounds = array<i64: 2, 16>, scalar_prefetch = 0 : i64, scratch_operands = 4 : i64, tpu.core_type = #tpu.core_type<sc_vector_subcore>, window_params = [{transform_indices = #map}, {transform_indices = #map1}]} {
    %mul3A = arith.constant 2 : i32
    %mul3A_0 = arith.muli %arg1, %mul3A : i32
    %add3A = arith.addi %mul3A_0, %arg0 : i32
    %mul3A_1 = arith.constant 632 : i32
    %mul3A_2 = arith.muli %arg1, %mul3A_1 : i32
    "tpu.region"() ({
      %run_scoped3A = tpu.sem_alloc : memref<!tpu.dma_semaphore, #tpu.memory_space<semaphore_mem>>
      %dma_start3A = arith.constant 0 : i32
      %dma_start3A_70 = arith.constant 0 : i32
      %dma_start3A_71 = tpu.memref_slice %arg2[%add3A, %dma_start3A, %dma_start3A_70] : memref<32x100x100xi32, #tpu.memory_space<hbm>> -> memref<1x100x100xi32, #tpu.memory_space<hbm>>
      %dma_start3A_72 = tpu.memref_squeeze %dma_start3A_71 : memref<1x100x100xi32, #tpu.memory_space<hbm>> -> memref<100x100xi32, #tpu.memory_space<hbm>>
      %dma_start3A_73 = arith.constant 0 : i32
      %dma_start3A_74 = arith.constant 0 : i32
      %dma_start3A_75 = tpu.memref_slice %arg2[%add3A, %dma_start3A_73, %dma_start3A_74] : memref<32x100x100xi32, #tpu.memory_space<hbm>> -> memref<1x100x100xi32, #tpu.memory_space<hbm>>
      %dma_start3A_76 = tpu.memref_squeeze %dma_start3A_75 : memref<1x100x100xi32, #tpu.memory_space<hbm>> -> memref<100x100xi32, #tpu.memory_space<hbm>>
      tpu.enqueue_dma source(%dma_start3A_76 : memref<100x100xi32, #tpu.memory_space<hbm>>) target(%arg4 : memref<100x100xi32, #tpu.memory_space<vmem>>) target_semaphore(%run_scoped3A : memref<!tpu.dma_semaphore, #tpu.memory_space<semaphore_mem>>)
      %dma_wait3A_77 = arith.constant 0 : i32
      %dma_wait3A_78 = arith.constant 0 : i32
      %dma_wait3A_79 = tpu.memref_slice %arg2[%add3A, %dma_wait3A_77, %dma_wait3A_78] : memref<32x100x100xi32, #tpu.memory_space<hbm>> -> memref<1x100x100xi32, #tpu.memory_space<hbm>>
      %dma_wait3A_80 = tpu.memref_squeeze %dma_wait3A_79 : memref<1x100x100xi32, #tpu.memory_space<hbm>> -> memref<100x100xi32, #tpu.memory_space<hbm>>
      %dma_wait3A_81 = arith.constant 0 : i32
      %dma_wait3A_82 = arith.constant 0 : i32
      %dma_wait3A_83 = tpu.memref_slice %arg2[%add3A, %dma_wait3A_81, %dma_wait3A_82] : memref<32x100x100xi32, #tpu.memory_space<hbm>> -> memref<1x100x100xi32, #tpu.memory_space<hbm>>
      %dma_wait3A_84 = tpu.memref_squeeze %dma_wait3A_83 : memref<1x100x100xi32, #tpu.memory_space<hbm>> -> memref<100x100xi32, #tpu.memory_space<hbm>>
      tpu.wait_dma2 semaphore(%run_scoped3A : memref<!tpu.dma_semaphore, #tpu.memory_space<semaphore_mem>>) src(%dma_wait3A_84 : memref<100x100xi32, #tpu.memory_space<hbm>>) dst(%arg4 : memref<100x100xi32, #tpu.memory_space<vmem>>)
      tpu.yield
    }) : () -> ()
    %broadcast_in_dim3A = arith.constant 0.000000e+00 : f32
    %broadcast_in_dim3A_3 = vector.broadcast %broadcast_in_dim3A : f32 to vector<16xf32>
    %scan3A = arith.constant 0 : i32
    %scan3A_4 = arith.constant 100 : i32
    %scan3A_5 = arith.addi %scan3A, %scan3A_4 : i32
    %scan3A_6 = arith.constant 1 : i32
    scf.for %scan3A_70 = %scan3A to %scan3A_5 step %scan3A_6  : i32 {
      %mul3A_71 = arith.constant 1 : i32
      %mul3A_72 = arith.muli %scan3A_70, %mul3A_71 : i32
      %add3A_73 = arith.constant 0 : i32
      %add3A_74 = arith.addi %add3A_73, %mul3A_72 : i32
      %swap3A = arith.index_cast %add3A_74 : i32 to index
      %swap3A_75 = arith.constant 0 : index
      %swap3A_76 = tpu.vector_load %arg5[%swap3A, %swap3A_75] {strides = array<i32>} : memref<100x16xf32, #tpu.memory_space<vmem>>, vector<1x16xf32>,
      %swap3A_77 = vector.shape_cast %swap3A_76 : vector<1x16xf32> to vector<16xf32>
      %swap3A_78 = vector.shape_cast %broadcast_in_dim3A_3 : vector<16xf32> to vector<1x16xf32>
      tpu.vector_store %arg5[%swap3A, %swap3A_75], %swap3A_78 {strides = array<i32>} : memref<100x16xf32, #tpu.memory_space<vmem>>, vector<1x16xf32>,
    }
    %scan3A_7 = arith.constant 100 : i32
    %scan3A_8 = arith.constant 0 : i32
    %scan3A_9 = arith.constant 6 : i32
    %scan3A_10 = arith.addi %scan3A_8, %scan3A_9 : i32
    %scan3A_11 = arith.constant 1 : i32
    scf.for %scan3A_70 = %scan3A_8 to %scan3A_10 step %scan3A_11  : i32 {
      %mul3A_71 = arith.constant 1 : i32
      %mul3A_72 = arith.muli %scan3A_70, %mul3A_71 : i32
      %add3A_73 = arith.constant 0 : i32
      %add3A_74 = arith.addi %add3A_73, %mul3A_72 : i32
      %mul3A_75 = arith.constant 100 : i32
      %mul3A_76 = arith.muli %add3A_74, %mul3A_75 : i32
      %add3A_77 = arith.addi %mul3A_2, %mul3A_76 : i32
      "tpu.region"() ({
        %run_scoped3A = tpu.sem_alloc : memref<!tpu.dma_semaphore, #tpu.memory_space<semaphore_mem>>
        %dma_start3A = arith.constant 0 : i32
        %dma_start3A_78 = tpu.memref_slice %arg6[%add3A_77, %dma_start3A] : memref<10112x16xf32, #tpu.memory_space<vmem_shared>> -> memref<100x16xf32, #tpu.memory_space<vmem_shared>>
        %dma_start3A_79 = arith.constant 0 : i32
        %dma_start3A_80 = tpu.memref_slice %arg6[%add3A_77, %dma_start3A_79] : memref<10112x16xf32, #tpu.memory_space<vmem_shared>> -> memref<100x16xf32, #tpu.memory_space<vmem_shared>>
        tpu.enqueue_dma source(%arg5 : memref<100x16xf32, #tpu.memory_space<vmem>>) target(%dma_start3A_80 : memref<100x16xf32, #tpu.memory_space<vmem_shared>>) target_semaphore(%run_scoped3A : memref<!tpu.dma_semaphore, #tpu.memory_space<semaphore_mem>>)
        %dma_wait3A_81 = arith.constant 0 : i32
        %dma_wait3A_82 = tpu.memref_slice %arg6[%add3A_77, %dma_wait3A_81] : memref<10112x16xf32, #tpu.memory_space<vmem_shared>> -> memref<100x16xf32, #tpu.memory_space<vmem_shared>>
        %dma_wait3A_83 = arith.constant 0 : i32
        %dma_wait3A_84 = tpu.memref_slice %arg6[%add3A_77, %dma_wait3A_83] : memref<10112x16xf32, #tpu.memory_space<vmem_shared>> -> memref<100x16xf32, #tpu.memory_space<vmem_shared>>
        tpu.wait_dma2 semaphore(%run_scoped3A : memref<!tpu.dma_semaphore, #tpu.memory_space<semaphore_mem>>) src(%arg5 : memref<100x16xf32, #tpu.memory_space<vmem>>) dst(%dma_wait3A_84 : memref<100x16xf32, #tpu.memory_space<vmem_shared>>)
        tpu.yield
      }) : () -> ()
    }
    %scan3A_12 = arith.constant 6 : i32
    %add3A_13 = arith.constant 600 : i32
    %add3A_14 = arith.addi %mul3A_2, %add3A_13 : i32
    "tpu.region"() ({
      %run_scoped3A = tpu.sem_alloc : memref<!tpu.dma_semaphore, #tpu.memory_space<semaphore_mem>>
      %dma_start3A = arith.constant 0 : i32
      %dma_start3A_70 = arith.constant 0 : i32
      %dma_start3A_71 = tpu.memref_slice %arg5[%dma_start3A, %dma_start3A_70] : memref<100x16xf32, #tpu.memory_space<vmem>> -> memref<32x16xf32, #tpu.memory_space<vmem>>
      %dma_start3A_72 = arith.constant 0 : i32
      %dma_start3A_73 = tpu.memref_slice %arg6[%add3A_14, %dma_start3A_72] : memref<10112x16xf32, #tpu.memory_space<vmem_shared>> -> memref<32x16xf32, #tpu.memory_space<vmem_shared>>
      %dma_start3A_74 = arith.constant 0 : i32
      %dma_start3A_75 = tpu.memref_slice %arg6[%add3A_14, %dma_start3A_74] : memref<10112x16xf32, #tpu.memory_space<vmem_shared>> -> memref<32x16xf32, #tpu.memory_space<vmem_shared>>
      %dma_start3A_76 = arith.constant 0 : i32
      %dma_start3A_77 = arith.constant 0 : i32
      %dma_start3A_78 = tpu.memref_slice %arg5[%dma_start3A_76, %dma_start3A_77] : memref<100x16xf32, #tpu.memory_space<vmem>> -> memref<32x16xf32, #tpu.memory_space<vmem>>
      tpu.enqueue_dma source(%dma_start3A_78 : memref<32x16xf32, #tpu.memory_space<vmem>>) target(%dma_start3A_75 : memref<32x16xf32, #tpu.memory_space<vmem_shared>>) target_semaphore(%run_scoped3A : memref<!tpu.dma_semaphore, #tpu.memory_space<semaphore_mem>>)
      %dma_wait3A_79 = arith.constant 0 : i32
      %dma_wait3A_80 = arith.constant 0 : i32
      %dma_wait3A_81 = tpu.memref_slice %arg5[%dma_wait3A_79, %dma_wait3A_80] : memref<100x16xf32, #tpu.memory_space<vmem>> -> memref<32x16xf32, #tpu.memory_space<vmem>>
      %dma_wait3A_82 = arith.constant 0 : i32
      %dma_wait3A_83 = tpu.memref_slice %arg6[%add3A_14, %dma_wait3A_82] : memref<10112x16xf32, #tpu.memory_space<vmem_shared>> -> memref<32x16xf32, #tpu.memory_space<vmem_shared>>
      %dma_wait3A_84 = arith.constant 0 : i32
      %dma_wait3A_85 = tpu.memref_slice %arg6[%add3A_14, %dma_wait3A_84] : memref<10112x16xf32, #tpu.memory_space<vmem_shared>> -> memref<32x16xf32, #tpu.memory_space<vmem_shared>>
      %dma_wait3A_86 = arith.constant 0 : i32
      %dma_wait3A_87 = arith.constant 0 : i32
      %dma_wait3A_88 = tpu.memref_slice %arg5[%dma_wait3A_86, %dma_wait3A_87] : memref<100x16xf32, #tpu.memory_space<vmem>> -> memref<32x16xf32, #tpu.memory_space<vmem>>
      tpu.wait_dma2 semaphore(%run_scoped3A : memref<!tpu.dma_semaphore, #tpu.memory_space<semaphore_mem>>) src(%dma_wait3A_88 : memref<32x16xf32, #tpu.memory_space<vmem>>) dst(%dma_wait3A_85 : memref<32x16xf32, #tpu.memory_space<vmem_shared>>)
      tpu.yield
    }) : () -> ()
    %broadcast_in_dim3A_15 = arith.constant 1.000000e+00 : f32
    %broadcast_in_dim3A_16 = vector.broadcast %broadcast_in_dim3A_15 : f32 to vector<16xf32>
    %scan3A_17 = arith.constant 0 : i32
    %scan3A_18 = arith.constant 100 : i32
    %scan3A_19 = arith.addi %scan3A_17, %scan3A_18 : i32
    %scan3A_20 = arith.constant 1 : i32
    scf.for %scan3A_70 = %scan3A_17 to %scan3A_19 step %scan3A_20  : i32 {
      %mul3A_71 = arith.constant 1 : i32
      %mul3A_72 = arith.muli %scan3A_70, %mul3A_71 : i32
      %add3A_73 = arith.constant 0 : i32
      %add3A_74 = arith.addi %add3A_73, %mul3A_72 : i32
      %swap3A = arith.index_cast %add3A_74 : i32 to index
      %swap3A_75 = arith.constant 0 : index
      %swap3A_76 = tpu.vector_load %arg5[%swap3A, %swap3A_75] {strides = array<i32>} : memref<100x16xf32, #tpu.memory_space<vmem>>, vector<1x16xf32>,
      %swap3A_77 = vector.shape_cast %swap3A_76 : vector<1x16xf32> to vector<16xf32>
      %swap3A_78 = vector.shape_cast %broadcast_in_dim3A_16 : vector<16xf32> to vector<1x16xf32>
      tpu.vector_store %arg5[%swap3A, %swap3A_75], %swap3A_78 {strides = array<i32>} : memref<100x16xf32, #tpu.memory_space<vmem>>, vector<1x16xf32>,
    }
    %scan3A_21 = arith.constant 100 : i32
    %barrier3A = arith.constant 0 : index
    tpu.barrier barrier_id(%barrier3A)
    %scan3A_22 = arith.constant 0 : i32
    %scan3A_23 = arith.constant 25 : i32
    %scan3A_24 = arith.addi %scan3A_22, %scan3A_23 : i32
    %scan3A_25 = arith.constant 1 : i32
    scf.for %scan3A_70 = %scan3A_22 to %scan3A_24 step %scan3A_25  : i32 {
      %mul3A_71 = arith.constant 4 : i32
      %mul3A_72 = arith.muli %scan3A_70, %mul3A_71 : i32
      %add3A_73 = arith.constant 0 : i32
      %add3A_74 = arith.addi %add3A_73, %mul3A_72 : i32
      %add3A_75 = arith.constant 0 : i32
      %add3A_76 = arith.addi %add3A_74, %add3A_75 : i32
      %sub3A = arith.constant 4 : i32
      %sub3A_77 = arith.subi %add3A_76, %sub3A : i32
      %ge3A = arith.constant 0 : i32
      %ge3A_78 = arith.cmpi sge, %sub3A_77, %ge3A : i32
      %convert_element_type3A = arith.extui %ge3A_78 : i1 to i32
      %cond3A = arith.constant 0 : i32
      %cond3A_79 = arith.cmpi ne, %convert_element_type3A, %cond3A : i32
      scf.if %cond3A_79 {
        %sub3A_142 = arith.constant 4 : i32
        %sub3A_143 = arith.subi %add3A_76, %sub3A_142 : i32
        %dma_wait3A_144 = arith.constant 0 : i32
        %dma_wait3A_145 = arith.constant 0 : i32
        %dma_wait3A_146 = tpu.memref_slice %arg4[%sub3A_143, %dma_wait3A_145] : memref<100x100xi32, #tpu.memory_space<vmem>> -> memref<1x100xi32, #tpu.memory_space<vmem>>
        %dma_wait3A_147 = tpu.memref_squeeze %dma_wait3A_146 : memref<1x100xi32, #tpu.memory_space<vmem>> -> memref<100xi32, #tpu.memory_space<vmem>>
        %dma_wait3A_148 = arith.constant 0 : i32
        %dma_wait3A_149 = arith.constant 0 : i32
        %dma_wait3A_150 = tpu.memref_slice %arg6[%dma_wait3A_148, %dma_wait3A_149] : memref<10112x16xf32, #tpu.memory_space<vmem_shared>> -> memref<10112x16xf32, #tpu.memory_space<vmem_shared>>
        %dma_wait3A_151 = tpu.memref_slice %arg7[%dma_wait3A_144] : memref<4x!tpu.dma_semaphore, #tpu.memory_space<semaphore_mem>> -> memref<1x!tpu.dma_semaphore, #tpu.memory_space<semaphore_mem>>
        %dma_wait3A_152 = tpu.memref_squeeze %dma_wait3A_151 : memref<1x!tpu.dma_semaphore, #tpu.memory_space<semaphore_mem>> -> memref<!tpu.dma_semaphore, #tpu.memory_space<semaphore_mem>>
        tpu.wait_indirect_dma semaphore(%dma_wait3A_152 : memref<!tpu.dma_semaphore, #tpu.memory_space<semaphore_mem>>) src(%arg5 : memref<100x16xf32, #tpu.memory_space<vmem>>) dst(%dma_wait3A_150 : memref<10112x16xf32, #tpu.memory_space<vmem_shared>>)
      } else {
      }
      %dma_start3A = arith.constant 0 : i32
      %dma_start3A_80 = arith.constant 0 : i32
      %dma_start3A_81 = tpu.memref_slice %arg4[%add3A_76, %dma_start3A_80] : memref<100x100xi32, #tpu.memory_space<vmem>> -> memref<1x100xi32, #tpu.memory_space<vmem>>
      %dma_start3A_82 = tpu.memref_squeeze %dma_start3A_81 : memref<1x100xi32, #tpu.memory_space<vmem>> -> memref<100xi32, #tpu.memory_space<vmem>>
      %dma_start3A_83 = arith.constant 0 : i32
      %dma_start3A_84 = arith.constant 0 : i32
      %dma_start3A_85 = tpu.memref_slice %arg6[%dma_start3A_83, %dma_start3A_84] : memref<10112x16xf32, #tpu.memory_space<vmem_shared>> -> memref<10112x16xf32, #tpu.memory_space<vmem_shared>>
      %dma_start3A_86 = tpu.memref_slice %arg7[%dma_start3A] : memref<4x!tpu.dma_semaphore, #tpu.memory_space<semaphore_mem>> -> memref<1x!tpu.dma_semaphore, #tpu.memory_space<semaphore_mem>>
      %dma_start3A_87 = tpu.memref_squeeze %dma_start3A_86 : memref<1x!tpu.dma_semaphore, #tpu.memory_space<semaphore_mem>> -> memref<!tpu.dma_semaphore, #tpu.memory_space<semaphore_mem>>
      tpu.enqueue_indirect_dma source(%arg5 : memref<100x16xf32, #tpu.memory_space<vmem>>) target(%dma_start3A_85 : memref<10112x16xf32, #tpu.memory_space<vmem_shared>>) offsets(%dma_start3A_82 : memref<100xi32, #tpu.memory_space<vmem>>) semaphore(%dma_start3A_87 : memref<!tpu.dma_semaphore, #tpu.memory_space<semaphore_mem>>) {add = true}
      %add3A_88 = arith.constant 1 : i32
      %add3A_89 = arith.addi %add3A_74, %add3A_88 : i32
      %sub3A_90 = arith.constant 4 : i32
      %sub3A_91 = arith.subi %add3A_89, %sub3A_90 : i32
      %ge3A_92 = arith.constant 0 : i32
      %ge3A_93 = arith.cmpi sge, %sub3A_91, %ge3A_92 : i32
      %convert_element_type3A_94 = arith.extui %ge3A_93 : i1 to i32
      %cond3A_95 = arith.constant 0 : i32
      %cond3A_96 = arith.cmpi ne, %convert_element_type3A_94, %cond3A_95 : i32
      scf.if %cond3A_96 {
        %sub3A_142 = arith.constant 4 : i32
        %sub3A_143 = arith.subi %add3A_89, %sub3A_142 : i32
        %dma_wait3A_144 = arith.constant 1 : i32
        %dma_wait3A_145 = arith.constant 0 : i32
        %dma_wait3A_146 = tpu.memref_slice %arg4[%sub3A_143, %dma_wait3A_145] : memref<100x100xi32, #tpu.memory_space<vmem>> -> memref<1x100xi32, #tpu.memory_space<vmem>>
        %dma_wait3A_147 = tpu.memref_squeeze %dma_wait3A_146 : memref<1x100xi32, #tpu.memory_space<vmem>> -> memref<100xi32, #tpu.memory_space<vmem>>
        %dma_wait3A_148 = arith.constant 0 : i32
        %dma_wait3A_149 = arith.constant 0 : i32
        %dma_wait3A_150 = tpu.memref_slice %arg6[%dma_wait3A_148, %dma_wait3A_149] : memref<10112x16xf32, #tpu.memory_space<vmem_shared>> -> memref<10112x16xf32, #tpu.memory_space<vmem_shared>>
        %dma_wait3A_151 = tpu.memref_slice %arg7[%dma_wait3A_144] : memref<4x!tpu.dma_semaphore, #tpu.memory_space<semaphore_mem>> -> memref<1x!tpu.dma_semaphore, #tpu.memory_space<semaphore_mem>>
        %dma_wait3A_152 = tpu.memref_squeeze %dma_wait3A_151 : memref<1x!tpu.dma_semaphore, #tpu.memory_space<semaphore_mem>> -> memref<!tpu.dma_semaphore, #tpu.memory_space<semaphore_mem>>
        tpu.wait_indirect_dma semaphore(%dma_wait3A_152 : memref<!tpu.dma_semaphore, #tpu.memory_space<semaphore_mem>>) src(%arg5 : memref<100x16xf32, #tpu.memory_space<vmem>>) dst(%dma_wait3A_150 : memref<10112x16xf32, #tpu.memory_space<vmem_shared>>)
      } else {
      }
      %dma_start3A_97 = arith.constant 1 : i32
      %dma_start3A_98 = arith.constant 0 : i32
      %dma_start3A_99 = tpu.memref_slice %arg4[%add3A_89, %dma_start3A_98] : memref<100x100xi32, #tpu.memory_space<vmem>> -> memref<1x100xi32, #tpu.memory_space<vmem>>
      %dma_start3A_100 = tpu.memref_squeeze %dma_start3A_99 : memref<1x100xi32, #tpu.memory_space<vmem>> -> memref<100xi32, #tpu.memory_space<vmem>>
      %dma_start3A_101 = arith.constant 0 : i32
      %dma_start3A_102 = arith.constant 0 : i32
      %dma_start3A_103 = tpu.memref_slice %arg6[%dma_start3A_101, %dma_start3A_102] : memref<10112x16xf32, #tpu.memory_space<vmem_shared>> -> memref<10112x16xf32, #tpu.memory_space<vmem_shared>>
      %dma_start3A_104 = tpu.memref_slice %arg7[%dma_start3A_97] : memref<4x!tpu.dma_semaphore, #tpu.memory_space<semaphore_mem>> -> memref<1x!tpu.dma_semaphore, #tpu.memory_space<semaphore_mem>>
      %dma_start3A_105 = tpu.memref_squeeze %dma_start3A_104 : memref<1x!tpu.dma_semaphore, #tpu.memory_space<semaphore_mem>> -> memref<!tpu.dma_semaphore, #tpu.memory_space<semaphore_mem>>
      tpu.enqueue_indirect_dma source(%arg5 : memref<100x16xf32, #tpu.memory_space<vmem>>) target(%dma_start3A_103 : memref<10112x16xf32, #tpu.memory_space<vmem_shared>>) offsets(%dma_start3A_100 : memref<100xi32, #tpu.memory_space<vmem>>) semaphore(%dma_start3A_105 : memref<!tpu.dma_semaphore, #tpu.memory_space<semaphore_mem>>) {add = true}
      %add3A_106 = arith.constant 2 : i32
      %add3A_107 = arith.addi %add3A_74, %add3A_106 : i32
      %sub3A_108 = arith.constant 4 : i32
      %sub3A_109 = arith.subi %add3A_107, %sub3A_108 : i32
      %ge3A_110 = arith.constant 0 : i32
      %ge3A_111 = arith.cmpi sge, %sub3A_109, %ge3A_110 : i32
      %convert_element_type3A_112 = arith.extui %ge3A_111 : i1 to i32
      %cond3A_113 = arith.constant 0 : i32
      %cond3A_114 = arith.cmpi ne, %convert_element_type3A_112, %cond3A_113 : i32
      scf.if %cond3A_114 {
        %sub3A_142 = arith.constant 4 : i32
        %sub3A_143 = arith.subi %add3A_107, %sub3A_142 : i32
        %dma_wait3A_144 = arith.constant 2 : i32
        %dma_wait3A_145 = arith.constant 0 : i32
        %dma_wait3A_146 = tpu.memref_slice %arg4[%sub3A_143, %dma_wait3A_145] : memref<100x100xi32, #tpu.memory_space<vmem>> -> memref<1x100xi32, #tpu.memory_space<vmem>>
        %dma_wait3A_147 = tpu.memref_squeeze %dma_wait3A_146 : memref<1x100xi32, #tpu.memory_space<vmem>> -> memref<100xi32, #tpu.memory_space<vmem>>
        %dma_wait3A_148 = arith.constant 0 : i32
        %dma_wait3A_149 = arith.constant 0 : i32
        %dma_wait3A_150 = tpu.memref_slice %arg6[%dma_wait3A_148, %dma_wait3A_149] : memref<10112x16xf32, #tpu.memory_space<vmem_shared>> -> memref<10112x16xf32, #tpu.memory_space<vmem_shared>>
        %dma_wait3A_151 = tpu.memref_slice %arg7[%dma_wait3A_144] : memref<4x!tpu.dma_semaphore, #tpu.memory_space<semaphore_mem>> -> memref<1x!tpu.dma_semaphore, #tpu.memory_space<semaphore_mem>>
        %dma_wait3A_152 = tpu.memref_squeeze %dma_wait3A_151 : memref<1x!tpu.dma_semaphore, #tpu.memory_space<semaphore_mem>> -> memref<!tpu.dma_semaphore, #tpu.memory_space<semaphore_mem>>
        tpu.wait_indirect_dma semaphore(%dma_wait3A_152 : memref<!tpu.dma_semaphore, #tpu.memory_space<semaphore_mem>>) src(%arg5 : memref<100x16xf32, #tpu.memory_space<vmem>>) dst(%dma_wait3A_150 : memref<10112x16xf32, #tpu.memory_space<vmem_shared>>)
      } else {
      }
      %dma_start3A_115 = arith.constant 2 : i32
      %dma_start3A_116 = arith.constant 0 : i32
      %dma_start3A_117 = tpu.memref_slice %arg4[%add3A_107, %dma_start3A_116] : memref<100x100xi32, #tpu.memory_space<vmem>> -> memref<1x100xi32, #tpu.memory_space<vmem>>
      %dma_start3A_118 = tpu.memref_squeeze %dma_start3A_117 : memref<1x100xi32, #tpu.memory_space<vmem>> -> memref<100xi32, #tpu.memory_space<vmem>>
      %dma_start3A_119 = arith.constant 0 : i32
      %dma_start3A_120 = arith.constant 0 : i32
      %dma_start3A_121 = tpu.memref_slice %arg6[%dma_start3A_119, %dma_start3A_120] : memref<10112x16xf32, #tpu.memory_space<vmem_shared>> -> memref<10112x16xf32, #tpu.memory_space<vmem_shared>>
      %dma_start3A_122 = tpu.memref_slice %arg7[%dma_start3A_115] : memref<4x!tpu.dma_semaphore, #tpu.memory_space<semaphore_mem>> -> memref<1x!tpu.dma_semaphore, #tpu.memory_space<semaphore_mem>>
      %dma_start3A_123 = tpu.memref_squeeze %dma_start3A_122 : memref<1x!tpu.dma_semaphore, #tpu.memory_space<semaphore_mem>> -> memref<!tpu.dma_semaphore, #tpu.memory_space<semaphore_mem>>
      tpu.enqueue_indirect_dma source(%arg5 : memref<100x16xf32, #tpu.memory_space<vmem>>) target(%dma_start3A_121 : memref<10112x16xf32, #tpu.memory_space<vmem_shared>>) offsets(%dma_start3A_118 : memref<100xi32, #tpu.memory_space<vmem>>) semaphore(%dma_start3A_123 : memref<!tpu.dma_semaphore, #tpu.memory_space<semaphore_mem>>) {add = true}
      %add3A_124 = arith.constant 3 : i32
      %add3A_125 = arith.addi %add3A_74, %add3A_124 : i32
      %sub3A_126 = arith.constant 4 : i32
      %sub3A_127 = arith.subi %add3A_125, %sub3A_126 : i32
      %ge3A_128 = arith.constant 0 : i32
      %ge3A_129 = arith.cmpi sge, %sub3A_127, %ge3A_128 : i32
      %convert_element_type3A_130 = arith.extui %ge3A_129 : i1 to i32
      %cond3A_131 = arith.constant 0 : i32
      %cond3A_132 = arith.cmpi ne, %convert_element_type3A_130, %cond3A_131 : i32
      scf.if %cond3A_132 {
        %sub3A_142 = arith.constant 4 : i32
        %sub3A_143 = arith.subi %add3A_125, %sub3A_142 : i32
        %dma_wait3A_144 = arith.constant 3 : i32
        %dma_wait3A_145 = arith.constant 0 : i32
        %dma_wait3A_146 = tpu.memref_slice %arg4[%sub3A_143, %dma_wait3A_145] : memref<100x100xi32, #tpu.memory_space<vmem>> -> memref<1x100xi32, #tpu.memory_space<vmem>>
        %dma_wait3A_147 = tpu.memref_squeeze %dma_wait3A_146 : memref<1x100xi32, #tpu.memory_space<vmem>> -> memref<100xi32, #tpu.memory_space<vmem>>
        %dma_wait3A_148 = arith.constant 0 : i32
        %dma_wait3A_149 = arith.constant 0 : i32
        %dma_wait3A_150 = tpu.memref_slice %arg6[%dma_wait3A_148, %dma_wait3A_149] : memref<10112x16xf32, #tpu.memory_space<vmem_shared>> -> memref<10112x16xf32, #tpu.memory_space<vmem_shared>>
        %dma_wait3A_151 = tpu.memref_slice %arg7[%dma_wait3A_144] : memref<4x!tpu.dma_semaphore, #tpu.memory_space<semaphore_mem>> -> memref<1x!tpu.dma_semaphore, #tpu.memory_space<semaphore_mem>>
        %dma_wait3A_152 = tpu.memref_squeeze %dma_wait3A_151 : memref<1x!tpu.dma_semaphore, #tpu.memory_space<semaphore_mem>> -> memref<!tpu.dma_semaphore, #tpu.memory_space<semaphore_mem>>
        tpu.wait_indirect_dma semaphore(%dma_wait3A_152 : memref<!tpu.dma_semaphore, #tpu.memory_space<semaphore_mem>>) src(%arg5 : memref<100x16xf32, #tpu.memory_space<vmem>>) dst(%dma_wait3A_150 : memref<10112x16xf32, #tpu.memory_space<vmem_shared>>)
      } else {
      }
      %dma_start3A_133 = arith.constant 3 : i32
      %dma_start3A_134 = arith.constant 0 : i32
      %dma_start3A_135 = tpu.memref_slice %arg4[%add3A_125, %dma_start3A_134] : memref<100x100xi32, #tpu.memory_space<vmem>> -> memref<1x100xi32, #tpu.memory_space<vmem>>
      %dma_start3A_136 = tpu.memref_squeeze %dma_start3A_135 : memref<1x100xi32, #tpu.memory_space<vmem>> -> memref<100xi32, #tpu.memory_space<vmem>>
      %dma_start3A_137 = arith.constant 0 : i32
      %dma_start3A_138 = arith.constant 0 : i32
      %dma_start3A_139 = tpu.memref_slice %arg6[%dma_start3A_137, %dma_start3A_138] : memref<10112x16xf32, #tpu.memory_space<vmem_shared>> -> memref<10112x16xf32, #tpu.memory_space<vmem_shared>>
      %dma_start3A_140 = tpu.memref_slice %arg7[%dma_start3A_133] : memref<4x!tpu.dma_semaphore, #tpu.memory_space<semaphore_mem>> -> memref<1x!tpu.dma_semaphore, #tpu.memory_space<semaphore_mem>>
      %dma_start3A_141 = tpu.memref_squeeze %dma_start3A_140 : memref<1x!tpu.dma_semaphore, #tpu.memory_space<semaphore_mem>> -> memref<!tpu.dma_semaphore, #tpu.memory_space<semaphore_mem>>
      tpu.enqueue_indirect_dma source(%arg5 : memref<100x16xf32, #tpu.memory_space<vmem>>) target(%dma_start3A_139 : memref<10112x16xf32, #tpu.memory_space<vmem_shared>>) offsets(%dma_start3A_136 : memref<100xi32, #tpu.memory_space<vmem>>) semaphore(%dma_start3A_141 : memref<!tpu.dma_semaphore, #tpu.memory_space<semaphore_mem>>) {add = true}
    }
    %scan3A_26 = arith.constant 25 : i32
    %dma_wait3A = arith.constant 96 : i32
    %dma_wait3A_27 = arith.constant 0 : i32
    %dma_wait3A_28 = arith.constant 0 : i32
    %dma_wait3A_29 = tpu.memref_slice %arg4[%dma_wait3A, %dma_wait3A_28] : memref<100x100xi32, #tpu.memory_space<vmem>> -> memref<1x100xi32, #tpu.memory_space<vmem>>
    %dma_wait3A_30 = tpu.memref_squeeze %dma_wait3A_29 : memref<1x100xi32, #tpu.memory_space<vmem>> -> memref<100xi32, #tpu.memory_space<vmem>>
    %dma_wait3A_31 = arith.constant 0 : i32
    %dma_wait3A_32 = arith.constant 0 : i32
    %dma_wait3A_33 = tpu.memref_slice %arg6[%dma_wait3A_31, %dma_wait3A_32] : memref<10112x16xf32, #tpu.memory_space<vmem_shared>> -> memref<10112x16xf32, #tpu.memory_space<vmem_shared>>
    %dma_wait3A_34 = tpu.memref_slice %arg7[%dma_wait3A_27] : memref<4x!tpu.dma_semaphore, #tpu.memory_space<semaphore_mem>> -> memref<1x!tpu.dma_semaphore, #tpu.memory_space<semaphore_mem>>
    %dma_wait3A_35 = tpu.memref_squeeze %dma_wait3A_34 : memref<1x!tpu.dma_semaphore, #tpu.memory_space<semaphore_mem>> -> memref<!tpu.dma_semaphore, #tpu.memory_space<semaphore_mem>>
    tpu.wait_indirect_dma semaphore(%dma_wait3A_35 : memref<!tpu.dma_semaphore, #tpu.memory_space<semaphore_mem>>) src(%arg5 : memref<100x16xf32, #tpu.memory_space<vmem>>) dst(%dma_wait3A_33 : memref<10112x16xf32, #tpu.memory_space<vmem_shared>>)
    %dma_wait3A_36 = arith.constant 97 : i32
    %dma_wait3A_37 = arith.constant 1 : i32
    %dma_wait3A_38 = arith.constant 0 : i32
    %dma_wait3A_39 = tpu.memref_slice %arg4[%dma_wait3A_36, %dma_wait3A_38] : memref<100x100xi32, #tpu.memory_space<vmem>> -> memref<1x100xi32, #tpu.memory_space<vmem>>
    %dma_wait3A_40 = tpu.memref_squeeze %dma_wait3A_39 : memref<1x100xi32, #tpu.memory_space<vmem>> -> memref<100xi32, #tpu.memory_space<vmem>>
    %dma_wait3A_41 = arith.constant 0 : i32
    %dma_wait3A_42 = arith.constant 0 : i32
    %dma_wait3A_43 = tpu.memref_slice %arg6[%dma_wait3A_41, %dma_wait3A_42] : memref<10112x16xf32, #tpu.memory_space<vmem_shared>> -> memref<10112x16xf32, #tpu.memory_space<vmem_shared>>
    %dma_wait3A_44 = tpu.memref_slice %arg7[%dma_wait3A_37] : memref<4x!tpu.dma_semaphore, #tpu.memory_space<semaphore_mem>> -> memref<1x!tpu.dma_semaphore, #tpu.memory_space<semaphore_mem>>
    %dma_wait3A_45 = tpu.memref_squeeze %dma_wait3A_44 : memref<1x!tpu.dma_semaphore, #tpu.memory_space<semaphore_mem>> -> memref<!tpu.dma_semaphore, #tpu.memory_space<semaphore_mem>>
    tpu.wait_indirect_dma semaphore(%dma_wait3A_45 : memref<!tpu.dma_semaphore, #tpu.memory_space<semaphore_mem>>) src(%arg5 : memref<100x16xf32, #tpu.memory_space<vmem>>) dst(%dma_wait3A_43 : memref<10112x16xf32, #tpu.memory_space<vmem_shared>>)
    %dma_wait3A_46 = arith.constant 98 : i32
    %dma_wait3A_47 = arith.constant 2 : i32
    %dma_wait3A_48 = arith.constant 0 : i32
    %dma_wait3A_49 = tpu.memref_slice %arg4[%dma_wait3A_46, %dma_wait3A_48] : memref<100x100xi32, #tpu.memory_space<vmem>> -> memref<1x100xi32, #tpu.memory_space<vmem>>
    %dma_wait3A_50 = tpu.memref_squeeze %dma_wait3A_49 : memref<1x100xi32, #tpu.memory_space<vmem>> -> memref<100xi32, #tpu.memory_space<vmem>>
    %dma_wait3A_51 = arith.constant 0 : i32
    %dma_wait3A_52 = arith.constant 0 : i32
    %dma_wait3A_53 = tpu.memref_slice %arg6[%dma_wait3A_51, %dma_wait3A_52] : memref<10112x16xf32, #tpu.memory_space<vmem_shared>> -> memref<10112x16xf32, #tpu.memory_space<vmem_shared>>
    %dma_wait3A_54 = tpu.memref_slice %arg7[%dma_wait3A_47] : memref<4x!tpu.dma_semaphore, #tpu.memory_space<semaphore_mem>> -> memref<1x!tpu.dma_semaphore, #tpu.memory_space<semaphore_mem>>
    %dma_wait3A_55 = tpu.memref_squeeze %dma_wait3A_54 : memref<1x!tpu.dma_semaphore, #tpu.memory_space<semaphore_mem>> -> memref<!tpu.dma_semaphore, #tpu.memory_space<semaphore_mem>>
    tpu.wait_indirect_dma semaphore(%dma_wait3A_55 : memref<!tpu.dma_semaphore, #tpu.memory_space<semaphore_mem>>) src(%arg5 : memref<100x16xf32, #tpu.memory_space<vmem>>) dst(%dma_wait3A_53 : memref<10112x16xf32, #tpu.memory_space<vmem_shared>>)
    %dma_wait3A_56 = arith.constant 99 : i32
    %dma_wait3A_57 = arith.constant 3 : i32
    %dma_wait3A_58 = arith.constant 0 : i32
    %dma_wait3A_59 = tpu.memref_slice %arg4[%dma_wait3A_56, %dma_wait3A_58] : memref<100x100xi32, #tpu.memory_space<vmem>> -> memref<1x100xi32, #tpu.memory_space<vmem>>
    %dma_wait3A_60 = tpu.memref_squeeze %dma_wait3A_59 : memref<1x100xi32, #tpu.memory_space<vmem>> -> memref<100xi32, #tpu.memory_space<vmem>>
    %dma_wait3A_61 = arith.constant 0 : i32
    %dma_wait3A_62 = arith.constant 0 : i32
    %dma_wait3A_63 = tpu.memref_slice %arg6[%dma_wait3A_61, %dma_wait3A_62] : memref<10112x16xf32, #tpu.memory_space<vmem_shared>> -> memref<10112x16xf32, #tpu.memory_space<vmem_shared>>
    %dma_wait3A_64 = tpu.memref_slice %arg7[%dma_wait3A_57] : memref<4x!tpu.dma_semaphore, #tpu.memory_space<semaphore_mem>> -> memref<1x!tpu.dma_semaphore, #tpu.memory_space<semaphore_mem>>
    %dma_wait3A_65 = tpu.memref_squeeze %dma_wait3A_64 : memref<1x!tpu.dma_semaphore, #tpu.memory_space<semaphore_mem>> -> memref<!tpu.dma_semaphore, #tpu.memory_space<semaphore_mem>>
    tpu.wait_indirect_dma semaphore(%dma_wait3A_65 : memref<!tpu.dma_semaphore, #tpu.memory_space<semaphore_mem>>) src(%arg5 : memref<100x16xf32, #tpu.memory_space<vmem>>) dst(%dma_wait3A_63 : memref<10112x16xf32, #tpu.memory_space<vmem_shared>>)
    %barrier3A_66 = arith.constant 0 : index
    tpu.barrier barrier_id(%barrier3A_66)
    %mul3A_67 = arith.constant 10112 : i32
    %mul3A_68 = arith.muli %arg0, %mul3A_67 : i32
    %add3A_69 = arith.addi %mul3A_68, %mul3A_2 : i32
    "tpu.region"() ({
      %run_scoped3A = tpu.sem_alloc : memref<!tpu.dma_semaphore, #tpu.memory_space<semaphore_mem>>
      %dma_start3A = arith.constant 0 : i32
      %dma_start3A_70 = tpu.memref_slice %arg3[%add3A_69, %dma_start3A] : memref<20224x16xf32, #tpu.memory_space<hbm>> -> memref<632x16xf32, #tpu.memory_space<hbm>>
      %dma_start3A_71 = arith.constant 0 : i32
      %dma_start3A_72 = tpu.memref_slice %arg6[%mul3A_2, %dma_start3A_71] : memref<10112x16xf32, #tpu.memory_space<vmem_shared>> -> memref<632x16xf32, #tpu.memory_space<vmem_shared>>
      tpu.enqueue_dma source(%dma_start3A_72 : memref<632x16xf32, #tpu.memory_space<vmem_shared>>) target(%dma_start3A_70 : memref<632x16xf32, #tpu.memory_space<hbm>>) target_semaphore(%run_scoped3A : memref<!tpu.dma_semaphore, #tpu.memory_space<semaphore_mem>>)
      %dma_wait3A_73 = arith.constant 0 : i32
      %dma_wait3A_74 = tpu.memref_slice %arg3[%add3A_69, %dma_wait3A_73] : memref<20224x16xf32, #tpu.memory_space<hbm>> -> memref<632x16xf32, #tpu.memory_space<hbm>>
      %dma_wait3A_75 = arith.constant 0 : i32
      %dma_wait3A_76 = tpu.memref_slice %arg6[%mul3A_2, %dma_wait3A_75] : memref<10112x16xf32, #tpu.memory_space<vmem_shared>> -> memref<632x16xf32, #tpu.memory_space<vmem_shared>>
      tpu.wait_dma2 semaphore(%run_scoped3A : memref<!tpu.dma_semaphore, #tpu.memory_space<semaphore_mem>>) src(%dma_wait3A_76 : memref<632x16xf32, #tpu.memory_space<vmem_shared>>) dst(%dma_wait3A_74 : memref<632x16xf32, #tpu.memory_space<hbm>>)
      tpu.yield
    }) : () -> ()
    return
  }
}

#map = affine_map<(d0, d1) -> (0, 0, 0)>
#map1 = affine_map<(d0, d1) -> (0, 0)>
module attributes {stable_mosaic.version = 14 : i64} {
  func.func @_agg_body(%arg0: i32, %arg1: i32, %arg2: memref<32x100x100xi32, #tpu.memory_space<hbm>>, %arg3: memref<32x100x100xi32, #tpu.memory_space<hbm>>, %arg4: memref<10112x64xf32, #tpu.memory_space<hbm>>, %arg5: memref<20224x64xf32, #tpu.memory_space<hbm>>, %arg6: memref<100x100xi32, #tpu.memory_space<vmem>>, %arg7: memref<100x100xi32, #tpu.memory_space<vmem>>, %arg8: memref<4x100x64xf32, #tpu.memory_space<vmem>>, %arg9: memref<10112x64xf32, #tpu.memory_space<vmem_shared>>, %arg10: memref<10112x64xf32, #tpu.memory_space<vmem_shared>>, %arg11: memref<4x!tpu.dma_semaphore, #tpu.memory_space<semaphore_mem>>, %arg12: memref<4x!tpu.dma_semaphore, #tpu.memory_space<semaphore_mem>>) attributes {dimension_semantics = [#tpu.dimension_semantics<core_parallel>, #tpu.dimension_semantics<subcore_parallel>], iteration_bounds = array<i64: 2, 16>, scalar_prefetch = 0 : i64, scratch_operands = 7 : i64, tpu.core_type = #tpu.core_type<sc_vector_subcore>, window_params = [{transform_indices = #map}, {transform_indices = #map}, {transform_indices = #map1}, {transform_indices = #map1}]} {
    %mul3A = arith.constant 2 : i32
    %mul3A_0 = arith.muli %arg1, %mul3A : i32
    %add3A = arith.addi %mul3A_0, %arg0 : i32
    %mul3A_1 = arith.constant 632 : i32
    %mul3A_2 = arith.muli %arg1, %mul3A_1 : i32
    "tpu.region"() ({
      %run_scoped3A = tpu.sem_alloc : memref<!tpu.dma_semaphore, #tpu.memory_space<semaphore_mem>>
      %dma_start3A_75 = arith.constant 0 : i32
      %dma_start3A_76 = arith.constant 0 : i32
      %dma_start3A_77 = tpu.memref_slice %arg2[%add3A, %dma_start3A_75, %dma_start3A_76] : memref<32x100x100xi32, #tpu.memory_space<hbm>> -> memref<1x100x100xi32, #tpu.memory_space<hbm>>
      %dma_start3A_78 = tpu.memref_squeeze %dma_start3A_77 : memref<1x100x100xi32, #tpu.memory_space<hbm>> -> memref<100x100xi32, #tpu.memory_space<hbm>>
      %dma_start3A_79 = arith.constant 0 : i32
      %dma_start3A_80 = arith.constant 0 : i32
      %dma_start3A_81 = tpu.memref_slice %arg2[%add3A, %dma_start3A_79, %dma_start3A_80] : memref<32x100x100xi32, #tpu.memory_space<hbm>> -> memref<1x100x100xi32, #tpu.memory_space<hbm>>
      %dma_start3A_82 = tpu.memref_squeeze %dma_start3A_81 : memref<1x100x100xi32, #tpu.memory_space<hbm>> -> memref<100x100xi32, #tpu.memory_space<hbm>>
      tpu.enqueue_dma source(%dma_start3A_82 : memref<100x100xi32, #tpu.memory_space<hbm>>) target(%arg6 : memref<100x100xi32, #tpu.memory_space<vmem>>) target_semaphore(%run_scoped3A : memref<!tpu.dma_semaphore, #tpu.memory_space<semaphore_mem>>)
      %dma_wait3A_83 = arith.constant 0 : i32
      %dma_wait3A_84 = arith.constant 0 : i32
      %dma_wait3A_85 = tpu.memref_slice %arg2[%add3A, %dma_wait3A_83, %dma_wait3A_84] : memref<32x100x100xi32, #tpu.memory_space<hbm>> -> memref<1x100x100xi32, #tpu.memory_space<hbm>>
      %dma_wait3A_86 = tpu.memref_squeeze %dma_wait3A_85 : memref<1x100x100xi32, #tpu.memory_space<hbm>> -> memref<100x100xi32, #tpu.memory_space<hbm>>
      %dma_wait3A_87 = arith.constant 0 : i32
      %dma_wait3A_88 = arith.constant 0 : i32
      %dma_wait3A_89 = tpu.memref_slice %arg2[%add3A, %dma_wait3A_87, %dma_wait3A_88] : memref<32x100x100xi32, #tpu.memory_space<hbm>> -> memref<1x100x100xi32, #tpu.memory_space<hbm>>
      %dma_wait3A_90 = tpu.memref_squeeze %dma_wait3A_89 : memref<1x100x100xi32, #tpu.memory_space<hbm>> -> memref<100x100xi32, #tpu.memory_space<hbm>>
      tpu.wait_dma2 semaphore(%run_scoped3A : memref<!tpu.dma_semaphore, #tpu.memory_space<semaphore_mem>>) src(%dma_wait3A_90 : memref<100x100xi32, #tpu.memory_space<hbm>>) dst(%arg6 : memref<100x100xi32, #tpu.memory_space<vmem>>)
      tpu.yield
    }) : () -> ()
    "tpu.region"() ({
      %run_scoped3A = tpu.sem_alloc : memref<!tpu.dma_semaphore, #tpu.memory_space<semaphore_mem>>
      %dma_start3A_75 = arith.constant 0 : i32
      %dma_start3A_76 = arith.constant 0 : i32
      %dma_start3A_77 = tpu.memref_slice %arg3[%add3A, %dma_start3A_75, %dma_start3A_76] : memref<32x100x100xi32, #tpu.memory_space<hbm>> -> memref<1x100x100xi32, #tpu.memory_space<hbm>>
      %dma_start3A_78 = tpu.memref_squeeze %dma_start3A_77 : memref<1x100x100xi32, #tpu.memory_space<hbm>> -> memref<100x100xi32, #tpu.memory_space<hbm>>
      %dma_start3A_79 = arith.constant 0 : i32
      %dma_start3A_80 = arith.constant 0 : i32
      %dma_start3A_81 = tpu.memref_slice %arg3[%add3A, %dma_start3A_79, %dma_start3A_80] : memref<32x100x100xi32, #tpu.memory_space<hbm>> -> memref<1x100x100xi32, #tpu.memory_space<hbm>>
      %dma_start3A_82 = tpu.memref_squeeze %dma_start3A_81 : memref<1x100x100xi32, #tpu.memory_space<hbm>> -> memref<100x100xi32, #tpu.memory_space<hbm>>
      tpu.enqueue_dma source(%dma_start3A_82 : memref<100x100xi32, #tpu.memory_space<hbm>>) target(%arg7 : memref<100x100xi32, #tpu.memory_space<vmem>>) target_semaphore(%run_scoped3A : memref<!tpu.dma_semaphore, #tpu.memory_space<semaphore_mem>>)
      %dma_wait3A_83 = arith.constant 0 : i32
      %dma_wait3A_84 = arith.constant 0 : i32
      %dma_wait3A_85 = tpu.memref_slice %arg3[%add3A, %dma_wait3A_83, %dma_wait3A_84] : memref<32x100x100xi32, #tpu.memory_space<hbm>> -> memref<1x100x100xi32, #tpu.memory_space<hbm>>
      %dma_wait3A_86 = tpu.memref_squeeze %dma_wait3A_85 : memref<1x100x100xi32, #tpu.memory_space<hbm>> -> memref<100x100xi32, #tpu.memory_space<hbm>>
      %dma_wait3A_87 = arith.constant 0 : i32
      %dma_wait3A_88 = arith.constant 0 : i32
      %dma_wait3A_89 = tpu.memref_slice %arg3[%add3A, %dma_wait3A_87, %dma_wait3A_88] : memref<32x100x100xi32, #tpu.memory_space<hbm>> -> memref<1x100x100xi32, #tpu.memory_space<hbm>>
      %dma_wait3A_90 = tpu.memref_squeeze %dma_wait3A_89 : memref<1x100x100xi32, #tpu.memory_space<hbm>> -> memref<100x100xi32, #tpu.memory_space<hbm>>
      tpu.wait_dma2 semaphore(%run_scoped3A : memref<!tpu.dma_semaphore, #tpu.memory_space<semaphore_mem>>) src(%dma_wait3A_90 : memref<100x100xi32, #tpu.memory_space<hbm>>) dst(%arg7 : memref<100x100xi32, #tpu.memory_space<vmem>>)
      tpu.yield
    }) : () -> ()
    "tpu.region"() ({
      %run_scoped3A = tpu.sem_alloc : memref<!tpu.dma_semaphore, #tpu.memory_space<semaphore_mem>>
      %dma_start3A_75 = arith.constant 0 : i32
      %dma_start3A_76 = tpu.memref_slice %arg10[%mul3A_2, %dma_start3A_75] : memref<10112x64xf32, #tpu.memory_space<vmem_shared>> -> memref<632x64xf32, #tpu.memory_space<vmem_shared>>
      %dma_start3A_77 = arith.constant 0 : i32
      %dma_start3A_78 = tpu.memref_slice %arg4[%mul3A_2, %dma_start3A_77] : memref<10112x64xf32, #tpu.memory_space<hbm>> -> memref<632x64xf32, #tpu.memory_space<hbm>>
      tpu.enqueue_dma source(%dma_start3A_78 : memref<632x64xf32, #tpu.memory_space<hbm>>) target(%dma_start3A_76 : memref<632x64xf32, #tpu.memory_space<vmem_shared>>) target_semaphore(%run_scoped3A : memref<!tpu.dma_semaphore, #tpu.memory_space<semaphore_mem>>)
      %dma_wait3A_79 = arith.constant 0 : i32
      %dma_wait3A_80 = tpu.memref_slice %arg10[%mul3A_2, %dma_wait3A_79] : memref<10112x64xf32, #tpu.memory_space<vmem_shared>> -> memref<632x64xf32, #tpu.memory_space<vmem_shared>>
      %dma_wait3A_81 = arith.constant 0 : i32
      %dma_wait3A_82 = tpu.memref_slice %arg4[%mul3A_2, %dma_wait3A_81] : memref<10112x64xf32, #tpu.memory_space<hbm>> -> memref<632x64xf32, #tpu.memory_space<hbm>>
      tpu.wait_dma2 semaphore(%run_scoped3A : memref<!tpu.dma_semaphore, #tpu.memory_space<semaphore_mem>>) src(%dma_wait3A_82 : memref<632x64xf32, #tpu.memory_space<hbm>>) dst(%dma_wait3A_80 : memref<632x64xf32, #tpu.memory_space<vmem_shared>>)
      tpu.yield
    }) : () -> ()
    %eq3A = arith.constant 0 : i32
    %eq3A_3 = arith.cmpi eq, %arg0, %eq3A : i32
    %convert_element_type3A = arith.extui %eq3A_3 : i1 to i32
    %cond3A = arith.constant 0 : i32
    %cond3A_4 = arith.cmpi ne, %convert_element_type3A, %cond3A : i32
    scf.if %cond3A_4 {
      "tpu.region"() ({
        %run_scoped3A = tpu.sem_alloc : memref<!tpu.dma_semaphore, #tpu.memory_space<semaphore_mem>>
        %dma_start3A_75 = arith.constant 0 : i32
        %dma_start3A_76 = tpu.memref_slice %arg9[%mul3A_2, %dma_start3A_75] : memref<10112x64xf32, #tpu.memory_space<vmem_shared>> -> memref<632x64xf32, #tpu.memory_space<vmem_shared>>
        %dma_start3A_77 = arith.constant 0 : i32
        %dma_start3A_78 = tpu.memref_slice %arg4[%mul3A_2, %dma_start3A_77] : memref<10112x64xf32, #tpu.memory_space<hbm>> -> memref<632x64xf32, #tpu.memory_space<hbm>>
        tpu.enqueue_dma source(%dma_start3A_78 : memref<632x64xf32, #tpu.memory_space<hbm>>) target(%dma_start3A_76 : memref<632x64xf32, #tpu.memory_space<vmem_shared>>) target_semaphore(%run_scoped3A : memref<!tpu.dma_semaphore, #tpu.memory_space<semaphore_mem>>)
        %dma_wait3A_79 = arith.constant 0 : i32
        %dma_wait3A_80 = tpu.memref_slice %arg9[%mul3A_2, %dma_wait3A_79] : memref<10112x64xf32, #tpu.memory_space<vmem_shared>> -> memref<632x64xf32, #tpu.memory_space<vmem_shared>>
        %dma_wait3A_81 = arith.constant 0 : i32
        %dma_wait3A_82 = tpu.memref_slice %arg4[%mul3A_2, %dma_wait3A_81] : memref<10112x64xf32, #tpu.memory_space<hbm>> -> memref<632x64xf32, #tpu.memory_space<hbm>>
        tpu.wait_dma2 semaphore(%run_scoped3A : memref<!tpu.dma_semaphore, #tpu.memory_space<semaphore_mem>>) src(%dma_wait3A_82 : memref<632x64xf32, #tpu.memory_space<hbm>>) dst(%dma_wait3A_80 : memref<632x64xf32, #tpu.memory_space<vmem_shared>>)
        tpu.yield
      }) : () -> ()
    } else {
    }
    %ne3A = arith.constant 0 : i32
    %ne3A_5 = arith.cmpi ne, %arg0, %ne3A : i32
    %convert_element_type3A_6 = arith.extui %ne3A_5 : i1 to i32
    %cond3A_7 = arith.constant 0 : i32
    %cond3A_8 = arith.cmpi ne, %convert_element_type3A_6, %cond3A_7 : i32
    scf.if %cond3A_8 {
      %broadcast_in_dim3A = arith.constant 0.000000e+00 : f32
      %broadcast_in_dim3A_75 = vector.broadcast %broadcast_in_dim3A : f32 to vector<16xf32>
      %scan3A_76 = arith.constant 0 : i32
      %scan3A_77 = arith.constant 0 : i32
      %scan3A_78 = arith.constant 100 : i32
      %scan3A_79 = arith.addi %scan3A_77, %scan3A_78 : i32
      %scan3A_80 = arith.constant 1 : i32
      scf.for %scan3A_90 = %scan3A_77 to %scan3A_79 step %scan3A_80  : i32 {
        %mul3A_91 = arith.constant 1 : i32
        %mul3A_92 = arith.muli %scan3A_90, %mul3A_91 : i32
        %add3A_93 = arith.constant 0 : i32
        %add3A_94 = arith.addi %add3A_93, %mul3A_92 : i32
        %swap3A = arith.constant 0 : i32
        %swap3A_95 = arith.constant 0 : i32
        %swap3A_96 = tpu.memref_slice %arg8[%scan3A_76, %swap3A, %swap3A_95] : memref<4x100x64xf32, #tpu.memory_space<vmem>> -> memref<1x100x64xf32, #tpu.memory_space<vmem>>
        %swap3A_97 = tpu.memref_squeeze %swap3A_96 : memref<1x100x64xf32, #tpu.memory_space<vmem>> -> memref<100x64xf32, #tpu.memory_space<vmem>>
        %swap3A_98 = arith.index_cast %add3A_94 : i32 to index
        %swap3A_99 = arith.constant 0 : index
        %swap3A_100 = tpu.vector_load %swap3A_97[%swap3A_98, %swap3A_99] {strides = array<i32>} : memref<100x64xf32, #tpu.memory_space<vmem>>, vector<1x16xf32>,
        %swap3A_101 = vector.shape_cast %swap3A_100 : vector<1x16xf32> to vector<16xf32>
        %swap3A_102 = vector.shape_cast %broadcast_in_dim3A_75 : vector<16xf32> to vector<1x16xf32>
        tpu.vector_store %swap3A_97[%swap3A_98, %swap3A_99], %swap3A_102 {strides = array<i32>} : memref<100x64xf32, #tpu.memory_space<vmem>>, vector<1x16xf32>,
        %swap3A_103 = arith.constant 0 : i32
        %swap3A_104 = arith.constant 0 : i32
        %swap3A_105 = tpu.memref_slice %arg8[%scan3A_76, %swap3A_103, %swap3A_104] : memref<4x100x64xf32, #tpu.memory_space<vmem>> -> memref<1x100x64xf32, #tpu.memory_space<vmem>>
        %swap3A_106 = tpu.memref_squeeze %swap3A_105 : memref<1x100x64xf32, #tpu.memory_space<vmem>> -> memref<100x64xf32, #tpu.memory_space<vmem>>
        %swap3A_107 = arith.index_cast %add3A_94 : i32 to index
        %swap3A_108 = arith.constant 16 : index
        %swap3A_109 = tpu.vector_load %swap3A_106[%swap3A_107, %swap3A_108] {strides = array<i32>} : memref<100x64xf32, #tpu.memory_space<vmem>>, vector<1x16xf32>,
        %swap3A_110 = vector.shape_cast %swap3A_109 : vector<1x16xf32> to vector<16xf32>
        %swap3A_111 = vector.shape_cast %broadcast_in_dim3A_75 : vector<16xf32> to vector<1x16xf32>
        tpu.vector_store %swap3A_106[%swap3A_107, %swap3A_108], %swap3A_111 {strides = array<i32>} : memref<100x64xf32, #tpu.memory_space<vmem>>, vector<1x16xf32>,
        %swap3A_112 = arith.constant 0 : i32
        %swap3A_113 = arith.constant 0 : i32
        %swap3A_114 = tpu.memref_slice %arg8[%scan3A_76, %swap3A_112, %swap3A_113] : memref<4x100x64xf32, #tpu.memory_space<vmem>> -> memref<1x100x64xf32, #tpu.memory_space<vmem>>
        %swap3A_115 = tpu.memref_squeeze %swap3A_114 : memref<1x100x64xf32, #tpu.memory_space<vmem>> -> memref<100x64xf32, #tpu.memory_space<vmem>>
        %swap3A_116 = arith.index_cast %add3A_94 : i32 to index
        %swap3A_117 = arith.constant 32 : index
        %swap3A_118 = tpu.vector_load %swap3A_115[%swap3A_116, %swap3A_117] {strides = array<i32>} : memref<100x64xf32, #tpu.memory_space<vmem>>, vector<1x16xf32>,
        %swap3A_119 = vector.shape_cast %swap3A_118 : vector<1x16xf32> to vector<16xf32>
        %swap3A_120 = vector.shape_cast %broadcast_in_dim3A_75 : vector<16xf32> to vector<1x16xf32>
        tpu.vector_store %swap3A_115[%swap3A_116, %swap3A_117], %swap3A_120 {strides = array<i32>} : memref<100x64xf32, #tpu.memory_space<vmem>>, vector<1x16xf32>,
        %swap3A_121 = arith.constant 0 : i32
        %swap3A_122 = arith.constant 0 : i32
        %swap3A_123 = tpu.memref_slice %arg8[%scan3A_76, %swap3A_121, %swap3A_122] : memref<4x100x64xf32, #tpu.memory_space<vmem>> -> memref<1x100x64xf32, #tpu.memory_space<vmem>>
        %swap3A_124 = tpu.memref_squeeze %swap3A_123 : memref<1x100x64xf32, #tpu.memory_space<vmem>> -> memref<100x64xf32, #tpu.memory_space<vmem>>
        %swap3A_125 = arith.index_cast %add3A_94 : i32 to index
        %swap3A_126 = arith.constant 48 : index
        %swap3A_127 = tpu.vector_load %swap3A_124[%swap3A_125, %swap3A_126] {strides = array<i32>} : memref<100x64xf32, #tpu.memory_space<vmem>>, vector<1x16xf32>,
        %swap3A_128 = vector.shape_cast %swap3A_127 : vector<1x16xf32> to vector<16xf32>
        %swap3A_129 = vector.shape_cast %broadcast_in_dim3A_75 : vector<16xf32> to vector<1x16xf32>
        tpu.vector_store %swap3A_124[%swap3A_125, %swap3A_126], %swap3A_129 {strides = array<i32>} : memref<100x64xf32, #tpu.memory_space<vmem>>, vector<1x16xf32>,
      }
      %scan3A_81 = arith.constant 100 : i32
      %scan3A_82 = arith.constant 0 : i32
      %scan3A_83 = arith.constant 0 : i32
      %scan3A_84 = arith.constant 6 : i32
      %scan3A_85 = arith.addi %scan3A_83, %scan3A_84 : i32
      %scan3A_86 = arith.constant 1 : i32
      scf.for %scan3A_90 = %scan3A_83 to %scan3A_85 step %scan3A_86  : i32 {
        %mul3A_91 = arith.constant 1 : i32
        %mul3A_92 = arith.muli %scan3A_90, %mul3A_91 : i32
        %add3A_93 = arith.constant 0 : i32
        %add3A_94 = arith.addi %add3A_93, %mul3A_92 : i32
        %mul3A_95 = arith.constant 100 : i32
        %mul3A_96 = arith.muli %add3A_94, %mul3A_95 : i32
        %add3A_97 = arith.addi %mul3A_2, %mul3A_96 : i32
        "tpu.region"() ({
          %run_scoped3A_98 = tpu.sem_alloc : memref<!tpu.dma_semaphore, #tpu.memory_space<semaphore_mem>>
          %dma_start3A_99 = arith.constant 0 : i32
          %dma_start3A_100 = arith.constant 0 : i32
          %dma_start3A_101 = tpu.memref_slice %arg8[%scan3A_82, %dma_start3A_99, %dma_start3A_100] : memref<4x100x64xf32, #tpu.memory_space<vmem>> -> memref<1x100x64xf32, #tpu.memory_space<vmem>>
          %dma_start3A_102 = tpu.memref_squeeze %dma_start3A_101 : memref<1x100x64xf32, #tpu.memory_space<vmem>> -> memref<100x64xf32, #tpu.memory_space<vmem>>
          %dma_start3A_103 = arith.constant 0 : i32
          %dma_start3A_104 = tpu.memref_slice %arg9[%add3A_97, %dma_start3A_103] : memref<10112x64xf32, #tpu.memory_space<vmem_shared>> -> memref<100x64xf32, #tpu.memory_space<vmem_shared>>
          %dma_start3A_105 = arith.constant 0 : i32
          %dma_start3A_106 = tpu.memref_slice %arg9[%add3A_97, %dma_start3A_105] : memref<10112x64xf32, #tpu.memory_space<vmem_shared>> -> memref<100x64xf32, #tpu.memory_space<vmem_shared>>
          %dma_start3A_107 = arith.constant 0 : i32
          %dma_start3A_108 = arith.constant 0 : i32
          %dma_start3A_109 = tpu.memref_slice %arg8[%scan3A_82, %dma_start3A_107, %dma_start3A_108] : memref<4x100x64xf32, #tpu.memory_space<vmem>> -> memref<1x100x64xf32, #tpu.memory_space<vmem>>
          %dma_start3A_110 = tpu.memref_squeeze %dma_start3A_109 : memref<1x100x64xf32, #tpu.memory_space<vmem>> -> memref<100x64xf32, #tpu.memory_space<vmem>>
          tpu.enqueue_dma source(%dma_start3A_110 : memref<100x64xf32, #tpu.memory_space<vmem>>) target(%dma_start3A_106 : memref<100x64xf32, #tpu.memory_space<vmem_shared>>) target_semaphore(%run_scoped3A_98 : memref<!tpu.dma_semaphore, #tpu.memory_space<semaphore_mem>>)
          %dma_wait3A_111 = arith.constant 0 : i32
          %dma_wait3A_112 = arith.constant 0 : i32
          %dma_wait3A_113 = tpu.memref_slice %arg8[%scan3A_82, %dma_wait3A_111, %dma_wait3A_112] : memref<4x100x64xf32, #tpu.memory_space<vmem>> -> memref<1x100x64xf32, #tpu.memory_space<vmem>>
          %dma_wait3A_114 = tpu.memref_squeeze %dma_wait3A_113 : memref<1x100x64xf32, #tpu.memory_space<vmem>> -> memref<100x64xf32, #tpu.memory_space<vmem>>
          %dma_wait3A_115 = arith.constant 0 : i32
          %dma_wait3A_116 = tpu.memref_slice %arg9[%add3A_97, %dma_wait3A_115] : memref<10112x64xf32, #tpu.memory_space<vmem_shared>> -> memref<100x64xf32, #tpu.memory_space<vmem_shared>>
          %dma_wait3A_117 = arith.constant 0 : i32
          %dma_wait3A_118 = tpu.memref_slice %arg9[%add3A_97, %dma_wait3A_117] : memref<10112x64xf32, #tpu.memory_space<vmem_shared>> -> memref<100x64xf32, #tpu.memory_space<vmem_shared>>
          %dma_wait3A_119 = arith.constant 0 : i32
          %dma_wait3A_120 = arith.constant 0 : i32
          %dma_wait3A_121 = tpu.memref_slice %arg8[%scan3A_82, %dma_wait3A_119, %dma_wait3A_120] : memref<4x100x64xf32, #tpu.memory_space<vmem>> -> memref<1x100x64xf32, #tpu.memory_space<vmem>>
          %dma_wait3A_122 = tpu.memref_squeeze %dma_wait3A_121 : memref<1x100x64xf32, #tpu.memory_space<vmem>> -> memref<100x64xf32, #tpu.memory_space<vmem>>
          tpu.wait_dma2 semaphore(%run_scoped3A_98 : memref<!tpu.dma_semaphore, #tpu.memory_space<semaphore_mem>>) src(%dma_wait3A_122 : memref<100x64xf32, #tpu.memory_space<vmem>>) dst(%dma_wait3A_118 : memref<100x64xf32, #tpu.memory_space<vmem_shared>>)
          tpu.yield
        }) : () -> ()
      }
      %scan3A_87 = arith.constant 6 : i32
      %add3A_88 = arith.constant 600 : i32
      %add3A_89 = arith.addi %mul3A_2, %add3A_88 : i32
      %run_scoped3A = arith.constant 0 : i32
      "tpu.region"() ({
        %run_scoped3A_90 = tpu.sem_alloc : memref<!tpu.dma_semaphore, #tpu.memory_space<semaphore_mem>>
        %dma_start3A_91 = arith.constant 0 : i32
        %dma_start3A_92 = arith.constant 0 : i32
        %dma_start3A_93 = tpu.memref_slice %arg8[%run_scoped3A, %dma_start3A_91, %dma_start3A_92] : memref<4x100x64xf32, #tpu.memory_space<vmem>> -> memref<1x100x64xf32, #tpu.memory_space<vmem>>
        %dma_start3A_94 = tpu.memref_squeeze %dma_start3A_93 : memref<1x100x64xf32, #tpu.memory_space<vmem>> -> memref<100x64xf32, #tpu.memory_space<vmem>>
        %dma_start3A_95 = arith.constant 0 : i32
        %dma_start3A_96 = arith.constant 0 : i32
        %dma_start3A_97 = tpu.memref_slice %dma_start3A_94[%dma_start3A_95, %dma_start3A_96] : memref<100x64xf32, #tpu.memory_space<vmem>> -> memref<32x64xf32, #tpu.memory_space<vmem>>
        %dma_start3A_98 = arith.constant 0 : i32
        %dma_start3A_99 = tpu.memref_slice %arg9[%add3A_89, %dma_start3A_98] : memref<10112x64xf32, #tpu.memory_space<vmem_shared>> -> memref<32x64xf32, #tpu.memory_space<vmem_shared>>
        %dma_start3A_100 = arith.constant 0 : i32
        %dma_start3A_101 = tpu.memref_slice %arg9[%add3A_89, %dma_start3A_100] : memref<10112x64xf32, #tpu.memory_space<vmem_shared>> -> memref<32x64xf32, #tpu.memory_space<vmem_shared>>
        %dma_start3A_102 = arith.constant 0 : i32
        %dma_start3A_103 = arith.constant 0 : i32
        %dma_start3A_104 = tpu.memref_slice %arg8[%run_scoped3A, %dma_start3A_102, %dma_start3A_103] : memref<4x100x64xf32, #tpu.memory_space<vmem>> -> memref<1x100x64xf32, #tpu.memory_space<vmem>>
        %dma_start3A_105 = tpu.memref_squeeze %dma_start3A_104 : memref<1x100x64xf32, #tpu.memory_space<vmem>> -> memref<100x64xf32, #tpu.memory_space<vmem>>
        %dma_start3A_106 = arith.constant 0 : i32
        %dma_start3A_107 = arith.constant 0 : i32
        %dma_start3A_108 = tpu.memref_slice %dma_start3A_105[%dma_start3A_106, %dma_start3A_107] : memref<100x64xf32, #tpu.memory_space<vmem>> -> memref<32x64xf32, #tpu.memory_space<vmem>>
        tpu.enqueue_dma source(%dma_start3A_108 : memref<32x64xf32, #tpu.memory_space<vmem>>) target(%dma_start3A_101 : memref<32x64xf32, #tpu.memory_space<vmem_shared>>) target_semaphore(%run_scoped3A_90 : memref<!tpu.dma_semaphore, #tpu.memory_space<semaphore_mem>>)
        %dma_wait3A_109 = arith.constant 0 : i32
        %dma_wait3A_110 = arith.constant 0 : i32
        %dma_wait3A_111 = tpu.memref_slice %arg8[%run_scoped3A, %dma_wait3A_109, %dma_wait3A_110] : memref<4x100x64xf32, #tpu.memory_space<vmem>> -> memref<1x100x64xf32, #tpu.memory_space<vmem>>
        %dma_wait3A_112 = tpu.memref_squeeze %dma_wait3A_111 : memref<1x100x64xf32, #tpu.memory_space<vmem>> -> memref<100x64xf32, #tpu.memory_space<vmem>>
        %dma_wait3A_113 = arith.constant 0 : i32
        %dma_wait3A_114 = arith.constant 0 : i32
        %dma_wait3A_115 = tpu.memref_slice %dma_wait3A_112[%dma_wait3A_113, %dma_wait3A_114] : memref<100x64xf32, #tpu.memory_space<vmem>> -> memref<32x64xf32, #tpu.memory_space<vmem>>
        %dma_wait3A_116 = arith.constant 0 : i32
        %dma_wait3A_117 = tpu.memref_slice %arg9[%add3A_89, %dma_wait3A_116] : memref<10112x64xf32, #tpu.memory_space<vmem_shared>> -> memref<32x64xf32, #tpu.memory_space<vmem_shared>>
        %dma_wait3A_118 = arith.constant 0 : i32
        %dma_wait3A_119 = tpu.memref_slice %arg9[%add3A_89, %dma_wait3A_118] : memref<10112x64xf32, #tpu.memory_space<vmem_shared>> -> memref<32x64xf32, #tpu.memory_space<vmem_shared>>
        %dma_wait3A_120 = arith.constant 0 : i32
        %dma_wait3A_121 = arith.constant 0 : i32
        %dma_wait3A_122 = tpu.memref_slice %arg8[%run_scoped3A, %dma_wait3A_120, %dma_wait3A_121] : memref<4x100x64xf32, #tpu.memory_space<vmem>> -> memref<1x100x64xf32, #tpu.memory_space<vmem>>
        %dma_wait3A_123 = tpu.memref_squeeze %dma_wait3A_122 : memref<1x100x64xf32, #tpu.memory_space<vmem>> -> memref<100x64xf32, #tpu.memory_space<vmem>>
        %dma_wait3A_124 = arith.constant 0 : i32
        %dma_wait3A_125 = arith.constant 0 : i32
        %dma_wait3A_126 = tpu.memref_slice %dma_wait3A_123[%dma_wait3A_124, %dma_wait3A_125] : memref<100x64xf32, #tpu.memory_space<vmem>> -> memref<32x64xf32, #tpu.memory_space<vmem>>
        tpu.wait_dma2 semaphore(%run_scoped3A_90 : memref<!tpu.dma_semaphore, #tpu.memory_space<semaphore_mem>>) src(%dma_wait3A_126 : memref<32x64xf32, #tpu.memory_space<vmem>>) dst(%dma_wait3A_119 : memref<32x64xf32, #tpu.memory_space<vmem_shared>>)
        tpu.yield
      }) : () -> ()
    } else {
    }
    %barrier3A = arith.constant 0 : index
    tpu.barrier barrier_id(%barrier3A)
    %dma_start3A = arith.constant 0 : i32
    %dma_start3A_9 = arith.constant 0 : i32
    %dma_start3A_10 = arith.constant 0 : i32
    %dma_start3A_11 = arith.constant 0 : i32
    %dma_start3A_12 = arith.constant 0 : i32
    %dma_start3A_13 = tpu.memref_slice %arg8[%dma_start3A_9, %dma_start3A_11, %dma_start3A_12] : memref<4x100x64xf32, #tpu.memory_space<vmem>> -> memref<1x100x64xf32, #tpu.memory_space<vmem>>
    %dma_start3A_14 = tpu.memref_squeeze %dma_start3A_13 : memref<1x100x64xf32, #tpu.memory_space<vmem>> -> memref<100x64xf32, #tpu.memory_space<vmem>>
    %dma_start3A_15 = arith.constant 0 : i32
    %dma_start3A_16 = tpu.memref_slice %arg6[%dma_start3A, %dma_start3A_15] : memref<100x100xi32, #tpu.memory_space<vmem>> -> memref<1x100xi32, #tpu.memory_space<vmem>>
    %dma_start3A_17 = tpu.memref_squeeze %dma_start3A_16 : memref<1x100xi32, #tpu.memory_space<vmem>> -> memref<100xi32, #tpu.memory_space<vmem>>
    %dma_start3A_18 = arith.constant 0 : i32
    %dma_start3A_19 = arith.constant 0 : i32
    %dma_start3A_20 = tpu.memref_slice %arg10[%dma_start3A_18, %dma_start3A_19] : memref<10112x64xf32, #tpu.memory_space<vmem_shared>> -> memref<10112x64xf32, #tpu.memory_space<vmem_shared>>
    %dma_start3A_21 = tpu.memref_slice %arg11[%dma_start3A_10] : memref<4x!tpu.dma_semaphore, #tpu.memory_space<semaphore_mem>> -> memref<1x!tpu.dma_semaphore, #tpu.memory_space<semaphore_mem>>
    %dma_start3A_22 = tpu.memref_squeeze %dma_start3A_21 : memref<1x!tpu.dma_semaphore, #tpu.memory_space<semaphore_mem>> -> memref<!tpu.dma_semaphore, #tpu.memory_space<semaphore_mem>>
    tpu.enqueue_indirect_dma source(%dma_start3A_20 : memref<10112x64xf32, #tpu.memory_space<vmem_shared>>) target(%dma_start3A_14 : memref<100x64xf32, #tpu.memory_space<vmem>>) offsets(%dma_start3A_17 : memref<100xi32, #tpu.memory_space<vmem>>) semaphore(%dma_start3A_22 : memref<!tpu.dma_semaphore, #tpu.memory_space<semaphore_mem>>)
    %dma_start3A_23 = arith.constant 1 : i32
    %dma_start3A_24 = arith.constant 1 : i32
    %dma_start3A_25 = arith.constant 1 : i32
    %dma_start3A_26 = arith.constant 0 : i32
    %dma_start3A_27 = arith.constant 0 : i32
    %dma_start3A_28 = tpu.memref_slice %arg8[%dma_start3A_24, %dma_start3A_26, %dma_start3A_27] : memref<4x100x64xf32, #tpu.memory_space<vmem>> -> memref<1x100x64xf32, #tpu.memory_space<vmem>>
    %dma_start3A_29 = tpu.memref_squeeze %dma_start3A_28 : memref<1x100x64xf32, #tpu.memory_space<vmem>> -> memref<100x64xf32, #tpu.memory_space<vmem>>
    %dma_start3A_30 = arith.constant 0 : i32
    %dma_start3A_31 = tpu.memref_slice %arg6[%dma_start3A_23, %dma_start3A_30] : memref<100x100xi32, #tpu.memory_space<vmem>> -> memref<1x100xi32, #tpu.memory_space<vmem>>
    %dma_start3A_32 = tpu.memref_squeeze %dma_start3A_31 : memref<1x100xi32, #tpu.memory_space<vmem>> -> memref<100xi32, #tpu.memory_space<vmem>>
    %dma_start3A_33 = arith.constant 0 : i32
    %dma_start3A_34 = arith.constant 0 : i32
    %dma_start3A_35 = tpu.memref_slice %arg10[%dma_start3A_33, %dma_start3A_34] : memref<10112x64xf32, #tpu.memory_space<vmem_shared>> -> memref<10112x64xf32, #tpu.memory_space<vmem_shared>>
    %dma_start3A_36 = tpu.memref_slice %arg11[%dma_start3A_25] : memref<4x!tpu.dma_semaphore, #tpu.memory_space<semaphore_mem>> -> memref<1x!tpu.dma_semaphore, #tpu.memory_space<semaphore_mem>>
    %dma_start3A_37 = tpu.memref_squeeze %dma_start3A_36 : memref<1x!tpu.dma_semaphore, #tpu.memory_space<semaphore_mem>> -> memref<!tpu.dma_semaphore, #tpu.memory_space<semaphore_mem>>
    tpu.enqueue_indirect_dma source(%dma_start3A_35 : memref<10112x64xf32, #tpu.memory_space<vmem_shared>>) target(%dma_start3A_29 : memref<100x64xf32, #tpu.memory_space<vmem>>) offsets(%dma_start3A_32 : memref<100xi32, #tpu.memory_space<vmem>>) semaphore(%dma_start3A_37 : memref<!tpu.dma_semaphore, #tpu.memory_space<semaphore_mem>>)
    %scan3A = arith.constant 0 : i32
    %scan3A_38 = arith.constant 25 : i32
    %scan3A_39 = arith.addi %scan3A, %scan3A_38 : i32
    %scan3A_40 = arith.constant 1 : i32
    scf.for %scan3A_75 = %scan3A to %scan3A_39 step %scan3A_40  : i32 {
      %mul3A_76 = arith.constant 4 : i32
      %mul3A_77 = arith.muli %scan3A_75, %mul3A_76 : i32
      %add3A_78 = arith.constant 0 : i32
      %add3A_79 = arith.addi %add3A_78, %mul3A_77 : i32
      %add3A_80 = arith.constant 0 : i32
      %add3A_81 = arith.addi %add3A_79, %add3A_80 : i32
      %dma_wait3A_82 = arith.constant 0 : i32
      %dma_wait3A_83 = arith.constant 0 : i32
      %dma_wait3A_84 = arith.constant 0 : i32
      %dma_wait3A_85 = arith.constant 0 : i32
      %dma_wait3A_86 = tpu.memref_slice %arg8[%dma_wait3A_82, %dma_wait3A_84, %dma_wait3A_85] : memref<4x100x64xf32, #tpu.memory_space<vmem>> -> memref<1x100x64xf32, #tpu.memory_space<vmem>>
      %dma_wait3A_87 = tpu.memref_squeeze %dma_wait3A_86 : memref<1x100x64xf32, #tpu.memory_space<vmem>> -> memref<100x64xf32, #tpu.memory_space<vmem>>
      %dma_wait3A_88 = arith.constant 0 : i32
      %dma_wait3A_89 = tpu.memref_slice %arg6[%add3A_81, %dma_wait3A_88] : memref<100x100xi32, #tpu.memory_space<vmem>> -> memref<1x100xi32, #tpu.memory_space<vmem>>
      %dma_wait3A_90 = tpu.memref_squeeze %dma_wait3A_89 : memref<1x100xi32, #tpu.memory_space<vmem>> -> memref<100xi32, #tpu.memory_space<vmem>>
      %dma_wait3A_91 = arith.constant 0 : i32
      %dma_wait3A_92 = arith.constant 0 : i32
      %dma_wait3A_93 = tpu.memref_slice %arg10[%dma_wait3A_91, %dma_wait3A_92] : memref<10112x64xf32, #tpu.memory_space<vmem_shared>> -> memref<10112x64xf32, #tpu.memory_space<vmem_shared>>
      %dma_wait3A_94 = tpu.memref_slice %arg11[%dma_wait3A_83] : memref<4x!tpu.dma_semaphore, #tpu.memory_space<semaphore_mem>> -> memref<1x!tpu.dma_semaphore, #tpu.memory_space<semaphore_mem>>
      %dma_wait3A_95 = tpu.memref_squeeze %dma_wait3A_94 : memref<1x!tpu.dma_semaphore, #tpu.memory_space<semaphore_mem>> -> memref<!tpu.dma_semaphore, #tpu.memory_space<semaphore_mem>>
      tpu.wait_indirect_dma semaphore(%dma_wait3A_95 : memref<!tpu.dma_semaphore, #tpu.memory_space<semaphore_mem>>) src(%dma_wait3A_93 : memref<10112x64xf32, #tpu.memory_space<vmem_shared>>) dst(%dma_wait3A_87 : memref<100x64xf32, #tpu.memory_space<vmem>>)
      %dma_start3A_96 = arith.constant 0 : i32
      %dma_start3A_97 = arith.constant 0 : i32
      %dma_start3A_98 = arith.constant 0 : i32
      %dma_start3A_99 = arith.constant 0 : i32
      %dma_start3A_100 = tpu.memref_slice %arg8[%dma_start3A_96, %dma_start3A_98, %dma_start3A_99] : memref<4x100x64xf32, #tpu.memory_space<vmem>> -> memref<1x100x64xf32, #tpu.memory_space<vmem>>
      %dma_start3A_101 = tpu.memref_squeeze %dma_start3A_100 : memref<1x100x64xf32, #tpu.memory_space<vmem>> -> memref<100x64xf32, #tpu.memory_space<vmem>>
      %dma_start3A_102 = arith.constant 0 : i32
      %dma_start3A_103 = tpu.memref_slice %arg7[%add3A_81, %dma_start3A_102] : memref<100x100xi32, #tpu.memory_space<vmem>> -> memref<1x100xi32, #tpu.memory_space<vmem>>
      %dma_start3A_104 = tpu.memref_squeeze %dma_start3A_103 : memref<1x100xi32, #tpu.memory_space<vmem>> -> memref<100xi32, #tpu.memory_space<vmem>>
      %dma_start3A_105 = arith.constant 0 : i32
      %dma_start3A_106 = arith.constant 0 : i32
      %dma_start3A_107 = tpu.memref_slice %arg9[%dma_start3A_105, %dma_start3A_106] : memref<10112x64xf32, #tpu.memory_space<vmem_shared>> -> memref<10112x64xf32, #tpu.memory_space<vmem_shared>>
      %dma_start3A_108 = tpu.memref_slice %arg12[%dma_start3A_97] : memref<4x!tpu.dma_semaphore, #tpu.memory_space<semaphore_mem>> -> memref<1x!tpu.dma_semaphore, #tpu.memory_space<semaphore_mem>>
      %dma_start3A_109 = tpu.memref_squeeze %dma_start3A_108 : memref<1x!tpu.dma_semaphore, #tpu.memory_space<semaphore_mem>> -> memref<!tpu.dma_semaphore, #tpu.memory_space<semaphore_mem>>
      tpu.enqueue_indirect_dma source(%dma_start3A_101 : memref<100x64xf32, #tpu.memory_space<vmem>>) target(%dma_start3A_107 : memref<10112x64xf32, #tpu.memory_space<vmem_shared>>) offsets(%dma_start3A_104 : memref<100xi32, #tpu.memory_space<vmem>>) semaphore(%dma_start3A_109 : memref<!tpu.dma_semaphore, #tpu.memory_space<semaphore_mem>>) {add = true}
      %sub3A = arith.constant 2 : i32
      %sub3A_110 = arith.subi %add3A_81, %sub3A : i32
      %ge3A = arith.constant 0 : i32
      %ge3A_111 = arith.cmpi sge, %sub3A_110, %ge3A : i32
      %convert_element_type3A_112 = arith.extui %ge3A_111 : i1 to i32
      %cond3A_113 = arith.constant 0 : i32
      %cond3A_114 = arith.cmpi ne, %convert_element_type3A_112, %cond3A_113 : i32
      scf.if %cond3A_114 {
        %sub3A_253 = arith.constant 2 : i32
        %sub3A_254 = arith.subi %add3A_81, %sub3A_253 : i32
        %dma_wait3A_255 = arith.constant 2 : i32
        %dma_wait3A_256 = arith.constant 2 : i32
        %dma_wait3A_257 = arith.constant 0 : i32
        %dma_wait3A_258 = arith.constant 0 : i32
        %dma_wait3A_259 = tpu.memref_slice %arg8[%dma_wait3A_255, %dma_wait3A_257, %dma_wait3A_258] : memref<4x100x64xf32, #tpu.memory_space<vmem>> -> memref<1x100x64xf32, #tpu.memory_space<vmem>>
        %dma_wait3A_260 = tpu.memref_squeeze %dma_wait3A_259 : memref<1x100x64xf32, #tpu.memory_space<vmem>> -> memref<100x64xf32, #tpu.memory_space<vmem>>
        %dma_wait3A_261 = arith.constant 0 : i32
        %dma_wait3A_262 = tpu.memref_slice %arg7[%sub3A_254, %dma_wait3A_261] : memref<100x100xi32, #tpu.memory_space<vmem>> -> memref<1x100xi32, #tpu.memory_space<vmem>>
        %dma_wait3A_263 = tpu.memref_squeeze %dma_wait3A_262 : memref<1x100xi32, #tpu.memory_space<vmem>> -> memref<100xi32, #tpu.memory_space<vmem>>
        %dma_wait3A_264 = arith.constant 0 : i32
        %dma_wait3A_265 = arith.constant 0 : i32
        %dma_wait3A_266 = tpu.memref_slice %arg9[%dma_wait3A_264, %dma_wait3A_265] : memref<10112x64xf32, #tpu.memory_space<vmem_shared>> -> memref<10112x64xf32, #tpu.memory_space<vmem_shared>>
        %dma_wait3A_267 = tpu.memref_slice %arg12[%dma_wait3A_256] : memref<4x!tpu.dma_semaphore, #tpu.memory_space<semaphore_mem>> -> memref<1x!tpu.dma_semaphore, #tpu.memory_space<semaphore_mem>>
        %dma_wait3A_268 = tpu.memref_squeeze %dma_wait3A_267 : memref<1x!tpu.dma_semaphore, #tpu.memory_space<semaphore_mem>> -> memref<!tpu.dma_semaphore, #tpu.memory_space<semaphore_mem>>
        tpu.wait_indirect_dma semaphore(%dma_wait3A_268 : memref<!tpu.dma_semaphore, #tpu.memory_space<semaphore_mem>>) src(%dma_wait3A_260 : memref<100x64xf32, #tpu.memory_space<vmem>>) dst(%dma_wait3A_266 : memref<10112x64xf32, #tpu.memory_space<vmem_shared>>)
      } else {
      }
      %add3A_115 = arith.constant 2 : i32
      %add3A_116 = arith.addi %add3A_81, %add3A_115 : i32
      %lt3A = arith.constant 100 : i32
      %lt3A_117 = arith.cmpi slt, %add3A_116, %lt3A : i32
      %convert_element_type3A_118 = arith.extui %lt3A_117 : i1 to i32
      %cond3A_119 = arith.constant 0 : i32
      %cond3A_120 = arith.cmpi ne, %convert_element_type3A_118, %cond3A_119 : i32
      scf.if %cond3A_120 {
        %add3A_253 = arith.constant 2 : i32
        %add3A_254 = arith.addi %add3A_81, %add3A_253 : i32
        %dma_start3A_255 = arith.constant 2 : i32
        %dma_start3A_256 = arith.constant 2 : i32
        %dma_start3A_257 = arith.constant 0 : i32
        %dma_start3A_258 = arith.constant 0 : i32
        %dma_start3A_259 = tpu.memref_slice %arg8[%dma_start3A_255, %dma_start3A_257, %dma_start3A_258] : memref<4x100x64xf32, #tpu.memory_space<vmem>> -> memref<1x100x64xf32, #tpu.memory_space<vmem>>
        %dma_start3A_260 = tpu.memref_squeeze %dma_start3A_259 : memref<1x100x64xf32, #tpu.memory_space<vmem>> -> memref<100x64xf32, #tpu.memory_space<vmem>>
        %dma_start3A_261 = arith.constant 0 : i32
        %dma_start3A_262 = tpu.memref_slice %arg6[%add3A_254, %dma_start3A_261] : memref<100x100xi32, #tpu.memory_space<vmem>> -> memref<1x100xi32, #tpu.memory_space<vmem>>
        %dma_start3A_263 = tpu.memref_squeeze %dma_start3A_262 : memref<1x100xi32, #tpu.memory_space<vmem>> -> memref<100xi32, #tpu.memory_space<vmem>>
        %dma_start3A_264 = arith.constant 0 : i32
        %dma_start3A_265 = arith.constant 0 : i32
        %dma_start3A_266 = tpu.memref_slice %arg10[%dma_start3A_264, %dma_start3A_265] : memref<10112x64xf32, #tpu.memory_space<vmem_shared>> -> memref<10112x64xf32, #tpu.memory_space<vmem_shared>>
        %dma_start3A_267 = tpu.memref_slice %arg11[%dma_start3A_256] : memref<4x!tpu.dma_semaphore, #tpu.memory_space<semaphore_mem>> -> memref<1x!tpu.dma_semaphore, #tpu.memory_space<semaphore_mem>>
        %dma_start3A_268 = tpu.memref_squeeze %dma_start3A_267 : memref<1x!tpu.dma_semaphore, #tpu.memory_space<semaphore_mem>> -> memref<!tpu.dma_semaphore, #tpu.memory_space<semaphore_mem>>
        tpu.enqueue_indirect_dma source(%dma_start3A_266 : memref<10112x64xf32, #tpu.memory_space<vmem_shared>>) target(%dma_start3A_260 : memref<100x64xf32, #tpu.memory_space<vmem>>) offsets(%dma_start3A_263 : memref<100xi32, #tpu.memory_space<vmem>>) semaphore(%dma_start3A_268 : memref<!tpu.dma_semaphore, #tpu.memory_space<semaphore_mem>>)
      } else {
      }
      %add3A_121 = arith.constant 1 : i32
      %add3A_122 = arith.addi %add3A_79, %add3A_121 : i32
      %dma_wait3A_123 = arith.constant 1 : i32
      %dma_wait3A_124 = arith.constant 1 : i32
      %dma_wait3A_125 = arith.constant 0 : i32
      %dma_wait3A_126 = arith.constant 0 : i32
      %dma_wait3A_127 = tpu.memref_slice %arg8[%dma_wait3A_123, %dma_wait3A_125, %dma_wait3A_126] : memref<4x100x64xf32, #tpu.memory_space<vmem>> -> memref<1x100x64xf32, #tpu.memory_space<vmem>>
      %dma_wait3A_128 = tpu.memref_squeeze %dma_wait3A_127 : memref<1x100x64xf32, #tpu.memory_space<vmem>> -> memref<100x64xf32, #tpu.memory_space<vmem>>
      %dma_wait3A_129 = arith.constant 0 : i32
      %dma_wait3A_130 = tpu.memref_slice %arg6[%add3A_122, %dma_wait3A_129] : memref<100x100xi32, #tpu.memory_space<vmem>> -> memref<1x100xi32, #tpu.memory_space<vmem>>
      %dma_wait3A_131 = tpu.memref_squeeze %dma_wait3A_130 : memref<1x100xi32, #tpu.memory_space<vmem>> -> memref<100xi32, #tpu.memory_space<vmem>>
      %dma_wait3A_132 = arith.constant 0 : i32
      %dma_wait3A_133 = arith.constant 0 : i32
      %dma_wait3A_134 = tpu.memref_slice %arg10[%dma_wait3A_132, %dma_wait3A_133] : memref<10112x64xf32, #tpu.memory_space<vmem_shared>> -> memref<10112x64xf32, #tpu.memory_space<vmem_shared>>
      %dma_wait3A_135 = tpu.memref_slice %arg11[%dma_wait3A_124] : memref<4x!tpu.dma_semaphore, #tpu.memory_space<semaphore_mem>> -> memref<1x!tpu.dma_semaphore, #tpu.memory_space<semaphore_mem>>
      %dma_wait3A_136 = tpu.memref_squeeze %dma_wait3A_135 : memref<1x!tpu.dma_semaphore, #tpu.memory_space<semaphore_mem>> -> memref<!tpu.dma_semaphore, #tpu.memory_space<semaphore_mem>>
      tpu.wait_indirect_dma semaphore(%dma_wait3A_136 : memref<!tpu.dma_semaphore, #tpu.memory_space<semaphore_mem>>) src(%dma_wait3A_134 : memref<10112x64xf32, #tpu.memory_space<vmem_shared>>) dst(%dma_wait3A_128 : memref<100x64xf32, #tpu.memory_space<vmem>>)
      %dma_start3A_137 = arith.constant 1 : i32
      %dma_start3A_138 = arith.constant 1 : i32
      %dma_start3A_139 = arith.constant 0 : i32
      %dma_start3A_140 = arith.constant 0 : i32
      %dma_start3A_141 = tpu.memref_slice %arg8[%dma_start3A_137, %dma_start3A_139, %dma_start3A_140] : memref<4x100x64xf32, #tpu.memory_space<vmem>> -> memref<1x100x64xf32, #tpu.memory_space<vmem>>
      %dma_start3A_142 = tpu.memref_squeeze %dma_start3A_141 : memref<1x100x64xf32, #tpu.memory_space<vmem>> -> memref<100x64xf32, #tpu.memory_space<vmem>>
      %dma_start3A_143 = arith.constant 0 : i32
      %dma_start3A_144 = tpu.memref_slice %arg7[%add3A_122, %dma_start3A_143] : memref<100x100xi32, #tpu.memory_space<vmem>> -> memref<1x100xi32, #tpu.memory_space<vmem>>
      %dma_start3A_145 = tpu.memref_squeeze %dma_start3A_144 : memref<1x100xi32, #tpu.memory_space<vmem>> -> memref<100xi32, #tpu.memory_space<vmem>>
      %dma_start3A_146 = arith.constant 0 : i32
      %dma_start3A_147 = arith.constant 0 : i32
      %dma_start3A_148 = tpu.memref_slice %arg9[%dma_start3A_146, %dma_start3A_147] : memref<10112x64xf32, #tpu.memory_space<vmem_shared>> -> memref<10112x64xf32, #tpu.memory_space<vmem_shared>>
      %dma_start3A_149 = tpu.memref_slice %arg12[%dma_start3A_138] : memref<4x!tpu.dma_semaphore, #tpu.memory_space<semaphore_mem>> -> memref<1x!tpu.dma_semaphore, #tpu.memory_space<semaphore_mem>>
      %dma_start3A_150 = tpu.memref_squeeze %dma_start3A_149 : memref<1x!tpu.dma_semaphore, #tpu.memory_space<semaphore_mem>> -> memref<!tpu.dma_semaphore, #tpu.memory_space<semaphore_mem>>
      tpu.enqueue_indirect_dma source(%dma_start3A_142 : memref<100x64xf32, #tpu.memory_space<vmem>>) target(%dma_start3A_148 : memref<10112x64xf32, #tpu.memory_space<vmem_shared>>) offsets(%dma_start3A_145 : memref<100xi32, #tpu.memory_space<vmem>>) semaphore(%dma_start3A_150 : memref<!tpu.dma_semaphore, #tpu.memory_space<semaphore_mem>>) {add = true}
      %sub3A_151 = arith.constant 2 : i32
      %sub3A_152 = arith.subi %add3A_122, %sub3A_151 : i32
      %ge3A_153 = arith.constant 0 : i32
      %ge3A_154 = arith.cmpi sge, %sub3A_152, %ge3A_153 : i32
      %convert_element_type3A_155 = arith.extui %ge3A_154 : i1 to i32
      %cond3A_156 = arith.constant 0 : i32
      %cond3A_157 = arith.cmpi ne, %convert_element_type3A_155, %cond3A_156 : i32
      scf.if %cond3A_157 {
        %sub3A_253 = arith.constant 2 : i32
        %sub3A_254 = arith.subi %add3A_122, %sub3A_253 : i32
        %dma_wait3A_255 = arith.constant 3 : i32
        %dma_wait3A_256 = arith.constant 3 : i32
        %dma_wait3A_257 = arith.constant 0 : i32
        %dma_wait3A_258 = arith.constant 0 : i32
        %dma_wait3A_259 = tpu.memref_slice %arg8[%dma_wait3A_255, %dma_wait3A_257, %dma_wait3A_258] : memref<4x100x64xf32, #tpu.memory_space<vmem>> -> memref<1x100x64xf32, #tpu.memory_space<vmem>>
        %dma_wait3A_260 = tpu.memref_squeeze %dma_wait3A_259 : memref<1x100x64xf32, #tpu.memory_space<vmem>> -> memref<100x64xf32, #tpu.memory_space<vmem>>
        %dma_wait3A_261 = arith.constant 0 : i32
        %dma_wait3A_262 = tpu.memref_slice %arg7[%sub3A_254, %dma_wait3A_261] : memref<100x100xi32, #tpu.memory_space<vmem>> -> memref<1x100xi32, #tpu.memory_space<vmem>>
        %dma_wait3A_263 = tpu.memref_squeeze %dma_wait3A_262 : memref<1x100xi32, #tpu.memory_space<vmem>> -> memref<100xi32, #tpu.memory_space<vmem>>
        %dma_wait3A_264 = arith.constant 0 : i32
        %dma_wait3A_265 = arith.constant 0 : i32
        %dma_wait3A_266 = tpu.memref_slice %arg9[%dma_wait3A_264, %dma_wait3A_265] : memref<10112x64xf32, #tpu.memory_space<vmem_shared>> -> memref<10112x64xf32, #tpu.memory_space<vmem_shared>>
        %dma_wait3A_267 = tpu.memref_slice %arg12[%dma_wait3A_256] : memref<4x!tpu.dma_semaphore, #tpu.memory_space<semaphore_mem>> -> memref<1x!tpu.dma_semaphore, #tpu.memory_space<semaphore_mem>>
        %dma_wait3A_268 = tpu.memref_squeeze %dma_wait3A_267 : memref<1x!tpu.dma_semaphore, #tpu.memory_space<semaphore_mem>> -> memref<!tpu.dma_semaphore, #tpu.memory_space<semaphore_mem>>
        tpu.wait_indirect_dma semaphore(%dma_wait3A_268 : memref<!tpu.dma_semaphore, #tpu.memory_space<semaphore_mem>>) src(%dma_wait3A_260 : memref<100x64xf32, #tpu.memory_space<vmem>>) dst(%dma_wait3A_266 : memref<10112x64xf32, #tpu.memory_space<vmem_shared>>)
      } else {
      }
      %add3A_158 = arith.constant 2 : i32
      %add3A_159 = arith.addi %add3A_122, %add3A_158 : i32
      %lt3A_160 = arith.constant 100 : i32
      %lt3A_161 = arith.cmpi slt, %add3A_159, %lt3A_160 : i32
      %convert_element_type3A_162 = arith.extui %lt3A_161 : i1 to i32
      %cond3A_163 = arith.constant 0 : i32
      %cond3A_164 = arith.cmpi ne, %convert_element_type3A_162, %cond3A_163 : i32
      scf.if %cond3A_164 {
        %add3A_253 = arith.constant 2 : i32
        %add3A_254 = arith.addi %add3A_122, %add3A_253 : i32
        %dma_start3A_255 = arith.constant 3 : i32
        %dma_start3A_256 = arith.constant 3 : i32
        %dma_start3A_257 = arith.constant 0 : i32
        %dma_start3A_258 = arith.constant 0 : i32
        %dma_start3A_259 = tpu.memref_slice %arg8[%dma_start3A_255, %dma_start3A_257, %dma_start3A_258] : memref<4x100x64xf32, #tpu.memory_space<vmem>> -> memref<1x100x64xf32, #tpu.memory_space<vmem>>
        %dma_start3A_260 = tpu.memref_squeeze %dma_start3A_259 : memref<1x100x64xf32, #tpu.memory_space<vmem>> -> memref<100x64xf32, #tpu.memory_space<vmem>>
        %dma_start3A_261 = arith.constant 0 : i32
        %dma_start3A_262 = tpu.memref_slice %arg6[%add3A_254, %dma_start3A_261] : memref<100x100xi32, #tpu.memory_space<vmem>> -> memref<1x100xi32, #tpu.memory_space<vmem>>
        %dma_start3A_263 = tpu.memref_squeeze %dma_start3A_262 : memref<1x100xi32, #tpu.memory_space<vmem>> -> memref<100xi32, #tpu.memory_space<vmem>>
        %dma_start3A_264 = arith.constant 0 : i32
        %dma_start3A_265 = arith.constant 0 : i32
        %dma_start3A_266 = tpu.memref_slice %arg10[%dma_start3A_264, %dma_start3A_265] : memref<10112x64xf32, #tpu.memory_space<vmem_shared>> -> memref<10112x64xf32, #tpu.memory_space<vmem_shared>>
        %dma_start3A_267 = tpu.memref_slice %arg11[%dma_start3A_256] : memref<4x!tpu.dma_semaphore, #tpu.memory_space<semaphore_mem>> -> memref<1x!tpu.dma_semaphore, #tpu.memory_space<semaphore_mem>>
        %dma_start3A_268 = tpu.memref_squeeze %dma_start3A_267 : memref<1x!tpu.dma_semaphore, #tpu.memory_space<semaphore_mem>> -> memref<!tpu.dma_semaphore, #tpu.memory_space<semaphore_mem>>
        tpu.enqueue_indirect_dma source(%dma_start3A_266 : memref<10112x64xf32, #tpu.memory_space<vmem_shared>>) target(%dma_start3A_260 : memref<100x64xf32, #tpu.memory_space<vmem>>) offsets(%dma_start3A_263 : memref<100xi32, #tpu.memory_space<vmem>>) semaphore(%dma_start3A_268 : memref<!tpu.dma_semaphore, #tpu.memory_space<semaphore_mem>>)
      } else {
      }
      %add3A_165 = arith.constant 2 : i32
      %add3A_166 = arith.addi %add3A_79, %add3A_165 : i32
      %dma_wait3A_167 = arith.constant 2 : i32
      %dma_wait3A_168 = arith.constant 2 : i32
      %dma_wait3A_169 = arith.constant 0 : i32
      %dma_wait3A_170 = arith.constant 0 : i32
      %dma_wait3A_171 = tpu.memref_slice %arg8[%dma_wait3A_167, %dma_wait3A_169, %dma_wait3A_170] : memref<4x100x64xf32, #tpu.memory_space<vmem>> -> memref<1x100x64xf32, #tpu.memory_space<vmem>>
      %dma_wait3A_172 = tpu.memref_squeeze %dma_wait3A_171 : memref<1x100x64xf32, #tpu.memory_space<vmem>> -> memref<100x64xf32, #tpu.memory_space<vmem>>
      %dma_wait3A_173 = arith.constant 0 : i32
      %dma_wait3A_174 = tpu.memref_slice %arg6[%add3A_166, %dma_wait3A_173] : memref<100x100xi32, #tpu.memory_space<vmem>> -> memref<1x100xi32, #tpu.memory_space<vmem>>
      %dma_wait3A_175 = tpu.memref_squeeze %dma_wait3A_174 : memref<1x100xi32, #tpu.memory_space<vmem>> -> memref<100xi32, #tpu.memory_space<vmem>>
      %dma_wait3A_176 = arith.constant 0 : i32
      %dma_wait3A_177 = arith.constant 0 : i32
      %dma_wait3A_178 = tpu.memref_slice %arg10[%dma_wait3A_176, %dma_wait3A_177] : memref<10112x64xf32, #tpu.memory_space<vmem_shared>> -> memref<10112x64xf32, #tpu.memory_space<vmem_shared>>
      %dma_wait3A_179 = tpu.memref_slice %arg11[%dma_wait3A_168] : memref<4x!tpu.dma_semaphore, #tpu.memory_space<semaphore_mem>> -> memref<1x!tpu.dma_semaphore, #tpu.memory_space<semaphore_mem>>
      %dma_wait3A_180 = tpu.memref_squeeze %dma_wait3A_179 : memref<1x!tpu.dma_semaphore, #tpu.memory_space<semaphore_mem>> -> memref<!tpu.dma_semaphore, #tpu.memory_space<semaphore_mem>>
      tpu.wait_indirect_dma semaphore(%dma_wait3A_180 : memref<!tpu.dma_semaphore, #tpu.memory_space<semaphore_mem>>) src(%dma_wait3A_178 : memref<10112x64xf32, #tpu.memory_space<vmem_shared>>) dst(%dma_wait3A_172 : memref<100x64xf32, #tpu.memory_space<vmem>>)
      %dma_start3A_181 = arith.constant 2 : i32
      %dma_start3A_182 = arith.constant 2 : i32
      %dma_start3A_183 = arith.constant 0 : i32
      %dma_start3A_184 = arith.constant 0 : i32
      %dma_start3A_185 = tpu.memref_slice %arg8[%dma_start3A_181, %dma_start3A_183, %dma_start3A_184] : memref<4x100x64xf32, #tpu.memory_space<vmem>> -> memref<1x100x64xf32, #tpu.memory_space<vmem>>
      %dma_start3A_186 = tpu.memref_squeeze %dma_start3A_185 : memref<1x100x64xf32, #tpu.memory_space<vmem>> -> memref<100x64xf32, #tpu.memory_space<vmem>>
      %dma_start3A_187 = arith.constant 0 : i32
      %dma_start3A_188 = tpu.memref_slice %arg7[%add3A_166, %dma_start3A_187] : memref<100x100xi32, #tpu.memory_space<vmem>> -> memref<1x100xi32, #tpu.memory_space<vmem>>
      %dma_start3A_189 = tpu.memref_squeeze %dma_start3A_188 : memref<1x100xi32, #tpu.memory_space<vmem>> -> memref<100xi32, #tpu.memory_space<vmem>>
      %dma_start3A_190 = arith.constant 0 : i32
      %dma_start3A_191 = arith.constant 0 : i32
      %dma_start3A_192 = tpu.memref_slice %arg9[%dma_start3A_190, %dma_start3A_191] : memref<10112x64xf32, #tpu.memory_space<vmem_shared>> -> memref<10112x64xf32, #tpu.memory_space<vmem_shared>>
      %dma_start3A_193 = tpu.memref_slice %arg12[%dma_start3A_182] : memref<4x!tpu.dma_semaphore, #tpu.memory_space<semaphore_mem>> -> memref<1x!tpu.dma_semaphore, #tpu.memory_space<semaphore_mem>>
      %dma_start3A_194 = tpu.memref_squeeze %dma_start3A_193 : memref<1x!tpu.dma_semaphore, #tpu.memory_space<semaphore_mem>> -> memref<!tpu.dma_semaphore, #tpu.memory_space<semaphore_mem>>
      tpu.enqueue_indirect_dma source(%dma_start3A_186 : memref<100x64xf32, #tpu.memory_space<vmem>>) target(%dma_start3A_192 : memref<10112x64xf32, #tpu.memory_space<vmem_shared>>) offsets(%dma_start3A_189 : memref<100xi32, #tpu.memory_space<vmem>>) semaphore(%dma_start3A_194 : memref<!tpu.dma_semaphore, #tpu.memory_space<semaphore_mem>>) {add = true}
      %sub3A_195 = arith.constant 2 : i32
      %sub3A_196 = arith.subi %add3A_166, %sub3A_195 : i32
      %ge3A_197 = arith.constant 0 : i32
      %ge3A_198 = arith.cmpi sge, %sub3A_196, %ge3A_197 : i32
      %convert_element_type3A_199 = arith.extui %ge3A_198 : i1 to i32
      %cond3A_200 = arith.constant 0 : i32
      %cond3A_201 = arith.cmpi ne, %convert_element_type3A_199, %cond3A_200 : i32
      scf.if %cond3A_201 {
        %sub3A_253 = arith.constant 2 : i32
        %sub3A_254 = arith.subi %add3A_166, %sub3A_253 : i32
        %dma_wait3A_255 = arith.constant 0 : i32
        %dma_wait3A_256 = arith.constant 0 : i32
        %dma_wait3A_257 = arith.constant 0 : i32
        %dma_wait3A_258 = arith.constant 0 : i32
        %dma_wait3A_259 = tpu.memref_slice %arg8[%dma_wait3A_255, %dma_wait3A_257, %dma_wait3A_258] : memref<4x100x64xf32, #tpu.memory_space<vmem>> -> memref<1x100x64xf32, #tpu.memory_space<vmem>>
        %dma_wait3A_260 = tpu.memref_squeeze %dma_wait3A_259 : memref<1x100x64xf32, #tpu.memory_space<vmem>> -> memref<100x64xf32, #tpu.memory_space<vmem>>
        %dma_wait3A_261 = arith.constant 0 : i32
        %dma_wait3A_262 = tpu.memref_slice %arg7[%sub3A_254, %dma_wait3A_261] : memref<100x100xi32, #tpu.memory_space<vmem>> -> memref<1x100xi32, #tpu.memory_space<vmem>>
        %dma_wait3A_263 = tpu.memref_squeeze %dma_wait3A_262 : memref<1x100xi32, #tpu.memory_space<vmem>> -> memref<100xi32, #tpu.memory_space<vmem>>
        %dma_wait3A_264 = arith.constant 0 : i32
        %dma_wait3A_265 = arith.constant 0 : i32
        %dma_wait3A_266 = tpu.memref_slice %arg9[%dma_wait3A_264, %dma_wait3A_265] : memref<10112x64xf32, #tpu.memory_space<vmem_shared>> -> memref<10112x64xf32, #tpu.memory_space<vmem_shared>>
        %dma_wait3A_267 = tpu.memref_slice %arg12[%dma_wait3A_256] : memref<4x!tpu.dma_semaphore, #tpu.memory_space<semaphore_mem>> -> memref<1x!tpu.dma_semaphore, #tpu.memory_space<semaphore_mem>>
        %dma_wait3A_268 = tpu.memref_squeeze %dma_wait3A_267 : memref<1x!tpu.dma_semaphore, #tpu.memory_space<semaphore_mem>> -> memref<!tpu.dma_semaphore, #tpu.memory_space<semaphore_mem>>
        tpu.wait_indirect_dma semaphore(%dma_wait3A_268 : memref<!tpu.dma_semaphore, #tpu.memory_space<semaphore_mem>>) src(%dma_wait3A_260 : memref<100x64xf32, #tpu.memory_space<vmem>>) dst(%dma_wait3A_266 : memref<10112x64xf32, #tpu.memory_space<vmem_shared>>)
      } else {
      }
      %add3A_202 = arith.constant 2 : i32
      %add3A_203 = arith.addi %add3A_166, %add3A_202 : i32
      %lt3A_204 = arith.constant 100 : i32
      %lt3A_205 = arith.cmpi slt, %add3A_203, %lt3A_204 : i32
      %convert_element_type3A_206 = arith.extui %lt3A_205 : i1 to i32
      %cond3A_207 = arith.constant 0 : i32
      %cond3A_208 = arith.cmpi ne, %convert_element_type3A_206, %cond3A_207 : i32
      scf.if %cond3A_208 {
        %add3A_253 = arith.constant 2 : i32
        %add3A_254 = arith.addi %add3A_166, %add3A_253 : i32
        %dma_start3A_255 = arith.constant 0 : i32
        %dma_start3A_256 = arith.constant 0 : i32
        %dma_start3A_257 = arith.constant 0 : i32
        %dma_start3A_258 = arith.constant 0 : i32
        %dma_start3A_259 = tpu.memref_slice %arg8[%dma_start3A_255, %dma_start3A_257, %dma_start3A_258] : memref<4x100x64xf32, #tpu.memory_space<vmem>> -> memref<1x100x64xf32, #tpu.memory_space<vmem>>
        %dma_start3A_260 = tpu.memref_squeeze %dma_start3A_259 : memref<1x100x64xf32, #tpu.memory_space<vmem>> -> memref<100x64xf32, #tpu.memory_space<vmem>>
        %dma_start3A_261 = arith.constant 0 : i32
        %dma_start3A_262 = tpu.memref_slice %arg6[%add3A_254, %dma_start3A_261] : memref<100x100xi32, #tpu.memory_space<vmem>> -> memref<1x100xi32, #tpu.memory_space<vmem>>
        %dma_start3A_263 = tpu.memref_squeeze %dma_start3A_262 : memref<1x100xi32, #tpu.memory_space<vmem>> -> memref<100xi32, #tpu.memory_space<vmem>>
        %dma_start3A_264 = arith.constant 0 : i32
        %dma_start3A_265 = arith.constant 0 : i32
        %dma_start3A_266 = tpu.memref_slice %arg10[%dma_start3A_264, %dma_start3A_265] : memref<10112x64xf32, #tpu.memory_space<vmem_shared>> -> memref<10112x64xf32, #tpu.memory_space<vmem_shared>>
        %dma_start3A_267 = tpu.memref_slice %arg11[%dma_start3A_256] : memref<4x!tpu.dma_semaphore, #tpu.memory_space<semaphore_mem>> -> memref<1x!tpu.dma_semaphore, #tpu.memory_space<semaphore_mem>>
        %dma_start3A_268 = tpu.memref_squeeze %dma_start3A_267 : memref<1x!tpu.dma_semaphore, #tpu.memory_space<semaphore_mem>> -> memref<!tpu.dma_semaphore, #tpu.memory_space<semaphore_mem>>
        tpu.enqueue_indirect_dma source(%dma_start3A_266 : memref<10112x64xf32, #tpu.memory_space<vmem_shared>>) target(%dma_start3A_260 : memref<100x64xf32, #tpu.memory_space<vmem>>) offsets(%dma_start3A_263 : memref<100xi32, #tpu.memory_space<vmem>>) semaphore(%dma_start3A_268 : memref<!tpu.dma_semaphore, #tpu.memory_space<semaphore_mem>>)
      } else {
      }
      %add3A_209 = arith.constant 3 : i32
      %add3A_210 = arith.addi %add3A_79, %add3A_209 : i32
      %dma_wait3A_211 = arith.constant 3 : i32
      %dma_wait3A_212 = arith.constant 3 : i32
      %dma_wait3A_213 = arith.constant 0 : i32
      %dma_wait3A_214 = arith.constant 0 : i32
      %dma_wait3A_215 = tpu.memref_slice %arg8[%dma_wait3A_211, %dma_wait3A_213, %dma_wait3A_214] : memref<4x100x64xf32, #tpu.memory_space<vmem>> -> memref<1x100x64xf32, #tpu.memory_space<vmem>>
      %dma_wait3A_216 = tpu.memref_squeeze %dma_wait3A_215 : memref<1x100x64xf32, #tpu.memory_space<vmem>> -> memref<100x64xf32, #tpu.memory_space<vmem>>
      %dma_wait3A_217 = arith.constant 0 : i32
      %dma_wait3A_218 = tpu.memref_slice %arg6[%add3A_210, %dma_wait3A_217] : memref<100x100xi32, #tpu.memory_space<vmem>> -> memref<1x100xi32, #tpu.memory_space<vmem>>
      %dma_wait3A_219 = tpu.memref_squeeze %dma_wait3A_218 : memref<1x100xi32, #tpu.memory_space<vmem>> -> memref<100xi32, #tpu.memory_space<vmem>>
      %dma_wait3A_220 = arith.constant 0 : i32
      %dma_wait3A_221 = arith.constant 0 : i32
      %dma_wait3A_222 = tpu.memref_slice %arg10[%dma_wait3A_220, %dma_wait3A_221] : memref<10112x64xf32, #tpu.memory_space<vmem_shared>> -> memref<10112x64xf32, #tpu.memory_space<vmem_shared>>
      %dma_wait3A_223 = tpu.memref_slice %arg11[%dma_wait3A_212] : memref<4x!tpu.dma_semaphore, #tpu.memory_space<semaphore_mem>> -> memref<1x!tpu.dma_semaphore, #tpu.memory_space<semaphore_mem>>
      %dma_wait3A_224 = tpu.memref_squeeze %dma_wait3A_223 : memref<1x!tpu.dma_semaphore, #tpu.memory_space<semaphore_mem>> -> memref<!tpu.dma_semaphore, #tpu.memory_space<semaphore_mem>>
      tpu.wait_indirect_dma semaphore(%dma_wait3A_224 : memref<!tpu.dma_semaphore, #tpu.memory_space<semaphore_mem>>) src(%dma_wait3A_222 : memref<10112x64xf32, #tpu.memory_space<vmem_shared>>) dst(%dma_wait3A_216 : memref<100x64xf32, #tpu.memory_space<vmem>>)
      %dma_start3A_225 = arith.constant 3 : i32
      %dma_start3A_226 = arith.constant 3 : i32
      %dma_start3A_227 = arith.constant 0 : i32
      %dma_start3A_228 = arith.constant 0 : i32
      %dma_start3A_229 = tpu.memref_slice %arg8[%dma_start3A_225, %dma_start3A_227, %dma_start3A_228] : memref<4x100x64xf32, #tpu.memory_space<vmem>> -> memref<1x100x64xf32, #tpu.memory_space<vmem>>
      %dma_start3A_230 = tpu.memref_squeeze %dma_start3A_229 : memref<1x100x64xf32, #tpu.memory_space<vmem>> -> memref<100x64xf32, #tpu.memory_space<vmem>>
      %dma_start3A_231 = arith.constant 0 : i32
      %dma_start3A_232 = tpu.memref_slice %arg7[%add3A_210, %dma_start3A_231] : memref<100x100xi32, #tpu.memory_space<vmem>> -> memref<1x100xi32, #tpu.memory_space<vmem>>
      %dma_start3A_233 = tpu.memref_squeeze %dma_start3A_232 : memref<1x100xi32, #tpu.memory_space<vmem>> -> memref<100xi32, #tpu.memory_space<vmem>>
      %dma_start3A_234 = arith.constant 0 : i32
      %dma_start3A_235 = arith.constant 0 : i32
      %dma_start3A_236 = tpu.memref_slice %arg9[%dma_start3A_234, %dma_start3A_235] : memref<10112x64xf32, #tpu.memory_space<vmem_shared>> -> memref<10112x64xf32, #tpu.memory_space<vmem_shared>>
      %dma_start3A_237 = tpu.memref_slice %arg12[%dma_start3A_226] : memref<4x!tpu.dma_semaphore, #tpu.memory_space<semaphore_mem>> -> memref<1x!tpu.dma_semaphore, #tpu.memory_space<semaphore_mem>>
      %dma_start3A_238 = tpu.memref_squeeze %dma_start3A_237 : memref<1x!tpu.dma_semaphore, #tpu.memory_space<semaphore_mem>> -> memref<!tpu.dma_semaphore, #tpu.memory_space<semaphore_mem>>
      tpu.enqueue_indirect_dma source(%dma_start3A_230 : memref<100x64xf32, #tpu.memory_space<vmem>>) target(%dma_start3A_236 : memref<10112x64xf32, #tpu.memory_space<vmem_shared>>) offsets(%dma_start3A_233 : memref<100xi32, #tpu.memory_space<vmem>>) semaphore(%dma_start3A_238 : memref<!tpu.dma_semaphore, #tpu.memory_space<semaphore_mem>>) {add = true}
      %sub3A_239 = arith.constant 2 : i32
      %sub3A_240 = arith.subi %add3A_210, %sub3A_239 : i32
      %ge3A_241 = arith.constant 0 : i32
      %ge3A_242 = arith.cmpi sge, %sub3A_240, %ge3A_241 : i32
      %convert_element_type3A_243 = arith.extui %ge3A_242 : i1 to i32
      %cond3A_244 = arith.constant 0 : i32
      %cond3A_245 = arith.cmpi ne, %convert_element_type3A_243, %cond3A_244 : i32
      scf.if %cond3A_245 {
        %sub3A_253 = arith.constant 2 : i32
        %sub3A_254 = arith.subi %add3A_210, %sub3A_253 : i32
        %dma_wait3A_255 = arith.constant 1 : i32
        %dma_wait3A_256 = arith.constant 1 : i32
        %dma_wait3A_257 = arith.constant 0 : i32
        %dma_wait3A_258 = arith.constant 0 : i32
        %dma_wait3A_259 = tpu.memref_slice %arg8[%dma_wait3A_255, %dma_wait3A_257, %dma_wait3A_258] : memref<4x100x64xf32, #tpu.memory_space<vmem>> -> memref<1x100x64xf32, #tpu.memory_space<vmem>>
        %dma_wait3A_260 = tpu.memref_squeeze %dma_wait3A_259 : memref<1x100x64xf32, #tpu.memory_space<vmem>> -> memref<100x64xf32, #tpu.memory_space<vmem>>
        %dma_wait3A_261 = arith.constant 0 : i32
        %dma_wait3A_262 = tpu.memref_slice %arg7[%sub3A_254, %dma_wait3A_261] : memref<100x100xi32, #tpu.memory_space<vmem>> -> memref<1x100xi32, #tpu.memory_space<vmem>>
        %dma_wait3A_263 = tpu.memref_squeeze %dma_wait3A_262 : memref<1x100xi32, #tpu.memory_space<vmem>> -> memref<100xi32, #tpu.memory_space<vmem>>
        %dma_wait3A_264 = arith.constant 0 : i32
        %dma_wait3A_265 = arith.constant 0 : i32
        %dma_wait3A_266 = tpu.memref_slice %arg9[%dma_wait3A_264, %dma_wait3A_265] : memref<10112x64xf32, #tpu.memory_space<vmem_shared>> -> memref<10112x64xf32, #tpu.memory_space<vmem_shared>>
        %dma_wait3A_267 = tpu.memref_slice %arg12[%dma_wait3A_256] : memref<4x!tpu.dma_semaphore, #tpu.memory_space<semaphore_mem>> -> memref<1x!tpu.dma_semaphore, #tpu.memory_space<semaphore_mem>>
        %dma_wait3A_268 = tpu.memref_squeeze %dma_wait3A_267 : memref<1x!tpu.dma_semaphore, #tpu.memory_space<semaphore_mem>> -> memref<!tpu.dma_semaphore, #tpu.memory_space<semaphore_mem>>
        tpu.wait_indirect_dma semaphore(%dma_wait3A_268 : memref<!tpu.dma_semaphore, #tpu.memory_space<semaphore_mem>>) src(%dma_wait3A_260 : memref<100x64xf32, #tpu.memory_space<vmem>>) dst(%dma_wait3A_266 : memref<10112x64xf32, #tpu.memory_space<vmem_shared>>)
      } else {
      }
      %add3A_246 = arith.constant 2 : i32
      %add3A_247 = arith.addi %add3A_210, %add3A_246 : i32
      %lt3A_248 = arith.constant 100 : i32
      %lt3A_249 = arith.cmpi slt, %add3A_247, %lt3A_248 : i32
      %convert_element_type3A_250 = arith.extui %lt3A_249 : i1 to i32
      %cond3A_251 = arith.constant 0 : i32
      %cond3A_252 = arith.cmpi ne, %convert_element_type3A_250, %cond3A_251 : i32
      scf.if %cond3A_252 {
        %add3A_253 = arith.constant 2 : i32
        %add3A_254 = arith.addi %add3A_210, %add3A_253 : i32
        %dma_start3A_255 = arith.constant 1 : i32
        %dma_start3A_256 = arith.constant 1 : i32
        %dma_start3A_257 = arith.constant 0 : i32
        %dma_start3A_258 = arith.constant 0 : i32
        %dma_start3A_259 = tpu.memref_slice %arg8[%dma_start3A_255, %dma_start3A_257, %dma_start3A_258] : memref<4x100x64xf32, #tpu.memory_space<vmem>> -> memref<1x100x64xf32, #tpu.memory_space<vmem>>
        %dma_start3A_260 = tpu.memref_squeeze %dma_start3A_259 : memref<1x100x64xf32, #tpu.memory_space<vmem>> -> memref<100x64xf32, #tpu.memory_space<vmem>>
        %dma_start3A_261 = arith.constant 0 : i32
        %dma_start3A_262 = tpu.memref_slice %arg6[%add3A_254, %dma_start3A_261] : memref<100x100xi32, #tpu.memory_space<vmem>> -> memref<1x100xi32, #tpu.memory_space<vmem>>
        %dma_start3A_263 = tpu.memref_squeeze %dma_start3A_262 : memref<1x100xi32, #tpu.memory_space<vmem>> -> memref<100xi32, #tpu.memory_space<vmem>>
        %dma_start3A_264 = arith.constant 0 : i32
        %dma_start3A_265 = arith.constant 0 : i32
        %dma_start3A_266 = tpu.memref_slice %arg10[%dma_start3A_264, %dma_start3A_265] : memref<10112x64xf32, #tpu.memory_space<vmem_shared>> -> memref<10112x64xf32, #tpu.memory_space<vmem_shared>>
        %dma_start3A_267 = tpu.memref_slice %arg11[%dma_start3A_256] : memref<4x!tpu.dma_semaphore, #tpu.memory_space<semaphore_mem>> -> memref<1x!tpu.dma_semaphore, #tpu.memory_space<semaphore_mem>>
        %dma_start3A_268 = tpu.memref_squeeze %dma_start3A_267 : memref<1x!tpu.dma_semaphore, #tpu.memory_space<semaphore_mem>> -> memref<!tpu.dma_semaphore, #tpu.memory_space<semaphore_mem>>
        tpu.enqueue_indirect_dma source(%dma_start3A_266 : memref<10112x64xf32, #tpu.memory_space<vmem_shared>>) target(%dma_start3A_260 : memref<100x64xf32, #tpu.memory_space<vmem>>) offsets(%dma_start3A_263 : memref<100xi32, #tpu.memory_space<vmem>>) semaphore(%dma_start3A_268 : memref<!tpu.dma_semaphore, #tpu.memory_space<semaphore_mem>>)
      } else {
      }
    }
    %scan3A_41 = arith.constant 25 : i32
    %dma_wait3A = arith.constant 2 : i32
    %dma_wait3A_42 = arith.constant 98 : i32
    %dma_wait3A_43 = arith.constant 2 : i32
    %dma_wait3A_44 = arith.constant 0 : i32
    %dma_wait3A_45 = arith.constant 0 : i32
    %dma_wait3A_46 = tpu.memref_slice %arg8[%dma_wait3A, %dma_wait3A_44, %dma_wait3A_45] : memref<4x100x64xf32, #tpu.memory_space<vmem>> -> memref<1x100x64xf32, #tpu.memory_space<vmem>>
    %dma_wait3A_47 = tpu.memref_squeeze %dma_wait3A_46 : memref<1x100x64xf32, #tpu.memory_space<vmem>> -> memref<100x64xf32, #tpu.memory_space<vmem>>
    %dma_wait3A_48 = arith.constant 0 : i32
    %dma_wait3A_49 = tpu.memref_slice %arg7[%dma_wait3A_42, %dma_wait3A_48] : memref<100x100xi32, #tpu.memory_space<vmem>> -> memref<1x100xi32, #tpu.memory_space<vmem>>
    %dma_wait3A_50 = tpu.memref_squeeze %dma_wait3A_49 : memref<1x100xi32, #tpu.memory_space<vmem>> -> memref<100xi32, #tpu.memory_space<vmem>>
    %dma_wait3A_51 = arith.constant 0 : i32
    %dma_wait3A_52 = arith.constant 0 : i32
    %dma_wait3A_53 = tpu.memref_slice %arg9[%dma_wait3A_51, %dma_wait3A_52] : memref<10112x64xf32, #tpu.memory_space<vmem_shared>> -> memref<10112x64xf32, #tpu.memory_space<vmem_shared>>
    %dma_wait3A_54 = tpu.memref_slice %arg12[%dma_wait3A_43] : memref<4x!tpu.dma_semaphore, #tpu.memory_space<semaphore_mem>> -> memref<1x!tpu.dma_semaphore, #tpu.memory_space<semaphore_mem>>
    %dma_wait3A_55 = tpu.memref_squeeze %dma_wait3A_54 : memref<1x!tpu.dma_semaphore, #tpu.memory_space<semaphore_mem>> -> memref<!tpu.dma_semaphore, #tpu.memory_space<semaphore_mem>>
    tpu.wait_indirect_dma semaphore(%dma_wait3A_55 : memref<!tpu.dma_semaphore, #tpu.memory_space<semaphore_mem>>) src(%dma_wait3A_47 : memref<100x64xf32, #tpu.memory_space<vmem>>) dst(%dma_wait3A_53 : memref<10112x64xf32, #tpu.memory_space<vmem_shared>>)
    %dma_wait3A_56 = arith.constant 3 : i32
    %dma_wait3A_57 = arith.constant 99 : i32
    %dma_wait3A_58 = arith.constant 3 : i32
    %dma_wait3A_59 = arith.constant 0 : i32
    %dma_wait3A_60 = arith.constant 0 : i32
    %dma_wait3A_61 = tpu.memref_slice %arg8[%dma_wait3A_56, %dma_wait3A_59, %dma_wait3A_60] : memref<4x100x64xf32, #tpu.memory_space<vmem>> -> memref<1x100x64xf32, #tpu.memory_space<vmem>>
    %dma_wait3A_62 = tpu.memref_squeeze %dma_wait3A_61 : memref<1x100x64xf32, #tpu.memory_space<vmem>> -> memref<100x64xf32, #tpu.memory_space<vmem>>
    %dma_wait3A_63 = arith.constant 0 : i32
    %dma_wait3A_64 = tpu.memref_slice %arg7[%dma_wait3A_57, %dma_wait3A_63] : memref<100x100xi32, #tpu.memory_space<vmem>> -> memref<1x100xi32, #tpu.memory_space<vmem>>
    %dma_wait3A_65 = tpu.memref_squeeze %dma_wait3A_64 : memref<1x100xi32, #tpu.memory_space<vmem>> -> memref<100xi32, #tpu.memory_space<vmem>>
    %dma_wait3A_66 = arith.constant 0 : i32
    %dma_wait3A_67 = arith.constant 0 : i32
    %dma_wait3A_68 = tpu.memref_slice %arg9[%dma_wait3A_66, %dma_wait3A_67] : memref<10112x64xf32, #tpu.memory_space<vmem_shared>> -> memref<10112x64xf32, #tpu.memory_space<vmem_shared>>
    %dma_wait3A_69 = tpu.memref_slice %arg12[%dma_wait3A_58] : memref<4x!tpu.dma_semaphore, #tpu.memory_space<semaphore_mem>> -> memref<1x!tpu.dma_semaphore, #tpu.memory_space<semaphore_mem>>
    %dma_wait3A_70 = tpu.memref_squeeze %dma_wait3A_69 : memref<1x!tpu.dma_semaphore, #tpu.memory_space<semaphore_mem>> -> memref<!tpu.dma_semaphore, #tpu.memory_space<semaphore_mem>>
    tpu.wait_indirect_dma semaphore(%dma_wait3A_70 : memref<!tpu.dma_semaphore, #tpu.memory_space<semaphore_mem>>) src(%dma_wait3A_62 : memref<100x64xf32, #tpu.memory_space<vmem>>) dst(%dma_wait3A_68 : memref<10112x64xf32, #tpu.memory_space<vmem_shared>>)
    %barrier3A_71 = arith.constant 0 : index
    tpu.barrier barrier_id(%barrier3A_71)
    %mul3A_72 = arith.constant 10112 : i32
    %mul3A_73 = arith.muli %arg0, %mul3A_72 : i32
    %add3A_74 = arith.addi %mul3A_73, %mul3A_2 : i32
    "tpu.region"() ({
      %run_scoped3A = tpu.sem_alloc : memref<!tpu.dma_semaphore, #tpu.memory_space<semaphore_mem>>
      %dma_start3A_75 = arith.constant 0 : i32
      %dma_start3A_76 = tpu.memref_slice %arg5[%add3A_74, %dma_start3A_75] : memref<20224x64xf32, #tpu.memory_space<hbm>> -> memref<632x64xf32, #tpu.memory_space<hbm>>
      %dma_start3A_77 = arith.constant 0 : i32
      %dma_start3A_78 = tpu.memref_slice %arg9[%mul3A_2, %dma_start3A_77] : memref<10112x64xf32, #tpu.memory_space<vmem_shared>> -> memref<632x64xf32, #tpu.memory_space<vmem_shared>>
      tpu.enqueue_dma source(%dma_start3A_78 : memref<632x64xf32, #tpu.memory_space<vmem_shared>>) target(%dma_start3A_76 : memref<632x64xf32, #tpu.memory_space<hbm>>) target_semaphore(%run_scoped3A : memref<!tpu.dma_semaphore, #tpu.memory_space<semaphore_mem>>)
      %dma_wait3A_79 = arith.constant 0 : i32
      %dma_wait3A_80 = tpu.memref_slice %arg5[%add3A_74, %dma_wait3A_79] : memref<20224x64xf32, #tpu.memory_space<hbm>> -> memref<632x64xf32, #tpu.memory_space<hbm>>
      %dma_wait3A_81 = arith.constant 0 : i32
      %dma_wait3A_82 = tpu.memref_slice %arg9[%mul3A_2, %dma_wait3A_81] : memref<10112x64xf32, #tpu.memory_space<vmem_shared>> -> memref<632x64xf32, #tpu.memory_space<vmem_shared>>
      tpu.wait_dma2 semaphore(%run_scoped3A : memref<!tpu.dma_semaphore, #tpu.memory_space<semaphore_mem>>) src(%dma_wait3A_82 : memref<632x64xf32, #tpu.memory_space<vmem_shared>>) dst(%dma_wait3A_80 : memref<632x64xf32, #tpu.memory_space<hbm>>)
      tpu.yield
    }) : () -> ()
    return
  }
}

#map = affine_map<(d0, d1) -> (0, 0, 0)>
#map1 = affine_map<(d0, d1) -> (0, 0)>
module attributes {stable_mosaic.version = 14 : i64} {
  func.func @_agg_body(%arg0: i32, %arg1: i32, %arg2: memref<32x100x100xi32, #tpu.memory_space<hbm>>, %arg3: memref<32x100x100xi32, #tpu.memory_space<hbm>>, %arg4: memref<10112x64xf32, #tpu.memory_space<hbm>>, %arg5: memref<20224x64xf32, #tpu.memory_space<hbm>>, %arg6: memref<100x100xi32, #tpu.memory_space<vmem>>, %arg7: memref<100x100xi32, #tpu.memory_space<vmem>>, %arg8: memref<4x100x64xf32, #tpu.memory_space<vmem>>, %arg9: memref<10112x64xf32, #tpu.memory_space<vmem_shared>>, %arg10: memref<10112x64xf32, #tpu.memory_space<vmem_shared>>, %arg11: memref<4x!tpu.dma_semaphore, #tpu.memory_space<semaphore_mem>>, %arg12: memref<4x!tpu.dma_semaphore, #tpu.memory_space<semaphore_mem>>) attributes {dimension_semantics = [#tpu.dimension_semantics<core_parallel>, #tpu.dimension_semantics<subcore_parallel>], iteration_bounds = array<i64: 2, 16>, scalar_prefetch = 0 : i64, scratch_operands = 7 : i64, tpu.core_type = #tpu.core_type<sc_vector_subcore>, window_params = [{transform_indices = #map}, {transform_indices = #map}, {transform_indices = #map1}, {transform_indices = #map1}]} {
    %mul3A = arith.constant 2 : i32
    %mul3A_0 = arith.muli %arg1, %mul3A : i32
    %add3A = arith.addi %mul3A_0, %arg0 : i32
    %mul3A_1 = arith.constant 632 : i32
    %mul3A_2 = arith.muli %arg1, %mul3A_1 : i32
    "tpu.region"() ({
      %run_scoped3A = tpu.sem_alloc : memref<!tpu.dma_semaphore, #tpu.memory_space<semaphore_mem>>
      %dma_start3A_75 = arith.constant 0 : i32
      %dma_start3A_76 = arith.constant 0 : i32
      %dma_start3A_77 = tpu.memref_slice %arg2[%add3A, %dma_start3A_75, %dma_start3A_76] : memref<32x100x100xi32, #tpu.memory_space<hbm>> -> memref<1x100x100xi32, #tpu.memory_space<hbm>>
      %dma_start3A_78 = tpu.memref_squeeze %dma_start3A_77 : memref<1x100x100xi32, #tpu.memory_space<hbm>> -> memref<100x100xi32, #tpu.memory_space<hbm>>
      %dma_start3A_79 = arith.constant 0 : i32
      %dma_start3A_80 = arith.constant 0 : i32
      %dma_start3A_81 = tpu.memref_slice %arg2[%add3A, %dma_start3A_79, %dma_start3A_80] : memref<32x100x100xi32, #tpu.memory_space<hbm>> -> memref<1x100x100xi32, #tpu.memory_space<hbm>>
      %dma_start3A_82 = tpu.memref_squeeze %dma_start3A_81 : memref<1x100x100xi32, #tpu.memory_space<hbm>> -> memref<100x100xi32, #tpu.memory_space<hbm>>
      tpu.enqueue_dma source(%dma_start3A_82 : memref<100x100xi32, #tpu.memory_space<hbm>>) target(%arg6 : memref<100x100xi32, #tpu.memory_space<vmem>>) target_semaphore(%run_scoped3A : memref<!tpu.dma_semaphore, #tpu.memory_space<semaphore_mem>>)
      %dma_wait3A_83 = arith.constant 0 : i32
      %dma_wait3A_84 = arith.constant 0 : i32
      %dma_wait3A_85 = tpu.memref_slice %arg2[%add3A, %dma_wait3A_83, %dma_wait3A_84] : memref<32x100x100xi32, #tpu.memory_space<hbm>> -> memref<1x100x100xi32, #tpu.memory_space<hbm>>
      %dma_wait3A_86 = tpu.memref_squeeze %dma_wait3A_85 : memref<1x100x100xi32, #tpu.memory_space<hbm>> -> memref<100x100xi32, #tpu.memory_space<hbm>>
      %dma_wait3A_87 = arith.constant 0 : i32
      %dma_wait3A_88 = arith.constant 0 : i32
      %dma_wait3A_89 = tpu.memref_slice %arg2[%add3A, %dma_wait3A_87, %dma_wait3A_88] : memref<32x100x100xi32, #tpu.memory_space<hbm>> -> memref<1x100x100xi32, #tpu.memory_space<hbm>>
      %dma_wait3A_90 = tpu.memref_squeeze %dma_wait3A_89 : memref<1x100x100xi32, #tpu.memory_space<hbm>> -> memref<100x100xi32, #tpu.memory_space<hbm>>
      tpu.wait_dma2 semaphore(%run_scoped3A : memref<!tpu.dma_semaphore, #tpu.memory_space<semaphore_mem>>) src(%dma_wait3A_90 : memref<100x100xi32, #tpu.memory_space<hbm>>) dst(%arg6 : memref<100x100xi32, #tpu.memory_space<vmem>>)
      tpu.yield
    }) : () -> ()
    "tpu.region"() ({
      %run_scoped3A = tpu.sem_alloc : memref<!tpu.dma_semaphore, #tpu.memory_space<semaphore_mem>>
      %dma_start3A_75 = arith.constant 0 : i32
      %dma_start3A_76 = arith.constant 0 : i32
      %dma_start3A_77 = tpu.memref_slice %arg3[%add3A, %dma_start3A_75, %dma_start3A_76] : memref<32x100x100xi32, #tpu.memory_space<hbm>> -> memref<1x100x100xi32, #tpu.memory_space<hbm>>
      %dma_start3A_78 = tpu.memref_squeeze %dma_start3A_77 : memref<1x100x100xi32, #tpu.memory_space<hbm>> -> memref<100x100xi32, #tpu.memory_space<hbm>>
      %dma_start3A_79 = arith.constant 0 : i32
      %dma_start3A_80 = arith.constant 0 : i32
      %dma_start3A_81 = tpu.memref_slice %arg3[%add3A, %dma_start3A_79, %dma_start3A_80] : memref<32x100x100xi32, #tpu.memory_space<hbm>> -> memref<1x100x100xi32, #tpu.memory_space<hbm>>
      %dma_start3A_82 = tpu.memref_squeeze %dma_start3A_81 : memref<1x100x100xi32, #tpu.memory_space<hbm>> -> memref<100x100xi32, #tpu.memory_space<hbm>>
      tpu.enqueue_dma source(%dma_start3A_82 : memref<100x100xi32, #tpu.memory_space<hbm>>) target(%arg7 : memref<100x100xi32, #tpu.memory_space<vmem>>) target_semaphore(%run_scoped3A : memref<!tpu.dma_semaphore, #tpu.memory_space<semaphore_mem>>)
      %dma_wait3A_83 = arith.constant 0 : i32
      %dma_wait3A_84 = arith.constant 0 : i32
      %dma_wait3A_85 = tpu.memref_slice %arg3[%add3A, %dma_wait3A_83, %dma_wait3A_84] : memref<32x100x100xi32, #tpu.memory_space<hbm>> -> memref<1x100x100xi32, #tpu.memory_space<hbm>>
      %dma_wait3A_86 = tpu.memref_squeeze %dma_wait3A_85 : memref<1x100x100xi32, #tpu.memory_space<hbm>> -> memref<100x100xi32, #tpu.memory_space<hbm>>
      %dma_wait3A_87 = arith.constant 0 : i32
      %dma_wait3A_88 = arith.constant 0 : i32
      %dma_wait3A_89 = tpu.memref_slice %arg3[%add3A, %dma_wait3A_87, %dma_wait3A_88] : memref<32x100x100xi32, #tpu.memory_space<hbm>> -> memref<1x100x100xi32, #tpu.memory_space<hbm>>
      %dma_wait3A_90 = tpu.memref_squeeze %dma_wait3A_89 : memref<1x100x100xi32, #tpu.memory_space<hbm>> -> memref<100x100xi32, #tpu.memory_space<hbm>>
      tpu.wait_dma2 semaphore(%run_scoped3A : memref<!tpu.dma_semaphore, #tpu.memory_space<semaphore_mem>>) src(%dma_wait3A_90 : memref<100x100xi32, #tpu.memory_space<hbm>>) dst(%arg7 : memref<100x100xi32, #tpu.memory_space<vmem>>)
      tpu.yield
    }) : () -> ()
    "tpu.region"() ({
      %run_scoped3A = tpu.sem_alloc : memref<!tpu.dma_semaphore, #tpu.memory_space<semaphore_mem>>
      %dma_start3A_75 = arith.constant 0 : i32
      %dma_start3A_76 = tpu.memref_slice %arg10[%mul3A_2, %dma_start3A_75] : memref<10112x64xf32, #tpu.memory_space<vmem_shared>> -> memref<632x64xf32, #tpu.memory_space<vmem_shared>>
      %dma_start3A_77 = arith.constant 0 : i32
      %dma_start3A_78 = tpu.memref_slice %arg4[%mul3A_2, %dma_start3A_77] : memref<10112x64xf32, #tpu.memory_space<hbm>> -> memref<632x64xf32, #tpu.memory_space<hbm>>
      tpu.enqueue_dma source(%dma_start3A_78 : memref<632x64xf32, #tpu.memory_space<hbm>>) target(%dma_start3A_76 : memref<632x64xf32, #tpu.memory_space<vmem_shared>>) target_semaphore(%run_scoped3A : memref<!tpu.dma_semaphore, #tpu.memory_space<semaphore_mem>>)
      %dma_wait3A_79 = arith.constant 0 : i32
      %dma_wait3A_80 = tpu.memref_slice %arg10[%mul3A_2, %dma_wait3A_79] : memref<10112x64xf32, #tpu.memory_space<vmem_shared>> -> memref<632x64xf32, #tpu.memory_space<vmem_shared>>
      %dma_wait3A_81 = arith.constant 0 : i32
      %dma_wait3A_82 = tpu.memref_slice %arg4[%mul3A_2, %dma_wait3A_81] : memref<10112x64xf32, #tpu.memory_space<hbm>> -> memref<632x64xf32, #tpu.memory_space<hbm>>
      tpu.wait_dma2 semaphore(%run_scoped3A : memref<!tpu.dma_semaphore, #tpu.memory_space<semaphore_mem>>) src(%dma_wait3A_82 : memref<632x64xf32, #tpu.memory_space<hbm>>) dst(%dma_wait3A_80 : memref<632x64xf32, #tpu.memory_space<vmem_shared>>)
      tpu.yield
    }) : () -> ()
    %eq3A = arith.constant 0 : i32
    %eq3A_3 = arith.cmpi eq, %arg0, %eq3A : i32
    %convert_element_type3A = arith.extui %eq3A_3 : i1 to i32
    %cond3A = arith.constant 0 : i32
    %cond3A_4 = arith.cmpi ne, %convert_element_type3A, %cond3A : i32
    scf.if %cond3A_4 {
      "tpu.region"() ({
        %run_scoped3A = tpu.sem_alloc : memref<!tpu.dma_semaphore, #tpu.memory_space<semaphore_mem>>
        %dma_start3A_75 = arith.constant 0 : i32
        %dma_start3A_76 = tpu.memref_slice %arg9[%mul3A_2, %dma_start3A_75] : memref<10112x64xf32, #tpu.memory_space<vmem_shared>> -> memref<632x64xf32, #tpu.memory_space<vmem_shared>>
        %dma_start3A_77 = arith.constant 0 : i32
        %dma_start3A_78 = tpu.memref_slice %arg4[%mul3A_2, %dma_start3A_77] : memref<10112x64xf32, #tpu.memory_space<hbm>> -> memref<632x64xf32, #tpu.memory_space<hbm>>
        tpu.enqueue_dma source(%dma_start3A_78 : memref<632x64xf32, #tpu.memory_space<hbm>>) target(%dma_start3A_76 : memref<632x64xf32, #tpu.memory_space<vmem_shared>>) target_semaphore(%run_scoped3A : memref<!tpu.dma_semaphore, #tpu.memory_space<semaphore_mem>>)
        %dma_wait3A_79 = arith.constant 0 : i32
        %dma_wait3A_80 = tpu.memref_slice %arg9[%mul3A_2, %dma_wait3A_79] : memref<10112x64xf32, #tpu.memory_space<vmem_shared>> -> memref<632x64xf32, #tpu.memory_space<vmem_shared>>
        %dma_wait3A_81 = arith.constant 0 : i32
        %dma_wait3A_82 = tpu.memref_slice %arg4[%mul3A_2, %dma_wait3A_81] : memref<10112x64xf32, #tpu.memory_space<hbm>> -> memref<632x64xf32, #tpu.memory_space<hbm>>
        tpu.wait_dma2 semaphore(%run_scoped3A : memref<!tpu.dma_semaphore, #tpu.memory_space<semaphore_mem>>) src(%dma_wait3A_82 : memref<632x64xf32, #tpu.memory_space<hbm>>) dst(%dma_wait3A_80 : memref<632x64xf32, #tpu.memory_space<vmem_shared>>)
        tpu.yield
      }) : () -> ()
    } else {
    }
    %ne3A = arith.constant 0 : i32
    %ne3A_5 = arith.cmpi ne, %arg0, %ne3A : i32
    %convert_element_type3A_6 = arith.extui %ne3A_5 : i1 to i32
    %cond3A_7 = arith.constant 0 : i32
    %cond3A_8 = arith.cmpi ne, %convert_element_type3A_6, %cond3A_7 : i32
    scf.if %cond3A_8 {
      %broadcast_in_dim3A = arith.constant 0.000000e+00 : f32
      %broadcast_in_dim3A_75 = vector.broadcast %broadcast_in_dim3A : f32 to vector<16xf32>
      %scan3A_76 = arith.constant 0 : i32
      %scan3A_77 = arith.constant 0 : i32
      %scan3A_78 = arith.constant 100 : i32
      %scan3A_79 = arith.addi %scan3A_77, %scan3A_78 : i32
      %scan3A_80 = arith.constant 1 : i32
      scf.for %scan3A_90 = %scan3A_77 to %scan3A_79 step %scan3A_80  : i32 {
        %mul3A_91 = arith.constant 1 : i32
        %mul3A_92 = arith.muli %scan3A_90, %mul3A_91 : i32
        %add3A_93 = arith.constant 0 : i32
        %add3A_94 = arith.addi %add3A_93, %mul3A_92 : i32
        %swap3A = arith.constant 0 : i32
        %swap3A_95 = arith.constant 0 : i32
        %swap3A_96 = tpu.memref_slice %arg8[%scan3A_76, %swap3A, %swap3A_95] : memref<4x100x64xf32, #tpu.memory_space<vmem>> -> memref<1x100x64xf32, #tpu.memory_space<vmem>>
        %swap3A_97 = tpu.memref_squeeze %swap3A_96 : memref<1x100x64xf32, #tpu.memory_space<vmem>> -> memref<100x64xf32, #tpu.memory_space<vmem>>
        %swap3A_98 = arith.index_cast %add3A_94 : i32 to index
        %swap3A_99 = arith.constant 0 : index
        %swap3A_100 = tpu.vector_load %swap3A_97[%swap3A_98, %swap3A_99] {strides = array<i32>} : memref<100x64xf32, #tpu.memory_space<vmem>>, vector<1x16xf32>,
        %swap3A_101 = vector.shape_cast %swap3A_100 : vector<1x16xf32> to vector<16xf32>
        %swap3A_102 = vector.shape_cast %broadcast_in_dim3A_75 : vector<16xf32> to vector<1x16xf32>
        tpu.vector_store %swap3A_97[%swap3A_98, %swap3A_99], %swap3A_102 {strides = array<i32>} : memref<100x64xf32, #tpu.memory_space<vmem>>, vector<1x16xf32>,
        %swap3A_103 = arith.constant 0 : i32
        %swap3A_104 = arith.constant 0 : i32
        %swap3A_105 = tpu.memref_slice %arg8[%scan3A_76, %swap3A_103, %swap3A_104] : memref<4x100x64xf32, #tpu.memory_space<vmem>> -> memref<1x100x64xf32, #tpu.memory_space<vmem>>
        %swap3A_106 = tpu.memref_squeeze %swap3A_105 : memref<1x100x64xf32, #tpu.memory_space<vmem>> -> memref<100x64xf32, #tpu.memory_space<vmem>>
        %swap3A_107 = arith.index_cast %add3A_94 : i32 to index
        %swap3A_108 = arith.constant 16 : index
        %swap3A_109 = tpu.vector_load %swap3A_106[%swap3A_107, %swap3A_108] {strides = array<i32>} : memref<100x64xf32, #tpu.memory_space<vmem>>, vector<1x16xf32>,
        %swap3A_110 = vector.shape_cast %swap3A_109 : vector<1x16xf32> to vector<16xf32>
        %swap3A_111 = vector.shape_cast %broadcast_in_dim3A_75 : vector<16xf32> to vector<1x16xf32>
        tpu.vector_store %swap3A_106[%swap3A_107, %swap3A_108], %swap3A_111 {strides = array<i32>} : memref<100x64xf32, #tpu.memory_space<vmem>>, vector<1x16xf32>,
        %swap3A_112 = arith.constant 0 : i32
        %swap3A_113 = arith.constant 0 : i32
        %swap3A_114 = tpu.memref_slice %arg8[%scan3A_76, %swap3A_112, %swap3A_113] : memref<4x100x64xf32, #tpu.memory_space<vmem>> -> memref<1x100x64xf32, #tpu.memory_space<vmem>>
        %swap3A_115 = tpu.memref_squeeze %swap3A_114 : memref<1x100x64xf32, #tpu.memory_space<vmem>> -> memref<100x64xf32, #tpu.memory_space<vmem>>
        %swap3A_116 = arith.index_cast %add3A_94 : i32 to index
        %swap3A_117 = arith.constant 32 : index
        %swap3A_118 = tpu.vector_load %swap3A_115[%swap3A_116, %swap3A_117] {strides = array<i32>} : memref<100x64xf32, #tpu.memory_space<vmem>>, vector<1x16xf32>,
        %swap3A_119 = vector.shape_cast %swap3A_118 : vector<1x16xf32> to vector<16xf32>
        %swap3A_120 = vector.shape_cast %broadcast_in_dim3A_75 : vector<16xf32> to vector<1x16xf32>
        tpu.vector_store %swap3A_115[%swap3A_116, %swap3A_117], %swap3A_120 {strides = array<i32>} : memref<100x64xf32, #tpu.memory_space<vmem>>, vector<1x16xf32>,
        %swap3A_121 = arith.constant 0 : i32
        %swap3A_122 = arith.constant 0 : i32
        %swap3A_123 = tpu.memref_slice %arg8[%scan3A_76, %swap3A_121, %swap3A_122] : memref<4x100x64xf32, #tpu.memory_space<vmem>> -> memref<1x100x64xf32, #tpu.memory_space<vmem>>
        %swap3A_124 = tpu.memref_squeeze %swap3A_123 : memref<1x100x64xf32, #tpu.memory_space<vmem>> -> memref<100x64xf32, #tpu.memory_space<vmem>>
        %swap3A_125 = arith.index_cast %add3A_94 : i32 to index
        %swap3A_126 = arith.constant 48 : index
        %swap3A_127 = tpu.vector_load %swap3A_124[%swap3A_125, %swap3A_126] {strides = array<i32>} : memref<100x64xf32, #tpu.memory_space<vmem>>, vector<1x16xf32>,
        %swap3A_128 = vector.shape_cast %swap3A_127 : vector<1x16xf32> to vector<16xf32>
        %swap3A_129 = vector.shape_cast %broadcast_in_dim3A_75 : vector<16xf32> to vector<1x16xf32>
        tpu.vector_store %swap3A_124[%swap3A_125, %swap3A_126], %swap3A_129 {strides = array<i32>} : memref<100x64xf32, #tpu.memory_space<vmem>>, vector<1x16xf32>,
      }
      %scan3A_81 = arith.constant 100 : i32
      %scan3A_82 = arith.constant 0 : i32
      %scan3A_83 = arith.constant 0 : i32
      %scan3A_84 = arith.constant 6 : i32
      %scan3A_85 = arith.addi %scan3A_83, %scan3A_84 : i32
      %scan3A_86 = arith.constant 1 : i32
      scf.for %scan3A_90 = %scan3A_83 to %scan3A_85 step %scan3A_86  : i32 {
        %mul3A_91 = arith.constant 1 : i32
        %mul3A_92 = arith.muli %scan3A_90, %mul3A_91 : i32
        %add3A_93 = arith.constant 0 : i32
        %add3A_94 = arith.addi %add3A_93, %mul3A_92 : i32
        %mul3A_95 = arith.constant 100 : i32
        %mul3A_96 = arith.muli %add3A_94, %mul3A_95 : i32
        %add3A_97 = arith.addi %mul3A_2, %mul3A_96 : i32
        "tpu.region"() ({
          %run_scoped3A_98 = tpu.sem_alloc : memref<!tpu.dma_semaphore, #tpu.memory_space<semaphore_mem>>
          %dma_start3A_99 = arith.constant 0 : i32
          %dma_start3A_100 = arith.constant 0 : i32
          %dma_start3A_101 = tpu.memref_slice %arg8[%scan3A_82, %dma_start3A_99, %dma_start3A_100] : memref<4x100x64xf32, #tpu.memory_space<vmem>> -> memref<1x100x64xf32, #tpu.memory_space<vmem>>
          %dma_start3A_102 = tpu.memref_squeeze %dma_start3A_101 : memref<1x100x64xf32, #tpu.memory_space<vmem>> -> memref<100x64xf32, #tpu.memory_space<vmem>>
          %dma_start3A_103 = arith.constant 0 : i32
          %dma_start3A_104 = tpu.memref_slice %arg9[%add3A_97, %dma_start3A_103] : memref<10112x64xf32, #tpu.memory_space<vmem_shared>> -> memref<100x64xf32, #tpu.memory_space<vmem_shared>>
          %dma_start3A_105 = arith.constant 0 : i32
          %dma_start3A_106 = tpu.memref_slice %arg9[%add3A_97, %dma_start3A_105] : memref<10112x64xf32, #tpu.memory_space<vmem_shared>> -> memref<100x64xf32, #tpu.memory_space<vmem_shared>>
          %dma_start3A_107 = arith.constant 0 : i32
          %dma_start3A_108 = arith.constant 0 : i32
          %dma_start3A_109 = tpu.memref_slice %arg8[%scan3A_82, %dma_start3A_107, %dma_start3A_108] : memref<4x100x64xf32, #tpu.memory_space<vmem>> -> memref<1x100x64xf32, #tpu.memory_space<vmem>>
          %dma_start3A_110 = tpu.memref_squeeze %dma_start3A_109 : memref<1x100x64xf32, #tpu.memory_space<vmem>> -> memref<100x64xf32, #tpu.memory_space<vmem>>
          tpu.enqueue_dma source(%dma_start3A_110 : memref<100x64xf32, #tpu.memory_space<vmem>>) target(%dma_start3A_106 : memref<100x64xf32, #tpu.memory_space<vmem_shared>>) target_semaphore(%run_scoped3A_98 : memref<!tpu.dma_semaphore, #tpu.memory_space<semaphore_mem>>)
          %dma_wait3A_111 = arith.constant 0 : i32
          %dma_wait3A_112 = arith.constant 0 : i32
          %dma_wait3A_113 = tpu.memref_slice %arg8[%scan3A_82, %dma_wait3A_111, %dma_wait3A_112] : memref<4x100x64xf32, #tpu.memory_space<vmem>> -> memref<1x100x64xf32, #tpu.memory_space<vmem>>
          %dma_wait3A_114 = tpu.memref_squeeze %dma_wait3A_113 : memref<1x100x64xf32, #tpu.memory_space<vmem>> -> memref<100x64xf32, #tpu.memory_space<vmem>>
          %dma_wait3A_115 = arith.constant 0 : i32
          %dma_wait3A_116 = tpu.memref_slice %arg9[%add3A_97, %dma_wait3A_115] : memref<10112x64xf32, #tpu.memory_space<vmem_shared>> -> memref<100x64xf32, #tpu.memory_space<vmem_shared>>
          %dma_wait3A_117 = arith.constant 0 : i32
          %dma_wait3A_118 = tpu.memref_slice %arg9[%add3A_97, %dma_wait3A_117] : memref<10112x64xf32, #tpu.memory_space<vmem_shared>> -> memref<100x64xf32, #tpu.memory_space<vmem_shared>>
          %dma_wait3A_119 = arith.constant 0 : i32
          %dma_wait3A_120 = arith.constant 0 : i32
          %dma_wait3A_121 = tpu.memref_slice %arg8[%scan3A_82, %dma_wait3A_119, %dma_wait3A_120] : memref<4x100x64xf32, #tpu.memory_space<vmem>> -> memref<1x100x64xf32, #tpu.memory_space<vmem>>
          %dma_wait3A_122 = tpu.memref_squeeze %dma_wait3A_121 : memref<1x100x64xf32, #tpu.memory_space<vmem>> -> memref<100x64xf32, #tpu.memory_space<vmem>>
          tpu.wait_dma2 semaphore(%run_scoped3A_98 : memref<!tpu.dma_semaphore, #tpu.memory_space<semaphore_mem>>) src(%dma_wait3A_122 : memref<100x64xf32, #tpu.memory_space<vmem>>) dst(%dma_wait3A_118 : memref<100x64xf32, #tpu.memory_space<vmem_shared>>)
          tpu.yield
        }) : () -> ()
      }
      %scan3A_87 = arith.constant 6 : i32
      %add3A_88 = arith.constant 600 : i32
      %add3A_89 = arith.addi %mul3A_2, %add3A_88 : i32
      %run_scoped3A = arith.constant 0 : i32
      "tpu.region"() ({
        %run_scoped3A_90 = tpu.sem_alloc : memref<!tpu.dma_semaphore, #tpu.memory_space<semaphore_mem>>
        %dma_start3A_91 = arith.constant 0 : i32
        %dma_start3A_92 = arith.constant 0 : i32
        %dma_start3A_93 = tpu.memref_slice %arg8[%run_scoped3A, %dma_start3A_91, %dma_start3A_92] : memref<4x100x64xf32, #tpu.memory_space<vmem>> -> memref<1x100x64xf32, #tpu.memory_space<vmem>>
        %dma_start3A_94 = tpu.memref_squeeze %dma_start3A_93 : memref<1x100x64xf32, #tpu.memory_space<vmem>> -> memref<100x64xf32, #tpu.memory_space<vmem>>
        %dma_start3A_95 = arith.constant 0 : i32
        %dma_start3A_96 = arith.constant 0 : i32
        %dma_start3A_97 = tpu.memref_slice %dma_start3A_94[%dma_start3A_95, %dma_start3A_96] : memref<100x64xf32, #tpu.memory_space<vmem>> -> memref<32x64xf32, #tpu.memory_space<vmem>>
        %dma_start3A_98 = arith.constant 0 : i32
        %dma_start3A_99 = tpu.memref_slice %arg9[%add3A_89, %dma_start3A_98] : memref<10112x64xf32, #tpu.memory_space<vmem_shared>> -> memref<32x64xf32, #tpu.memory_space<vmem_shared>>
        %dma_start3A_100 = arith.constant 0 : i32
        %dma_start3A_101 = tpu.memref_slice %arg9[%add3A_89, %dma_start3A_100] : memref<10112x64xf32, #tpu.memory_space<vmem_shared>> -> memref<32x64xf32, #tpu.memory_space<vmem_shared>>
        %dma_start3A_102 = arith.constant 0 : i32
        %dma_start3A_103 = arith.constant 0 : i32
        %dma_start3A_104 = tpu.memref_slice %arg8[%run_scoped3A, %dma_start3A_102, %dma_start3A_103] : memref<4x100x64xf32, #tpu.memory_space<vmem>> -> memref<1x100x64xf32, #tpu.memory_space<vmem>>
        %dma_start3A_105 = tpu.memref_squeeze %dma_start3A_104 : memref<1x100x64xf32, #tpu.memory_space<vmem>> -> memref<100x64xf32, #tpu.memory_space<vmem>>
        %dma_start3A_106 = arith.constant 0 : i32
        %dma_start3A_107 = arith.constant 0 : i32
        %dma_start3A_108 = tpu.memref_slice %dma_start3A_105[%dma_start3A_106, %dma_start3A_107] : memref<100x64xf32, #tpu.memory_space<vmem>> -> memref<32x64xf32, #tpu.memory_space<vmem>>
        tpu.enqueue_dma source(%dma_start3A_108 : memref<32x64xf32, #tpu.memory_space<vmem>>) target(%dma_start3A_101 : memref<32x64xf32, #tpu.memory_space<vmem_shared>>) target_semaphore(%run_scoped3A_90 : memref<!tpu.dma_semaphore, #tpu.memory_space<semaphore_mem>>)
        %dma_wait3A_109 = arith.constant 0 : i32
        %dma_wait3A_110 = arith.constant 0 : i32
        %dma_wait3A_111 = tpu.memref_slice %arg8[%run_scoped3A, %dma_wait3A_109, %dma_wait3A_110] : memref<4x100x64xf32, #tpu.memory_space<vmem>> -> memref<1x100x64xf32, #tpu.memory_space<vmem>>
        %dma_wait3A_112 = tpu.memref_squeeze %dma_wait3A_111 : memref<1x100x64xf32, #tpu.memory_space<vmem>> -> memref<100x64xf32, #tpu.memory_space<vmem>>
        %dma_wait3A_113 = arith.constant 0 : i32
        %dma_wait3A_114 = arith.constant 0 : i32
        %dma_wait3A_115 = tpu.memref_slice %dma_wait3A_112[%dma_wait3A_113, %dma_wait3A_114] : memref<100x64xf32, #tpu.memory_space<vmem>> -> memref<32x64xf32, #tpu.memory_space<vmem>>
        %dma_wait3A_116 = arith.constant 0 : i32
        %dma_wait3A_117 = tpu.memref_slice %arg9[%add3A_89, %dma_wait3A_116] : memref<10112x64xf32, #tpu.memory_space<vmem_shared>> -> memref<32x64xf32, #tpu.memory_space<vmem_shared>>
        %dma_wait3A_118 = arith.constant 0 : i32
        %dma_wait3A_119 = tpu.memref_slice %arg9[%add3A_89, %dma_wait3A_118] : memref<10112x64xf32, #tpu.memory_space<vmem_shared>> -> memref<32x64xf32, #tpu.memory_space<vmem_shared>>
        %dma_wait3A_120 = arith.constant 0 : i32
        %dma_wait3A_121 = arith.constant 0 : i32
        %dma_wait3A_122 = tpu.memref_slice %arg8[%run_scoped3A, %dma_wait3A_120, %dma_wait3A_121] : memref<4x100x64xf32, #tpu.memory_space<vmem>> -> memref<1x100x64xf32, #tpu.memory_space<vmem>>
        %dma_wait3A_123 = tpu.memref_squeeze %dma_wait3A_122 : memref<1x100x64xf32, #tpu.memory_space<vmem>> -> memref<100x64xf32, #tpu.memory_space<vmem>>
        %dma_wait3A_124 = arith.constant 0 : i32
        %dma_wait3A_125 = arith.constant 0 : i32
        %dma_wait3A_126 = tpu.memref_slice %dma_wait3A_123[%dma_wait3A_124, %dma_wait3A_125] : memref<100x64xf32, #tpu.memory_space<vmem>> -> memref<32x64xf32, #tpu.memory_space<vmem>>
        tpu.wait_dma2 semaphore(%run_scoped3A_90 : memref<!tpu.dma_semaphore, #tpu.memory_space<semaphore_mem>>) src(%dma_wait3A_126 : memref<32x64xf32, #tpu.memory_space<vmem>>) dst(%dma_wait3A_119 : memref<32x64xf32, #tpu.memory_space<vmem_shared>>)
        tpu.yield
      }) : () -> ()
    } else {
    }
    %barrier3A = arith.constant 0 : index
    tpu.barrier barrier_id(%barrier3A)
    %dma_start3A = arith.constant 0 : i32
    %dma_start3A_9 = arith.constant 0 : i32
    %dma_start3A_10 = arith.constant 0 : i32
    %dma_start3A_11 = arith.constant 0 : i32
    %dma_start3A_12 = arith.constant 0 : i32
    %dma_start3A_13 = tpu.memref_slice %arg8[%dma_start3A_9, %dma_start3A_11, %dma_start3A_12] : memref<4x100x64xf32, #tpu.memory_space<vmem>> -> memref<1x100x64xf32, #tpu.memory_space<vmem>>
    %dma_start3A_14 = tpu.memref_squeeze %dma_start3A_13 : memref<1x100x64xf32, #tpu.memory_space<vmem>> -> memref<100x64xf32, #tpu.memory_space<vmem>>
    %dma_start3A_15 = arith.constant 0 : i32
    %dma_start3A_16 = tpu.memref_slice %arg6[%dma_start3A, %dma_start3A_15] : memref<100x100xi32, #tpu.memory_space<vmem>> -> memref<1x100xi32, #tpu.memory_space<vmem>>
    %dma_start3A_17 = tpu.memref_squeeze %dma_start3A_16 : memref<1x100xi32, #tpu.memory_space<vmem>> -> memref<100xi32, #tpu.memory_space<vmem>>
    %dma_start3A_18 = arith.constant 0 : i32
    %dma_start3A_19 = arith.constant 0 : i32
    %dma_start3A_20 = tpu.memref_slice %arg10[%dma_start3A_18, %dma_start3A_19] : memref<10112x64xf32, #tpu.memory_space<vmem_shared>> -> memref<10112x64xf32, #tpu.memory_space<vmem_shared>>
    %dma_start3A_21 = tpu.memref_slice %arg11[%dma_start3A_10] : memref<4x!tpu.dma_semaphore, #tpu.memory_space<semaphore_mem>> -> memref<1x!tpu.dma_semaphore, #tpu.memory_space<semaphore_mem>>
    %dma_start3A_22 = tpu.memref_squeeze %dma_start3A_21 : memref<1x!tpu.dma_semaphore, #tpu.memory_space<semaphore_mem>> -> memref<!tpu.dma_semaphore, #tpu.memory_space<semaphore_mem>>
    tpu.enqueue_indirect_dma source(%dma_start3A_20 : memref<10112x64xf32, #tpu.memory_space<vmem_shared>>) target(%dma_start3A_14 : memref<100x64xf32, #tpu.memory_space<vmem>>) offsets(%dma_start3A_17 : memref<100xi32, #tpu.memory_space<vmem>>) semaphore(%dma_start3A_22 : memref<!tpu.dma_semaphore, #tpu.memory_space<semaphore_mem>>)
    %dma_start3A_23 = arith.constant 1 : i32
    %dma_start3A_24 = arith.constant 1 : i32
    %dma_start3A_25 = arith.constant 1 : i32
    %dma_start3A_26 = arith.constant 0 : i32
    %dma_start3A_27 = arith.constant 0 : i32
    %dma_start3A_28 = tpu.memref_slice %arg8[%dma_start3A_24, %dma_start3A_26, %dma_start3A_27] : memref<4x100x64xf32, #tpu.memory_space<vmem>> -> memref<1x100x64xf32, #tpu.memory_space<vmem>>
    %dma_start3A_29 = tpu.memref_squeeze %dma_start3A_28 : memref<1x100x64xf32, #tpu.memory_space<vmem>> -> memref<100x64xf32, #tpu.memory_space<vmem>>
    %dma_start3A_30 = arith.constant 0 : i32
    %dma_start3A_31 = tpu.memref_slice %arg6[%dma_start3A_23, %dma_start3A_30] : memref<100x100xi32, #tpu.memory_space<vmem>> -> memref<1x100xi32, #tpu.memory_space<vmem>>
    %dma_start3A_32 = tpu.memref_squeeze %dma_start3A_31 : memref<1x100xi32, #tpu.memory_space<vmem>> -> memref<100xi32, #tpu.memory_space<vmem>>
    %dma_start3A_33 = arith.constant 0 : i32
    %dma_start3A_34 = arith.constant 0 : i32
    %dma_start3A_35 = tpu.memref_slice %arg10[%dma_start3A_33, %dma_start3A_34] : memref<10112x64xf32, #tpu.memory_space<vmem_shared>> -> memref<10112x64xf32, #tpu.memory_space<vmem_shared>>
    %dma_start3A_36 = tpu.memref_slice %arg11[%dma_start3A_25] : memref<4x!tpu.dma_semaphore, #tpu.memory_space<semaphore_mem>> -> memref<1x!tpu.dma_semaphore, #tpu.memory_space<semaphore_mem>>
    %dma_start3A_37 = tpu.memref_squeeze %dma_start3A_36 : memref<1x!tpu.dma_semaphore, #tpu.memory_space<semaphore_mem>> -> memref<!tpu.dma_semaphore, #tpu.memory_space<semaphore_mem>>
    tpu.enqueue_indirect_dma source(%dma_start3A_35 : memref<10112x64xf32, #tpu.memory_space<vmem_shared>>) target(%dma_start3A_29 : memref<100x64xf32, #tpu.memory_space<vmem>>) offsets(%dma_start3A_32 : memref<100xi32, #tpu.memory_space<vmem>>) semaphore(%dma_start3A_37 : memref<!tpu.dma_semaphore, #tpu.memory_space<semaphore_mem>>)
    %scan3A = arith.constant 0 : i32
    %scan3A_38 = arith.constant 25 : i32
    %scan3A_39 = arith.addi %scan3A, %scan3A_38 : i32
    %scan3A_40 = arith.constant 1 : i32
    scf.for %scan3A_75 = %scan3A to %scan3A_39 step %scan3A_40  : i32 {
      %mul3A_76 = arith.constant 4 : i32
      %mul3A_77 = arith.muli %scan3A_75, %mul3A_76 : i32
      %add3A_78 = arith.constant 0 : i32
      %add3A_79 = arith.addi %add3A_78, %mul3A_77 : i32
      %add3A_80 = arith.constant 0 : i32
      %add3A_81 = arith.addi %add3A_79, %add3A_80 : i32
      %dma_wait3A_82 = arith.constant 0 : i32
      %dma_wait3A_83 = arith.constant 0 : i32
      %dma_wait3A_84 = arith.constant 0 : i32
      %dma_wait3A_85 = arith.constant 0 : i32
      %dma_wait3A_86 = tpu.memref_slice %arg8[%dma_wait3A_82, %dma_wait3A_84, %dma_wait3A_85] : memref<4x100x64xf32, #tpu.memory_space<vmem>> -> memref<1x100x64xf32, #tpu.memory_space<vmem>>
      %dma_wait3A_87 = tpu.memref_squeeze %dma_wait3A_86 : memref<1x100x64xf32, #tpu.memory_space<vmem>> -> memref<100x64xf32, #tpu.memory_space<vmem>>
      %dma_wait3A_88 = arith.constant 0 : i32
      %dma_wait3A_89 = tpu.memref_slice %arg6[%add3A_81, %dma_wait3A_88] : memref<100x100xi32, #tpu.memory_space<vmem>> -> memref<1x100xi32, #tpu.memory_space<vmem>>
      %dma_wait3A_90 = tpu.memref_squeeze %dma_wait3A_89 : memref<1x100xi32, #tpu.memory_space<vmem>> -> memref<100xi32, #tpu.memory_space<vmem>>
      %dma_wait3A_91 = arith.constant 0 : i32
      %dma_wait3A_92 = arith.constant 0 : i32
      %dma_wait3A_93 = tpu.memref_slice %arg10[%dma_wait3A_91, %dma_wait3A_92] : memref<10112x64xf32, #tpu.memory_space<vmem_shared>> -> memref<10112x64xf32, #tpu.memory_space<vmem_shared>>
      %dma_wait3A_94 = tpu.memref_slice %arg11[%dma_wait3A_83] : memref<4x!tpu.dma_semaphore, #tpu.memory_space<semaphore_mem>> -> memref<1x!tpu.dma_semaphore, #tpu.memory_space<semaphore_mem>>
      %dma_wait3A_95 = tpu.memref_squeeze %dma_wait3A_94 : memref<1x!tpu.dma_semaphore, #tpu.memory_space<semaphore_mem>> -> memref<!tpu.dma_semaphore, #tpu.memory_space<semaphore_mem>>
      tpu.wait_indirect_dma semaphore(%dma_wait3A_95 : memref<!tpu.dma_semaphore, #tpu.memory_space<semaphore_mem>>) src(%dma_wait3A_93 : memref<10112x64xf32, #tpu.memory_space<vmem_shared>>) dst(%dma_wait3A_87 : memref<100x64xf32, #tpu.memory_space<vmem>>)
      %dma_start3A_96 = arith.constant 0 : i32
      %dma_start3A_97 = arith.constant 0 : i32
      %dma_start3A_98 = arith.constant 0 : i32
      %dma_start3A_99 = arith.constant 0 : i32
      %dma_start3A_100 = tpu.memref_slice %arg8[%dma_start3A_96, %dma_start3A_98, %dma_start3A_99] : memref<4x100x64xf32, #tpu.memory_space<vmem>> -> memref<1x100x64xf32, #tpu.memory_space<vmem>>
      %dma_start3A_101 = tpu.memref_squeeze %dma_start3A_100 : memref<1x100x64xf32, #tpu.memory_space<vmem>> -> memref<100x64xf32, #tpu.memory_space<vmem>>
      %dma_start3A_102 = arith.constant 0 : i32
      %dma_start3A_103 = tpu.memref_slice %arg7[%add3A_81, %dma_start3A_102] : memref<100x100xi32, #tpu.memory_space<vmem>> -> memref<1x100xi32, #tpu.memory_space<vmem>>
      %dma_start3A_104 = tpu.memref_squeeze %dma_start3A_103 : memref<1x100xi32, #tpu.memory_space<vmem>> -> memref<100xi32, #tpu.memory_space<vmem>>
      %dma_start3A_105 = arith.constant 0 : i32
      %dma_start3A_106 = arith.constant 0 : i32
      %dma_start3A_107 = tpu.memref_slice %arg9[%dma_start3A_105, %dma_start3A_106] : memref<10112x64xf32, #tpu.memory_space<vmem_shared>> -> memref<10112x64xf32, #tpu.memory_space<vmem_shared>>
      %dma_start3A_108 = tpu.memref_slice %arg12[%dma_start3A_97] : memref<4x!tpu.dma_semaphore, #tpu.memory_space<semaphore_mem>> -> memref<1x!tpu.dma_semaphore, #tpu.memory_space<semaphore_mem>>
      %dma_start3A_109 = tpu.memref_squeeze %dma_start3A_108 : memref<1x!tpu.dma_semaphore, #tpu.memory_space<semaphore_mem>> -> memref<!tpu.dma_semaphore, #tpu.memory_space<semaphore_mem>>
      tpu.enqueue_indirect_dma source(%dma_start3A_101 : memref<100x64xf32, #tpu.memory_space<vmem>>) target(%dma_start3A_107 : memref<10112x64xf32, #tpu.memory_space<vmem_shared>>) offsets(%dma_start3A_104 : memref<100xi32, #tpu.memory_space<vmem>>) semaphore(%dma_start3A_109 : memref<!tpu.dma_semaphore, #tpu.memory_space<semaphore_mem>>) {add = true}
      %sub3A = arith.constant 2 : i32
      %sub3A_110 = arith.subi %add3A_81, %sub3A : i32
      %ge3A = arith.constant 0 : i32
      %ge3A_111 = arith.cmpi sge, %sub3A_110, %ge3A : i32
      %convert_element_type3A_112 = arith.extui %ge3A_111 : i1 to i32
      %cond3A_113 = arith.constant 0 : i32
      %cond3A_114 = arith.cmpi ne, %convert_element_type3A_112, %cond3A_113 : i32
      scf.if %cond3A_114 {
        %sub3A_253 = arith.constant 2 : i32
        %sub3A_254 = arith.subi %add3A_81, %sub3A_253 : i32
        %dma_wait3A_255 = arith.constant 2 : i32
        %dma_wait3A_256 = arith.constant 2 : i32
        %dma_wait3A_257 = arith.constant 0 : i32
        %dma_wait3A_258 = arith.constant 0 : i32
        %dma_wait3A_259 = tpu.memref_slice %arg8[%dma_wait3A_255, %dma_wait3A_257, %dma_wait3A_258] : memref<4x100x64xf32, #tpu.memory_space<vmem>> -> memref<1x100x64xf32, #tpu.memory_space<vmem>>
        %dma_wait3A_260 = tpu.memref_squeeze %dma_wait3A_259 : memref<1x100x64xf32, #tpu.memory_space<vmem>> -> memref<100x64xf32, #tpu.memory_space<vmem>>
        %dma_wait3A_261 = arith.constant 0 : i32
        %dma_wait3A_262 = tpu.memref_slice %arg7[%sub3A_254, %dma_wait3A_261] : memref<100x100xi32, #tpu.memory_space<vmem>> -> memref<1x100xi32, #tpu.memory_space<vmem>>
        %dma_wait3A_263 = tpu.memref_squeeze %dma_wait3A_262 : memref<1x100xi32, #tpu.memory_space<vmem>> -> memref<100xi32, #tpu.memory_space<vmem>>
        %dma_wait3A_264 = arith.constant 0 : i32
        %dma_wait3A_265 = arith.constant 0 : i32
        %dma_wait3A_266 = tpu.memref_slice %arg9[%dma_wait3A_264, %dma_wait3A_265] : memref<10112x64xf32, #tpu.memory_space<vmem_shared>> -> memref<10112x64xf32, #tpu.memory_space<vmem_shared>>
        %dma_wait3A_267 = tpu.memref_slice %arg12[%dma_wait3A_256] : memref<4x!tpu.dma_semaphore, #tpu.memory_space<semaphore_mem>> -> memref<1x!tpu.dma_semaphore, #tpu.memory_space<semaphore_mem>>
        %dma_wait3A_268 = tpu.memref_squeeze %dma_wait3A_267 : memref<1x!tpu.dma_semaphore, #tpu.memory_space<semaphore_mem>> -> memref<!tpu.dma_semaphore, #tpu.memory_space<semaphore_mem>>
        tpu.wait_indirect_dma semaphore(%dma_wait3A_268 : memref<!tpu.dma_semaphore, #tpu.memory_space<semaphore_mem>>) src(%dma_wait3A_260 : memref<100x64xf32, #tpu.memory_space<vmem>>) dst(%dma_wait3A_266 : memref<10112x64xf32, #tpu.memory_space<vmem_shared>>)
      } else {
      }
      %add3A_115 = arith.constant 2 : i32
      %add3A_116 = arith.addi %add3A_81, %add3A_115 : i32
      %lt3A = arith.constant 100 : i32
      %lt3A_117 = arith.cmpi slt, %add3A_116, %lt3A : i32
      %convert_element_type3A_118 = arith.extui %lt3A_117 : i1 to i32
      %cond3A_119 = arith.constant 0 : i32
      %cond3A_120 = arith.cmpi ne, %convert_element_type3A_118, %cond3A_119 : i32
      scf.if %cond3A_120 {
        %add3A_253 = arith.constant 2 : i32
        %add3A_254 = arith.addi %add3A_81, %add3A_253 : i32
        %dma_start3A_255 = arith.constant 2 : i32
        %dma_start3A_256 = arith.constant 2 : i32
        %dma_start3A_257 = arith.constant 0 : i32
        %dma_start3A_258 = arith.constant 0 : i32
        %dma_start3A_259 = tpu.memref_slice %arg8[%dma_start3A_255, %dma_start3A_257, %dma_start3A_258] : memref<4x100x64xf32, #tpu.memory_space<vmem>> -> memref<1x100x64xf32, #tpu.memory_space<vmem>>
        %dma_start3A_260 = tpu.memref_squeeze %dma_start3A_259 : memref<1x100x64xf32, #tpu.memory_space<vmem>> -> memref<100x64xf32, #tpu.memory_space<vmem>>
        %dma_start3A_261 = arith.constant 0 : i32
        %dma_start3A_262 = tpu.memref_slice %arg6[%add3A_254, %dma_start3A_261] : memref<100x100xi32, #tpu.memory_space<vmem>> -> memref<1x100xi32, #tpu.memory_space<vmem>>
        %dma_start3A_263 = tpu.memref_squeeze %dma_start3A_262 : memref<1x100xi32, #tpu.memory_space<vmem>> -> memref<100xi32, #tpu.memory_space<vmem>>
        %dma_start3A_264 = arith.constant 0 : i32
        %dma_start3A_265 = arith.constant 0 : i32
        %dma_start3A_266 = tpu.memref_slice %arg10[%dma_start3A_264, %dma_start3A_265] : memref<10112x64xf32, #tpu.memory_space<vmem_shared>> -> memref<10112x64xf32, #tpu.memory_space<vmem_shared>>
        %dma_start3A_267 = tpu.memref_slice %arg11[%dma_start3A_256] : memref<4x!tpu.dma_semaphore, #tpu.memory_space<semaphore_mem>> -> memref<1x!tpu.dma_semaphore, #tpu.memory_space<semaphore_mem>>
        %dma_start3A_268 = tpu.memref_squeeze %dma_start3A_267 : memref<1x!tpu.dma_semaphore, #tpu.memory_space<semaphore_mem>> -> memref<!tpu.dma_semaphore, #tpu.memory_space<semaphore_mem>>
        tpu.enqueue_indirect_dma source(%dma_start3A_266 : memref<10112x64xf32, #tpu.memory_space<vmem_shared>>) target(%dma_start3A_260 : memref<100x64xf32, #tpu.memory_space<vmem>>) offsets(%dma_start3A_263 : memref<100xi32, #tpu.memory_space<vmem>>) semaphore(%dma_start3A_268 : memref<!tpu.dma_semaphore, #tpu.memory_space<semaphore_mem>>)
      } else {
      }
      %add3A_121 = arith.constant 1 : i32
      %add3A_122 = arith.addi %add3A_79, %add3A_121 : i32
      %dma_wait3A_123 = arith.constant 1 : i32
      %dma_wait3A_124 = arith.constant 1 : i32
      %dma_wait3A_125 = arith.constant 0 : i32
      %dma_wait3A_126 = arith.constant 0 : i32
      %dma_wait3A_127 = tpu.memref_slice %arg8[%dma_wait3A_123, %dma_wait3A_125, %dma_wait3A_126] : memref<4x100x64xf32, #tpu.memory_space<vmem>> -> memref<1x100x64xf32, #tpu.memory_space<vmem>>
      %dma_wait3A_128 = tpu.memref_squeeze %dma_wait3A_127 : memref<1x100x64xf32, #tpu.memory_space<vmem>> -> memref<100x64xf32, #tpu.memory_space<vmem>>
      %dma_wait3A_129 = arith.constant 0 : i32
      %dma_wait3A_130 = tpu.memref_slice %arg6[%add3A_122, %dma_wait3A_129] : memref<100x100xi32, #tpu.memory_space<vmem>> -> memref<1x100xi32, #tpu.memory_space<vmem>>
      %dma_wait3A_131 = tpu.memref_squeeze %dma_wait3A_130 : memref<1x100xi32, #tpu.memory_space<vmem>> -> memref<100xi32, #tpu.memory_space<vmem>>
      %dma_wait3A_132 = arith.constant 0 : i32
      %dma_wait3A_133 = arith.constant 0 : i32
      %dma_wait3A_134 = tpu.memref_slice %arg10[%dma_wait3A_132, %dma_wait3A_133] : memref<10112x64xf32, #tpu.memory_space<vmem_shared>> -> memref<10112x64xf32, #tpu.memory_space<vmem_shared>>
      %dma_wait3A_135 = tpu.memref_slice %arg11[%dma_wait3A_124] : memref<4x!tpu.dma_semaphore, #tpu.memory_space<semaphore_mem>> -> memref<1x!tpu.dma_semaphore, #tpu.memory_space<semaphore_mem>>
      %dma_wait3A_136 = tpu.memref_squeeze %dma_wait3A_135 : memref<1x!tpu.dma_semaphore, #tpu.memory_space<semaphore_mem>> -> memref<!tpu.dma_semaphore, #tpu.memory_space<semaphore_mem>>
      tpu.wait_indirect_dma semaphore(%dma_wait3A_136 : memref<!tpu.dma_semaphore, #tpu.memory_space<semaphore_mem>>) src(%dma_wait3A_134 : memref<10112x64xf32, #tpu.memory_space<vmem_shared>>) dst(%dma_wait3A_128 : memref<100x64xf32, #tpu.memory_space<vmem>>)
      %dma_start3A_137 = arith.constant 1 : i32
      %dma_start3A_138 = arith.constant 1 : i32
      %dma_start3A_139 = arith.constant 0 : i32
      %dma_start3A_140 = arith.constant 0 : i32
      %dma_start3A_141 = tpu.memref_slice %arg8[%dma_start3A_137, %dma_start3A_139, %dma_start3A_140] : memref<4x100x64xf32, #tpu.memory_space<vmem>> -> memref<1x100x64xf32, #tpu.memory_space<vmem>>
      %dma_start3A_142 = tpu.memref_squeeze %dma_start3A_141 : memref<1x100x64xf32, #tpu.memory_space<vmem>> -> memref<100x64xf32, #tpu.memory_space<vmem>>
      %dma_start3A_143 = arith.constant 0 : i32
      %dma_start3A_144 = tpu.memref_slice %arg7[%add3A_122, %dma_start3A_143] : memref<100x100xi32, #tpu.memory_space<vmem>> -> memref<1x100xi32, #tpu.memory_space<vmem>>
      %dma_start3A_145 = tpu.memref_squeeze %dma_start3A_144 : memref<1x100xi32, #tpu.memory_space<vmem>> -> memref<100xi32, #tpu.memory_space<vmem>>
      %dma_start3A_146 = arith.constant 0 : i32
      %dma_start3A_147 = arith.constant 0 : i32
      %dma_start3A_148 = tpu.memref_slice %arg9[%dma_start3A_146, %dma_start3A_147] : memref<10112x64xf32, #tpu.memory_space<vmem_shared>> -> memref<10112x64xf32, #tpu.memory_space<vmem_shared>>
      %dma_start3A_149 = tpu.memref_slice %arg12[%dma_start3A_138] : memref<4x!tpu.dma_semaphore, #tpu.memory_space<semaphore_mem>> -> memref<1x!tpu.dma_semaphore, #tpu.memory_space<semaphore_mem>>
      %dma_start3A_150 = tpu.memref_squeeze %dma_start3A_149 : memref<1x!tpu.dma_semaphore, #tpu.memory_space<semaphore_mem>> -> memref<!tpu.dma_semaphore, #tpu.memory_space<semaphore_mem>>
      tpu.enqueue_indirect_dma source(%dma_start3A_142 : memref<100x64xf32, #tpu.memory_space<vmem>>) target(%dma_start3A_148 : memref<10112x64xf32, #tpu.memory_space<vmem_shared>>) offsets(%dma_start3A_145 : memref<100xi32, #tpu.memory_space<vmem>>) semaphore(%dma_start3A_150 : memref<!tpu.dma_semaphore, #tpu.memory_space<semaphore_mem>>) {add = true}
      %sub3A_151 = arith.constant 2 : i32
      %sub3A_152 = arith.subi %add3A_122, %sub3A_151 : i32
      %ge3A_153 = arith.constant 0 : i32
      %ge3A_154 = arith.cmpi sge, %sub3A_152, %ge3A_153 : i32
      %convert_element_type3A_155 = arith.extui %ge3A_154 : i1 to i32
      %cond3A_156 = arith.constant 0 : i32
      %cond3A_157 = arith.cmpi ne, %convert_element_type3A_155, %cond3A_156 : i32
      scf.if %cond3A_157 {
        %sub3A_253 = arith.constant 2 : i32
        %sub3A_254 = arith.subi %add3A_122, %sub3A_253 : i32
        %dma_wait3A_255 = arith.constant 3 : i32
        %dma_wait3A_256 = arith.constant 3 : i32
        %dma_wait3A_257 = arith.constant 0 : i32
        %dma_wait3A_258 = arith.constant 0 : i32
        %dma_wait3A_259 = tpu.memref_slice %arg8[%dma_wait3A_255, %dma_wait3A_257, %dma_wait3A_258] : memref<4x100x64xf32, #tpu.memory_space<vmem>> -> memref<1x100x64xf32, #tpu.memory_space<vmem>>
        %dma_wait3A_260 = tpu.memref_squeeze %dma_wait3A_259 : memref<1x100x64xf32, #tpu.memory_space<vmem>> -> memref<100x64xf32, #tpu.memory_space<vmem>>
        %dma_wait3A_261 = arith.constant 0 : i32
        %dma_wait3A_262 = tpu.memref_slice %arg7[%sub3A_254, %dma_wait3A_261] : memref<100x100xi32, #tpu.memory_space<vmem>> -> memref<1x100xi32, #tpu.memory_space<vmem>>
        %dma_wait3A_263 = tpu.memref_squeeze %dma_wait3A_262 : memref<1x100xi32, #tpu.memory_space<vmem>> -> memref<100xi32, #tpu.memory_space<vmem>>
        %dma_wait3A_264 = arith.constant 0 : i32
        %dma_wait3A_265 = arith.constant 0 : i32
        %dma_wait3A_266 = tpu.memref_slice %arg9[%dma_wait3A_264, %dma_wait3A_265] : memref<10112x64xf32, #tpu.memory_space<vmem_shared>> -> memref<10112x64xf32, #tpu.memory_space<vmem_shared>>
        %dma_wait3A_267 = tpu.memref_slice %arg12[%dma_wait3A_256] : memref<4x!tpu.dma_semaphore, #tpu.memory_space<semaphore_mem>> -> memref<1x!tpu.dma_semaphore, #tpu.memory_space<semaphore_mem>>
        %dma_wait3A_268 = tpu.memref_squeeze %dma_wait3A_267 : memref<1x!tpu.dma_semaphore, #tpu.memory_space<semaphore_mem>> -> memref<!tpu.dma_semaphore, #tpu.memory_space<semaphore_mem>>
        tpu.wait_indirect_dma semaphore(%dma_wait3A_268 : memref<!tpu.dma_semaphore, #tpu.memory_space<semaphore_mem>>) src(%dma_wait3A_260 : memref<100x64xf32, #tpu.memory_space<vmem>>) dst(%dma_wait3A_266 : memref<10112x64xf32, #tpu.memory_space<vmem_shared>>)
      } else {
      }
      %add3A_158 = arith.constant 2 : i32
      %add3A_159 = arith.addi %add3A_122, %add3A_158 : i32
      %lt3A_160 = arith.constant 100 : i32
      %lt3A_161 = arith.cmpi slt, %add3A_159, %lt3A_160 : i32
      %convert_element_type3A_162 = arith.extui %lt3A_161 : i1 to i32
      %cond3A_163 = arith.constant 0 : i32
      %cond3A_164 = arith.cmpi ne, %convert_element_type3A_162, %cond3A_163 : i32
      scf.if %cond3A_164 {
        %add3A_253 = arith.constant 2 : i32
        %add3A_254 = arith.addi %add3A_122, %add3A_253 : i32
        %dma_start3A_255 = arith.constant 3 : i32
        %dma_start3A_256 = arith.constant 3 : i32
        %dma_start3A_257 = arith.constant 0 : i32
        %dma_start3A_258 = arith.constant 0 : i32
        %dma_start3A_259 = tpu.memref_slice %arg8[%dma_start3A_255, %dma_start3A_257, %dma_start3A_258] : memref<4x100x64xf32, #tpu.memory_space<vmem>> -> memref<1x100x64xf32, #tpu.memory_space<vmem>>
        %dma_start3A_260 = tpu.memref_squeeze %dma_start3A_259 : memref<1x100x64xf32, #tpu.memory_space<vmem>> -> memref<100x64xf32, #tpu.memory_space<vmem>>
        %dma_start3A_261 = arith.constant 0 : i32
        %dma_start3A_262 = tpu.memref_slice %arg6[%add3A_254, %dma_start3A_261] : memref<100x100xi32, #tpu.memory_space<vmem>> -> memref<1x100xi32, #tpu.memory_space<vmem>>
        %dma_start3A_263 = tpu.memref_squeeze %dma_start3A_262 : memref<1x100xi32, #tpu.memory_space<vmem>> -> memref<100xi32, #tpu.memory_space<vmem>>
        %dma_start3A_264 = arith.constant 0 : i32
        %dma_start3A_265 = arith.constant 0 : i32
        %dma_start3A_266 = tpu.memref_slice %arg10[%dma_start3A_264, %dma_start3A_265] : memref<10112x64xf32, #tpu.memory_space<vmem_shared>> -> memref<10112x64xf32, #tpu.memory_space<vmem_shared>>
        %dma_start3A_267 = tpu.memref_slice %arg11[%dma_start3A_256] : memref<4x!tpu.dma_semaphore, #tpu.memory_space<semaphore_mem>> -> memref<1x!tpu.dma_semaphore, #tpu.memory_space<semaphore_mem>>
        %dma_start3A_268 = tpu.memref_squeeze %dma_start3A_267 : memref<1x!tpu.dma_semaphore, #tpu.memory_space<semaphore_mem>> -> memref<!tpu.dma_semaphore, #tpu.memory_space<semaphore_mem>>
        tpu.enqueue_indirect_dma source(%dma_start3A_266 : memref<10112x64xf32, #tpu.memory_space<vmem_shared>>) target(%dma_start3A_260 : memref<100x64xf32, #tpu.memory_space<vmem>>) offsets(%dma_start3A_263 : memref<100xi32, #tpu.memory_space<vmem>>) semaphore(%dma_start3A_268 : memref<!tpu.dma_semaphore, #tpu.memory_space<semaphore_mem>>)
      } else {
      }
      %add3A_165 = arith.constant 2 : i32
      %add3A_166 = arith.addi %add3A_79, %add3A_165 : i32
      %dma_wait3A_167 = arith.constant 2 : i32
      %dma_wait3A_168 = arith.constant 2 : i32
      %dma_wait3A_169 = arith.constant 0 : i32
      %dma_wait3A_170 = arith.constant 0 : i32
      %dma_wait3A_171 = tpu.memref_slice %arg8[%dma_wait3A_167, %dma_wait3A_169, %dma_wait3A_170] : memref<4x100x64xf32, #tpu.memory_space<vmem>> -> memref<1x100x64xf32, #tpu.memory_space<vmem>>
      %dma_wait3A_172 = tpu.memref_squeeze %dma_wait3A_171 : memref<1x100x64xf32, #tpu.memory_space<vmem>> -> memref<100x64xf32, #tpu.memory_space<vmem>>
      %dma_wait3A_173 = arith.constant 0 : i32
      %dma_wait3A_174 = tpu.memref_slice %arg6[%add3A_166, %dma_wait3A_173] : memref<100x100xi32, #tpu.memory_space<vmem>> -> memref<1x100xi32, #tpu.memory_space<vmem>>
      %dma_wait3A_175 = tpu.memref_squeeze %dma_wait3A_174 : memref<1x100xi32, #tpu.memory_space<vmem>> -> memref<100xi32, #tpu.memory_space<vmem>>
      %dma_wait3A_176 = arith.constant 0 : i32
      %dma_wait3A_177 = arith.constant 0 : i32
      %dma_wait3A_178 = tpu.memref_slice %arg10[%dma_wait3A_176, %dma_wait3A_177] : memref<10112x64xf32, #tpu.memory_space<vmem_shared>> -> memref<10112x64xf32, #tpu.memory_space<vmem_shared>>
      %dma_wait3A_179 = tpu.memref_slice %arg11[%dma_wait3A_168] : memref<4x!tpu.dma_semaphore, #tpu.memory_space<semaphore_mem>> -> memref<1x!tpu.dma_semaphore, #tpu.memory_space<semaphore_mem>>
      %dma_wait3A_180 = tpu.memref_squeeze %dma_wait3A_179 : memref<1x!tpu.dma_semaphore, #tpu.memory_space<semaphore_mem>> -> memref<!tpu.dma_semaphore, #tpu.memory_space<semaphore_mem>>
      tpu.wait_indirect_dma semaphore(%dma_wait3A_180 : memref<!tpu.dma_semaphore, #tpu.memory_space<semaphore_mem>>) src(%dma_wait3A_178 : memref<10112x64xf32, #tpu.memory_space<vmem_shared>>) dst(%dma_wait3A_172 : memref<100x64xf32, #tpu.memory_space<vmem>>)
      %dma_start3A_181 = arith.constant 2 : i32
      %dma_start3A_182 = arith.constant 2 : i32
      %dma_start3A_183 = arith.constant 0 : i32
      %dma_start3A_184 = arith.constant 0 : i32
      %dma_start3A_185 = tpu.memref_slice %arg8[%dma_start3A_181, %dma_start3A_183, %dma_start3A_184] : memref<4x100x64xf32, #tpu.memory_space<vmem>> -> memref<1x100x64xf32, #tpu.memory_space<vmem>>
      %dma_start3A_186 = tpu.memref_squeeze %dma_start3A_185 : memref<1x100x64xf32, #tpu.memory_space<vmem>> -> memref<100x64xf32, #tpu.memory_space<vmem>>
      %dma_start3A_187 = arith.constant 0 : i32
      %dma_start3A_188 = tpu.memref_slice %arg7[%add3A_166, %dma_start3A_187] : memref<100x100xi32, #tpu.memory_space<vmem>> -> memref<1x100xi32, #tpu.memory_space<vmem>>
      %dma_start3A_189 = tpu.memref_squeeze %dma_start3A_188 : memref<1x100xi32, #tpu.memory_space<vmem>> -> memref<100xi32, #tpu.memory_space<vmem>>
      %dma_start3A_190 = arith.constant 0 : i32
      %dma_start3A_191 = arith.constant 0 : i32
      %dma_start3A_192 = tpu.memref_slice %arg9[%dma_start3A_190, %dma_start3A_191] : memref<10112x64xf32, #tpu.memory_space<vmem_shared>> -> memref<10112x64xf32, #tpu.memory_space<vmem_shared>>
      %dma_start3A_193 = tpu.memref_slice %arg12[%dma_start3A_182] : memref<4x!tpu.dma_semaphore, #tpu.memory_space<semaphore_mem>> -> memref<1x!tpu.dma_semaphore, #tpu.memory_space<semaphore_mem>>
      %dma_start3A_194 = tpu.memref_squeeze %dma_start3A_193 : memref<1x!tpu.dma_semaphore, #tpu.memory_space<semaphore_mem>> -> memref<!tpu.dma_semaphore, #tpu.memory_space<semaphore_mem>>
      tpu.enqueue_indirect_dma source(%dma_start3A_186 : memref<100x64xf32, #tpu.memory_space<vmem>>) target(%dma_start3A_192 : memref<10112x64xf32, #tpu.memory_space<vmem_shared>>) offsets(%dma_start3A_189 : memref<100xi32, #tpu.memory_space<vmem>>) semaphore(%dma_start3A_194 : memref<!tpu.dma_semaphore, #tpu.memory_space<semaphore_mem>>) {add = true}
      %sub3A_195 = arith.constant 2 : i32
      %sub3A_196 = arith.subi %add3A_166, %sub3A_195 : i32
      %ge3A_197 = arith.constant 0 : i32
      %ge3A_198 = arith.cmpi sge, %sub3A_196, %ge3A_197 : i32
      %convert_element_type3A_199 = arith.extui %ge3A_198 : i1 to i32
      %cond3A_200 = arith.constant 0 : i32
      %cond3A_201 = arith.cmpi ne, %convert_element_type3A_199, %cond3A_200 : i32
      scf.if %cond3A_201 {
        %sub3A_253 = arith.constant 2 : i32
        %sub3A_254 = arith.subi %add3A_166, %sub3A_253 : i32
        %dma_wait3A_255 = arith.constant 0 : i32
        %dma_wait3A_256 = arith.constant 0 : i32
        %dma_wait3A_257 = arith.constant 0 : i32
        %dma_wait3A_258 = arith.constant 0 : i32
        %dma_wait3A_259 = tpu.memref_slice %arg8[%dma_wait3A_255, %dma_wait3A_257, %dma_wait3A_258] : memref<4x100x64xf32, #tpu.memory_space<vmem>> -> memref<1x100x64xf32, #tpu.memory_space<vmem>>
        %dma_wait3A_260 = tpu.memref_squeeze %dma_wait3A_259 : memref<1x100x64xf32, #tpu.memory_space<vmem>> -> memref<100x64xf32, #tpu.memory_space<vmem>>
        %dma_wait3A_261 = arith.constant 0 : i32
        %dma_wait3A_262 = tpu.memref_slice %arg7[%sub3A_254, %dma_wait3A_261] : memref<100x100xi32, #tpu.memory_space<vmem>> -> memref<1x100xi32, #tpu.memory_space<vmem>>
        %dma_wait3A_263 = tpu.memref_squeeze %dma_wait3A_262 : memref<1x100xi32, #tpu.memory_space<vmem>> -> memref<100xi32, #tpu.memory_space<vmem>>
        %dma_wait3A_264 = arith.constant 0 : i32
        %dma_wait3A_265 = arith.constant 0 : i32
        %dma_wait3A_266 = tpu.memref_slice %arg9[%dma_wait3A_264, %dma_wait3A_265] : memref<10112x64xf32, #tpu.memory_space<vmem_shared>> -> memref<10112x64xf32, #tpu.memory_space<vmem_shared>>
        %dma_wait3A_267 = tpu.memref_slice %arg12[%dma_wait3A_256] : memref<4x!tpu.dma_semaphore, #tpu.memory_space<semaphore_mem>> -> memref<1x!tpu.dma_semaphore, #tpu.memory_space<semaphore_mem>>
        %dma_wait3A_268 = tpu.memref_squeeze %dma_wait3A_267 : memref<1x!tpu.dma_semaphore, #tpu.memory_space<semaphore_mem>> -> memref<!tpu.dma_semaphore, #tpu.memory_space<semaphore_mem>>
        tpu.wait_indirect_dma semaphore(%dma_wait3A_268 : memref<!tpu.dma_semaphore, #tpu.memory_space<semaphore_mem>>) src(%dma_wait3A_260 : memref<100x64xf32, #tpu.memory_space<vmem>>) dst(%dma_wait3A_266 : memref<10112x64xf32, #tpu.memory_space<vmem_shared>>)
      } else {
      }
      %add3A_202 = arith.constant 2 : i32
      %add3A_203 = arith.addi %add3A_166, %add3A_202 : i32
      %lt3A_204 = arith.constant 100 : i32
      %lt3A_205 = arith.cmpi slt, %add3A_203, %lt3A_204 : i32
      %convert_element_type3A_206 = arith.extui %lt3A_205 : i1 to i32
      %cond3A_207 = arith.constant 0 : i32
      %cond3A_208 = arith.cmpi ne, %convert_element_type3A_206, %cond3A_207 : i32
      scf.if %cond3A_208 {
        %add3A_253 = arith.constant 2 : i32
        %add3A_254 = arith.addi %add3A_166, %add3A_253 : i32
        %dma_start3A_255 = arith.constant 0 : i32
        %dma_start3A_256 = arith.constant 0 : i32
        %dma_start3A_257 = arith.constant 0 : i32
        %dma_start3A_258 = arith.constant 0 : i32
        %dma_start3A_259 = tpu.memref_slice %arg8[%dma_start3A_255, %dma_start3A_257, %dma_start3A_258] : memref<4x100x64xf32, #tpu.memory_space<vmem>> -> memref<1x100x64xf32, #tpu.memory_space<vmem>>
        %dma_start3A_260 = tpu.memref_squeeze %dma_start3A_259 : memref<1x100x64xf32, #tpu.memory_space<vmem>> -> memref<100x64xf32, #tpu.memory_space<vmem>>
        %dma_start3A_261 = arith.constant 0 : i32
        %dma_start3A_262 = tpu.memref_slice %arg6[%add3A_254, %dma_start3A_261] : memref<100x100xi32, #tpu.memory_space<vmem>> -> memref<1x100xi32, #tpu.memory_space<vmem>>
        %dma_start3A_263 = tpu.memref_squeeze %dma_start3A_262 : memref<1x100xi32, #tpu.memory_space<vmem>> -> memref<100xi32, #tpu.memory_space<vmem>>
        %dma_start3A_264 = arith.constant 0 : i32
        %dma_start3A_265 = arith.constant 0 : i32
        %dma_start3A_266 = tpu.memref_slice %arg10[%dma_start3A_264, %dma_start3A_265] : memref<10112x64xf32, #tpu.memory_space<vmem_shared>> -> memref<10112x64xf32, #tpu.memory_space<vmem_shared>>
        %dma_start3A_267 = tpu.memref_slice %arg11[%dma_start3A_256] : memref<4x!tpu.dma_semaphore, #tpu.memory_space<semaphore_mem>> -> memref<1x!tpu.dma_semaphore, #tpu.memory_space<semaphore_mem>>
        %dma_start3A_268 = tpu.memref_squeeze %dma_start3A_267 : memref<1x!tpu.dma_semaphore, #tpu.memory_space<semaphore_mem>> -> memref<!tpu.dma_semaphore, #tpu.memory_space<semaphore_mem>>
        tpu.enqueue_indirect_dma source(%dma_start3A_266 : memref<10112x64xf32, #tpu.memory_space<vmem_shared>>) target(%dma_start3A_260 : memref<100x64xf32, #tpu.memory_space<vmem>>) offsets(%dma_start3A_263 : memref<100xi32, #tpu.memory_space<vmem>>) semaphore(%dma_start3A_268 : memref<!tpu.dma_semaphore, #tpu.memory_space<semaphore_mem>>)
      } else {
      }
      %add3A_209 = arith.constant 3 : i32
      %add3A_210 = arith.addi %add3A_79, %add3A_209 : i32
      %dma_wait3A_211 = arith.constant 3 : i32
      %dma_wait3A_212 = arith.constant 3 : i32
      %dma_wait3A_213 = arith.constant 0 : i32
      %dma_wait3A_214 = arith.constant 0 : i32
      %dma_wait3A_215 = tpu.memref_slice %arg8[%dma_wait3A_211, %dma_wait3A_213, %dma_wait3A_214] : memref<4x100x64xf32, #tpu.memory_space<vmem>> -> memref<1x100x64xf32, #tpu.memory_space<vmem>>
      %dma_wait3A_216 = tpu.memref_squeeze %dma_wait3A_215 : memref<1x100x64xf32, #tpu.memory_space<vmem>> -> memref<100x64xf32, #tpu.memory_space<vmem>>
      %dma_wait3A_217 = arith.constant 0 : i32
      %dma_wait3A_218 = tpu.memref_slice %arg6[%add3A_210, %dma_wait3A_217] : memref<100x100xi32, #tpu.memory_space<vmem>> -> memref<1x100xi32, #tpu.memory_space<vmem>>
      %dma_wait3A_219 = tpu.memref_squeeze %dma_wait3A_218 : memref<1x100xi32, #tpu.memory_space<vmem>> -> memref<100xi32, #tpu.memory_space<vmem>>
      %dma_wait3A_220 = arith.constant 0 : i32
      %dma_wait3A_221 = arith.constant 0 : i32
      %dma_wait3A_222 = tpu.memref_slice %arg10[%dma_wait3A_220, %dma_wait3A_221] : memref<10112x64xf32, #tpu.memory_space<vmem_shared>> -> memref<10112x64xf32, #tpu.memory_space<vmem_shared>>
      %dma_wait3A_223 = tpu.memref_slice %arg11[%dma_wait3A_212] : memref<4x!tpu.dma_semaphore, #tpu.memory_space<semaphore_mem>> -> memref<1x!tpu.dma_semaphore, #tpu.memory_space<semaphore_mem>>
      %dma_wait3A_224 = tpu.memref_squeeze %dma_wait3A_223 : memref<1x!tpu.dma_semaphore, #tpu.memory_space<semaphore_mem>> -> memref<!tpu.dma_semaphore, #tpu.memory_space<semaphore_mem>>
      tpu.wait_indirect_dma semaphore(%dma_wait3A_224 : memref<!tpu.dma_semaphore, #tpu.memory_space<semaphore_mem>>) src(%dma_wait3A_222 : memref<10112x64xf32, #tpu.memory_space<vmem_shared>>) dst(%dma_wait3A_216 : memref<100x64xf32, #tpu.memory_space<vmem>>)
      %dma_start3A_225 = arith.constant 3 : i32
      %dma_start3A_226 = arith.constant 3 : i32
      %dma_start3A_227 = arith.constant 0 : i32
      %dma_start3A_228 = arith.constant 0 : i32
      %dma_start3A_229 = tpu.memref_slice %arg8[%dma_start3A_225, %dma_start3A_227, %dma_start3A_228] : memref<4x100x64xf32, #tpu.memory_space<vmem>> -> memref<1x100x64xf32, #tpu.memory_space<vmem>>
      %dma_start3A_230 = tpu.memref_squeeze %dma_start3A_229 : memref<1x100x64xf32, #tpu.memory_space<vmem>> -> memref<100x64xf32, #tpu.memory_space<vmem>>
      %dma_start3A_231 = arith.constant 0 : i32
      %dma_start3A_232 = tpu.memref_slice %arg7[%add3A_210, %dma_start3A_231] : memref<100x100xi32, #tpu.memory_space<vmem>> -> memref<1x100xi32, #tpu.memory_space<vmem>>
      %dma_start3A_233 = tpu.memref_squeeze %dma_start3A_232 : memref<1x100xi32, #tpu.memory_space<vmem>> -> memref<100xi32, #tpu.memory_space<vmem>>
      %dma_start3A_234 = arith.constant 0 : i32
      %dma_start3A_235 = arith.constant 0 : i32
      %dma_start3A_236 = tpu.memref_slice %arg9[%dma_start3A_234, %dma_start3A_235] : memref<10112x64xf32, #tpu.memory_space<vmem_shared>> -> memref<10112x64xf32, #tpu.memory_space<vmem_shared>>
      %dma_start3A_237 = tpu.memref_slice %arg12[%dma_start3A_226] : memref<4x!tpu.dma_semaphore, #tpu.memory_space<semaphore_mem>> -> memref<1x!tpu.dma_semaphore, #tpu.memory_space<semaphore_mem>>
      %dma_start3A_238 = tpu.memref_squeeze %dma_start3A_237 : memref<1x!tpu.dma_semaphore, #tpu.memory_space<semaphore_mem>> -> memref<!tpu.dma_semaphore, #tpu.memory_space<semaphore_mem>>
      tpu.enqueue_indirect_dma source(%dma_start3A_230 : memref<100x64xf32, #tpu.memory_space<vmem>>) target(%dma_start3A_236 : memref<10112x64xf32, #tpu.memory_space<vmem_shared>>) offsets(%dma_start3A_233 : memref<100xi32, #tpu.memory_space<vmem>>) semaphore(%dma_start3A_238 : memref<!tpu.dma_semaphore, #tpu.memory_space<semaphore_mem>>) {add = true}
      %sub3A_239 = arith.constant 2 : i32
      %sub3A_240 = arith.subi %add3A_210, %sub3A_239 : i32
      %ge3A_241 = arith.constant 0 : i32
      %ge3A_242 = arith.cmpi sge, %sub3A_240, %ge3A_241 : i32
      %convert_element_type3A_243 = arith.extui %ge3A_242 : i1 to i32
      %cond3A_244 = arith.constant 0 : i32
      %cond3A_245 = arith.cmpi ne, %convert_element_type3A_243, %cond3A_244 : i32
      scf.if %cond3A_245 {
        %sub3A_253 = arith.constant 2 : i32
        %sub3A_254 = arith.subi %add3A_210, %sub3A_253 : i32
        %dma_wait3A_255 = arith.constant 1 : i32
        %dma_wait3A_256 = arith.constant 1 : i32
        %dma_wait3A_257 = arith.constant 0 : i32
        %dma_wait3A_258 = arith.constant 0 : i32
        %dma_wait3A_259 = tpu.memref_slice %arg8[%dma_wait3A_255, %dma_wait3A_257, %dma_wait3A_258] : memref<4x100x64xf32, #tpu.memory_space<vmem>> -> memref<1x100x64xf32, #tpu.memory_space<vmem>>
        %dma_wait3A_260 = tpu.memref_squeeze %dma_wait3A_259 : memref<1x100x64xf32, #tpu.memory_space<vmem>> -> memref<100x64xf32, #tpu.memory_space<vmem>>
        %dma_wait3A_261 = arith.constant 0 : i32
        %dma_wait3A_262 = tpu.memref_slice %arg7[%sub3A_254, %dma_wait3A_261] : memref<100x100xi32, #tpu.memory_space<vmem>> -> memref<1x100xi32, #tpu.memory_space<vmem>>
        %dma_wait3A_263 = tpu.memref_squeeze %dma_wait3A_262 : memref<1x100xi32, #tpu.memory_space<vmem>> -> memref<100xi32, #tpu.memory_space<vmem>>
        %dma_wait3A_264 = arith.constant 0 : i32
        %dma_wait3A_265 = arith.constant 0 : i32
        %dma_wait3A_266 = tpu.memref_slice %arg9[%dma_wait3A_264, %dma_wait3A_265] : memref<10112x64xf32, #tpu.memory_space<vmem_shared>> -> memref<10112x64xf32, #tpu.memory_space<vmem_shared>>
        %dma_wait3A_267 = tpu.memref_slice %arg12[%dma_wait3A_256] : memref<4x!tpu.dma_semaphore, #tpu.memory_space<semaphore_mem>> -> memref<1x!tpu.dma_semaphore, #tpu.memory_space<semaphore_mem>>
        %dma_wait3A_268 = tpu.memref_squeeze %dma_wait3A_267 : memref<1x!tpu.dma_semaphore, #tpu.memory_space<semaphore_mem>> -> memref<!tpu.dma_semaphore, #tpu.memory_space<semaphore_mem>>
        tpu.wait_indirect_dma semaphore(%dma_wait3A_268 : memref<!tpu.dma_semaphore, #tpu.memory_space<semaphore_mem>>) src(%dma_wait3A_260 : memref<100x64xf32, #tpu.memory_space<vmem>>) dst(%dma_wait3A_266 : memref<10112x64xf32, #tpu.memory_space<vmem_shared>>)
      } else {
      }
      %add3A_246 = arith.constant 2 : i32
      %add3A_247 = arith.addi %add3A_210, %add3A_246 : i32
      %lt3A_248 = arith.constant 100 : i32
      %lt3A_249 = arith.cmpi slt, %add3A_247, %lt3A_248 : i32
      %convert_element_type3A_250 = arith.extui %lt3A_249 : i1 to i32
      %cond3A_251 = arith.constant 0 : i32
      %cond3A_252 = arith.cmpi ne, %convert_element_type3A_250, %cond3A_251 : i32
      scf.if %cond3A_252 {
        %add3A_253 = arith.constant 2 : i32
        %add3A_254 = arith.addi %add3A_210, %add3A_253 : i32
        %dma_start3A_255 = arith.constant 1 : i32
        %dma_start3A_256 = arith.constant 1 : i32
        %dma_start3A_257 = arith.constant 0 : i32
        %dma_start3A_258 = arith.constant 0 : i32
        %dma_start3A_259 = tpu.memref_slice %arg8[%dma_start3A_255, %dma_start3A_257, %dma_start3A_258] : memref<4x100x64xf32, #tpu.memory_space<vmem>> -> memref<1x100x64xf32, #tpu.memory_space<vmem>>
        %dma_start3A_260 = tpu.memref_squeeze %dma_start3A_259 : memref<1x100x64xf32, #tpu.memory_space<vmem>> -> memref<100x64xf32, #tpu.memory_space<vmem>>
        %dma_start3A_261 = arith.constant 0 : i32
        %dma_start3A_262 = tpu.memref_slice %arg6[%add3A_254, %dma_start3A_261] : memref<100x100xi32, #tpu.memory_space<vmem>> -> memref<1x100xi32, #tpu.memory_space<vmem>>
        %dma_start3A_263 = tpu.memref_squeeze %dma_start3A_262 : memref<1x100xi32, #tpu.memory_space<vmem>> -> memref<100xi32, #tpu.memory_space<vmem>>
        %dma_start3A_264 = arith.constant 0 : i32
        %dma_start3A_265 = arith.constant 0 : i32
        %dma_start3A_266 = tpu.memref_slice %arg10[%dma_start3A_264, %dma_start3A_265] : memref<10112x64xf32, #tpu.memory_space<vmem_shared>> -> memref<10112x64xf32, #tpu.memory_space<vmem_shared>>
        %dma_start3A_267 = tpu.memref_slice %arg11[%dma_start3A_256] : memref<4x!tpu.dma_semaphore, #tpu.memory_space<semaphore_mem>> -> memref<1x!tpu.dma_semaphore, #tpu.memory_space<semaphore_mem>>
        %dma_start3A_268 = tpu.memref_squeeze %dma_start3A_267 : memref<1x!tpu.dma_semaphore, #tpu.memory_space<semaphore_mem>> -> memref<!tpu.dma_semaphore, #tpu.memory_space<semaphore_mem>>
        tpu.enqueue_indirect_dma source(%dma_start3A_266 : memref<10112x64xf32, #tpu.memory_space<vmem_shared>>) target(%dma_start3A_260 : memref<100x64xf32, #tpu.memory_space<vmem>>) offsets(%dma_start3A_263 : memref<100xi32, #tpu.memory_space<vmem>>) semaphore(%dma_start3A_268 : memref<!tpu.dma_semaphore, #tpu.memory_space<semaphore_mem>>)
      } else {
      }
    }
    %scan3A_41 = arith.constant 25 : i32
    %dma_wait3A = arith.constant 2 : i32
    %dma_wait3A_42 = arith.constant 98 : i32
    %dma_wait3A_43 = arith.constant 2 : i32
    %dma_wait3A_44 = arith.constant 0 : i32
    %dma_wait3A_45 = arith.constant 0 : i32
    %dma_wait3A_46 = tpu.memref_slice %arg8[%dma_wait3A, %dma_wait3A_44, %dma_wait3A_45] : memref<4x100x64xf32, #tpu.memory_space<vmem>> -> memref<1x100x64xf32, #tpu.memory_space<vmem>>
    %dma_wait3A_47 = tpu.memref_squeeze %dma_wait3A_46 : memref<1x100x64xf32, #tpu.memory_space<vmem>> -> memref<100x64xf32, #tpu.memory_space<vmem>>
    %dma_wait3A_48 = arith.constant 0 : i32
    %dma_wait3A_49 = tpu.memref_slice %arg7[%dma_wait3A_42, %dma_wait3A_48] : memref<100x100xi32, #tpu.memory_space<vmem>> -> memref<1x100xi32, #tpu.memory_space<vmem>>
    %dma_wait3A_50 = tpu.memref_squeeze %dma_wait3A_49 : memref<1x100xi32, #tpu.memory_space<vmem>> -> memref<100xi32, #tpu.memory_space<vmem>>
    %dma_wait3A_51 = arith.constant 0 : i32
    %dma_wait3A_52 = arith.constant 0 : i32
    %dma_wait3A_53 = tpu.memref_slice %arg9[%dma_wait3A_51, %dma_wait3A_52] : memref<10112x64xf32, #tpu.memory_space<vmem_shared>> -> memref<10112x64xf32, #tpu.memory_space<vmem_shared>>
    %dma_wait3A_54 = tpu.memref_slice %arg12[%dma_wait3A_43] : memref<4x!tpu.dma_semaphore, #tpu.memory_space<semaphore_mem>> -> memref<1x!tpu.dma_semaphore, #tpu.memory_space<semaphore_mem>>
    %dma_wait3A_55 = tpu.memref_squeeze %dma_wait3A_54 : memref<1x!tpu.dma_semaphore, #tpu.memory_space<semaphore_mem>> -> memref<!tpu.dma_semaphore, #tpu.memory_space<semaphore_mem>>
    tpu.wait_indirect_dma semaphore(%dma_wait3A_55 : memref<!tpu.dma_semaphore, #tpu.memory_space<semaphore_mem>>) src(%dma_wait3A_47 : memref<100x64xf32, #tpu.memory_space<vmem>>) dst(%dma_wait3A_53 : memref<10112x64xf32, #tpu.memory_space<vmem_shared>>)
    %dma_wait3A_56 = arith.constant 3 : i32
    %dma_wait3A_57 = arith.constant 99 : i32
    %dma_wait3A_58 = arith.constant 3 : i32
    %dma_wait3A_59 = arith.constant 0 : i32
    %dma_wait3A_60 = arith.constant 0 : i32
    %dma_wait3A_61 = tpu.memref_slice %arg8[%dma_wait3A_56, %dma_wait3A_59, %dma_wait3A_60] : memref<4x100x64xf32, #tpu.memory_space<vmem>> -> memref<1x100x64xf32, #tpu.memory_space<vmem>>
    %dma_wait3A_62 = tpu.memref_squeeze %dma_wait3A_61 : memref<1x100x64xf32, #tpu.memory_space<vmem>> -> memref<100x64xf32, #tpu.memory_space<vmem>>
    %dma_wait3A_63 = arith.constant 0 : i32
    %dma_wait3A_64 = tpu.memref_slice %arg7[%dma_wait3A_57, %dma_wait3A_63] : memref<100x100xi32, #tpu.memory_space<vmem>> -> memref<1x100xi32, #tpu.memory_space<vmem>>
    %dma_wait3A_65 = tpu.memref_squeeze %dma_wait3A_64 : memref<1x100xi32, #tpu.memory_space<vmem>> -> memref<100xi32, #tpu.memory_space<vmem>>
    %dma_wait3A_66 = arith.constant 0 : i32
    %dma_wait3A_67 = arith.constant 0 : i32
    %dma_wait3A_68 = tpu.memref_slice %arg9[%dma_wait3A_66, %dma_wait3A_67] : memref<10112x64xf32, #tpu.memory_space<vmem_shared>> -> memref<10112x64xf32, #tpu.memory_space<vmem_shared>>
    %dma_wait3A_69 = tpu.memref_slice %arg12[%dma_wait3A_58] : memref<4x!tpu.dma_semaphore, #tpu.memory_space<semaphore_mem>> -> memref<1x!tpu.dma_semaphore, #tpu.memory_space<semaphore_mem>>
    %dma_wait3A_70 = tpu.memref_squeeze %dma_wait3A_69 : memref<1x!tpu.dma_semaphore, #tpu.memory_space<semaphore_mem>> -> memref<!tpu.dma_semaphore, #tpu.memory_space<semaphore_mem>>
    tpu.wait_indirect_dma semaphore(%dma_wait3A_70 : memref<!tpu.dma_semaphore, #tpu.memory_space<semaphore_mem>>) src(%dma_wait3A_62 : memref<100x64xf32, #tpu.memory_space<vmem>>) dst(%dma_wait3A_68 : memref<10112x64xf32, #tpu.memory_space<vmem_shared>>)
    %barrier3A_71 = arith.constant 0 : index
    tpu.barrier barrier_id(%barrier3A_71)
    %mul3A_72 = arith.constant 10112 : i32
    %mul3A_73 = arith.muli %arg0, %mul3A_72 : i32
    %add3A_74 = arith.addi %mul3A_73, %mul3A_2 : i32
    "tpu.region"() ({
      %run_scoped3A = tpu.sem_alloc : memref<!tpu.dma_semaphore, #tpu.memory_space<semaphore_mem>>
      %dma_start3A_75 = arith.constant 0 : i32
      %dma_start3A_76 = tpu.memref_slice %arg5[%add3A_74, %dma_start3A_75] : memref<20224x64xf32, #tpu.memory_space<hbm>> -> memref<632x64xf32, #tpu.memory_space<hbm>>
      %dma_start3A_77 = arith.constant 0 : i32
      %dma_start3A_78 = tpu.memref_slice %arg9[%mul3A_2, %dma_start3A_77] : memref<10112x64xf32, #tpu.memory_space<vmem_shared>> -> memref<632x64xf32, #tpu.memory_space<vmem_shared>>
      tpu.enqueue_dma source(%dma_start3A_78 : memref<632x64xf32, #tpu.memory_space<vmem_shared>>) target(%dma_start3A_76 : memref<632x64xf32, #tpu.memory_space<hbm>>) target_semaphore(%run_scoped3A : memref<!tpu.dma_semaphore, #tpu.memory_space<semaphore_mem>>)
      %dma_wait3A_79 = arith.constant 0 : i32
      %dma_wait3A_80 = tpu.memref_slice %arg5[%add3A_74, %dma_wait3A_79] : memref<20224x64xf32, #tpu.memory_space<hbm>> -> memref<632x64xf32, #tpu.memory_space<hbm>>
      %dma_wait3A_81 = arith.constant 0 : i32
      %dma_wait3A_82 = tpu.memref_slice %arg9[%mul3A_2, %dma_wait3A_81] : memref<10112x64xf32, #tpu.memory_space<vmem_shared>> -> memref<632x64xf32, #tpu.memory_space<vmem_shared>>
      tpu.wait_dma2 semaphore(%run_scoped3A : memref<!tpu.dma_semaphore, #tpu.memory_space<semaphore_mem>>) src(%dma_wait3A_82 : memref<632x64xf32, #tpu.memory_space<vmem_shared>>) dst(%dma_wait3A_80 : memref<632x64xf32, #tpu.memory_space<hbm>>)
      tpu.yield
    }) : () -> ()
    return
  }
}

#map = affine_map<(d0, d1) -> (0, 0, 0)>
#map1 = affine_map<(d0, d1) -> (0, 0)>
module attributes {stable_mosaic.version = 14 : i64} {
  func.func @_agg_body(%arg0: i32, %arg1: i32, %arg2: memref<32x100x100xi32, #tpu.memory_space<hbm>>, %arg3: memref<32x100x100xi32, #tpu.memory_space<hbm>>, %arg4: memref<10112x64xf32, #tpu.memory_space<hbm>>, %arg5: memref<20224x64xf32, #tpu.memory_space<hbm>>, %arg6: memref<100x100xi32, #tpu.memory_space<vmem>>, %arg7: memref<100x100xi32, #tpu.memory_space<vmem>>, %arg8: memref<4x100x64xf32, #tpu.memory_space<vmem>>, %arg9: memref<10112x64xf32, #tpu.memory_space<vmem_shared>>, %arg10: memref<10112x64xf32, #tpu.memory_space<vmem_shared>>, %arg11: memref<4x!tpu.dma_semaphore, #tpu.memory_space<semaphore_mem>>, %arg12: memref<4x!tpu.dma_semaphore, #tpu.memory_space<semaphore_mem>>) attributes {dimension_semantics = [#tpu.dimension_semantics<core_parallel>, #tpu.dimension_semantics<subcore_parallel>], iteration_bounds = array<i64: 2, 16>, scalar_prefetch = 0 : i64, scratch_operands = 7 : i64, tpu.core_type = #tpu.core_type<sc_vector_subcore>, window_params = [{transform_indices = #map}, {transform_indices = #map}, {transform_indices = #map1}, {transform_indices = #map1}]} {
    %mul3A = arith.constant 2 : i32
    %mul3A_0 = arith.muli %arg1, %mul3A : i32
    %add3A = arith.addi %mul3A_0, %arg0 : i32
    %mul3A_1 = arith.constant 632 : i32
    %mul3A_2 = arith.muli %arg1, %mul3A_1 : i32
    "tpu.region"() ({
      %run_scoped3A = tpu.sem_alloc : memref<!tpu.dma_semaphore, #tpu.memory_space<semaphore_mem>>
      %dma_start3A_75 = arith.constant 0 : i32
      %dma_start3A_76 = arith.constant 0 : i32
      %dma_start3A_77 = tpu.memref_slice %arg2[%add3A, %dma_start3A_75, %dma_start3A_76] : memref<32x100x100xi32, #tpu.memory_space<hbm>> -> memref<1x100x100xi32, #tpu.memory_space<hbm>>
      %dma_start3A_78 = tpu.memref_squeeze %dma_start3A_77 : memref<1x100x100xi32, #tpu.memory_space<hbm>> -> memref<100x100xi32, #tpu.memory_space<hbm>>
      %dma_start3A_79 = arith.constant 0 : i32
      %dma_start3A_80 = arith.constant 0 : i32
      %dma_start3A_81 = tpu.memref_slice %arg2[%add3A, %dma_start3A_79, %dma_start3A_80] : memref<32x100x100xi32, #tpu.memory_space<hbm>> -> memref<1x100x100xi32, #tpu.memory_space<hbm>>
      %dma_start3A_82 = tpu.memref_squeeze %dma_start3A_81 : memref<1x100x100xi32, #tpu.memory_space<hbm>> -> memref<100x100xi32, #tpu.memory_space<hbm>>
      tpu.enqueue_dma source(%dma_start3A_82 : memref<100x100xi32, #tpu.memory_space<hbm>>) target(%arg6 : memref<100x100xi32, #tpu.memory_space<vmem>>) target_semaphore(%run_scoped3A : memref<!tpu.dma_semaphore, #tpu.memory_space<semaphore_mem>>)
      %dma_wait3A_83 = arith.constant 0 : i32
      %dma_wait3A_84 = arith.constant 0 : i32
      %dma_wait3A_85 = tpu.memref_slice %arg2[%add3A, %dma_wait3A_83, %dma_wait3A_84] : memref<32x100x100xi32, #tpu.memory_space<hbm>> -> memref<1x100x100xi32, #tpu.memory_space<hbm>>
      %dma_wait3A_86 = tpu.memref_squeeze %dma_wait3A_85 : memref<1x100x100xi32, #tpu.memory_space<hbm>> -> memref<100x100xi32, #tpu.memory_space<hbm>>
      %dma_wait3A_87 = arith.constant 0 : i32
      %dma_wait3A_88 = arith.constant 0 : i32
      %dma_wait3A_89 = tpu.memref_slice %arg2[%add3A, %dma_wait3A_87, %dma_wait3A_88] : memref<32x100x100xi32, #tpu.memory_space<hbm>> -> memref<1x100x100xi32, #tpu.memory_space<hbm>>
      %dma_wait3A_90 = tpu.memref_squeeze %dma_wait3A_89 : memref<1x100x100xi32, #tpu.memory_space<hbm>> -> memref<100x100xi32, #tpu.memory_space<hbm>>
      tpu.wait_dma2 semaphore(%run_scoped3A : memref<!tpu.dma_semaphore, #tpu.memory_space<semaphore_mem>>) src(%dma_wait3A_90 : memref<100x100xi32, #tpu.memory_space<hbm>>) dst(%arg6 : memref<100x100xi32, #tpu.memory_space<vmem>>)
      tpu.yield
    }) : () -> ()
    "tpu.region"() ({
      %run_scoped3A = tpu.sem_alloc : memref<!tpu.dma_semaphore, #tpu.memory_space<semaphore_mem>>
      %dma_start3A_75 = arith.constant 0 : i32
      %dma_start3A_76 = arith.constant 0 : i32
      %dma_start3A_77 = tpu.memref_slice %arg3[%add3A, %dma_start3A_75, %dma_start3A_76] : memref<32x100x100xi32, #tpu.memory_space<hbm>> -> memref<1x100x100xi32, #tpu.memory_space<hbm>>
      %dma_start3A_78 = tpu.memref_squeeze %dma_start3A_77 : memref<1x100x100xi32, #tpu.memory_space<hbm>> -> memref<100x100xi32, #tpu.memory_space<hbm>>
      %dma_start3A_79 = arith.constant 0 : i32
      %dma_start3A_80 = arith.constant 0 : i32
      %dma_start3A_81 = tpu.memref_slice %arg3[%add3A, %dma_start3A_79, %dma_start3A_80] : memref<32x100x100xi32, #tpu.memory_space<hbm>> -> memref<1x100x100xi32, #tpu.memory_space<hbm>>
      %dma_start3A_82 = tpu.memref_squeeze %dma_start3A_81 : memref<1x100x100xi32, #tpu.memory_space<hbm>> -> memref<100x100xi32, #tpu.memory_space<hbm>>
      tpu.enqueue_dma source(%dma_start3A_82 : memref<100x100xi32, #tpu.memory_space<hbm>>) target(%arg7 : memref<100x100xi32, #tpu.memory_space<vmem>>) target_semaphore(%run_scoped3A : memref<!tpu.dma_semaphore, #tpu.memory_space<semaphore_mem>>)
      %dma_wait3A_83 = arith.constant 0 : i32
      %dma_wait3A_84 = arith.constant 0 : i32
      %dma_wait3A_85 = tpu.memref_slice %arg3[%add3A, %dma_wait3A_83, %dma_wait3A_84] : memref<32x100x100xi32, #tpu.memory_space<hbm>> -> memref<1x100x100xi32, #tpu.memory_space<hbm>>
      %dma_wait3A_86 = tpu.memref_squeeze %dma_wait3A_85 : memref<1x100x100xi32, #tpu.memory_space<hbm>> -> memref<100x100xi32, #tpu.memory_space<hbm>>
      %dma_wait3A_87 = arith.constant 0 : i32
      %dma_wait3A_88 = arith.constant 0 : i32
      %dma_wait3A_89 = tpu.memref_slice %arg3[%add3A, %dma_wait3A_87, %dma_wait3A_88] : memref<32x100x100xi32, #tpu.memory_space<hbm>> -> memref<1x100x100xi32, #tpu.memory_space<hbm>>
      %dma_wait3A_90 = tpu.memref_squeeze %dma_wait3A_89 : memref<1x100x100xi32, #tpu.memory_space<hbm>> -> memref<100x100xi32, #tpu.memory_space<hbm>>
      tpu.wait_dma2 semaphore(%run_scoped3A : memref<!tpu.dma_semaphore, #tpu.memory_space<semaphore_mem>>) src(%dma_wait3A_90 : memref<100x100xi32, #tpu.memory_space<hbm>>) dst(%arg7 : memref<100x100xi32, #tpu.memory_space<vmem>>)
      tpu.yield
    }) : () -> ()
    "tpu.region"() ({
      %run_scoped3A = tpu.sem_alloc : memref<!tpu.dma_semaphore, #tpu.memory_space<semaphore_mem>>
      %dma_start3A_75 = arith.constant 0 : i32
      %dma_start3A_76 = tpu.memref_slice %arg10[%mul3A_2, %dma_start3A_75] : memref<10112x64xf32, #tpu.memory_space<vmem_shared>> -> memref<632x64xf32, #tpu.memory_space<vmem_shared>>
      %dma_start3A_77 = arith.constant 0 : i32
      %dma_start3A_78 = tpu.memref_slice %arg4[%mul3A_2, %dma_start3A_77] : memref<10112x64xf32, #tpu.memory_space<hbm>> -> memref<632x64xf32, #tpu.memory_space<hbm>>
      tpu.enqueue_dma source(%dma_start3A_78 : memref<632x64xf32, #tpu.memory_space<hbm>>) target(%dma_start3A_76 : memref<632x64xf32, #tpu.memory_space<vmem_shared>>) target_semaphore(%run_scoped3A : memref<!tpu.dma_semaphore, #tpu.memory_space<semaphore_mem>>)
      %dma_wait3A_79 = arith.constant 0 : i32
      %dma_wait3A_80 = tpu.memref_slice %arg10[%mul3A_2, %dma_wait3A_79] : memref<10112x64xf32, #tpu.memory_space<vmem_shared>> -> memref<632x64xf32, #tpu.memory_space<vmem_shared>>
      %dma_wait3A_81 = arith.constant 0 : i32
      %dma_wait3A_82 = tpu.memref_slice %arg4[%mul3A_2, %dma_wait3A_81] : memref<10112x64xf32, #tpu.memory_space<hbm>> -> memref<632x64xf32, #tpu.memory_space<hbm>>
      tpu.wait_dma2 semaphore(%run_scoped3A : memref<!tpu.dma_semaphore, #tpu.memory_space<semaphore_mem>>) src(%dma_wait3A_82 : memref<632x64xf32, #tpu.memory_space<hbm>>) dst(%dma_wait3A_80 : memref<632x64xf32, #tpu.memory_space<vmem_shared>>)
      tpu.yield
    }) : () -> ()
    %eq3A = arith.constant 0 : i32
    %eq3A_3 = arith.cmpi eq, %arg0, %eq3A : i32
    %convert_element_type3A = arith.extui %eq3A_3 : i1 to i32
    %cond3A = arith.constant 0 : i32
    %cond3A_4 = arith.cmpi ne, %convert_element_type3A, %cond3A : i32
    scf.if %cond3A_4 {
      "tpu.region"() ({
        %run_scoped3A = tpu.sem_alloc : memref<!tpu.dma_semaphore, #tpu.memory_space<semaphore_mem>>
        %dma_start3A_75 = arith.constant 0 : i32
        %dma_start3A_76 = tpu.memref_slice %arg9[%mul3A_2, %dma_start3A_75] : memref<10112x64xf32, #tpu.memory_space<vmem_shared>> -> memref<632x64xf32, #tpu.memory_space<vmem_shared>>
        %dma_start3A_77 = arith.constant 0 : i32
        %dma_start3A_78 = tpu.memref_slice %arg4[%mul3A_2, %dma_start3A_77] : memref<10112x64xf32, #tpu.memory_space<hbm>> -> memref<632x64xf32, #tpu.memory_space<hbm>>
        tpu.enqueue_dma source(%dma_start3A_78 : memref<632x64xf32, #tpu.memory_space<hbm>>) target(%dma_start3A_76 : memref<632x64xf32, #tpu.memory_space<vmem_shared>>) target_semaphore(%run_scoped3A : memref<!tpu.dma_semaphore, #tpu.memory_space<semaphore_mem>>)
        %dma_wait3A_79 = arith.constant 0 : i32
        %dma_wait3A_80 = tpu.memref_slice %arg9[%mul3A_2, %dma_wait3A_79] : memref<10112x64xf32, #tpu.memory_space<vmem_shared>> -> memref<632x64xf32, #tpu.memory_space<vmem_shared>>
        %dma_wait3A_81 = arith.constant 0 : i32
        %dma_wait3A_82 = tpu.memref_slice %arg4[%mul3A_2, %dma_wait3A_81] : memref<10112x64xf32, #tpu.memory_space<hbm>> -> memref<632x64xf32, #tpu.memory_space<hbm>>
        tpu.wait_dma2 semaphore(%run_scoped3A : memref<!tpu.dma_semaphore, #tpu.memory_space<semaphore_mem>>) src(%dma_wait3A_82 : memref<632x64xf32, #tpu.memory_space<hbm>>) dst(%dma_wait3A_80 : memref<632x64xf32, #tpu.memory_space<vmem_shared>>)
        tpu.yield
      }) : () -> ()
    } else {
    }
    %ne3A = arith.constant 0 : i32
    %ne3A_5 = arith.cmpi ne, %arg0, %ne3A : i32
    %convert_element_type3A_6 = arith.extui %ne3A_5 : i1 to i32
    %cond3A_7 = arith.constant 0 : i32
    %cond3A_8 = arith.cmpi ne, %convert_element_type3A_6, %cond3A_7 : i32
    scf.if %cond3A_8 {
      %broadcast_in_dim3A = arith.constant 0.000000e+00 : f32
      %broadcast_in_dim3A_75 = vector.broadcast %broadcast_in_dim3A : f32 to vector<16xf32>
      %scan3A_76 = arith.constant 0 : i32
      %scan3A_77 = arith.constant 0 : i32
      %scan3A_78 = arith.constant 100 : i32
      %scan3A_79 = arith.addi %scan3A_77, %scan3A_78 : i32
      %scan3A_80 = arith.constant 1 : i32
      scf.for %scan3A_90 = %scan3A_77 to %scan3A_79 step %scan3A_80  : i32 {
        %mul3A_91 = arith.constant 1 : i32
        %mul3A_92 = arith.muli %scan3A_90, %mul3A_91 : i32
        %add3A_93 = arith.constant 0 : i32
        %add3A_94 = arith.addi %add3A_93, %mul3A_92 : i32
        %swap3A = arith.constant 0 : i32
        %swap3A_95 = arith.constant 0 : i32
        %swap3A_96 = tpu.memref_slice %arg8[%scan3A_76, %swap3A, %swap3A_95] : memref<4x100x64xf32, #tpu.memory_space<vmem>> -> memref<1x100x64xf32, #tpu.memory_space<vmem>>
        %swap3A_97 = tpu.memref_squeeze %swap3A_96 : memref<1x100x64xf32, #tpu.memory_space<vmem>> -> memref<100x64xf32, #tpu.memory_space<vmem>>
        %swap3A_98 = arith.index_cast %add3A_94 : i32 to index
        %swap3A_99 = arith.constant 0 : index
        %swap3A_100 = tpu.vector_load %swap3A_97[%swap3A_98, %swap3A_99] {strides = array<i32>} : memref<100x64xf32, #tpu.memory_space<vmem>>, vector<1x16xf32>,
        %swap3A_101 = vector.shape_cast %swap3A_100 : vector<1x16xf32> to vector<16xf32>
        %swap3A_102 = vector.shape_cast %broadcast_in_dim3A_75 : vector<16xf32> to vector<1x16xf32>
        tpu.vector_store %swap3A_97[%swap3A_98, %swap3A_99], %swap3A_102 {strides = array<i32>} : memref<100x64xf32, #tpu.memory_space<vmem>>, vector<1x16xf32>,
        %swap3A_103 = arith.constant 0 : i32
        %swap3A_104 = arith.constant 0 : i32
        %swap3A_105 = tpu.memref_slice %arg8[%scan3A_76, %swap3A_103, %swap3A_104] : memref<4x100x64xf32, #tpu.memory_space<vmem>> -> memref<1x100x64xf32, #tpu.memory_space<vmem>>
        %swap3A_106 = tpu.memref_squeeze %swap3A_105 : memref<1x100x64xf32, #tpu.memory_space<vmem>> -> memref<100x64xf32, #tpu.memory_space<vmem>>
        %swap3A_107 = arith.index_cast %add3A_94 : i32 to index
        %swap3A_108 = arith.constant 16 : index
        %swap3A_109 = tpu.vector_load %swap3A_106[%swap3A_107, %swap3A_108] {strides = array<i32>} : memref<100x64xf32, #tpu.memory_space<vmem>>, vector<1x16xf32>,
        %swap3A_110 = vector.shape_cast %swap3A_109 : vector<1x16xf32> to vector<16xf32>
        %swap3A_111 = vector.shape_cast %broadcast_in_dim3A_75 : vector<16xf32> to vector<1x16xf32>
        tpu.vector_store %swap3A_106[%swap3A_107, %swap3A_108], %swap3A_111 {strides = array<i32>} : memref<100x64xf32, #tpu.memory_space<vmem>>, vector<1x16xf32>,
        %swap3A_112 = arith.constant 0 : i32
        %swap3A_113 = arith.constant 0 : i32
        %swap3A_114 = tpu.memref_slice %arg8[%scan3A_76, %swap3A_112, %swap3A_113] : memref<4x100x64xf32, #tpu.memory_space<vmem>> -> memref<1x100x64xf32, #tpu.memory_space<vmem>>
        %swap3A_115 = tpu.memref_squeeze %swap3A_114 : memref<1x100x64xf32, #tpu.memory_space<vmem>> -> memref<100x64xf32, #tpu.memory_space<vmem>>
        %swap3A_116 = arith.index_cast %add3A_94 : i32 to index
        %swap3A_117 = arith.constant 32 : index
        %swap3A_118 = tpu.vector_load %swap3A_115[%swap3A_116, %swap3A_117] {strides = array<i32>} : memref<100x64xf32, #tpu.memory_space<vmem>>, vector<1x16xf32>,
        %swap3A_119 = vector.shape_cast %swap3A_118 : vector<1x16xf32> to vector<16xf32>
        %swap3A_120 = vector.shape_cast %broadcast_in_dim3A_75 : vector<16xf32> to vector<1x16xf32>
        tpu.vector_store %swap3A_115[%swap3A_116, %swap3A_117], %swap3A_120 {strides = array<i32>} : memref<100x64xf32, #tpu.memory_space<vmem>>, vector<1x16xf32>,
        %swap3A_121 = arith.constant 0 : i32
        %swap3A_122 = arith.constant 0 : i32
        %swap3A_123 = tpu.memref_slice %arg8[%scan3A_76, %swap3A_121, %swap3A_122] : memref<4x100x64xf32, #tpu.memory_space<vmem>> -> memref<1x100x64xf32, #tpu.memory_space<vmem>>
        %swap3A_124 = tpu.memref_squeeze %swap3A_123 : memref<1x100x64xf32, #tpu.memory_space<vmem>> -> memref<100x64xf32, #tpu.memory_space<vmem>>
        %swap3A_125 = arith.index_cast %add3A_94 : i32 to index
        %swap3A_126 = arith.constant 48 : index
        %swap3A_127 = tpu.vector_load %swap3A_124[%swap3A_125, %swap3A_126] {strides = array<i32>} : memref<100x64xf32, #tpu.memory_space<vmem>>, vector<1x16xf32>,
        %swap3A_128 = vector.shape_cast %swap3A_127 : vector<1x16xf32> to vector<16xf32>
        %swap3A_129 = vector.shape_cast %broadcast_in_dim3A_75 : vector<16xf32> to vector<1x16xf32>
        tpu.vector_store %swap3A_124[%swap3A_125, %swap3A_126], %swap3A_129 {strides = array<i32>} : memref<100x64xf32, #tpu.memory_space<vmem>>, vector<1x16xf32>,
      }
      %scan3A_81 = arith.constant 100 : i32
      %scan3A_82 = arith.constant 0 : i32
      %scan3A_83 = arith.constant 0 : i32
      %scan3A_84 = arith.constant 6 : i32
      %scan3A_85 = arith.addi %scan3A_83, %scan3A_84 : i32
      %scan3A_86 = arith.constant 1 : i32
      scf.for %scan3A_90 = %scan3A_83 to %scan3A_85 step %scan3A_86  : i32 {
        %mul3A_91 = arith.constant 1 : i32
        %mul3A_92 = arith.muli %scan3A_90, %mul3A_91 : i32
        %add3A_93 = arith.constant 0 : i32
        %add3A_94 = arith.addi %add3A_93, %mul3A_92 : i32
        %mul3A_95 = arith.constant 100 : i32
        %mul3A_96 = arith.muli %add3A_94, %mul3A_95 : i32
        %add3A_97 = arith.addi %mul3A_2, %mul3A_96 : i32
        "tpu.region"() ({
          %run_scoped3A_98 = tpu.sem_alloc : memref<!tpu.dma_semaphore, #tpu.memory_space<semaphore_mem>>
          %dma_start3A_99 = arith.constant 0 : i32
          %dma_start3A_100 = arith.constant 0 : i32
          %dma_start3A_101 = tpu.memref_slice %arg8[%scan3A_82, %dma_start3A_99, %dma_start3A_100] : memref<4x100x64xf32, #tpu.memory_space<vmem>> -> memref<1x100x64xf32, #tpu.memory_space<vmem>>
          %dma_start3A_102 = tpu.memref_squeeze %dma_start3A_101 : memref<1x100x64xf32, #tpu.memory_space<vmem>> -> memref<100x64xf32, #tpu.memory_space<vmem>>
          %dma_start3A_103 = arith.constant 0 : i32
          %dma_start3A_104 = tpu.memref_slice %arg9[%add3A_97, %dma_start3A_103] : memref<10112x64xf32, #tpu.memory_space<vmem_shared>> -> memref<100x64xf32, #tpu.memory_space<vmem_shared>>
          %dma_start3A_105 = arith.constant 0 : i32
          %dma_start3A_106 = tpu.memref_slice %arg9[%add3A_97, %dma_start3A_105] : memref<10112x64xf32, #tpu.memory_space<vmem_shared>> -> memref<100x64xf32, #tpu.memory_space<vmem_shared>>
          %dma_start3A_107 = arith.constant 0 : i32
          %dma_start3A_108 = arith.constant 0 : i32
          %dma_start3A_109 = tpu.memref_slice %arg8[%scan3A_82, %dma_start3A_107, %dma_start3A_108] : memref<4x100x64xf32, #tpu.memory_space<vmem>> -> memref<1x100x64xf32, #tpu.memory_space<vmem>>
          %dma_start3A_110 = tpu.memref_squeeze %dma_start3A_109 : memref<1x100x64xf32, #tpu.memory_space<vmem>> -> memref<100x64xf32, #tpu.memory_space<vmem>>
          tpu.enqueue_dma source(%dma_start3A_110 : memref<100x64xf32, #tpu.memory_space<vmem>>) target(%dma_start3A_106 : memref<100x64xf32, #tpu.memory_space<vmem_shared>>) target_semaphore(%run_scoped3A_98 : memref<!tpu.dma_semaphore, #tpu.memory_space<semaphore_mem>>)
          %dma_wait3A_111 = arith.constant 0 : i32
          %dma_wait3A_112 = arith.constant 0 : i32
          %dma_wait3A_113 = tpu.memref_slice %arg8[%scan3A_82, %dma_wait3A_111, %dma_wait3A_112] : memref<4x100x64xf32, #tpu.memory_space<vmem>> -> memref<1x100x64xf32, #tpu.memory_space<vmem>>
          %dma_wait3A_114 = tpu.memref_squeeze %dma_wait3A_113 : memref<1x100x64xf32, #tpu.memory_space<vmem>> -> memref<100x64xf32, #tpu.memory_space<vmem>>
          %dma_wait3A_115 = arith.constant 0 : i32
          %dma_wait3A_116 = tpu.memref_slice %arg9[%add3A_97, %dma_wait3A_115] : memref<10112x64xf32, #tpu.memory_space<vmem_shared>> -> memref<100x64xf32, #tpu.memory_space<vmem_shared>>
          %dma_wait3A_117 = arith.constant 0 : i32
          %dma_wait3A_118 = tpu.memref_slice %arg9[%add3A_97, %dma_wait3A_117] : memref<10112x64xf32, #tpu.memory_space<vmem_shared>> -> memref<100x64xf32, #tpu.memory_space<vmem_shared>>
          %dma_wait3A_119 = arith.constant 0 : i32
          %dma_wait3A_120 = arith.constant 0 : i32
          %dma_wait3A_121 = tpu.memref_slice %arg8[%scan3A_82, %dma_wait3A_119, %dma_wait3A_120] : memref<4x100x64xf32, #tpu.memory_space<vmem>> -> memref<1x100x64xf32, #tpu.memory_space<vmem>>
          %dma_wait3A_122 = tpu.memref_squeeze %dma_wait3A_121 : memref<1x100x64xf32, #tpu.memory_space<vmem>> -> memref<100x64xf32, #tpu.memory_space<vmem>>
          tpu.wait_dma2 semaphore(%run_scoped3A_98 : memref<!tpu.dma_semaphore, #tpu.memory_space<semaphore_mem>>) src(%dma_wait3A_122 : memref<100x64xf32, #tpu.memory_space<vmem>>) dst(%dma_wait3A_118 : memref<100x64xf32, #tpu.memory_space<vmem_shared>>)
          tpu.yield
        }) : () -> ()
      }
      %scan3A_87 = arith.constant 6 : i32
      %add3A_88 = arith.constant 600 : i32
      %add3A_89 = arith.addi %mul3A_2, %add3A_88 : i32
      %run_scoped3A = arith.constant 0 : i32
      "tpu.region"() ({
        %run_scoped3A_90 = tpu.sem_alloc : memref<!tpu.dma_semaphore, #tpu.memory_space<semaphore_mem>>
        %dma_start3A_91 = arith.constant 0 : i32
        %dma_start3A_92 = arith.constant 0 : i32
        %dma_start3A_93 = tpu.memref_slice %arg8[%run_scoped3A, %dma_start3A_91, %dma_start3A_92] : memref<4x100x64xf32, #tpu.memory_space<vmem>> -> memref<1x100x64xf32, #tpu.memory_space<vmem>>
        %dma_start3A_94 = tpu.memref_squeeze %dma_start3A_93 : memref<1x100x64xf32, #tpu.memory_space<vmem>> -> memref<100x64xf32, #tpu.memory_space<vmem>>
        %dma_start3A_95 = arith.constant 0 : i32
        %dma_start3A_96 = arith.constant 0 : i32
        %dma_start3A_97 = tpu.memref_slice %dma_start3A_94[%dma_start3A_95, %dma_start3A_96] : memref<100x64xf32, #tpu.memory_space<vmem>> -> memref<32x64xf32, #tpu.memory_space<vmem>>
        %dma_start3A_98 = arith.constant 0 : i32
        %dma_start3A_99 = tpu.memref_slice %arg9[%add3A_89, %dma_start3A_98] : memref<10112x64xf32, #tpu.memory_space<vmem_shared>> -> memref<32x64xf32, #tpu.memory_space<vmem_shared>>
        %dma_start3A_100 = arith.constant 0 : i32
        %dma_start3A_101 = tpu.memref_slice %arg9[%add3A_89, %dma_start3A_100] : memref<10112x64xf32, #tpu.memory_space<vmem_shared>> -> memref<32x64xf32, #tpu.memory_space<vmem_shared>>
        %dma_start3A_102 = arith.constant 0 : i32
        %dma_start3A_103 = arith.constant 0 : i32
        %dma_start3A_104 = tpu.memref_slice %arg8[%run_scoped3A, %dma_start3A_102, %dma_start3A_103] : memref<4x100x64xf32, #tpu.memory_space<vmem>> -> memref<1x100x64xf32, #tpu.memory_space<vmem>>
        %dma_start3A_105 = tpu.memref_squeeze %dma_start3A_104 : memref<1x100x64xf32, #tpu.memory_space<vmem>> -> memref<100x64xf32, #tpu.memory_space<vmem>>
        %dma_start3A_106 = arith.constant 0 : i32
        %dma_start3A_107 = arith.constant 0 : i32
        %dma_start3A_108 = tpu.memref_slice %dma_start3A_105[%dma_start3A_106, %dma_start3A_107] : memref<100x64xf32, #tpu.memory_space<vmem>> -> memref<32x64xf32, #tpu.memory_space<vmem>>
        tpu.enqueue_dma source(%dma_start3A_108 : memref<32x64xf32, #tpu.memory_space<vmem>>) target(%dma_start3A_101 : memref<32x64xf32, #tpu.memory_space<vmem_shared>>) target_semaphore(%run_scoped3A_90 : memref<!tpu.dma_semaphore, #tpu.memory_space<semaphore_mem>>)
        %dma_wait3A_109 = arith.constant 0 : i32
        %dma_wait3A_110 = arith.constant 0 : i32
        %dma_wait3A_111 = tpu.memref_slice %arg8[%run_scoped3A, %dma_wait3A_109, %dma_wait3A_110] : memref<4x100x64xf32, #tpu.memory_space<vmem>> -> memref<1x100x64xf32, #tpu.memory_space<vmem>>
        %dma_wait3A_112 = tpu.memref_squeeze %dma_wait3A_111 : memref<1x100x64xf32, #tpu.memory_space<vmem>> -> memref<100x64xf32, #tpu.memory_space<vmem>>
        %dma_wait3A_113 = arith.constant 0 : i32
        %dma_wait3A_114 = arith.constant 0 : i32
        %dma_wait3A_115 = tpu.memref_slice %dma_wait3A_112[%dma_wait3A_113, %dma_wait3A_114] : memref<100x64xf32, #tpu.memory_space<vmem>> -> memref<32x64xf32, #tpu.memory_space<vmem>>
        %dma_wait3A_116 = arith.constant 0 : i32
        %dma_wait3A_117 = tpu.memref_slice %arg9[%add3A_89, %dma_wait3A_116] : memref<10112x64xf32, #tpu.memory_space<vmem_shared>> -> memref<32x64xf32, #tpu.memory_space<vmem_shared>>
        %dma_wait3A_118 = arith.constant 0 : i32
        %dma_wait3A_119 = tpu.memref_slice %arg9[%add3A_89, %dma_wait3A_118] : memref<10112x64xf32, #tpu.memory_space<vmem_shared>> -> memref<32x64xf32, #tpu.memory_space<vmem_shared>>
        %dma_wait3A_120 = arith.constant 0 : i32
        %dma_wait3A_121 = arith.constant 0 : i32
        %dma_wait3A_122 = tpu.memref_slice %arg8[%run_scoped3A, %dma_wait3A_120, %dma_wait3A_121] : memref<4x100x64xf32, #tpu.memory_space<vmem>> -> memref<1x100x64xf32, #tpu.memory_space<vmem>>
        %dma_wait3A_123 = tpu.memref_squeeze %dma_wait3A_122 : memref<1x100x64xf32, #tpu.memory_space<vmem>> -> memref<100x64xf32, #tpu.memory_space<vmem>>
        %dma_wait3A_124 = arith.constant 0 : i32
        %dma_wait3A_125 = arith.constant 0 : i32
        %dma_wait3A_126 = tpu.memref_slice %dma_wait3A_123[%dma_wait3A_124, %dma_wait3A_125] : memref<100x64xf32, #tpu.memory_space<vmem>> -> memref<32x64xf32, #tpu.memory_space<vmem>>
        tpu.wait_dma2 semaphore(%run_scoped3A_90 : memref<!tpu.dma_semaphore, #tpu.memory_space<semaphore_mem>>) src(%dma_wait3A_126 : memref<32x64xf32, #tpu.memory_space<vmem>>) dst(%dma_wait3A_119 : memref<32x64xf32, #tpu.memory_space<vmem_shared>>)
        tpu.yield
      }) : () -> ()
    } else {
    }
    %barrier3A = arith.constant 0 : index
    tpu.barrier barrier_id(%barrier3A)
    %dma_start3A = arith.constant 0 : i32
    %dma_start3A_9 = arith.constant 0 : i32
    %dma_start3A_10 = arith.constant 0 : i32
    %dma_start3A_11 = arith.constant 0 : i32
    %dma_start3A_12 = arith.constant 0 : i32
    %dma_start3A_13 = tpu.memref_slice %arg8[%dma_start3A_9, %dma_start3A_11, %dma_start3A_12] : memref<4x100x64xf32, #tpu.memory_space<vmem>> -> memref<1x100x64xf32, #tpu.memory_space<vmem>>
    %dma_start3A_14 = tpu.memref_squeeze %dma_start3A_13 : memref<1x100x64xf32, #tpu.memory_space<vmem>> -> memref<100x64xf32, #tpu.memory_space<vmem>>
    %dma_start3A_15 = arith.constant 0 : i32
    %dma_start3A_16 = tpu.memref_slice %arg6[%dma_start3A, %dma_start3A_15] : memref<100x100xi32, #tpu.memory_space<vmem>> -> memref<1x100xi32, #tpu.memory_space<vmem>>
    %dma_start3A_17 = tpu.memref_squeeze %dma_start3A_16 : memref<1x100xi32, #tpu.memory_space<vmem>> -> memref<100xi32, #tpu.memory_space<vmem>>
    %dma_start3A_18 = arith.constant 0 : i32
    %dma_start3A_19 = arith.constant 0 : i32
    %dma_start3A_20 = tpu.memref_slice %arg10[%dma_start3A_18, %dma_start3A_19] : memref<10112x64xf32, #tpu.memory_space<vmem_shared>> -> memref<10112x64xf32, #tpu.memory_space<vmem_shared>>
    %dma_start3A_21 = tpu.memref_slice %arg11[%dma_start3A_10] : memref<4x!tpu.dma_semaphore, #tpu.memory_space<semaphore_mem>> -> memref<1x!tpu.dma_semaphore, #tpu.memory_space<semaphore_mem>>
    %dma_start3A_22 = tpu.memref_squeeze %dma_start3A_21 : memref<1x!tpu.dma_semaphore, #tpu.memory_space<semaphore_mem>> -> memref<!tpu.dma_semaphore, #tpu.memory_space<semaphore_mem>>
    tpu.enqueue_indirect_dma source(%dma_start3A_20 : memref<10112x64xf32, #tpu.memory_space<vmem_shared>>) target(%dma_start3A_14 : memref<100x64xf32, #tpu.memory_space<vmem>>) offsets(%dma_start3A_17 : memref<100xi32, #tpu.memory_space<vmem>>) semaphore(%dma_start3A_22 : memref<!tpu.dma_semaphore, #tpu.memory_space<semaphore_mem>>)
    %dma_start3A_23 = arith.constant 1 : i32
    %dma_start3A_24 = arith.constant 1 : i32
    %dma_start3A_25 = arith.constant 1 : i32
    %dma_start3A_26 = arith.constant 0 : i32
    %dma_start3A_27 = arith.constant 0 : i32
    %dma_start3A_28 = tpu.memref_slice %arg8[%dma_start3A_24, %dma_start3A_26, %dma_start3A_27] : memref<4x100x64xf32, #tpu.memory_space<vmem>> -> memref<1x100x64xf32, #tpu.memory_space<vmem>>
    %dma_start3A_29 = tpu.memref_squeeze %dma_start3A_28 : memref<1x100x64xf32, #tpu.memory_space<vmem>> -> memref<100x64xf32, #tpu.memory_space<vmem>>
    %dma_start3A_30 = arith.constant 0 : i32
    %dma_start3A_31 = tpu.memref_slice %arg6[%dma_start3A_23, %dma_start3A_30] : memref<100x100xi32, #tpu.memory_space<vmem>> -> memref<1x100xi32, #tpu.memory_space<vmem>>
    %dma_start3A_32 = tpu.memref_squeeze %dma_start3A_31 : memref<1x100xi32, #tpu.memory_space<vmem>> -> memref<100xi32, #tpu.memory_space<vmem>>
    %dma_start3A_33 = arith.constant 0 : i32
    %dma_start3A_34 = arith.constant 0 : i32
    %dma_start3A_35 = tpu.memref_slice %arg10[%dma_start3A_33, %dma_start3A_34] : memref<10112x64xf32, #tpu.memory_space<vmem_shared>> -> memref<10112x64xf32, #tpu.memory_space<vmem_shared>>
    %dma_start3A_36 = tpu.memref_slice %arg11[%dma_start3A_25] : memref<4x!tpu.dma_semaphore, #tpu.memory_space<semaphore_mem>> -> memref<1x!tpu.dma_semaphore, #tpu.memory_space<semaphore_mem>>
    %dma_start3A_37 = tpu.memref_squeeze %dma_start3A_36 : memref<1x!tpu.dma_semaphore, #tpu.memory_space<semaphore_mem>> -> memref<!tpu.dma_semaphore, #tpu.memory_space<semaphore_mem>>
    tpu.enqueue_indirect_dma source(%dma_start3A_35 : memref<10112x64xf32, #tpu.memory_space<vmem_shared>>) target(%dma_start3A_29 : memref<100x64xf32, #tpu.memory_space<vmem>>) offsets(%dma_start3A_32 : memref<100xi32, #tpu.memory_space<vmem>>) semaphore(%dma_start3A_37 : memref<!tpu.dma_semaphore, #tpu.memory_space<semaphore_mem>>)
    %scan3A = arith.constant 0 : i32
    %scan3A_38 = arith.constant 25 : i32
    %scan3A_39 = arith.addi %scan3A, %scan3A_38 : i32
    %scan3A_40 = arith.constant 1 : i32
    scf.for %scan3A_75 = %scan3A to %scan3A_39 step %scan3A_40  : i32 {
      %mul3A_76 = arith.constant 4 : i32
      %mul3A_77 = arith.muli %scan3A_75, %mul3A_76 : i32
      %add3A_78 = arith.constant 0 : i32
      %add3A_79 = arith.addi %add3A_78, %mul3A_77 : i32
      %add3A_80 = arith.constant 0 : i32
      %add3A_81 = arith.addi %add3A_79, %add3A_80 : i32
      %dma_wait3A_82 = arith.constant 0 : i32
      %dma_wait3A_83 = arith.constant 0 : i32
      %dma_wait3A_84 = arith.constant 0 : i32
      %dma_wait3A_85 = arith.constant 0 : i32
      %dma_wait3A_86 = tpu.memref_slice %arg8[%dma_wait3A_82, %dma_wait3A_84, %dma_wait3A_85] : memref<4x100x64xf32, #tpu.memory_space<vmem>> -> memref<1x100x64xf32, #tpu.memory_space<vmem>>
      %dma_wait3A_87 = tpu.memref_squeeze %dma_wait3A_86 : memref<1x100x64xf32, #tpu.memory_space<vmem>> -> memref<100x64xf32, #tpu.memory_space<vmem>>
      %dma_wait3A_88 = arith.constant 0 : i32
      %dma_wait3A_89 = tpu.memref_slice %arg6[%add3A_81, %dma_wait3A_88] : memref<100x100xi32, #tpu.memory_space<vmem>> -> memref<1x100xi32, #tpu.memory_space<vmem>>
      %dma_wait3A_90 = tpu.memref_squeeze %dma_wait3A_89 : memref<1x100xi32, #tpu.memory_space<vmem>> -> memref<100xi32, #tpu.memory_space<vmem>>
      %dma_wait3A_91 = arith.constant 0 : i32
      %dma_wait3A_92 = arith.constant 0 : i32
      %dma_wait3A_93 = tpu.memref_slice %arg10[%dma_wait3A_91, %dma_wait3A_92] : memref<10112x64xf32, #tpu.memory_space<vmem_shared>> -> memref<10112x64xf32, #tpu.memory_space<vmem_shared>>
      %dma_wait3A_94 = tpu.memref_slice %arg11[%dma_wait3A_83] : memref<4x!tpu.dma_semaphore, #tpu.memory_space<semaphore_mem>> -> memref<1x!tpu.dma_semaphore, #tpu.memory_space<semaphore_mem>>
      %dma_wait3A_95 = tpu.memref_squeeze %dma_wait3A_94 : memref<1x!tpu.dma_semaphore, #tpu.memory_space<semaphore_mem>> -> memref<!tpu.dma_semaphore, #tpu.memory_space<semaphore_mem>>
      tpu.wait_indirect_dma semaphore(%dma_wait3A_95 : memref<!tpu.dma_semaphore, #tpu.memory_space<semaphore_mem>>) src(%dma_wait3A_93 : memref<10112x64xf32, #tpu.memory_space<vmem_shared>>) dst(%dma_wait3A_87 : memref<100x64xf32, #tpu.memory_space<vmem>>)
      %dma_start3A_96 = arith.constant 0 : i32
      %dma_start3A_97 = arith.constant 0 : i32
      %dma_start3A_98 = arith.constant 0 : i32
      %dma_start3A_99 = arith.constant 0 : i32
      %dma_start3A_100 = tpu.memref_slice %arg8[%dma_start3A_96, %dma_start3A_98, %dma_start3A_99] : memref<4x100x64xf32, #tpu.memory_space<vmem>> -> memref<1x100x64xf32, #tpu.memory_space<vmem>>
      %dma_start3A_101 = tpu.memref_squeeze %dma_start3A_100 : memref<1x100x64xf32, #tpu.memory_space<vmem>> -> memref<100x64xf32, #tpu.memory_space<vmem>>
      %dma_start3A_102 = arith.constant 0 : i32
      %dma_start3A_103 = tpu.memref_slice %arg7[%add3A_81, %dma_start3A_102] : memref<100x100xi32, #tpu.memory_space<vmem>> -> memref<1x100xi32, #tpu.memory_space<vmem>>
      %dma_start3A_104 = tpu.memref_squeeze %dma_start3A_103 : memref<1x100xi32, #tpu.memory_space<vmem>> -> memref<100xi32, #tpu.memory_space<vmem>>
      %dma_start3A_105 = arith.constant 0 : i32
      %dma_start3A_106 = arith.constant 0 : i32
      %dma_start3A_107 = tpu.memref_slice %arg9[%dma_start3A_105, %dma_start3A_106] : memref<10112x64xf32, #tpu.memory_space<vmem_shared>> -> memref<10112x64xf32, #tpu.memory_space<vmem_shared>>
      %dma_start3A_108 = tpu.memref_slice %arg12[%dma_start3A_97] : memref<4x!tpu.dma_semaphore, #tpu.memory_space<semaphore_mem>> -> memref<1x!tpu.dma_semaphore, #tpu.memory_space<semaphore_mem>>
      %dma_start3A_109 = tpu.memref_squeeze %dma_start3A_108 : memref<1x!tpu.dma_semaphore, #tpu.memory_space<semaphore_mem>> -> memref<!tpu.dma_semaphore, #tpu.memory_space<semaphore_mem>>
      tpu.enqueue_indirect_dma source(%dma_start3A_101 : memref<100x64xf32, #tpu.memory_space<vmem>>) target(%dma_start3A_107 : memref<10112x64xf32, #tpu.memory_space<vmem_shared>>) offsets(%dma_start3A_104 : memref<100xi32, #tpu.memory_space<vmem>>) semaphore(%dma_start3A_109 : memref<!tpu.dma_semaphore, #tpu.memory_space<semaphore_mem>>) {add = true}
      %sub3A = arith.constant 2 : i32
      %sub3A_110 = arith.subi %add3A_81, %sub3A : i32
      %ge3A = arith.constant 0 : i32
      %ge3A_111 = arith.cmpi sge, %sub3A_110, %ge3A : i32
      %convert_element_type3A_112 = arith.extui %ge3A_111 : i1 to i32
      %cond3A_113 = arith.constant 0 : i32
      %cond3A_114 = arith.cmpi ne, %convert_element_type3A_112, %cond3A_113 : i32
      scf.if %cond3A_114 {
        %sub3A_253 = arith.constant 2 : i32
        %sub3A_254 = arith.subi %add3A_81, %sub3A_253 : i32
        %dma_wait3A_255 = arith.constant 2 : i32
        %dma_wait3A_256 = arith.constant 2 : i32
        %dma_wait3A_257 = arith.constant 0 : i32
        %dma_wait3A_258 = arith.constant 0 : i32
        %dma_wait3A_259 = tpu.memref_slice %arg8[%dma_wait3A_255, %dma_wait3A_257, %dma_wait3A_258] : memref<4x100x64xf32, #tpu.memory_space<vmem>> -> memref<1x100x64xf32, #tpu.memory_space<vmem>>
        %dma_wait3A_260 = tpu.memref_squeeze %dma_wait3A_259 : memref<1x100x64xf32, #tpu.memory_space<vmem>> -> memref<100x64xf32, #tpu.memory_space<vmem>>
        %dma_wait3A_261 = arith.constant 0 : i32
        %dma_wait3A_262 = tpu.memref_slice %arg7[%sub3A_254, %dma_wait3A_261] : memref<100x100xi32, #tpu.memory_space<vmem>> -> memref<1x100xi32, #tpu.memory_space<vmem>>
        %dma_wait3A_263 = tpu.memref_squeeze %dma_wait3A_262 : memref<1x100xi32, #tpu.memory_space<vmem>> -> memref<100xi32, #tpu.memory_space<vmem>>
        %dma_wait3A_264 = arith.constant 0 : i32
        %dma_wait3A_265 = arith.constant 0 : i32
        %dma_wait3A_266 = tpu.memref_slice %arg9[%dma_wait3A_264, %dma_wait3A_265] : memref<10112x64xf32, #tpu.memory_space<vmem_shared>> -> memref<10112x64xf32, #tpu.memory_space<vmem_shared>>
        %dma_wait3A_267 = tpu.memref_slice %arg12[%dma_wait3A_256] : memref<4x!tpu.dma_semaphore, #tpu.memory_space<semaphore_mem>> -> memref<1x!tpu.dma_semaphore, #tpu.memory_space<semaphore_mem>>
        %dma_wait3A_268 = tpu.memref_squeeze %dma_wait3A_267 : memref<1x!tpu.dma_semaphore, #tpu.memory_space<semaphore_mem>> -> memref<!tpu.dma_semaphore, #tpu.memory_space<semaphore_mem>>
        tpu.wait_indirect_dma semaphore(%dma_wait3A_268 : memref<!tpu.dma_semaphore, #tpu.memory_space<semaphore_mem>>) src(%dma_wait3A_260 : memref<100x64xf32, #tpu.memory_space<vmem>>) dst(%dma_wait3A_266 : memref<10112x64xf32, #tpu.memory_space<vmem_shared>>)
      } else {
      }
      %add3A_115 = arith.constant 2 : i32
      %add3A_116 = arith.addi %add3A_81, %add3A_115 : i32
      %lt3A = arith.constant 100 : i32
      %lt3A_117 = arith.cmpi slt, %add3A_116, %lt3A : i32
      %convert_element_type3A_118 = arith.extui %lt3A_117 : i1 to i32
      %cond3A_119 = arith.constant 0 : i32
      %cond3A_120 = arith.cmpi ne, %convert_element_type3A_118, %cond3A_119 : i32
      scf.if %cond3A_120 {
        %add3A_253 = arith.constant 2 : i32
        %add3A_254 = arith.addi %add3A_81, %add3A_253 : i32
        %dma_start3A_255 = arith.constant 2 : i32
        %dma_start3A_256 = arith.constant 2 : i32
        %dma_start3A_257 = arith.constant 0 : i32
        %dma_start3A_258 = arith.constant 0 : i32
        %dma_start3A_259 = tpu.memref_slice %arg8[%dma_start3A_255, %dma_start3A_257, %dma_start3A_258] : memref<4x100x64xf32, #tpu.memory_space<vmem>> -> memref<1x100x64xf32, #tpu.memory_space<vmem>>
        %dma_start3A_260 = tpu.memref_squeeze %dma_start3A_259 : memref<1x100x64xf32, #tpu.memory_space<vmem>> -> memref<100x64xf32, #tpu.memory_space<vmem>>
        %dma_start3A_261 = arith.constant 0 : i32
        %dma_start3A_262 = tpu.memref_slice %arg6[%add3A_254, %dma_start3A_261] : memref<100x100xi32, #tpu.memory_space<vmem>> -> memref<1x100xi32, #tpu.memory_space<vmem>>
        %dma_start3A_263 = tpu.memref_squeeze %dma_start3A_262 : memref<1x100xi32, #tpu.memory_space<vmem>> -> memref<100xi32, #tpu.memory_space<vmem>>
        %dma_start3A_264 = arith.constant 0 : i32
        %dma_start3A_265 = arith.constant 0 : i32
        %dma_start3A_266 = tpu.memref_slice %arg10[%dma_start3A_264, %dma_start3A_265] : memref<10112x64xf32, #tpu.memory_space<vmem_shared>> -> memref<10112x64xf32, #tpu.memory_space<vmem_shared>>
        %dma_start3A_267 = tpu.memref_slice %arg11[%dma_start3A_256] : memref<4x!tpu.dma_semaphore, #tpu.memory_space<semaphore_mem>> -> memref<1x!tpu.dma_semaphore, #tpu.memory_space<semaphore_mem>>
        %dma_start3A_268 = tpu.memref_squeeze %dma_start3A_267 : memref<1x!tpu.dma_semaphore, #tpu.memory_space<semaphore_mem>> -> memref<!tpu.dma_semaphore, #tpu.memory_space<semaphore_mem>>
        tpu.enqueue_indirect_dma source(%dma_start3A_266 : memref<10112x64xf32, #tpu.memory_space<vmem_shared>>) target(%dma_start3A_260 : memref<100x64xf32, #tpu.memory_space<vmem>>) offsets(%dma_start3A_263 : memref<100xi32, #tpu.memory_space<vmem>>) semaphore(%dma_start3A_268 : memref<!tpu.dma_semaphore, #tpu.memory_space<semaphore_mem>>)
      } else {
      }
      %add3A_121 = arith.constant 1 : i32
      %add3A_122 = arith.addi %add3A_79, %add3A_121 : i32
      %dma_wait3A_123 = arith.constant 1 : i32
      %dma_wait3A_124 = arith.constant 1 : i32
      %dma_wait3A_125 = arith.constant 0 : i32
      %dma_wait3A_126 = arith.constant 0 : i32
      %dma_wait3A_127 = tpu.memref_slice %arg8[%dma_wait3A_123, %dma_wait3A_125, %dma_wait3A_126] : memref<4x100x64xf32, #tpu.memory_space<vmem>> -> memref<1x100x64xf32, #tpu.memory_space<vmem>>
      %dma_wait3A_128 = tpu.memref_squeeze %dma_wait3A_127 : memref<1x100x64xf32, #tpu.memory_space<vmem>> -> memref<100x64xf32, #tpu.memory_space<vmem>>
      %dma_wait3A_129 = arith.constant 0 : i32
      %dma_wait3A_130 = tpu.memref_slice %arg6[%add3A_122, %dma_wait3A_129] : memref<100x100xi32, #tpu.memory_space<vmem>> -> memref<1x100xi32, #tpu.memory_space<vmem>>
      %dma_wait3A_131 = tpu.memref_squeeze %dma_wait3A_130 : memref<1x100xi32, #tpu.memory_space<vmem>> -> memref<100xi32, #tpu.memory_space<vmem>>
      %dma_wait3A_132 = arith.constant 0 : i32
      %dma_wait3A_133 = arith.constant 0 : i32
      %dma_wait3A_134 = tpu.memref_slice %arg10[%dma_wait3A_132, %dma_wait3A_133] : memref<10112x64xf32, #tpu.memory_space<vmem_shared>> -> memref<10112x64xf32, #tpu.memory_space<vmem_shared>>
      %dma_wait3A_135 = tpu.memref_slice %arg11[%dma_wait3A_124] : memref<4x!tpu.dma_semaphore, #tpu.memory_space<semaphore_mem>> -> memref<1x!tpu.dma_semaphore, #tpu.memory_space<semaphore_mem>>
      %dma_wait3A_136 = tpu.memref_squeeze %dma_wait3A_135 : memref<1x!tpu.dma_semaphore, #tpu.memory_space<semaphore_mem>> -> memref<!tpu.dma_semaphore, #tpu.memory_space<semaphore_mem>>
      tpu.wait_indirect_dma semaphore(%dma_wait3A_136 : memref<!tpu.dma_semaphore, #tpu.memory_space<semaphore_mem>>) src(%dma_wait3A_134 : memref<10112x64xf32, #tpu.memory_space<vmem_shared>>) dst(%dma_wait3A_128 : memref<100x64xf32, #tpu.memory_space<vmem>>)
      %dma_start3A_137 = arith.constant 1 : i32
      %dma_start3A_138 = arith.constant 1 : i32
      %dma_start3A_139 = arith.constant 0 : i32
      %dma_start3A_140 = arith.constant 0 : i32
      %dma_start3A_141 = tpu.memref_slice %arg8[%dma_start3A_137, %dma_start3A_139, %dma_start3A_140] : memref<4x100x64xf32, #tpu.memory_space<vmem>> -> memref<1x100x64xf32, #tpu.memory_space<vmem>>
      %dma_start3A_142 = tpu.memref_squeeze %dma_start3A_141 : memref<1x100x64xf32, #tpu.memory_space<vmem>> -> memref<100x64xf32, #tpu.memory_space<vmem>>
      %dma_start3A_143 = arith.constant 0 : i32
      %dma_start3A_144 = tpu.memref_slice %arg7[%add3A_122, %dma_start3A_143] : memref<100x100xi32, #tpu.memory_space<vmem>> -> memref<1x100xi32, #tpu.memory_space<vmem>>
      %dma_start3A_145 = tpu.memref_squeeze %dma_start3A_144 : memref<1x100xi32, #tpu.memory_space<vmem>> -> memref<100xi32, #tpu.memory_space<vmem>>
      %dma_start3A_146 = arith.constant 0 : i32
      %dma_start3A_147 = arith.constant 0 : i32
      %dma_start3A_148 = tpu.memref_slice %arg9[%dma_start3A_146, %dma_start3A_147] : memref<10112x64xf32, #tpu.memory_space<vmem_shared>> -> memref<10112x64xf32, #tpu.memory_space<vmem_shared>>
      %dma_start3A_149 = tpu.memref_slice %arg12[%dma_start3A_138] : memref<4x!tpu.dma_semaphore, #tpu.memory_space<semaphore_mem>> -> memref<1x!tpu.dma_semaphore, #tpu.memory_space<semaphore_mem>>
      %dma_start3A_150 = tpu.memref_squeeze %dma_start3A_149 : memref<1x!tpu.dma_semaphore, #tpu.memory_space<semaphore_mem>> -> memref<!tpu.dma_semaphore, #tpu.memory_space<semaphore_mem>>
      tpu.enqueue_indirect_dma source(%dma_start3A_142 : memref<100x64xf32, #tpu.memory_space<vmem>>) target(%dma_start3A_148 : memref<10112x64xf32, #tpu.memory_space<vmem_shared>>) offsets(%dma_start3A_145 : memref<100xi32, #tpu.memory_space<vmem>>) semaphore(%dma_start3A_150 : memref<!tpu.dma_semaphore, #tpu.memory_space<semaphore_mem>>) {add = true}
      %sub3A_151 = arith.constant 2 : i32
      %sub3A_152 = arith.subi %add3A_122, %sub3A_151 : i32
      %ge3A_153 = arith.constant 0 : i32
      %ge3A_154 = arith.cmpi sge, %sub3A_152, %ge3A_153 : i32
      %convert_element_type3A_155 = arith.extui %ge3A_154 : i1 to i32
      %cond3A_156 = arith.constant 0 : i32
      %cond3A_157 = arith.cmpi ne, %convert_element_type3A_155, %cond3A_156 : i32
      scf.if %cond3A_157 {
        %sub3A_253 = arith.constant 2 : i32
        %sub3A_254 = arith.subi %add3A_122, %sub3A_253 : i32
        %dma_wait3A_255 = arith.constant 3 : i32
        %dma_wait3A_256 = arith.constant 3 : i32
        %dma_wait3A_257 = arith.constant 0 : i32
        %dma_wait3A_258 = arith.constant 0 : i32
        %dma_wait3A_259 = tpu.memref_slice %arg8[%dma_wait3A_255, %dma_wait3A_257, %dma_wait3A_258] : memref<4x100x64xf32, #tpu.memory_space<vmem>> -> memref<1x100x64xf32, #tpu.memory_space<vmem>>
        %dma_wait3A_260 = tpu.memref_squeeze %dma_wait3A_259 : memref<1x100x64xf32, #tpu.memory_space<vmem>> -> memref<100x64xf32, #tpu.memory_space<vmem>>
        %dma_wait3A_261 = arith.constant 0 : i32
        %dma_wait3A_262 = tpu.memref_slice %arg7[%sub3A_254, %dma_wait3A_261] : memref<100x100xi32, #tpu.memory_space<vmem>> -> memref<1x100xi32, #tpu.memory_space<vmem>>
        %dma_wait3A_263 = tpu.memref_squeeze %dma_wait3A_262 : memref<1x100xi32, #tpu.memory_space<vmem>> -> memref<100xi32, #tpu.memory_space<vmem>>
        %dma_wait3A_264 = arith.constant 0 : i32
        %dma_wait3A_265 = arith.constant 0 : i32
        %dma_wait3A_266 = tpu.memref_slice %arg9[%dma_wait3A_264, %dma_wait3A_265] : memref<10112x64xf32, #tpu.memory_space<vmem_shared>> -> memref<10112x64xf32, #tpu.memory_space<vmem_shared>>
        %dma_wait3A_267 = tpu.memref_slice %arg12[%dma_wait3A_256] : memref<4x!tpu.dma_semaphore, #tpu.memory_space<semaphore_mem>> -> memref<1x!tpu.dma_semaphore, #tpu.memory_space<semaphore_mem>>
        %dma_wait3A_268 = tpu.memref_squeeze %dma_wait3A_267 : memref<1x!tpu.dma_semaphore, #tpu.memory_space<semaphore_mem>> -> memref<!tpu.dma_semaphore, #tpu.memory_space<semaphore_mem>>
        tpu.wait_indirect_dma semaphore(%dma_wait3A_268 : memref<!tpu.dma_semaphore, #tpu.memory_space<semaphore_mem>>) src(%dma_wait3A_260 : memref<100x64xf32, #tpu.memory_space<vmem>>) dst(%dma_wait3A_266 : memref<10112x64xf32, #tpu.memory_space<vmem_shared>>)
      } else {
      }
      %add3A_158 = arith.constant 2 : i32
      %add3A_159 = arith.addi %add3A_122, %add3A_158 : i32
      %lt3A_160 = arith.constant 100 : i32
      %lt3A_161 = arith.cmpi slt, %add3A_159, %lt3A_160 : i32
      %convert_element_type3A_162 = arith.extui %lt3A_161 : i1 to i32
      %cond3A_163 = arith.constant 0 : i32
      %cond3A_164 = arith.cmpi ne, %convert_element_type3A_162, %cond3A_163 : i32
      scf.if %cond3A_164 {
        %add3A_253 = arith.constant 2 : i32
        %add3A_254 = arith.addi %add3A_122, %add3A_253 : i32
        %dma_start3A_255 = arith.constant 3 : i32
        %dma_start3A_256 = arith.constant 3 : i32
        %dma_start3A_257 = arith.constant 0 : i32
        %dma_start3A_258 = arith.constant 0 : i32
        %dma_start3A_259 = tpu.memref_slice %arg8[%dma_start3A_255, %dma_start3A_257, %dma_start3A_258] : memref<4x100x64xf32, #tpu.memory_space<vmem>> -> memref<1x100x64xf32, #tpu.memory_space<vmem>>
        %dma_start3A_260 = tpu.memref_squeeze %dma_start3A_259 : memref<1x100x64xf32, #tpu.memory_space<vmem>> -> memref<100x64xf32, #tpu.memory_space<vmem>>
        %dma_start3A_261 = arith.constant 0 : i32
        %dma_start3A_262 = tpu.memref_slice %arg6[%add3A_254, %dma_start3A_261] : memref<100x100xi32, #tpu.memory_space<vmem>> -> memref<1x100xi32, #tpu.memory_space<vmem>>
        %dma_start3A_263 = tpu.memref_squeeze %dma_start3A_262 : memref<1x100xi32, #tpu.memory_space<vmem>> -> memref<100xi32, #tpu.memory_space<vmem>>
        %dma_start3A_264 = arith.constant 0 : i32
        %dma_start3A_265 = arith.constant 0 : i32
        %dma_start3A_266 = tpu.memref_slice %arg10[%dma_start3A_264, %dma_start3A_265] : memref<10112x64xf32, #tpu.memory_space<vmem_shared>> -> memref<10112x64xf32, #tpu.memory_space<vmem_shared>>
        %dma_start3A_267 = tpu.memref_slice %arg11[%dma_start3A_256] : memref<4x!tpu.dma_semaphore, #tpu.memory_space<semaphore_mem>> -> memref<1x!tpu.dma_semaphore, #tpu.memory_space<semaphore_mem>>
        %dma_start3A_268 = tpu.memref_squeeze %dma_start3A_267 : memref<1x!tpu.dma_semaphore, #tpu.memory_space<semaphore_mem>> -> memref<!tpu.dma_semaphore, #tpu.memory_space<semaphore_mem>>
        tpu.enqueue_indirect_dma source(%dma_start3A_266 : memref<10112x64xf32, #tpu.memory_space<vmem_shared>>) target(%dma_start3A_260 : memref<100x64xf32, #tpu.memory_space<vmem>>) offsets(%dma_start3A_263 : memref<100xi32, #tpu.memory_space<vmem>>) semaphore(%dma_start3A_268 : memref<!tpu.dma_semaphore, #tpu.memory_space<semaphore_mem>>)
      } else {
      }
      %add3A_165 = arith.constant 2 : i32
      %add3A_166 = arith.addi %add3A_79, %add3A_165 : i32
      %dma_wait3A_167 = arith.constant 2 : i32
      %dma_wait3A_168 = arith.constant 2 : i32
      %dma_wait3A_169 = arith.constant 0 : i32
      %dma_wait3A_170 = arith.constant 0 : i32
      %dma_wait3A_171 = tpu.memref_slice %arg8[%dma_wait3A_167, %dma_wait3A_169, %dma_wait3A_170] : memref<4x100x64xf32, #tpu.memory_space<vmem>> -> memref<1x100x64xf32, #tpu.memory_space<vmem>>
      %dma_wait3A_172 = tpu.memref_squeeze %dma_wait3A_171 : memref<1x100x64xf32, #tpu.memory_space<vmem>> -> memref<100x64xf32, #tpu.memory_space<vmem>>
      %dma_wait3A_173 = arith.constant 0 : i32
      %dma_wait3A_174 = tpu.memref_slice %arg6[%add3A_166, %dma_wait3A_173] : memref<100x100xi32, #tpu.memory_space<vmem>> -> memref<1x100xi32, #tpu.memory_space<vmem>>
      %dma_wait3A_175 = tpu.memref_squeeze %dma_wait3A_174 : memref<1x100xi32, #tpu.memory_space<vmem>> -> memref<100xi32, #tpu.memory_space<vmem>>
      %dma_wait3A_176 = arith.constant 0 : i32
      %dma_wait3A_177 = arith.constant 0 : i32
      %dma_wait3A_178 = tpu.memref_slice %arg10[%dma_wait3A_176, %dma_wait3A_177] : memref<10112x64xf32, #tpu.memory_space<vmem_shared>> -> memref<10112x64xf32, #tpu.memory_space<vmem_shared>>
      %dma_wait3A_179 = tpu.memref_slice %arg11[%dma_wait3A_168] : memref<4x!tpu.dma_semaphore, #tpu.memory_space<semaphore_mem>> -> memref<1x!tpu.dma_semaphore, #tpu.memory_space<semaphore_mem>>
      %dma_wait3A_180 = tpu.memref_squeeze %dma_wait3A_179 : memref<1x!tpu.dma_semaphore, #tpu.memory_space<semaphore_mem>> -> memref<!tpu.dma_semaphore, #tpu.memory_space<semaphore_mem>>
      tpu.wait_indirect_dma semaphore(%dma_wait3A_180 : memref<!tpu.dma_semaphore, #tpu.memory_space<semaphore_mem>>) src(%dma_wait3A_178 : memref<10112x64xf32, #tpu.memory_space<vmem_shared>>) dst(%dma_wait3A_172 : memref<100x64xf32, #tpu.memory_space<vmem>>)
      %dma_start3A_181 = arith.constant 2 : i32
      %dma_start3A_182 = arith.constant 2 : i32
      %dma_start3A_183 = arith.constant 0 : i32
      %dma_start3A_184 = arith.constant 0 : i32
      %dma_start3A_185 = tpu.memref_slice %arg8[%dma_start3A_181, %dma_start3A_183, %dma_start3A_184] : memref<4x100x64xf32, #tpu.memory_space<vmem>> -> memref<1x100x64xf32, #tpu.memory_space<vmem>>
      %dma_start3A_186 = tpu.memref_squeeze %dma_start3A_185 : memref<1x100x64xf32, #tpu.memory_space<vmem>> -> memref<100x64xf32, #tpu.memory_space<vmem>>
      %dma_start3A_187 = arith.constant 0 : i32
      %dma_start3A_188 = tpu.memref_slice %arg7[%add3A_166, %dma_start3A_187] : memref<100x100xi32, #tpu.memory_space<vmem>> -> memref<1x100xi32, #tpu.memory_space<vmem>>
      %dma_start3A_189 = tpu.memref_squeeze %dma_start3A_188 : memref<1x100xi32, #tpu.memory_space<vmem>> -> memref<100xi32, #tpu.memory_space<vmem>>
      %dma_start3A_190 = arith.constant 0 : i32
      %dma_start3A_191 = arith.constant 0 : i32
      %dma_start3A_192 = tpu.memref_slice %arg9[%dma_start3A_190, %dma_start3A_191] : memref<10112x64xf32, #tpu.memory_space<vmem_shared>> -> memref<10112x64xf32, #tpu.memory_space<vmem_shared>>
      %dma_start3A_193 = tpu.memref_slice %arg12[%dma_start3A_182] : memref<4x!tpu.dma_semaphore, #tpu.memory_space<semaphore_mem>> -> memref<1x!tpu.dma_semaphore, #tpu.memory_space<semaphore_mem>>
      %dma_start3A_194 = tpu.memref_squeeze %dma_start3A_193 : memref<1x!tpu.dma_semaphore, #tpu.memory_space<semaphore_mem>> -> memref<!tpu.dma_semaphore, #tpu.memory_space<semaphore_mem>>
      tpu.enqueue_indirect_dma source(%dma_start3A_186 : memref<100x64xf32, #tpu.memory_space<vmem>>) target(%dma_start3A_192 : memref<10112x64xf32, #tpu.memory_space<vmem_shared>>) offsets(%dma_start3A_189 : memref<100xi32, #tpu.memory_space<vmem>>) semaphore(%dma_start3A_194 : memref<!tpu.dma_semaphore, #tpu.memory_space<semaphore_mem>>) {add = true}
      %sub3A_195 = arith.constant 2 : i32
      %sub3A_196 = arith.subi %add3A_166, %sub3A_195 : i32
      %ge3A_197 = arith.constant 0 : i32
      %ge3A_198 = arith.cmpi sge, %sub3A_196, %ge3A_197 : i32
      %convert_element_type3A_199 = arith.extui %ge3A_198 : i1 to i32
      %cond3A_200 = arith.constant 0 : i32
      %cond3A_201 = arith.cmpi ne, %convert_element_type3A_199, %cond3A_200 : i32
      scf.if %cond3A_201 {
        %sub3A_253 = arith.constant 2 : i32
        %sub3A_254 = arith.subi %add3A_166, %sub3A_253 : i32
        %dma_wait3A_255 = arith.constant 0 : i32
        %dma_wait3A_256 = arith.constant 0 : i32
        %dma_wait3A_257 = arith.constant 0 : i32
        %dma_wait3A_258 = arith.constant 0 : i32
        %dma_wait3A_259 = tpu.memref_slice %arg8[%dma_wait3A_255, %dma_wait3A_257, %dma_wait3A_258] : memref<4x100x64xf32, #tpu.memory_space<vmem>> -> memref<1x100x64xf32, #tpu.memory_space<vmem>>
        %dma_wait3A_260 = tpu.memref_squeeze %dma_wait3A_259 : memref<1x100x64xf32, #tpu.memory_space<vmem>> -> memref<100x64xf32, #tpu.memory_space<vmem>>
        %dma_wait3A_261 = arith.constant 0 : i32
        %dma_wait3A_262 = tpu.memref_slice %arg7[%sub3A_254, %dma_wait3A_261] : memref<100x100xi32, #tpu.memory_space<vmem>> -> memref<1x100xi32, #tpu.memory_space<vmem>>
        %dma_wait3A_263 = tpu.memref_squeeze %dma_wait3A_262 : memref<1x100xi32, #tpu.memory_space<vmem>> -> memref<100xi32, #tpu.memory_space<vmem>>
        %dma_wait3A_264 = arith.constant 0 : i32
        %dma_wait3A_265 = arith.constant 0 : i32
        %dma_wait3A_266 = tpu.memref_slice %arg9[%dma_wait3A_264, %dma_wait3A_265] : memref<10112x64xf32, #tpu.memory_space<vmem_shared>> -> memref<10112x64xf32, #tpu.memory_space<vmem_shared>>
        %dma_wait3A_267 = tpu.memref_slice %arg12[%dma_wait3A_256] : memref<4x!tpu.dma_semaphore, #tpu.memory_space<semaphore_mem>> -> memref<1x!tpu.dma_semaphore, #tpu.memory_space<semaphore_mem>>
        %dma_wait3A_268 = tpu.memref_squeeze %dma_wait3A_267 : memref<1x!tpu.dma_semaphore, #tpu.memory_space<semaphore_mem>> -> memref<!tpu.dma_semaphore, #tpu.memory_space<semaphore_mem>>
        tpu.wait_indirect_dma semaphore(%dma_wait3A_268 : memref<!tpu.dma_semaphore, #tpu.memory_space<semaphore_mem>>) src(%dma_wait3A_260 : memref<100x64xf32, #tpu.memory_space<vmem>>) dst(%dma_wait3A_266 : memref<10112x64xf32, #tpu.memory_space<vmem_shared>>)
      } else {
      }
      %add3A_202 = arith.constant 2 : i32
      %add3A_203 = arith.addi %add3A_166, %add3A_202 : i32
      %lt3A_204 = arith.constant 100 : i32
      %lt3A_205 = arith.cmpi slt, %add3A_203, %lt3A_204 : i32
      %convert_element_type3A_206 = arith.extui %lt3A_205 : i1 to i32
      %cond3A_207 = arith.constant 0 : i32
      %cond3A_208 = arith.cmpi ne, %convert_element_type3A_206, %cond3A_207 : i32
      scf.if %cond3A_208 {
        %add3A_253 = arith.constant 2 : i32
        %add3A_254 = arith.addi %add3A_166, %add3A_253 : i32
        %dma_start3A_255 = arith.constant 0 : i32
        %dma_start3A_256 = arith.constant 0 : i32
        %dma_start3A_257 = arith.constant 0 : i32
        %dma_start3A_258 = arith.constant 0 : i32
        %dma_start3A_259 = tpu.memref_slice %arg8[%dma_start3A_255, %dma_start3A_257, %dma_start3A_258] : memref<4x100x64xf32, #tpu.memory_space<vmem>> -> memref<1x100x64xf32, #tpu.memory_space<vmem>>
        %dma_start3A_260 = tpu.memref_squeeze %dma_start3A_259 : memref<1x100x64xf32, #tpu.memory_space<vmem>> -> memref<100x64xf32, #tpu.memory_space<vmem>>
        %dma_start3A_261 = arith.constant 0 : i32
        %dma_start3A_262 = tpu.memref_slice %arg6[%add3A_254, %dma_start3A_261] : memref<100x100xi32, #tpu.memory_space<vmem>> -> memref<1x100xi32, #tpu.memory_space<vmem>>
        %dma_start3A_263 = tpu.memref_squeeze %dma_start3A_262 : memref<1x100xi32, #tpu.memory_space<vmem>> -> memref<100xi32, #tpu.memory_space<vmem>>
        %dma_start3A_264 = arith.constant 0 : i32
        %dma_start3A_265 = arith.constant 0 : i32
        %dma_start3A_266 = tpu.memref_slice %arg10[%dma_start3A_264, %dma_start3A_265] : memref<10112x64xf32, #tpu.memory_space<vmem_shared>> -> memref<10112x64xf32, #tpu.memory_space<vmem_shared>>
        %dma_start3A_267 = tpu.memref_slice %arg11[%dma_start3A_256] : memref<4x!tpu.dma_semaphore, #tpu.memory_space<semaphore_mem>> -> memref<1x!tpu.dma_semaphore, #tpu.memory_space<semaphore_mem>>
        %dma_start3A_268 = tpu.memref_squeeze %dma_start3A_267 : memref<1x!tpu.dma_semaphore, #tpu.memory_space<semaphore_mem>> -> memref<!tpu.dma_semaphore, #tpu.memory_space<semaphore_mem>>
        tpu.enqueue_indirect_dma source(%dma_start3A_266 : memref<10112x64xf32, #tpu.memory_space<vmem_shared>>) target(%dma_start3A_260 : memref<100x64xf32, #tpu.memory_space<vmem>>) offsets(%dma_start3A_263 : memref<100xi32, #tpu.memory_space<vmem>>) semaphore(%dma_start3A_268 : memref<!tpu.dma_semaphore, #tpu.memory_space<semaphore_mem>>)
      } else {
      }
      %add3A_209 = arith.constant 3 : i32
      %add3A_210 = arith.addi %add3A_79, %add3A_209 : i32
      %dma_wait3A_211 = arith.constant 3 : i32
      %dma_wait3A_212 = arith.constant 3 : i32
      %dma_wait3A_213 = arith.constant 0 : i32
      %dma_wait3A_214 = arith.constant 0 : i32
      %dma_wait3A_215 = tpu.memref_slice %arg8[%dma_wait3A_211, %dma_wait3A_213, %dma_wait3A_214] : memref<4x100x64xf32, #tpu.memory_space<vmem>> -> memref<1x100x64xf32, #tpu.memory_space<vmem>>
      %dma_wait3A_216 = tpu.memref_squeeze %dma_wait3A_215 : memref<1x100x64xf32, #tpu.memory_space<vmem>> -> memref<100x64xf32, #tpu.memory_space<vmem>>
      %dma_wait3A_217 = arith.constant 0 : i32
      %dma_wait3A_218 = tpu.memref_slice %arg6[%add3A_210, %dma_wait3A_217] : memref<100x100xi32, #tpu.memory_space<vmem>> -> memref<1x100xi32, #tpu.memory_space<vmem>>
      %dma_wait3A_219 = tpu.memref_squeeze %dma_wait3A_218 : memref<1x100xi32, #tpu.memory_space<vmem>> -> memref<100xi32, #tpu.memory_space<vmem>>
      %dma_wait3A_220 = arith.constant 0 : i32
      %dma_wait3A_221 = arith.constant 0 : i32
      %dma_wait3A_222 = tpu.memref_slice %arg10[%dma_wait3A_220, %dma_wait3A_221] : memref<10112x64xf32, #tpu.memory_space<vmem_shared>> -> memref<10112x64xf32, #tpu.memory_space<vmem_shared>>
      %dma_wait3A_223 = tpu.memref_slice %arg11[%dma_wait3A_212] : memref<4x!tpu.dma_semaphore, #tpu.memory_space<semaphore_mem>> -> memref<1x!tpu.dma_semaphore, #tpu.memory_space<semaphore_mem>>
      %dma_wait3A_224 = tpu.memref_squeeze %dma_wait3A_223 : memref<1x!tpu.dma_semaphore, #tpu.memory_space<semaphore_mem>> -> memref<!tpu.dma_semaphore, #tpu.memory_space<semaphore_mem>>
      tpu.wait_indirect_dma semaphore(%dma_wait3A_224 : memref<!tpu.dma_semaphore, #tpu.memory_space<semaphore_mem>>) src(%dma_wait3A_222 : memref<10112x64xf32, #tpu.memory_space<vmem_shared>>) dst(%dma_wait3A_216 : memref<100x64xf32, #tpu.memory_space<vmem>>)
      %dma_start3A_225 = arith.constant 3 : i32
      %dma_start3A_226 = arith.constant 3 : i32
      %dma_start3A_227 = arith.constant 0 : i32
      %dma_start3A_228 = arith.constant 0 : i32
      %dma_start3A_229 = tpu.memref_slice %arg8[%dma_start3A_225, %dma_start3A_227, %dma_start3A_228] : memref<4x100x64xf32, #tpu.memory_space<vmem>> -> memref<1x100x64xf32, #tpu.memory_space<vmem>>
      %dma_start3A_230 = tpu.memref_squeeze %dma_start3A_229 : memref<1x100x64xf32, #tpu.memory_space<vmem>> -> memref<100x64xf32, #tpu.memory_space<vmem>>
      %dma_start3A_231 = arith.constant 0 : i32
      %dma_start3A_232 = tpu.memref_slice %arg7[%add3A_210, %dma_start3A_231] : memref<100x100xi32, #tpu.memory_space<vmem>> -> memref<1x100xi32, #tpu.memory_space<vmem>>
      %dma_start3A_233 = tpu.memref_squeeze %dma_start3A_232 : memref<1x100xi32, #tpu.memory_space<vmem>> -> memref<100xi32, #tpu.memory_space<vmem>>
      %dma_start3A_234 = arith.constant 0 : i32
      %dma_start3A_235 = arith.constant 0 : i32
      %dma_start3A_236 = tpu.memref_slice %arg9[%dma_start3A_234, %dma_start3A_235] : memref<10112x64xf32, #tpu.memory_space<vmem_shared>> -> memref<10112x64xf32, #tpu.memory_space<vmem_shared>>
      %dma_start3A_237 = tpu.memref_slice %arg12[%dma_start3A_226] : memref<4x!tpu.dma_semaphore, #tpu.memory_space<semaphore_mem>> -> memref<1x!tpu.dma_semaphore, #tpu.memory_space<semaphore_mem>>
      %dma_start3A_238 = tpu.memref_squeeze %dma_start3A_237 : memref<1x!tpu.dma_semaphore, #tpu.memory_space<semaphore_mem>> -> memref<!tpu.dma_semaphore, #tpu.memory_space<semaphore_mem>>
      tpu.enqueue_indirect_dma source(%dma_start3A_230 : memref<100x64xf32, #tpu.memory_space<vmem>>) target(%dma_start3A_236 : memref<10112x64xf32, #tpu.memory_space<vmem_shared>>) offsets(%dma_start3A_233 : memref<100xi32, #tpu.memory_space<vmem>>) semaphore(%dma_start3A_238 : memref<!tpu.dma_semaphore, #tpu.memory_space<semaphore_mem>>) {add = true}
      %sub3A_239 = arith.constant 2 : i32
      %sub3A_240 = arith.subi %add3A_210, %sub3A_239 : i32
      %ge3A_241 = arith.constant 0 : i32
      %ge3A_242 = arith.cmpi sge, %sub3A_240, %ge3A_241 : i32
      %convert_element_type3A_243 = arith.extui %ge3A_242 : i1 to i32
      %cond3A_244 = arith.constant 0 : i32
      %cond3A_245 = arith.cmpi ne, %convert_element_type3A_243, %cond3A_244 : i32
      scf.if %cond3A_245 {
        %sub3A_253 = arith.constant 2 : i32
        %sub3A_254 = arith.subi %add3A_210, %sub3A_253 : i32
        %dma_wait3A_255 = arith.constant 1 : i32
        %dma_wait3A_256 = arith.constant 1 : i32
        %dma_wait3A_257 = arith.constant 0 : i32
        %dma_wait3A_258 = arith.constant 0 : i32
        %dma_wait3A_259 = tpu.memref_slice %arg8[%dma_wait3A_255, %dma_wait3A_257, %dma_wait3A_258] : memref<4x100x64xf32, #tpu.memory_space<vmem>> -> memref<1x100x64xf32, #tpu.memory_space<vmem>>
        %dma_wait3A_260 = tpu.memref_squeeze %dma_wait3A_259 : memref<1x100x64xf32, #tpu.memory_space<vmem>> -> memref<100x64xf32, #tpu.memory_space<vmem>>
        %dma_wait3A_261 = arith.constant 0 : i32
        %dma_wait3A_262 = tpu.memref_slice %arg7[%sub3A_254, %dma_wait3A_261] : memref<100x100xi32, #tpu.memory_space<vmem>> -> memref<1x100xi32, #tpu.memory_space<vmem>>
        %dma_wait3A_263 = tpu.memref_squeeze %dma_wait3A_262 : memref<1x100xi32, #tpu.memory_space<vmem>> -> memref<100xi32, #tpu.memory_space<vmem>>
        %dma_wait3A_264 = arith.constant 0 : i32
        %dma_wait3A_265 = arith.constant 0 : i32
        %dma_wait3A_266 = tpu.memref_slice %arg9[%dma_wait3A_264, %dma_wait3A_265] : memref<10112x64xf32, #tpu.memory_space<vmem_shared>> -> memref<10112x64xf32, #tpu.memory_space<vmem_shared>>
        %dma_wait3A_267 = tpu.memref_slice %arg12[%dma_wait3A_256] : memref<4x!tpu.dma_semaphore, #tpu.memory_space<semaphore_mem>> -> memref<1x!tpu.dma_semaphore, #tpu.memory_space<semaphore_mem>>
        %dma_wait3A_268 = tpu.memref_squeeze %dma_wait3A_267 : memref<1x!tpu.dma_semaphore, #tpu.memory_space<semaphore_mem>> -> memref<!tpu.dma_semaphore, #tpu.memory_space<semaphore_mem>>
        tpu.wait_indirect_dma semaphore(%dma_wait3A_268 : memref<!tpu.dma_semaphore, #tpu.memory_space<semaphore_mem>>) src(%dma_wait3A_260 : memref<100x64xf32, #tpu.memory_space<vmem>>) dst(%dma_wait3A_266 : memref<10112x64xf32, #tpu.memory_space<vmem_shared>>)
      } else {
      }
      %add3A_246 = arith.constant 2 : i32
      %add3A_247 = arith.addi %add3A_210, %add3A_246 : i32
      %lt3A_248 = arith.constant 100 : i32
      %lt3A_249 = arith.cmpi slt, %add3A_247, %lt3A_248 : i32
      %convert_element_type3A_250 = arith.extui %lt3A_249 : i1 to i32
      %cond3A_251 = arith.constant 0 : i32
      %cond3A_252 = arith.cmpi ne, %convert_element_type3A_250, %cond3A_251 : i32
      scf.if %cond3A_252 {
        %add3A_253 = arith.constant 2 : i32
        %add3A_254 = arith.addi %add3A_210, %add3A_253 : i32
        %dma_start3A_255 = arith.constant 1 : i32
        %dma_start3A_256 = arith.constant 1 : i32
        %dma_start3A_257 = arith.constant 0 : i32
        %dma_start3A_258 = arith.constant 0 : i32
        %dma_start3A_259 = tpu.memref_slice %arg8[%dma_start3A_255, %dma_start3A_257, %dma_start3A_258] : memref<4x100x64xf32, #tpu.memory_space<vmem>> -> memref<1x100x64xf32, #tpu.memory_space<vmem>>
        %dma_start3A_260 = tpu.memref_squeeze %dma_start3A_259 : memref<1x100x64xf32, #tpu.memory_space<vmem>> -> memref<100x64xf32, #tpu.memory_space<vmem>>
        %dma_start3A_261 = arith.constant 0 : i32
        %dma_start3A_262 = tpu.memref_slice %arg6[%add3A_254, %dma_start3A_261] : memref<100x100xi32, #tpu.memory_space<vmem>> -> memref<1x100xi32, #tpu.memory_space<vmem>>
        %dma_start3A_263 = tpu.memref_squeeze %dma_start3A_262 : memref<1x100xi32, #tpu.memory_space<vmem>> -> memref<100xi32, #tpu.memory_space<vmem>>
        %dma_start3A_264 = arith.constant 0 : i32
        %dma_start3A_265 = arith.constant 0 : i32
        %dma_start3A_266 = tpu.memref_slice %arg10[%dma_start3A_264, %dma_start3A_265] : memref<10112x64xf32, #tpu.memory_space<vmem_shared>> -> memref<10112x64xf32, #tpu.memory_space<vmem_shared>>
        %dma_start3A_267 = tpu.memref_slice %arg11[%dma_start3A_256] : memref<4x!tpu.dma_semaphore, #tpu.memory_space<semaphore_mem>> -> memref<1x!tpu.dma_semaphore, #tpu.memory_space<semaphore_mem>>
        %dma_start3A_268 = tpu.memref_squeeze %dma_start3A_267 : memref<1x!tpu.dma_semaphore, #tpu.memory_space<semaphore_mem>> -> memref<!tpu.dma_semaphore, #tpu.memory_space<semaphore_mem>>
        tpu.enqueue_indirect_dma source(%dma_start3A_266 : memref<10112x64xf32, #tpu.memory_space<vmem_shared>>) target(%dma_start3A_260 : memref<100x64xf32, #tpu.memory_space<vmem>>) offsets(%dma_start3A_263 : memref<100xi32, #tpu.memory_space<vmem>>) semaphore(%dma_start3A_268 : memref<!tpu.dma_semaphore, #tpu.memory_space<semaphore_mem>>)
      } else {
      }
    }
    %scan3A_41 = arith.constant 25 : i32
    %dma_wait3A = arith.constant 2 : i32
    %dma_wait3A_42 = arith.constant 98 : i32
    %dma_wait3A_43 = arith.constant 2 : i32
    %dma_wait3A_44 = arith.constant 0 : i32
    %dma_wait3A_45 = arith.constant 0 : i32
    %dma_wait3A_46 = tpu.memref_slice %arg8[%dma_wait3A, %dma_wait3A_44, %dma_wait3A_45] : memref<4x100x64xf32, #tpu.memory_space<vmem>> -> memref<1x100x64xf32, #tpu.memory_space<vmem>>
    %dma_wait3A_47 = tpu.memref_squeeze %dma_wait3A_46 : memref<1x100x64xf32, #tpu.memory_space<vmem>> -> memref<100x64xf32, #tpu.memory_space<vmem>>
    %dma_wait3A_48 = arith.constant 0 : i32
    %dma_wait3A_49 = tpu.memref_slice %arg7[%dma_wait3A_42, %dma_wait3A_48] : memref<100x100xi32, #tpu.memory_space<vmem>> -> memref<1x100xi32, #tpu.memory_space<vmem>>
    %dma_wait3A_50 = tpu.memref_squeeze %dma_wait3A_49 : memref<1x100xi32, #tpu.memory_space<vmem>> -> memref<100xi32, #tpu.memory_space<vmem>>
    %dma_wait3A_51 = arith.constant 0 : i32
    %dma_wait3A_52 = arith.constant 0 : i32
    %dma_wait3A_53 = tpu.memref_slice %arg9[%dma_wait3A_51, %dma_wait3A_52] : memref<10112x64xf32, #tpu.memory_space<vmem_shared>> -> memref<10112x64xf32, #tpu.memory_space<vmem_shared>>
    %dma_wait3A_54 = tpu.memref_slice %arg12[%dma_wait3A_43] : memref<4x!tpu.dma_semaphore, #tpu.memory_space<semaphore_mem>> -> memref<1x!tpu.dma_semaphore, #tpu.memory_space<semaphore_mem>>
    %dma_wait3A_55 = tpu.memref_squeeze %dma_wait3A_54 : memref<1x!tpu.dma_semaphore, #tpu.memory_space<semaphore_mem>> -> memref<!tpu.dma_semaphore, #tpu.memory_space<semaphore_mem>>
    tpu.wait_indirect_dma semaphore(%dma_wait3A_55 : memref<!tpu.dma_semaphore, #tpu.memory_space<semaphore_mem>>) src(%dma_wait3A_47 : memref<100x64xf32, #tpu.memory_space<vmem>>) dst(%dma_wait3A_53 : memref<10112x64xf32, #tpu.memory_space<vmem_shared>>)
    %dma_wait3A_56 = arith.constant 3 : i32
    %dma_wait3A_57 = arith.constant 99 : i32
    %dma_wait3A_58 = arith.constant 3 : i32
    %dma_wait3A_59 = arith.constant 0 : i32
    %dma_wait3A_60 = arith.constant 0 : i32
    %dma_wait3A_61 = tpu.memref_slice %arg8[%dma_wait3A_56, %dma_wait3A_59, %dma_wait3A_60] : memref<4x100x64xf32, #tpu.memory_space<vmem>> -> memref<1x100x64xf32, #tpu.memory_space<vmem>>
    %dma_wait3A_62 = tpu.memref_squeeze %dma_wait3A_61 : memref<1x100x64xf32, #tpu.memory_space<vmem>> -> memref<100x64xf32, #tpu.memory_space<vmem>>
    %dma_wait3A_63 = arith.constant 0 : i32
    %dma_wait3A_64 = tpu.memref_slice %arg7[%dma_wait3A_57, %dma_wait3A_63] : memref<100x100xi32, #tpu.memory_space<vmem>> -> memref<1x100xi32, #tpu.memory_space<vmem>>
    %dma_wait3A_65 = tpu.memref_squeeze %dma_wait3A_64 : memref<1x100xi32, #tpu.memory_space<vmem>> -> memref<100xi32, #tpu.memory_space<vmem>>
    %dma_wait3A_66 = arith.constant 0 : i32
    %dma_wait3A_67 = arith.constant 0 : i32
    %dma_wait3A_68 = tpu.memref_slice %arg9[%dma_wait3A_66, %dma_wait3A_67] : memref<10112x64xf32, #tpu.memory_space<vmem_shared>> -> memref<10112x64xf32, #tpu.memory_space<vmem_shared>>
    %dma_wait3A_69 = tpu.memref_slice %arg12[%dma_wait3A_58] : memref<4x!tpu.dma_semaphore, #tpu.memory_space<semaphore_mem>> -> memref<1x!tpu.dma_semaphore, #tpu.memory_space<semaphore_mem>>
    %dma_wait3A_70 = tpu.memref_squeeze %dma_wait3A_69 : memref<1x!tpu.dma_semaphore, #tpu.memory_space<semaphore_mem>> -> memref<!tpu.dma_semaphore, #tpu.memory_space<semaphore_mem>>
    tpu.wait_indirect_dma semaphore(%dma_wait3A_70 : memref<!tpu.dma_semaphore, #tpu.memory_space<semaphore_mem>>) src(%dma_wait3A_62 : memref<100x64xf32, #tpu.memory_space<vmem>>) dst(%dma_wait3A_68 : memref<10112x64xf32, #tpu.memory_space<vmem_shared>>)
    %barrier3A_71 = arith.constant 0 : index
    tpu.barrier barrier_id(%barrier3A_71)
    %mul3A_72 = arith.constant 10112 : i32
    %mul3A_73 = arith.muli %arg0, %mul3A_72 : i32
    %add3A_74 = arith.addi %mul3A_73, %mul3A_2 : i32
    "tpu.region"() ({
      %run_scoped3A = tpu.sem_alloc : memref<!tpu.dma_semaphore, #tpu.memory_space<semaphore_mem>>
      %dma_start3A_75 = arith.constant 0 : i32
      %dma_start3A_76 = tpu.memref_slice %arg5[%add3A_74, %dma_start3A_75] : memref<20224x64xf32, #tpu.memory_space<hbm>> -> memref<632x64xf32, #tpu.memory_space<hbm>>
      %dma_start3A_77 = arith.constant 0 : i32
      %dma_start3A_78 = tpu.memref_slice %arg9[%mul3A_2, %dma_start3A_77] : memref<10112x64xf32, #tpu.memory_space<vmem_shared>> -> memref<632x64xf32, #tpu.memory_space<vmem_shared>>
      tpu.enqueue_dma source(%dma_start3A_78 : memref<632x64xf32, #tpu.memory_space<vmem_shared>>) target(%dma_start3A_76 : memref<632x64xf32, #tpu.memory_space<hbm>>) target_semaphore(%run_scoped3A : memref<!tpu.dma_semaphore, #tpu.memory_space<semaphore_mem>>)
      %dma_wait3A_79 = arith.constant 0 : i32
      %dma_wait3A_80 = tpu.memref_slice %arg5[%add3A_74, %dma_wait3A_79] : memref<20224x64xf32, #tpu.memory_space<hbm>> -> memref<632x64xf32, #tpu.memory_space<hbm>>
      %dma_wait3A_81 = arith.constant 0 : i32
      %dma_wait3A_82 = tpu.memref_slice %arg9[%mul3A_2, %dma_wait3A_81] : memref<10112x64xf32, #tpu.memory_space<vmem_shared>> -> memref<632x64xf32, #tpu.memory_space<vmem_shared>>
      tpu.wait_dma2 semaphore(%run_scoped3A : memref<!tpu.dma_semaphore, #tpu.memory_space<semaphore_mem>>) src(%dma_wait3A_82 : memref<632x64xf32, #tpu.memory_space<vmem_shared>>) dst(%dma_wait3A_80 : memref<632x64xf32, #tpu.memory_space<hbm>>)
      tpu.yield
    }) : () -> ()
    return
  }
}

module attributes {stable_mosaic.version = 14 : i64} {
  func.func @_tc_in_body(%arg0: i32, %arg1: memref<5000x128xf32, #tpu.memory_space<vmem>>, %arg2: memref<128x64xf32, #tpu.memory_space<vmem>>, %arg3: memref<2x5000x16xf32, #tpu.memory_space<vmem>>, %arg4: memref<5000x64xf32, #tpu.memory_space<vmem>>, %arg5: memref<5000x16xf32, #tpu.memory_space<vmem>>) attributes {dimension_semantics = [#tpu.dimension_semantics<arbitrary>], iteration_bounds = array<i64: 2>, scalar_prefetch = 0 : i64, scratch_operands = 0 : i64, tpu.core_type = #tpu.core_type<tc>, window_params = [{transform_indices = @transform_0, window_bounds = array<i64: 5000, 128>}, {pipeline_mode = #tpu.pipeline_mode<synchronous>, transform_indices = @transform_1, window_bounds = array<i64: 128, 64>}, {transform_indices = @transform_2, window_bounds = array<i64: 2, 5000, 16>}, {transform_indices = @transform_3, window_bounds = array<i64: 5000, 64>}, {transform_indices = @transform_4, window_bounds = array<i64: 5000, 16>}]} {
    %get3A = arith.constant 0 : index
    %get3A_0 = arith.constant 0 : index
    %get3A_1 = arith.constant 0 : index
    %get3A_2 = vector.load %arg3[%get3A, %get3A_0, %get3A_1] : memref<2x5000x16xf32, #tpu.memory_space<vmem>>, vector<1x5000x1xf32>
    %get3A_3 = vector.shape_cast %get3A_2 : vector<1x5000x1xf32> to vector<5000x1xf32>
    %get3A_4 = arith.constant 1 : index
    %get3A_5 = arith.constant 0 : index
    %get3A_6 = arith.constant 0 : index
    %get3A_7 = vector.load %arg3[%get3A_4, %get3A_5, %get3A_6] : memref<2x5000x16xf32, #tpu.memory_space<vmem>>, vector<1x5000x1xf32>
    %get3A_8 = vector.shape_cast %get3A_7 : vector<1x5000x1xf32> to vector<5000x1xf32>
    %add3A = arith.addf %get3A_3, %get3A_8 : vector<5000x1xf32>
    %add3A_9 = arith.constant 1.000000e+00 : f32
    %add3A_10 = vector.broadcast %add3A_9 : f32 to vector<5000x1xf32>
    %add3A_11 = arith.addf %add3A, %add3A_10 : vector<5000x1xf32>
    %rsqrt3A = math.rsqrt %add3A_11 : vector<5000x1xf32>
    %get3A_12 = arith.constant 0 : index
    %get3A_13 = arith.constant 0 : index
    %get3A_14 = vector.load %arg1[%get3A_12, %get3A_13] : memref<5000x128xf32, #tpu.memory_space<vmem>>, vector<5000x128xf32>
    %get3A_15 = arith.constant 0 : index
    %get3A_16 = arith.constant 0 : index
    %get3A_17 = vector.load %arg2[%get3A_15, %get3A_16] : memref<128x64xf32, #tpu.memory_space<vmem>>, vector<128x64xf32>
    %dot_general3A = arith.constant dense<0.000000e+00> : vector<5000x64xf32>
    %dot_general3A_18 = tpu.matmul %get3A_14, %get3A_17, %dot_general3A {dimension_numbers = #tpu.dot_dimension_numbers<[1], [0], [0], [1], [0, 0, 1, 1], [], []>, transpose_lhs_hint = false} : vector<5000x128xf32>, vector<128x64xf32>, vector<5000x64xf32> -> vector<5000x64xf32>
    %mul3A = vector.broadcast %rsqrt3A : vector<5000x1xf32> to vector<5000x64xf32>
    %mul3A_19 = arith.mulf %dot_general3A_18, %mul3A : vector<5000x64xf32>
    %swap3A = arith.constant 0 : index
    %swap3A_20 = arith.constant 0 : index
    %swap3A_21 = vector.load %arg4[%swap3A, %swap3A_20] : memref<5000x64xf32, #tpu.memory_space<vmem>>, vector<5000x64xf32>
    tpu.vector_store %arg4[%swap3A, %swap3A_20], %mul3A_19 {strides = array<i32>} : memref<5000x64xf32, #tpu.memory_space<vmem>>, vector<5000x64xf32>,
    %broadcast_in_dim3A = vector.shape_cast %rsqrt3A : vector<5000x1xf32> to vector<5000x1xf32>
    %broadcast_in_dim3A_22 = vector.broadcast %broadcast_in_dim3A : vector<5000x1xf32> to vector<5000x16xf32>
    %swap3A_23 = arith.constant 0 : index
    %swap3A_24 = arith.constant 0 : index
    %swap3A_25 = vector.load %arg5[%swap3A_23, %swap3A_24] : memref<5000x16xf32, #tpu.memory_space<vmem>>, vector<5000x16xf32>
    tpu.vector_store %arg5[%swap3A_23, %swap3A_24], %broadcast_in_dim3A_22 {strides = array<i32>} : memref<5000x16xf32, #tpu.memory_space<vmem>>, vector<5000x16xf32>,
    return
  }
  func.func @transform_0(%arg0: i32) -> (i32, i32) {
    %c0_i32 = arith.constant 0 : i32
    %c0_i32_0 = arith.constant 0 : i32
    return %arg0, %c0_i32 : i32, i32
  }
  func.func @transform_1(%arg0: i32) -> (i32, i32) {
    %c0_i32 = arith.constant 0 : i32
    %c0_i32_0 = arith.constant 0 : i32
    %c0_i32_1 = arith.constant 0 : i32
    return %c0_i32, %c0_i32_0 : i32, i32
  }
  func.func @transform_2(%arg0: i32) -> (i32, i32, i32) {
    %c0_i32 = arith.constant 0 : i32
    %c0_i32_0 = arith.constant 0 : i32
    %c0_i32_1 = arith.constant 0 : i32
    return %c0_i32, %arg0, %c0_i32_0 : i32, i32, i32
  }
  func.func @transform_3(%arg0: i32) -> (i32, i32) {
    %c0_i32 = arith.constant 0 : i32
    %c0_i32_0 = arith.constant 0 : i32
    return %arg0, %c0_i32 : i32, i32
  }
  func.func @transform_4(%arg0: i32) -> (i32, i32) {
    %c0_i32 = arith.constant 0 : i32
    %c0_i32_0 = arith.constant 0 : i32
    return %arg0, %c0_i32 : i32, i32
  }
}

module attributes {stable_mosaic.version = 14 : i64} {
  func.func @_tc_mid_body(%arg0: i32, %arg1: memref<2x5056x64xf32, #tpu.memory_space<vmem>>, %arg2: memref<5056x16xf32, #tpu.memory_space<vmem>>, %arg3: memref<1x64xf32, #tpu.memory_space<vmem>>, %arg4: memref<64x64xf32, #tpu.memory_space<vmem>>, %arg5: memref<5056x64xf32, #tpu.memory_space<vmem>>) attributes {dimension_semantics = [#tpu.dimension_semantics<arbitrary>], iteration_bounds = array<i64: 2>, scalar_prefetch = 0 : i64, scratch_operands = 0 : i64, tpu.core_type = #tpu.core_type<tc>, window_params = [{transform_indices = @transform_0, window_bounds = array<i64: 2, 5056, 64>}, {transform_indices = @transform_1, window_bounds = array<i64: 5056, 16>}, {pipeline_mode = #tpu.pipeline_mode<synchronous>, transform_indices = @transform_2, window_bounds = array<i64: 1, 64>}, {pipeline_mode = #tpu.pipeline_mode<synchronous>, transform_indices = @transform_3, window_bounds = array<i64: 64, 64>}, {transform_indices = @transform_4, window_bounds = array<i64: 5056, 64>}]} {
    %get3A = arith.constant 0 : index
    %get3A_0 = arith.constant 0 : index
    %get3A_1 = vector.load %arg2[%get3A, %get3A_0] : memref<5056x16xf32, #tpu.memory_space<vmem>>, vector<5056x1xf32>
    %get3A_2 = arith.constant 0 : index
    %get3A_3 = arith.constant 0 : index
    %get3A_4 = arith.constant 0 : index
    %get3A_5 = vector.load %arg1[%get3A_2, %get3A_3, %get3A_4] : memref<2x5056x64xf32, #tpu.memory_space<vmem>>, vector<1x5056x64xf32>
    %get3A_6 = vector.shape_cast %get3A_5 : vector<1x5056x64xf32> to vector<5056x64xf32>
    %get3A_7 = arith.constant 1 : index
    %get3A_8 = arith.constant 0 : index
    %get3A_9 = arith.constant 0 : index
    %get3A_10 = vector.load %arg1[%get3A_7, %get3A_8, %get3A_9] : memref<2x5056x64xf32, #tpu.memory_space<vmem>>, vector<1x5056x64xf32>
    %get3A_11 = vector.shape_cast %get3A_10 : vector<1x5056x64xf32> to vector<5056x64xf32>
    %add3A = arith.addf %get3A_6, %get3A_11 : vector<5056x64xf32>
    %mul3A = vector.broadcast %get3A_1 : vector<5056x1xf32> to vector<5056x64xf32>
    %mul3A_12 = arith.mulf %add3A, %mul3A : vector<5056x64xf32>
    %get3A_13 = arith.constant 0 : index
    %get3A_14 = arith.constant 0 : index
    %get3A_15 = vector.load %arg3[%get3A_13, %get3A_14] : memref<1x64xf32, #tpu.memory_space<vmem>>, vector<1x64xf32>
    %add3A_16 = vector.broadcast %get3A_15 : vector<1x64xf32> to vector<5056x64xf32>
    %add3A_17 = arith.addf %mul3A_12, %add3A_16 : vector<5056x64xf32>
    %max3A = arith.constant 0.000000e+00 : f32
    %max3A_18 = vector.broadcast %max3A : f32 to vector<5056x64xf32>
    %max3A_19 = arith.maximumf %add3A_17, %max3A_18 : vector<5056x64xf32>
    %get3A_20 = arith.constant 0 : index
    %get3A_21 = arith.constant 0 : index
    %get3A_22 = vector.load %arg4[%get3A_20, %get3A_21] : memref<64x64xf32, #tpu.memory_space<vmem>>, vector<64x64xf32>
    %dot_general3A = arith.constant dense<0.000000e+00> : vector<5056x64xf32>
    %dot_general3A_23 = tpu.matmul %max3A_19, %get3A_22, %dot_general3A {dimension_numbers = #tpu.dot_dimension_numbers<[1], [0], [0], [1], [0, 0, 1, 1], [], []>, transpose_lhs_hint = false} : vector<5056x64xf32>, vector<64x64xf32>, vector<5056x64xf32> -> vector<5056x64xf32>
    %mul3A_24 = vector.broadcast %get3A_1 : vector<5056x1xf32> to vector<5056x64xf32>
    %mul3A_25 = arith.mulf %dot_general3A_23, %mul3A_24 : vector<5056x64xf32>
    %swap3A = arith.constant 0 : index
    %swap3A_26 = arith.constant 0 : index
    %swap3A_27 = vector.load %arg5[%swap3A, %swap3A_26] : memref<5056x64xf32, #tpu.memory_space<vmem>>, vector<5056x64xf32>
    tpu.vector_store %arg5[%swap3A, %swap3A_26], %mul3A_25 {strides = array<i32>} : memref<5056x64xf32, #tpu.memory_space<vmem>>, vector<5056x64xf32>,
    return
  }
  func.func @transform_0(%arg0: i32) -> (i32, i32, i32) {
    %c0_i32 = arith.constant 0 : i32
    %c0_i32_0 = arith.constant 0 : i32
    %c0_i32_1 = arith.constant 0 : i32
    return %c0_i32, %arg0, %c0_i32_0 : i32, i32, i32
  }
  func.func @transform_1(%arg0: i32) -> (i32, i32) {
    %c0_i32 = arith.constant 0 : i32
    %c0_i32_0 = arith.constant 0 : i32
    return %arg0, %c0_i32 : i32, i32
  }
  func.func @transform_2(%arg0: i32) -> (i32, i32) {
    %c0_i32 = arith.constant 0 : i32
    %c0_i32_0 = arith.constant 0 : i32
    %c0_i32_1 = arith.constant 0 : i32
    return %c0_i32, %c0_i32_0 : i32, i32
  }
  func.func @transform_3(%arg0: i32) -> (i32, i32) {
    %c0_i32 = arith.constant 0 : i32
    %c0_i32_0 = arith.constant 0 : i32
    %c0_i32_1 = arith.constant 0 : i32
    return %c0_i32, %c0_i32_0 : i32, i32
  }
  func.func @transform_4(%arg0: i32) -> (i32, i32) {
    %c0_i32 = arith.constant 0 : i32
    %c0_i32_0 = arith.constant 0 : i32
    return %arg0, %c0_i32 : i32, i32
  }
}

module attributes {stable_mosaic.version = 14 : i64} {
  func.func @_tc_out_body(%arg0: i32, %arg1: memref<2x5000x64xf32, #tpu.memory_space<vmem>>, %arg2: memref<5000x16xf32, #tpu.memory_space<vmem>>, %arg3: memref<64x128xf32, #tpu.memory_space<vmem>>, %arg4: memref<1x128xf32, #tpu.memory_space<vmem>>, %arg5: memref<5000x128xf32, #tpu.memory_space<vmem>>) attributes {dimension_semantics = [#tpu.dimension_semantics<arbitrary>], iteration_bounds = array<i64: 2>, scalar_prefetch = 0 : i64, scratch_operands = 0 : i64, tpu.core_type = #tpu.core_type<tc>, window_params = [{transform_indices = @transform_0, window_bounds = array<i64: 2, 5000, 64>}, {transform_indices = @transform_1, window_bounds = array<i64: 5000, 16>}, {pipeline_mode = #tpu.pipeline_mode<synchronous>, transform_indices = @transform_2, window_bounds = array<i64: 64, 128>}, {pipeline_mode = #tpu.pipeline_mode<synchronous>, transform_indices = @transform_3, window_bounds = array<i64: 1, 128>}, {transform_indices = @transform_4, window_bounds = array<i64: 5000, 128>}]} {
    %get3A = arith.constant 0 : index
    %get3A_0 = arith.constant 0 : index
    %get3A_1 = arith.constant 0 : index
    %get3A_2 = vector.load %arg1[%get3A, %get3A_0, %get3A_1] : memref<2x5000x64xf32, #tpu.memory_space<vmem>>, vector<1x5000x64xf32>
    %get3A_3 = vector.shape_cast %get3A_2 : vector<1x5000x64xf32> to vector<5000x64xf32>
    %get3A_4 = arith.constant 1 : index
    %get3A_5 = arith.constant 0 : index
    %get3A_6 = arith.constant 0 : index
    %get3A_7 = vector.load %arg1[%get3A_4, %get3A_5, %get3A_6] : memref<2x5000x64xf32, #tpu.memory_space<vmem>>, vector<1x5000x64xf32>
    %get3A_8 = vector.shape_cast %get3A_7 : vector<1x5000x64xf32> to vector<5000x64xf32>
    %add3A = arith.addf %get3A_3, %get3A_8 : vector<5000x64xf32>
    %get3A_9 = arith.constant 0 : index
    %get3A_10 = arith.constant 0 : index
    %get3A_11 = vector.load %arg2[%get3A_9, %get3A_10] : memref<5000x16xf32, #tpu.memory_space<vmem>>, vector<5000x1xf32>
    %mul3A = vector.broadcast %get3A_11 : vector<5000x1xf32> to vector<5000x64xf32>
    %mul3A_12 = arith.mulf %add3A, %mul3A : vector<5000x64xf32>
    %get3A_13 = arith.constant 0 : index
    %get3A_14 = arith.constant 0 : index
    %get3A_15 = vector.load %arg3[%get3A_13, %get3A_14] : memref<64x128xf32, #tpu.memory_space<vmem>>, vector<64x128xf32>
    %dot_general3A = arith.constant dense<0.000000e+00> : vector<5000x128xf32>
    %dot_general3A_16 = tpu.matmul %mul3A_12, %get3A_15, %dot_general3A {dimension_numbers = #tpu.dot_dimension_numbers<[1], [0], [0], [1], [0, 0, 1, 1], [], []>, transpose_lhs_hint = false} : vector<5000x64xf32>, vector<64x128xf32>, vector<5000x128xf32> -> vector<5000x128xf32>
    %get3A_17 = arith.constant 0 : index
    %get3A_18 = arith.constant 0 : index
    %get3A_19 = vector.load %arg4[%get3A_17, %get3A_18] : memref<1x128xf32, #tpu.memory_space<vmem>>, vector<1x128xf32>
    %add3A_20 = vector.broadcast %get3A_19 : vector<1x128xf32> to vector<5000x128xf32>
    %add3A_21 = arith.addf %dot_general3A_16, %add3A_20 : vector<5000x128xf32>
    %swap3A = arith.constant 0 : index
    %swap3A_22 = arith.constant 0 : index
    %swap3A_23 = vector.load %arg5[%swap3A, %swap3A_22] : memref<5000x128xf32, #tpu.memory_space<vmem>>, vector<5000x128xf32>
    tpu.vector_store %arg5[%swap3A, %swap3A_22], %add3A_21 {strides = array<i32>} : memref<5000x128xf32, #tpu.memory_space<vmem>>, vector<5000x128xf32>,
    return
  }
  func.func @transform_0(%arg0: i32) -> (i32, i32, i32) {
    %c0_i32 = arith.constant 0 : i32
    %c0_i32_0 = arith.constant 0 : i32
    %c0_i32_1 = arith.constant 0 : i32
    return %c0_i32, %arg0, %c0_i32_0 : i32, i32, i32
  }
  func.func @transform_1(%arg0: i32) -> (i32, i32) {
    %c0_i32 = arith.constant 0 : i32
    %c0_i32_0 = arith.constant 0 : i32
    return %arg0, %c0_i32 : i32, i32
  }
  func.func @transform_2(%arg0: i32) -> (i32, i32) {
    %c0_i32 = arith.constant 0 : i32
    %c0_i32_0 = arith.constant 0 : i32
    %c0_i32_1 = arith.constant 0 : i32
    return %c0_i32, %c0_i32_0 : i32, i32
  }
  func.func @transform_3(%arg0: i32) -> (i32, i32) {
    %c0_i32 = arith.constant 0 : i32
    %c0_i32_0 = arith.constant 0 : i32
    %c0_i32_1 = arith.constant 0 : i32
    return %c0_i32, %c0_i32_0 : i32, i32
  }
  func.func @transform_4(%arg0: i32) -> (i32, i32) {
    %c0_i32 = arith.constant 0 : i32
    %c0_i32_0 = arith.constant 0 : i32
    return %arg0, %c0_i32 : i32, i32
  }
}

</mosaic_0001>

<sc_bundles>
// kernel: kernel.10.cloned.1.call-start
scs
__scs_entry_jumppad:
0x0: {  	(pc) =	sbr.rel $0x88, $3  }
0x1: {  	(tag) =	ssettag $0x0;
	lr =	simm.s32 $0x1  }
0x2: {  	[smem:$0x3F99] =	sst lr;
	_ =	strace $0xD0000000  }
0x3: {  	_ = 	snop  }
0x4: {  	_ = 	snop  }
0x5: {  	_ = 	snop  }
0x6: {  	_ = 	snop  }
0x7: {  	_ = 	snop  }
__scs_overlays_trampoline_lowered:
0x8: {  	[smem:$0x3FA8] =	sst s0  }
0x9: {  	[smem:$0x3FA9] =	sst s1  }
0xa: {  	[smem:$0x3FAA] =	sst s2  }
0xb: {  	[smem:$0x3FAB] =	sst s3  }
0xc: {  	[smem:$0x3FAC] =	sst s4  }
0xd: {  	[smem:$0x3FAD] =	sst s5  }
0xe: {  	[smem:$0x3FAE] =	sst s6  }
0xf: {  	[smem:$0x3FAF] =	sst s7  }
0x10: {  	[smem:$0x3FB0] =	sst s8  }
0x11: {  	[smem:$0x3FB1] =	sst s9;
	s0 =	simm.s32 @!p0 $0x0  }
0x12: {  	s1 =	sld [smem:$0x3F97];
	s0 =	simm.s32 @p0 $0x1  }
0x13: {  	[smem:$0x3FB2] =	sst s0;
	s0 =	simm.s32 @!p1 $0x0  }
0x14: {  	s2 =	sld [smem:$0x3F96];
	s0 =	simm.s32 @p1 $0x1  }
0x15: {  	[smem:$0x3FB3] =	sst s0;
	s0 =	simm.s32 @!p2 $0x0  }
0x16: {  	s3 =	sld [smem:$0x3FDB];
	s0 =	simm.s32 @p2 $0x1  }
0x17: {  	s4 =	simm.s32 $0x1BF5;
	[smem:$0x3FB5] =	sst s0  }
0x18: {  	s0 =	sld [smem:$0x3F98];
	_ =	swait.ge [sflag:s4], $0x0  }
0x19: {  	s7 =	sld [smem:$0x3F99]  }
0x1a: {  	s8 =	sadd.s32 $0xFFFFE003, lr  }
0x1b: {  	s9 =	sadd.s32 $0xFFFFFEF7, lr;
	s5 =	simm.s32 $0xFFFFFFFF;
	p2 =	slt.u32 s8, $0xFFFFF086  }
0x1c: {  	p1 =	slt.u32 s9, $0xF7A;
	s5 =	simm.s32 @!p2 $0x0  }
0x1d: {  	s5 =	simm.s32 @p1 $0x1;
	p0 =	seq.s32 s7, s2  }
0x1e: {  	s7 =	smul.u32 @!p0 $0xF7A, s2;
	p2 =	seq.s32 @!p0 s5, $0x0  }
0x1f: {  	s9 =	smul.u32 $0xF7A, s1;
	s8 =	simm.s32 @!p0 $0x1BF5;
	p2 =	por !p2, p0  }
0x20: {  	[sflag:s8] =	ssyncset.s32 @!p0 $0xFFFFF086;
	s6 =	sadd.s32 @!p0 s3, s7;
	s7 =	simm.s32 @!p0 $0x108  }
0x21: {  	s3 =	sadd.s32 s3, s9;
	s6 =	sadd.s32 @!p0 $0x88, s6;
	s7 =	simm.s32 @p2 $0x1082  }
0x22: {  	[simem:s7], [sflag:s8] =	dma.local @!p0 [hbm:s6], $0xF7A  }
0x23: {  	s9 =	sor.u32 $0xD0000000, s2;
	s6 =	simm.s32 $0x108;
	_ =	swait.ge @!p0 [sflag:s8], $0x0  }
0x24: {  	s3 =	sadd.s32 $0x88, s3;
	s6 =	simm.s32 @!p1 $0x1082;
	[sflag:s4] =	ssyncset.s32 $0xFFFFF086  }
0x25: {  	[simem:s6], [sflag:s4] =	dma.local [hbm:s3], $0xF7A  }
0x26: {  	[smem:$0x3F99] =	sst s1;
	(tag) =	ssettag s2;
	_ =	strace s9  }
0x27: {  	s1 =	sld [smem:$0x3FA9]  }
0x28: {  	s2 =	sld [smem:$0x3FAA]  }
0x29: {  	s4 =	sld [smem:$0x3FAC]  }
0x2a: {  	p0 =	seq.s32 s5, $0x0;
	s5 =	sld [smem:$0x3FAD]  }
0x2b: {  	s6 =	sld [smem:$0x3FAE]  }
0x2c: {  	s7 =	sld [smem:$0x3FAF]  }
0x2d: {  	s3 =	simm.s32 $0x108;
	s8 =	sld [smem:$0x3FB0]  }
0x2e: {  	s3 =	simm.s32 @!p0 $0x1082;
	s9 =	sld [smem:$0x3FB1]  }
0x2f: {  	lr =	sadd.s32 s0, s3;
	s0 =	sld [smem:$0x3FA8]  }
0x30: {  	s3 =	sld [smem:$0x3FAB]  }
0x31: {  	[smem:$0x3FB4] =	sst s10  }
0x32: {  	s10 =	sld [smem:$0x3FB2];
	_ =	sdelay $0x3  }
0x33: {  	p0 =	seq.s32 s10, $0x1;
	s10 =	sld [smem:$0x3FB4];
	_ =	sdelay $0x3  }
0x34: {  	[smem:$0x3FB4] =	sst s10  }
0x35: {  	s10 =	sld [smem:$0x3FB3];
	_ =	sdelay $0x3  }
0x36: {  	p1 =	seq.s32 s10, $0x1;
	s10 =	sld [smem:$0x3FB4];
	_ =	sdelay $0x3  }
0x37: {  	[smem:$0x3FB4] =	sst s10  }
0x38: {  	s10 =	sld [smem:$0x3FB5]  }
0x39: {  	_ = 	snop;
	(pc) =	sbr.ind lr, $3  }
0x3a: {  	_ = 	snop  }
0x3b: {  	_ = 	snop  }
0x3c: {  	p2 =	seq.s32 s10, $0x1;
	s10 =	sld [smem:$0x3FB4]  }
0x3d: {  	_ =	shalt  }
0x3e: {  	_ =	shalt  }
0x3f: {  	_ =	shalt  }
0x40: {  	_ =	shalt  }
0x41: {  	_ =	shalt  }
0x42: {  	_ =	shalt  }
0x43: {  	_ =	shalt  }
0x44: {  	_ =	shalt  }
0x45: {  	_ =	shalt  }
0x46: {  	_ =	shalt  }
0x47: {  	_ =	shalt  }
0x48: {  	_ =	shalt  }
0x49: {  	_ =	shalt  }
0x4a: {  	_ =	shalt  }
0x4b: {  	_ =	shalt  }
0x4c: {  	_ =	shalt  }
0x4d: {  	_ =	shalt  }
0x4e: {  	_ =	shalt  }
0x4f: {  	_ =	shalt  }
0x50: {  	_ =	shalt  }
0x51: {  	_ =	shalt  }
0x52: {  	_ =	shalt  }
0x53: {  	_ =	shalt  }
0x54: {  	_ =	shalt  }
0x55: {  	_ =	shalt  }
0x56: {  	_ =	shalt  }
0x57: {  	_ =	shalt  }
0x58: {  	_ =	shalt  }
0x59: {  	_ =	shalt  }
0x5a: {  	_ =	shalt  }
0x5b: {  	_ =	shalt  }
0x5c: {  	_ =	shalt  }
0x5d: {  	_ =	shalt  }
0x5e: {  	_ =	shalt  }
0x5f: {  	_ =	shalt  }
0x60: {  	_ =	shalt  }
0x61: {  	_ =	shalt  }
0x62: {  	_ =	shalt  }
0x63: {  	_ =	shalt  }
0x64: {  	_ =	shalt  }
0x65: {  	_ =	shalt  }
0x66: {  	_ =	shalt  }
0x67: {  	_ =	shalt  }
0x68: {  	_ =	shalt  }
0x69: {  	_ =	shalt  }
0x6a: {  	_ =	shalt  }
0x6b: {  	_ =	shalt  }
0x6c: {  	_ =	shalt  }
0x6d: {  	_ =	shalt  }
0x6e: {  	_ =	shalt  }
0x6f: {  	_ =	shalt  }
0x70: {  	_ =	shalt  }
0x71: {  	_ =	shalt  }
0x72: {  	_ =	shalt  }
0x73: {  	_ =	shalt  }
0x74: {  	_ =	shalt  }
0x75: {  	_ =	shalt  }
0x76: {  	_ =	shalt  }
0x77: {  	_ =	shalt  }
0x78: {  	_ =	shalt  }
0x79: {  	_ =	shalt  }
0x7a: {  	_ =	shalt  }
0x7b: {  	_ =	shalt  }
0x7c: {  	_ =	shalt  }
0x7d: {  	_ =	shalt  }
0x7e: {  	_ =	shalt  }
0x7f: {  	_ =	shalt  }
0x80: {  	_ =	shalt  }
0x81: {  	_ =	shalt  }
0x82: {  	_ =	shalt  }
0x83: {  	_ =	shalt  }
0x84: {  	_ =	shalt  }
0x85: {  	_ =	shalt  }
0x86: {  	_ =	shalt  }
0x87: {  	_ =	shalt  }
.Lfunc_end0:
.L_simem_size_0:
called_computation_lowered:
.L_overlay_start_0:
0x88: {  	s2 =	sld [smem:$0x3FD9]  }
0x89: {  	s3 =	sld [smem:$0x3FFE];
	_ =	sdelay $0x1  }
0x8a: {  	s1 =	srdreg.scid  }
0x8b: {  	s0 =	sand.u32 $0x1, s1  }
0x8c: {  	s17 =	sshll.u32 s0, $0xA;
	s2 =	sadd.s32 s3, s2  }
0x8d: {  	s2 =	sadd.s32 s2, s17  }
0x8e: {  	[smem:$0x3FC0] =	sst s2  }
0x8f: {  	_ = 	snop  }
0x90: {  	s2 =	sld [smem:$0x3FD0];
	(tm) =	ssettm $0x1  }
0x91: {  	s18 =	sld [smem:$0x3FFB];
	_ =	sdelay $0x3  }
0x92: {  	_ =	strace s18  }
0x93: {  	s3 =	sld [smem:$0x3FFC];
	_ =	sdelay $0x3  }
0x94: {  	_ =	strace s3  }
0x95: {  	s3 =	sld [smem:$0x3FFD];
	_ =	sdelay $0x3  }
0x96: {  	_ =	strace s3  }
0x97: {  	_ =	strace $0x8FFFFFFF  }
0x98: {  	s19 =	sld [smem:$0x3FDB];
	_ =	sdelay $0x1  }
0x99: {  	s4 =	simm.s32 $_scs_section_size  }
0x9a: {  	s5 =	simm.s32 $_size__tile_overlayer_lowered;
	s6 =	simm.s32 $_tile_overlayer_lowered  }
0x9b: {  	s22 =	simm.s32 $0x1BFF;
	s21 =	sshll.u32 s6, $0x1;
	s3 =	sadd.s32 s4, s19  }
0x9c: {  	s7 =	simm.s32 $0x0;
	s20 =	sshll.u32 s5, $0x1;
	s5 =	sadd.s32 s21, s3  }
0x9d: {  	[timem:s7], [sflag:s22] =	dma.local [hbm:s5], s20  }
0x9e: {  	_ =	swait.ge [sflag:s22], s20  }
0x9f: {  	s4 =	ssub.s32 $0x0, s20;
	[sflag:s22] =	ssyncset.done $0x0  }
0xa0: {  	[sflag:s22] =	ssyncadd.s32 s4;
	_ =	sdelay $0x1  }
0xa1: {  	s23 =	simm.s32 $0x1B8B  }
0xa2: {  	_ =	swait.ge [sflag:s23], $0x1  }
0xa3: {  	[sflag:s23] =	ssyncset.done $0x0  }
0xa4: {  	s25 =	simm.s32 $0x1B8E;
	s24 =	sld [smem:$0x3FFE];
	[sflag:s23] =	ssyncadd.s32 $0xFFFFFFFF  }
0xa5: {  	s26 =	simm.s32 $execute0_lowered;
	[smem:$0x3FD2] =	sst s25  }
0xa6: {  	s5 =	sshll.u32 s26, $0x1;
	_ =	strace $0x80000046;
	[dreg:$0x1] =	wrdreg $0xFFFFFFFF  }
0xa7: {  	s28 =	simm.s32 $_size_execute0_lowered;
	s3 =	sadd.s32 s3, s5;
	[dreg:$0x0] =	wrdreg $0x0  }
0xa8: {  	s5 =	sshll.u32 s28, $0x1;
	[dreg:$0x2] =	wrdreg s3  }
0xa9: {  	[dreg:$0x3] =	wrdreg s5  }
0xaa: {  	[dreg:$0x4] =	wrdreg $0xC0  }
0xab: {  	_ =	task [dreg:s7], $0x5FFFF  }
0xac: {  	[dreg:$0x1] =	wrdreg $0xFFFFFFFF  }
0xad: {  	[dreg:$0x0] =	wrdreg $0x60  }
0xae: {  	[dreg:$0x2] =	wrdreg s24  }
0xaf: {  	[dreg:$0x3] =	wrdreg s2  }
0xb0: {  	[dreg:$0x4] =	wrdreg $0x2EE00  }
0xb1: {  	[dreg:$0x5] =	wrdreg $0x9  }
0xb2: {  	_ =	task.clear_ibuf [dreg:s7], $0x6FFFF;
	_ =	strace $0x90000046  }
0xb3: {  	s29 =	simm.s32 $0x9;
	_ =	strace $0x80000048  }
0xb4: {  	_ =	swait.ge [sflag:s29], $0x1  }
0xb5: {  	[sflag:s29] =	ssyncadd.s32 $0xFFFFFFFF  }
0xb6: {  	_ =	strace $0x90000048  }
0xb7: {  	_ =	sfence  }
0xb8: {  	s30 =	sld [smem:$0x0];
	_ =	sdelay $0x2  }
0xb9: {  	s31 =	sshll.u32 s1, $0xD;
	s1 =	sshrl.u32 s1, $0x2  }
0xba: {  	s3 =	sand.u32 $0x4000, s31;
	s1 =	sadd.s32 s1, s30  }
0xbb: {  	s0 =	sor.u32 s3, s0;
	s1 =	sshll.u32 s1, $0x11  }
0xbc: {  	s0 =	sor.u32 s1, s0  }
0xbd: {  	s0 =	sadd.s32 $0x8F2B, s0  }
0xbe: {  	[sflag:s0] =	ssyncadd.remote.s32 $0x1  }
0xbf: {  	_ =	sfence.sel $0xFFFF  }
0xc0: {  	[dreg:$0x0] =	wrdreg $0xFFFFFFFF;
	(pc) =	sbr.abs _section_cstart, $3  }
0xc1: {  	[dreg:$0x1] =	wrdreg $0xFFFFFFFF  }
0xc2: {  	_ =	task.clear_ibuf [dreg:s7], $0x2FFFF;
	_ =	strace $0x9FFFFFFF  }
0xc3: {  	(tm) =	ssettm $0x7FFFFFFF  }
tec
execute0_lowered:
.L_overlay_start_1:
0x0: {  	(tag) =	ssettag $0x1  }
0x1: {  	s4 =	rddreg [dreg:$0x0]  }
0x2: {  	s1 =	srdreg.scid;
	s7 =	rddreg [dreg:$0x1]  }
0x3: {  	s0 =	stileid.u32;
	s2 =	rddreg [dreg:$0x2]  }
0x4: {  	s3 =	simm.s32 $0x0;
	s14 =	simm.s32 $0x5;
	s15 =	simm.s32 $0x28A0  }
0x5: {  	s16 =	simm.s32 $0x64;
	s17 =	simm.s32 $0x68;
	s18 =	simm.s32 $0xD0  }
0x6: {  	s19 =	simm.s32 $0x138;
	s20 =	simm.s32 $0x1;
	s21 =	simm.s32 $0x2  }
0x7: {  	s22 =	simm.s32 $0x3;
	s23 =	simm.s32 $0x4;
	s26 =	simm.s32 $0x0  }
0x8: {  	s5 =	sand.u32 $0x1, s1;
	s30 =	sshll.u32 s0, $0x1;
	s8 =	smul.u32 $0x278, s0  }
0x9: {  	[smem:$0x7FF] =	sst s3;
	s9 =	smul.u32 $0x9E00, s0;
	s24 =	sshll.u32 s0, $0x6  }
0xa: {  	s1 =	sor.u32 s5, s30;
	s10 =	ssub.s32 $0x2, s5;
	s5 =	smul.u32 $0x2780, s5  }
0xb: {  	s24 =	sor.u32 $0x1C05, s24;
	s6 =	smul.u32 $0x514, s1;
	s1 =	rddreg [dreg:$0x3]  }
0xc: {  	_ =	strace $0x80000047;
	s31 =	sshrl.u32 s10, $0x1;
	s9 =	sshrl.u32 s9, $0x2  }
0xd: {  	s10 =	ssub.s32 s10, s31;
	s8 =	sadd.s32 s8, s5;
	s6 =	sadd.s32 s6, s4  }
0xe: {  	s4 =	sadd.s32 s9, s2;
	s8 =	sshll.u32 s8, $0x1;
	s5 =	sadd.s32 $0x1E00, s6  }
0xf: {  	s6 =	sadd.s32 $0x2580, s4;
	s7 =	sadd.s32 s7, s8;
	s8 =	smax.u32 s10, $0x1  }
0x10: {  	s9 =	sadd.s32 $0x640, s4;
	s10 =	sadd.s32 $0xC80, s4;
	s11 =	sadd.s32 $0x12C0, s4  }
0x11: {  	v0 =	vimm.f32 $0.0e+00;
	v1 =	vimm.f32 $1.000000000e+00;
	s12 =	sadd.s32 $0x1900, s4;
	s13 =	sadd.s32 $0x1F40, s4;
	s25 =	sshrl.u32 s4, $0x3  }
.LBB2_1:
0x12: {  	[tilespmem:s3], [sflag:$0x5] =	stream.linear.gather [hbm4b:s5+s3], $0x28A0, $0x38;
	[tilespmem:$0x5660] =	vst v63  }
0x13: {  	_ =	swait.ge [sflag:s14], $0x28A0  }
0x14: {  	[sflag:s14] =	ssyncset.done $0x0  }
0x15: {  	s28 =	simm.s32 $0x40;
	s29 =	simm.s32 $0x0;
	[sflag:s14] =	ssyncadd.s32 $0xFFFFD760  }
.LBB2_2:
0x16: {  	p0 =	sne.s32 s28, $0x18C0;
	[tilespmem:s29+$0x28A0] =	vst v0;
	s29 =	smov.u32 s28;
	s28 =	sadd.s32 $0x40, s28  }
.Ltmp0:
0x17: {  	(pc) =	sbr.rel @p0 .LBB2_2-.Ltmp0, $2  }
0x18: {  	_ =	sdelay $0x2  }
0x19: {  	s29 =	sshra.s32 s29, $0x2  }
0x1a: {  	[tilespmem:s29+$0x28A0] =	vst v0  }
0x1b: {  	[spmem:s4] =	stream.linear.scatter [tilespmem:s15], [sflag:$0x5], $0x640, $0x38;
	[tilespmem:$0x5660] =	vst v63  }
0x1c: {  	_ =	swait.ge [sflag:s14], $0x640  }
0x1d: {  	[sflag:s14] =	ssyncset.done $0x0  }
0x1e: {  	[sflag:s14] =	ssyncadd.s32 $0xFFFFF9C0  }
0x1f: {  	[spmem:s9] =	stream.linear.scatter [tilespmem:s15], [sflag:$0x5], $0x640, $0x38;
	[tilespmem:$0x5660] =	vst v63  }
0x20: {  	_ =	swait.ge [sflag:s14], $0x640  }
0x21: {  	[sflag:s14] =	ssyncset.done $0x0  }
0x22: {  	[sflag:s14] =	ssyncadd.s32 $0xFFFFF9C0  }
0x23: {  	[spmem:s10] =	stream.linear.scatter [tilespmem:s15], [sflag:$0x5], $0x640, $0x38;
	[tilespmem:$0x5660] =	vst v63  }
0x24: {  	_ =	swait.ge [sflag:s14], $0x640  }
0x25: {  	[sflag:s14] =	ssyncset.done $0x0  }
0x26: {  	[sflag:s14] =	ssyncadd.s32 $0xFFFFF9C0  }
0x27: {  	[spmem:s11] =	stream.linear.scatter [tilespmem:s15], [sflag:$0x5], $0x640, $0x38;
	[tilespmem:$0x5660] =	vst v63  }
0x28: {  	_ =	swait.ge [sflag:s14], $0x640  }
0x29: {  	[sflag:s14] =	ssyncset.done $0x0  }
0x2a: {  	[sflag:s14] =	ssyncadd.s32 $0xFFFFF9C0  }
0x2b: {  	[spmem:s12] =	stream.linear.scatter [tilespmem:s15], [sflag:$0x5], $0x640, $0x38;
	[tilespmem:$0x5660] =	vst v63  }
0x2c: {  	_ =	swait.ge [sflag:s14], $0x640  }
0x2d: {  	[sflag:s14] =	ssyncset.done $0x0  }
0x2e: {  	[sflag:s14] =	ssyncadd.s32 $0xFFFFF9C0  }
0x2f: {  	[spmem:s13] =	stream.linear.scatter [tilespmem:s15], [sflag:$0x5], $0x640, $0x38;
	[tilespmem:$0x5660] =	vst v63  }
0x30: {  	_ =	swait.ge [sflag:s14], $0x640  }
0x31: {  	[sflag:s14] =	ssyncset.done $0x0  }
0x32: {  	[sflag:s14] =	ssyncadd.s32 $0xFFFFF9C0  }
0x33: {  	[spmem:s6] =	stream.linear.scatter [tilespmem:s15], [sflag:$0x5], $0x200, $0x38;
	[tilespmem:$0x5660] =	vst v63  }
0x34: {  	_ =	swait.ge [sflag:s14], $0x200  }
0x35: {  	[sflag:s14] =	ssyncset.done $0x0  }
0x36: {  	s28 =	simm.s32 $0x40;
	s29 =	simm.s32 $0x0;
	[sflag:s14] =	ssyncadd.s32 $0xFFFFFE00  }
.LBB2_4:
0x37: {  	p0 =	sne.s32 s28, $0x18C0;
	[tilespmem:s29+$0x28A0] =	vst v1;
	s29 =	smov.u32 s28;
	s28 =	sadd.s32 $0x40, s28  }
.Ltmp1:
0x38: {  	(pc) =	sbr.rel @p0 .LBB2_4-.Ltmp1, $2  }
0x39: {  	_ =	sdelay $0x2  }
0x3a: {  	s29 =	sshra.s32 s29, $0x2  }
0x3b: {  	[tilespmem:s29+$0x28A0] =	vst v1  }
0x3c: {  	[bflag:$0x0] =	sbarrier.arrive $0xFFFF  }
0x3d: {  	[spmem:s2] =	stream.indirect.scatter.add.f32 [tilespmem:s15], [sflag:$0x1], $0x10, s3, s16, $0xb8;
	[tilespmem:$0x5660] =	vst v63  }
0x3e: {  	_ = 	snop  }
0x3f: {  	[spmem:s2] =	stream.indirect.scatter.add.f32 [tilespmem:s15], [sflag:$0x2], $0x10, s17, s16, $0xb8;
	[tilespmem:$0x5660] =	vst v63  }
0x40: {  	_ = 	snop  }
0x41: {  	[spmem:s2] =	stream.indirect.scatter.add.f32 [tilespmem:s15], [sflag:$0x3], $0x10, s18, s16, $0xb8;
	[tilespmem:$0x5660] =	vst v63  }
0x42: {  	_ = 	snop  }
0x43: {  	[spmem:s2] =	stream.indirect.scatter.add.f32 [tilespmem:s15], [sflag:$0x4], $0x10, s19, s16, $0xb8;
	[tilespmem:$0x5660] =	vst v63  }
0x44: {  	_ =	swait.ge [sflag:s20], $0x640  }
0x45: {  	[sflag:s20] =	ssyncset.done $0x0  }
0x46: {  	s28 =	simm.s32 $0x1A0;
	[sflag:s20] =	ssyncadd.s32 $0xFFFFF9C0  }
0x47: {  	[spmem:s2] =	stream.indirect.scatter.add.f32 [tilespmem:s15], [sflag:$0x1], $0x10, s28, s16, $0xb8;
	[tilespmem:$0x5660] =	vst v63  }
0x48: {  	_ =	swait.ge [sflag:s21], $0x640  }
0x49: {  	[sflag:s21] =	ssyncset.done $0x0  }
0x4a: {  	s28 =	simm.s32 $0x208;
	[sflag:s21] =	ssyncadd.s32 $0xFFFFF9C0  }
0x4b: {  	[spmem:s2] =	stream.indirect.scatter.add.f32 [tilespmem:s15], [sflag:$0x2], $0x10, s28, s16, $0xb8;
	[tilespmem:$0x5660] =	vst v63  }
0x4c: {  	_ =	swait.ge [sflag:s22], $0x640  }
0x4d: {  	[sflag:s22] =	ssyncset.done $0x0  }
0x4e: {  	s28 =	simm.s32 $0x270;
	[sflag:s22] =	ssyncadd.s32 $0xFFFFF9C0  }
0x4f: {  	[spmem:s2] =	stream.indirect.scatter.add.f32 [tilespmem:s15], [sflag:$0x3], $0x10, s28, s16, $0xb8;
	[tilespmem:$0x5660] =	vst v63  }
0x50: {  	_ =	swait.ge [sflag:s23], $0x640  }
0x51: {  	[sflag:s23] =	ssyncset.done $0x0  }
0x52: {  	s29 =	simm.s32 $0x2D8;
	s28 =	simm.s32 $0xFFFF6A80;
	[sflag:s23] =	ssyncadd.s32 $0xFFFFF9C0  }
.LBB2_6:
0x53: {  	[spmem:s2] =	stream.indirect.scatter.add.f32 [tilespmem:s15], [sflag:$0x4], $0x10, s29, s16, $0xb8;
	[tilespmem:$0x5660] =	vst v63  }
0x54: {  	s29 =	smov.u32 s28  }
0x55: {  	p0 =	sne.s32 s28, $0xFFFFF980;
	s28 =	sadd.s32 $0x680, s28;
	_ =	swait.ge [sflag:s20], $0x640  }
0x56: {  	s29 =	sshra.s32 s29, $0x2;
	[sflag:s20] =	ssyncset.done $0x0  }
0x57: {  	s30 =	sadd.s32 $0x28A0, s29;
	[sflag:s20] =	ssyncadd.s32 $0xFFFFF9C0  }
0x58: {  	[spmem:s2] =	stream.indirect.scatter.add.f32 [tilespmem:s15], [sflag:$0x1], $0x10, s30, s16, $0xb8;
	[tilespmem:$0x5660] =	vst v63  }
0x59: {  	_ =	swait.ge [sflag:s21], $0x640  }
0x5a: {  	[sflag:s21] =	ssyncset.done $0x0  }
0x5b: {  	s30 =	sadd.s32 $0x2908, s29;
	[sflag:s21] =	ssyncadd.s32 $0xFFFFF9C0  }
0x5c: {  	[spmem:s2] =	stream.indirect.scatter.add.f32 [tilespmem:s15], [sflag:$0x2], $0x10, s30, s16, $0xb8;
	[tilespmem:$0x5660] =	vst v63  }
0x5d: {  	_ =	swait.ge [sflag:s22], $0x640  }
0x5e: {  	[sflag:s22] =	ssyncset.done $0x0  }
.Ltmp2:
0x5f: {  	s30 =	sadd.s32 $0x2970, s29;
	[sflag:s22] =	ssyncadd.s32 $0xFFFFF9C0;
	(pc) =	sbr.rel @p0 .LBB2_6-.Ltmp2, $4  }
0x60: {  	[spmem:s2] =	stream.indirect.scatter.add.f32 [tilespmem:s15], [sflag:$0x3], $0x10, s30, s16, $0xb8;
	[tilespmem:$0x5660] =	vst v63  }
0x61: {  	_ =	swait.ge [sflag:s23], $0x640  }
0x62: {  	[sflag:s23] =	ssyncset.done $0x0  }
0x63: {  	s29 =	sadd.s32 $0x29D8, s29;
	[sflag:s23] =	ssyncadd.s32 $0xFFFFF9C0  }
0x64: {  	[spmem:s2] =	stream.indirect.scatter.add.f32 [tilespmem:s15], [sflag:$0x4], $0x10, s29, s16, $0xb8;
	[tilespmem:$0x5660] =	vst v63  }
0x65: {  	_ =	swait.ge [sflag:s20], $0x640  }
0x66: {  	[sflag:s20] =	ssyncset.done $0x0  }
0x67: {  	[sflag:s20] =	ssyncadd.s32 $0xFFFFF9C0  }
0x68: {  	_ =	swait.ge [sflag:s21], $0x640  }
0x69: {  	[sflag:s21] =	ssyncset.done $0x0  }
0x6a: {  	[sflag:s21] =	ssyncadd.s32 $0xFFFFF9C0  }
0x6b: {  	_ =	swait.ge [sflag:s22], $0x640  }
0x6c: {  	[sflag:s22] =	ssyncset.done $0x0  }
0x6d: {  	[sflag:s22] =	ssyncadd.s32 $0xFFFFF9C0  }
0x6e: {  	_ =	swait.ge [sflag:s23], $0x640  }
0x6f: {  	s26 =	sadd.s32 $0x1, s26;
	[sflag:s23] =	ssyncset.done $0x0  }
0x70: {  	p0 =	sne.s32 s26, s8;
	[sflag:s23] =	ssyncadd.s32 $0xFFFFF9C0  }
.Ltmp3:
0x71: {  	[bflag:$0x0] =	sbarrier.arrive $0xFFFF;
	(pc) =	sbr.rel @p0 .LBB2_1-.Ltmp3, $4  }
0x72: {  	[hbm:s7], [sflag:s24] =	dma.local [spmem:s25], $0x4F0  }
0x73: {  	_ =	swait.ge [sflag:s14], $0x4F0  }
0x74: {  	[sflag:s14] =	ssyncset.done $0x0  }
0x75: {  	[sflag:s14] =	ssyncadd.s32 $0xFFFFFB10  }
0x76: {  	_ =	sfence.sel $0x180000  }
0x77: {  	[bflag:$0x0] =	sbarrier.arrive $0xFFFF  }
0x78: {  	p0 =	sne.s32 s0, $0x0;
	_ =	strace $0x90000047  }
0x79: {  	s0 =	sadd.s32 @!p0 $0x100000, s1;
	[bflag:$0x2] =	sbarrier.arrive $0xFFFF  }
0x7a: {  	[sflag:s0] =	ssyncadd.tile.s32 @!p0 $0x1;
	_ =	shalt  }
.Lfunc_end2:
_tile_overlayer_lowered:
.L_overlay_start_2:
0x7b: {  	(tag) =	ssettag $0x2  }
0x7c: {  	s0 =	rddreg [dreg:$0x0];
	s2 =	stileid.u32  }
0x7d: {  	s1 =	rddreg [dreg:$0x1];
	p0 =	sne.s32 s2, $0x0  }
0x7e: {  	s3 =	rddreg [dreg:$0x2];
	[bflag:$0x3] =	sbarrier.arrive $0xFFFF;
	s2 =	simm.s32 @!p0 $0x1C05  }
0x7f: {  	[timem:s3], [sflag:s2] =	dma.local @!p0 [hbm:s0], s1  }
0x80: {  	s0 =	simm.s32 @!p0 $0x5  }
0x81: {  	_ =	swait.ge @!p0 [sflag:s0], s1  }
0x82: {  	s1 =	ssub.s32 @!p0 $0x0, s1;
	[sflag:s0] =	ssyncset.done @!p0 $0x0  }
0x83: {  	[sflag:s0] =	ssyncadd.s32 @!p0 s1  }
0x84: {  	[bflag:$0x3] =	sbarrier.arrive $0xFFFF  }
0x85: {  	_ =	shalt  }

// kernel: kernel.13.cloned.1.call-start
scs
__scs_entry_jumppad:
0x0: {  	(pc) =	sbr.rel $0x88, $3  }
0x1: {  	(tag) =	ssettag $0x0;
	lr =	simm.s32 $0x1  }
0x2: {  	[smem:$0x3F99] =	sst lr;
	_ =	strace $0xD0000000  }
0x3: {  	_ = 	snop  }
0x4: {  	_ = 	snop  }
0x5: {  	_ = 	snop  }
0x6: {  	_ = 	snop  }
0x7: {  	_ = 	snop  }
__scs_overlays_trampoline_lowered:
0x8: {  	[smem:$0x3FA8] =	sst s0  }
0x9: {  	[smem:$0x3FA9] =	sst s1  }
0xa: {  	[smem:$0x3FAA] =	sst s2  }
0xb: {  	[smem:$0x3FAB] =	sst s3  }
0xc: {  	[smem:$0x3FAC] =	sst s4  }
0xd: {  	[smem:$0x3FAD] =	sst s5  }
0xe: {  	[smem:$0x3FAE] =	sst s6  }
0xf: {  	[smem:$0x3FAF] =	sst s7  }
0x10: {  	[smem:$0x3FB0] =	sst s8  }
0x11: {  	[smem:$0x3FB1] =	sst s9;
	s0 =	simm.s32 @!p0 $0x0  }
0x12: {  	s1 =	sld [smem:$0x3F97];
	s0 =	simm.s32 @p0 $0x1  }
0x13: {  	[smem:$0x3FB2] =	sst s0;
	s0 =	simm.s32 @!p1 $0x0  }
0x14: {  	s2 =	sld [smem:$0x3F96];
	s0 =	simm.s32 @p1 $0x1  }
0x15: {  	[smem:$0x3FB3] =	sst s0;
	s0 =	simm.s32 @!p2 $0x0  }
0x16: {  	s3 =	sld [smem:$0x3FDB];
	s0 =	simm.s32 @p2 $0x1  }
0x17: {  	s4 =	simm.s32 $0x1BF5;
	[smem:$0x3FB5] =	sst s0  }
0x18: {  	s0 =	sld [smem:$0x3F98];
	_ =	swait.ge [sflag:s4], $0x0  }
0x19: {  	s7 =	sld [smem:$0x3F99]  }
0x1a: {  	s8 =	sadd.s32 $0xFFFFE003, lr  }
0x1b: {  	s9 =	sadd.s32 $0xFFFFFEF7, lr;
	s5 =	simm.s32 $0xFFFFFFFF;
	p2 =	slt.u32 s8, $0xFFFFF086  }
0x1c: {  	p1 =	slt.u32 s9, $0xF7A;
	s5 =	simm.s32 @!p2 $0x0  }
0x1d: {  	s5 =	simm.s32 @p1 $0x1;
	p0 =	seq.s32 s7, s2  }
0x1e: {  	s7 =	smul.u32 @!p0 $0xF7A, s2;
	p2 =	seq.s32 @!p0 s5, $0x0  }
0x1f: {  	s9 =	smul.u32 $0xF7A, s1;
	s8 =	simm.s32 @!p0 $0x1BF5;
	p2 =	por !p2, p0  }
0x20: {  	[sflag:s8] =	ssyncset.s32 @!p0 $0xFFFFF086;
	s6 =	sadd.s32 @!p0 s3, s7;
	s7 =	simm.s32 @!p0 $0x108  }
0x21: {  	s3 =	sadd.s32 s3, s9;
	s6 =	sadd.s32 @!p0 $0x88, s6;
	s7 =	simm.s32 @p2 $0x1082  }
0x22: {  	[simem:s7], [sflag:s8] =	dma.local @!p0 [hbm:s6], $0xF7A  }
0x23: {  	s9 =	sor.u32 $0xD0000000, s2;
	s6 =	simm.s32 $0x108;
	_ =	swait.ge @!p0 [sflag:s8], $0x0  }
0x24: {  	s3 =	sadd.s32 $0x88, s3;
	s6 =	simm.s32 @!p1 $0x1082;
	[sflag:s4] =	ssyncset.s32 $0xFFFFF086  }
0x25: {  	[simem:s6], [sflag:s4] =	dma.local [hbm:s3], $0xF7A  }
0x26: {  	[smem:$0x3F99] =	sst s1;
	(tag) =	ssettag s2;
	_ =	strace s9  }
0x27: {  	s1 =	sld [smem:$0x3FA9]  }
0x28: {  	s2 =	sld [smem:$0x3FAA]  }
0x29: {  	s4 =	sld [smem:$0x3FAC]  }
0x2a: {  	p0 =	seq.s32 s5, $0x0;
	s5 =	sld [smem:$0x3FAD]  }
0x2b: {  	s6 =	sld [smem:$0x3FAE]  }
0x2c: {  	s7 =	sld [smem:$0x3FAF]  }
0x2d: {  	s3 =	simm.s32 $0x108;
	s8 =	sld [smem:$0x3FB0]  }
0x2e: {  	s3 =	simm.s32 @!p0 $0x1082;
	s9 =	sld [smem:$0x3FB1]  }
0x2f: {  	lr =	sadd.s32 s0, s3;
	s0 =	sld [smem:$0x3FA8]  }
0x30: {  	s3 =	sld [smem:$0x3FAB]  }
0x31: {  	[smem:$0x3FB4] =	sst s10  }
0x32: {  	s10 =	sld [smem:$0x3FB2];
	_ =	sdelay $0x3  }
0x33: {  	p0 =	seq.s32 s10, $0x1;
	s10 =	sld [smem:$0x3FB4];
	_ =	sdelay $0x3  }
0x34: {  	[smem:$0x3FB4] =	sst s10  }
0x35: {  	s10 =	sld [smem:$0x3FB3];
	_ =	sdelay $0x3  }
0x36: {  	p1 =	seq.s32 s10, $0x1;
	s10 =	sld [smem:$0x3FB4];
	_ =	sdelay $0x3  }
0x37: {  	[smem:$0x3FB4] =	sst s10  }
0x38: {  	s10 =	sld [smem:$0x3FB5]  }
0x39: {  	_ = 	snop;
	(pc) =	sbr.ind lr, $3  }
0x3a: {  	_ = 	snop  }
0x3b: {  	_ = 	snop  }
0x3c: {  	p2 =	seq.s32 s10, $0x1;
	s10 =	sld [smem:$0x3FB4]  }
0x3d: {  	_ =	shalt  }
0x3e: {  	_ =	shalt  }
0x3f: {  	_ =	shalt  }
0x40: {  	_ =	shalt  }
0x41: {  	_ =	shalt  }
0x42: {  	_ =	shalt  }
0x43: {  	_ =	shalt  }
0x44: {  	_ =	shalt  }
0x45: {  	_ =	shalt  }
0x46: {  	_ =	shalt  }
0x47: {  	_ =	shalt  }
0x48: {  	_ =	shalt  }
0x49: {  	_ =	shalt  }
0x4a: {  	_ =	shalt  }
0x4b: {  	_ =	shalt  }
0x4c: {  	_ =	shalt  }
0x4d: {  	_ =	shalt  }
0x4e: {  	_ =	shalt  }
0x4f: {  	_ =	shalt  }
0x50: {  	_ =	shalt  }
0x51: {  	_ =	shalt  }
0x52: {  	_ =	shalt  }
0x53: {  	_ =	shalt  }
0x54: {  	_ =	shalt  }
0x55: {  	_ =	shalt  }
0x56: {  	_ =	shalt  }
0x57: {  	_ =	shalt  }
0x58: {  	_ =	shalt  }
0x59: {  	_ =	shalt  }
0x5a: {  	_ =	shalt  }
0x5b: {  	_ =	shalt  }
0x5c: {  	_ =	shalt  }
0x5d: {  	_ =	shalt  }
0x5e: {  	_ =	shalt  }
0x5f: {  	_ =	shalt  }
0x60: {  	_ =	shalt  }
0x61: {  	_ =	shalt  }
0x62: {  	_ =	shalt  }
0x63: {  	_ =	shalt  }
0x64: {  	_ =	shalt  }
0x65: {  	_ =	shalt  }
0x66: {  	_ =	shalt  }
0x67: {  	_ =	shalt  }
0x68: {  	_ =	shalt  }
0x69: {  	_ =	shalt  }
0x6a: {  	_ =	shalt  }
0x6b: {  	_ =	shalt  }
0x6c: {  	_ =	shalt  }
0x6d: {  	_ =	shalt  }
0x6e: {  	_ =	shalt  }
0x6f: {  	_ =	shalt  }
0x70: {  	_ =	shalt  }
0x71: {  	_ =	shalt  }
0x72: {  	_ =	shalt  }
0x73: {  	_ =	shalt  }
0x74: {  	_ =	shalt  }
0x75: {  	_ =	shalt  }
0x76: {  	_ =	shalt  }
0x77: {  	_ =	shalt  }
0x78: {  	_ =	shalt  }
0x79: {  	_ =	shalt  }
0x7a: {  	_ =	shalt  }
0x7b: {  	_ =	shalt  }
0x7c: {  	_ =	shalt  }
0x7d: {  	_ =	shalt  }
0x7e: {  	_ =	shalt  }
0x7f: {  	_ =	shalt  }
0x80: {  	_ =	shalt  }
0x81: {  	_ =	shalt  }
0x82: {  	_ =	shalt  }
0x83: {  	_ =	shalt  }
0x84: {  	_ =	shalt  }
0x85: {  	_ =	shalt  }
0x86: {  	_ =	shalt  }
0x87: {  	_ =	shalt  }
.Lfunc_end0:
.L_simem_size_0:
called_computation.1_lowered:
.L_overlay_start_0:
0x88: {  	s2 =	sld [smem:$0x3FD9]  }
0x89: {  	s3 =	sld [smem:$0x3FFE];
	_ =	sdelay $0x1  }
0x8a: {  	s1 =	srdreg.scid  }
0x8b: {  	s0 =	sand.u32 $0x1, s1  }
0x8c: {  	s17 =	sshll.u32 s0, $0xA;
	s2 =	sadd.s32 s3, s2  }
0x8d: {  	s2 =	sadd.s32 s2, s17  }
0x8e: {  	[smem:$0x3FC0] =	sst s2  }
0x8f: {  	_ = 	snop  }
0x90: {  	s2 =	sld [smem:$0x3FD0];
	(tm) =	ssettm $0x1  }
0x91: {  	s18 =	sld [smem:$0x3FFB];
	_ =	sdelay $0x3  }
0x92: {  	_ =	strace s18  }
0x93: {  	s3 =	sld [smem:$0x3FFC];
	_ =	sdelay $0x3  }
0x94: {  	_ =	strace s3  }
0x95: {  	s3 =	sld [smem:$0x3FFD];
	_ =	sdelay $0x3  }
0x96: {  	_ =	strace s3  }
0x97: {  	_ =	strace $0x8FFFFFFF  }
0x98: {  	s19 =	sld [smem:$0x3FDB];
	_ =	sdelay $0x1  }
0x99: {  	s4 =	simm.s32 $_scs_section_size  }
0x9a: {  	s5 =	simm.s32 $_size__tile_overlayer_lowered;
	s6 =	simm.s32 $_tile_overlayer_lowered  }
0x9b: {  	s22 =	simm.s32 $0x1BFF;
	s21 =	sshll.u32 s6, $0x1;
	s3 =	sadd.s32 s4, s19  }
0x9c: {  	s7 =	simm.s32 $0x0;
	s20 =	sshll.u32 s5, $0x1;
	s5 =	sadd.s32 s21, s3  }
0x9d: {  	[timem:s7], [sflag:s22] =	dma.local [hbm:s5], s20  }
0x9e: {  	_ =	swait.ge [sflag:s22], s20  }
0x9f: {  	s4 =	ssub.s32 $0x0, s20;
	[sflag:s22] =	ssyncset.done $0x0  }
0xa0: {  	[sflag:s22] =	ssyncadd.s32 s4;
	_ =	sdelay $0x1  }
0xa1: {  	s23 =	simm.s32 $0x1B8B  }
0xa2: {  	_ =	swait.ge [sflag:s23], $0x1  }
0xa3: {  	[sflag:s23] =	ssyncset.done $0x0  }
0xa4: {  	s25 =	simm.s32 $0x1B8E;
	s24 =	sld [smem:$0x3FFE];
	[sflag:s23] =	ssyncadd.s32 $0xFFFFFFFF  }
0xa5: {  	s26 =	simm.s32 $execute0_lowered;
	[smem:$0x3FD2] =	sst s25  }
0xa6: {  	s5 =	sshll.u32 s26, $0x1;
	_ =	strace $0x80000049;
	[dreg:$0x1] =	wrdreg $0xFFFFFFFF  }
0xa7: {  	s28 =	simm.s32 $_size_execute0_lowered;
	s3 =	sadd.s32 s3, s5;
	[dreg:$0x0] =	wrdreg $0x0  }
0xa8: {  	s5 =	sshll.u32 s28, $0x1;
	[dreg:$0x2] =	wrdreg s3  }
0xa9: {  	[dreg:$0x3] =	wrdreg s5  }
0xaa: {  	[dreg:$0x4] =	wrdreg $0xC0  }
0xab: {  	_ =	task [dreg:s7], $0x5FFFF  }
0xac: {  	[dreg:$0x1] =	wrdreg $0xFFFFFFFF  }
0xad: {  	[dreg:$0x0] =	wrdreg $0x60  }
0xae: {  	[dreg:$0x2] =	wrdreg s24  }
0xaf: {  	[dreg:$0x3] =	wrdreg s2  }
0xb0: {  	[dreg:$0x4] =	wrdreg $0x153400  }
0xb1: {  	[dreg:$0x5] =	wrdreg $0xB5400  }
0xb2: {  	[dreg:$0x6] =	wrdreg $0x9  }
0xb3: {  	_ =	task.clear_ibuf [dreg:s7], $0x7FFFF;
	_ =	strace $0x90000049  }
0xb4: {  	s29 =	simm.s32 $0x9;
	_ =	strace $0x8000004B  }
0xb5: {  	_ =	swait.ge [sflag:s29], $0x1  }
0xb6: {  	[sflag:s29] =	ssyncadd.s32 $0xFFFFFFFF  }
0xb7: {  	_ =	strace $0x9000004B  }
0xb8: {  	_ =	sfence  }
0xb9: {  	s30 =	sld [smem:$0x0];
	_ =	sdelay $0x2  }
0xba: {  	s31 =	sshll.u32 s1, $0xD;
	s1 =	sshrl.u32 s1, $0x2  }
0xbb: {  	s3 =	sand.u32 $0x4000, s31;
	s1 =	sadd.s32 s1, s30  }
0xbc: {  	s0 =	sor.u32 s3, s0;
	s1 =	sshll.u32 s1, $0x11  }
0xbd: {  	s0 =	sor.u32 s1, s0  }
0xbe: {  	s0 =	sadd.s32 $0x8F2B, s0  }
0xbf: {  	[sflag:s0] =	ssyncadd.remote.s32 $0x1  }
0xc0: {  	_ =	sfence.sel $0xFFFF  }
0xc1: {  	[dreg:$0x0] =	wrdreg $0xFFFFFFFF;
	(pc) =	sbr.abs _section_cstart, $3  }
0xc2: {  	[dreg:$0x1] =	wrdreg $0xFFFFFFFF  }
0xc3: {  	_ =	task.clear_ibuf [dreg:s7], $0x2FFFF;
	_ =	strace $0x9FFFFFFF  }
0xc4: {  	(tm) =	ssettm $0x7FFFFFFF  }
0xc5: {  	_ =	shalt  }
tec
execute0_lowered:
.L_overlay_start_1:
0x0: {  	(tag) =	ssettag $0x1  }
0x1: {  	s0 =	rddreg [dreg:$0x0]  }
0x2: {  	s1 =	srdreg.scid;
	s8 =	rddreg [dreg:$0x1]  }
0x3: {  	s13 =	stileid.u32;
	s2 =	rddreg [dreg:$0x2];
	s17 =	simm.s32 $0x9  }
0x4: {  	s18 =	simm.s32 $0x28A0;
	s29 =	simm.s32 $0x8340;
	s30 =	simm.s32 $0x2  }
0x5: {  	s31 =	simm.s32 $0x7;
	s1 =	sand.u32 $0x1, s1;
	s6 =	smul.u32 $0x278, s13  }
0x6: {  	s3 =	sshll.u32 s13, $0x1;
	s10 =	smul.u32 $0x27800, s13;
	s28 =	sshll.u32 s13, $0x6  }
0x7: {  	s4 =	sor.u32 s1, s3;
	s3 =	rddreg [dreg:$0x3];
	s7 =	smul.u32 $0x2780, s1  }
0x8: {  	s12 =	ssub.s32 $0x2, s1;
	p0 =	sne.s32 s1, $0x0;
	s19 =	sor.u32 $0x1C09, s28  }
0x9: {  	s1 =	simm.s32 $0x8;
	s5 =	smul.u32 $0x514, s4;
	s4 =	simm.s32 $0x0  }
0xa: {  	s14 =	sshrl.u32 s12, $0x1;
	s15 =	sshrl.u32 s10, $0x2;
	[smem:$0x7FF] =	sst s4  }
0xb: {  	s11 =	sadd.s32 s6, s7;
	s7 =	sadd.s32 s15, s3;
	s15 =	simm.s32 $0x4  }
0xc: {  	_ =	strace $0x8000004A;
	s9 =	sadd.s32 s5, s0;
	s5 =	sshll.u32 s11, $0x3  }
0xd: {  	s11 =	ssub.s32 s12, s14;
	s21 =	sadd.s32 $0x9600, s7;
	[dreg:$0x5] =	wrdreg s7  }
0xe: {  	s12 =	smul.u32 $0x9E00, s13;
	s22 =	sadd.s32 $0x1900, s7;
	[dreg:$0x6] =	wrdreg s21  }
0xf: {  	s23 =	sadd.s32 $0x3200, s7;
	s24 =	sadd.s32 $0x4B00, s7;
	[dreg:$0x7] =	wrdreg s22  }
0x10: {  	s25 =	sadd.s32 $0x6400, s7;
	s26 =	sadd.s32 $0x7D00, s7;
	[dreg:$0x8] =	wrdreg s23  }
0x11: {  	s13 =	simm.s32 $0x5;
	s0 =	sadd.s32 s5, s0;
	[dreg:$0x9] =	wrdreg s24  }
0x12: {  	s5 =	sadd.s32 $0xC200, s9;
	s6 =	sadd.s32 $0x1E00, s9;
	[dreg:$0xa] =	wrdreg s25  }
0x13: {  	s11 =	smax.u32 s11, $0x1;
	[dreg:$0xb] =	wrdreg s26;
	s22 =	simm.s32 $0x64  }
.Ltmp0:
0x14: {  	s23 =	simm.s32 $0x5140;
	s25 =	simm.s32 $0x6A40;
	(pc) =	sbr.rel .LBB2_1-.Ltmp0, $4  }
0x15: {  	s26 =	simm.s32 $0x1;
	s9 =	simm.s32 $0x3;
	s24 =	simm.s32 $0x6  }
0x16: {  	s16 =	sadd.s32 s12, s2;
	s20 =	sshrl.u32 s12, $0x3;
	s12 =	sadd.s32 s12, s3  }
0x17: {  	s10 =	sadd.s32 $0x16600, s0;
	s0 =	simm.s32 $0x9C40;
	s8 =	sadd.s32 s8, s20  }
0x18: {  	v0 =	vimm.f32 $0.0e+00;
	s20 =	sshrl.u32 s16, $0x3;
	s21 =	sshrl.u32 s12, $0x3;
	s12 =	simm.s32 $0x0  }
.LBB2_9:
0x19: {  	_ =	swait.ge [sflag:s15], $0x1900  }
0x1a: {  	[sflag:s15] =	ssyncset.done $0x0  }
0x1b: {  	[sflag:s15] =	ssyncadd.s32 $0xFFFFE700  }
0x1c: {  	[spmem:s3] =	stream.indirect.scatter.add.f32 [tilespmem:s0], [sflag:$0x8], $0x40, s28, s22, $0xb8;
	[tilespmem:$0x1F140] =	vst v63  }
0x1d: {  	_ =	swait.ge [sflag:s24], $0x1900  }
0x1e: {  	[sflag:s24] =	ssyncset.done $0x0  }
0x1f: {  	[sflag:s24] =	ssyncadd.s32 $0xFFFFE700  }
0x20: {  	_ =	swait.ge [sflag:s31], $0x1900  }
0x21: {  	[sflag:s31] =	ssyncset.done $0x0  }
0x22: {  	[sflag:s31] =	ssyncadd.s32 $0xFFFFE700  }
0x23: {  	_ =	swait.ge [sflag:s1], $0x1900  }
0x24: {  	s12 =	sadd.s32 $0x1, s12;
	[sflag:s1] =	ssyncset.done $0x0  }
0x25: {  	p1 =	sne.s32 s12, s11;
	[sflag:s1] =	ssyncadd.s32 $0xFFFFE700  }
.Ltmp1:
0x26: {  	[bflag:$0x0] =	sbarrier.arrive $0xFFFF;
	(pc) =	sbr.rel @!p1 .LBB2_10-.Ltmp1, $4  }
0x27: {  	[hbm:s10], [sflag:s19] =	dma.local [spmem:s21], $0x13C0  }
0x28: {  	_ =	swait.ge [sflag:s17], $0x13C0  }
0x29: {  	[sflag:s17] =	ssyncset.done $0x0  }
0x2a: {  	[sflag:s17] =	ssyncadd.s32 $0xFFFFEC40  }
.LBB2_1:
0x2b: {  	[tilespmem:s4], [sflag:$0x9] =	stream.linear.gather [hbm4b:s5+s4], $0x28A0, $0x38;
	[tilespmem:$0x1F140] =	vst v63  }
0x2c: {  	_ =	swait.ge [sflag:s17], $0x28A0  }
0x2d: {  	[sflag:s17] =	ssyncset.done $0x0  }
0x2e: {  	[sflag:s17] =	ssyncadd.s32 $0xFFFFD760  }
0x2f: {  	[tilespmem:s18], [sflag:$0x9] =	stream.linear.gather [hbm4b:s6+s4], $0x28A0, $0x38;
	[tilespmem:$0x1F140] =	vst v63  }
0x30: {  	_ =	swait.ge [sflag:s17], $0x28A0  }
0x31: {  	[sflag:s17] =	ssyncset.done $0x0  }
.Ltmp2:
0x32: {  	[sflag:s17] =	ssyncadd.s32 $0xFFFFD760;
	(pc) =	sbr.rel @p0 .LBB2_3-.Ltmp2, $4  }
0x33: {  	[spmem:s20], [sflag:s19] =	dma.local [hbm:s8], $0x13C0  }
0x34: {  	_ =	swait.ge [sflag:s17], $0x13C0  }
0x35: {  	[sflag:s17] =	ssyncset.done $0x0  }
0x36: {  	[sflag:s17] =	ssyncadd.s32 $0xFFFFEC40  }
.Ltmp3:
0x37: {  	(pc) =	sbr.rel .LBB2_6-.Ltmp3, $4  }
0x38: {  	[spmem:s21], [sflag:s19] =	dma.local [hbm:s8], $0x13C0  }
0x39: {  	_ =	swait.ge [sflag:s17], $0x13C0  }
0x3a: {  	[sflag:s17] =	ssyncset.done $0x0  }
0x3b: {  	[sflag:s17] =	ssyncadd.s32 $0xFFFFEC40  }
.LBB2_3:
0x3c: {  	s16 =	simm.s32 $0x100;
	s14 =	simm.s32 $0x0  }
.LBB2_4:
0x3d: {  	p1 =	sne.s32 s16, $0x6300;
	[tilespmem:s14+$0x5170] =	vst v0;
	s28 =	smov.u32 s16;
	s16 =	sadd.s32 $0x100, s16  }
.Ltmp4:
0x3e: {  	[tilespmem:s14+$0x5160] =	vst v0;
	(pc) =	sbr.rel @p1 .LBB2_4-.Ltmp4, $3  }
0x3f: {  	[tilespmem:s14+$0x5140] =	vst v0  }
0x40: {  	[tilespmem:s14+$0x5150] =	vst v0;
	_ =	sdelay $0x1  }
0x41: {  	s14 =	sshra.s32 s28, $0x2  }
0x42: {  	[tilespmem:s14+$0x5170] =	vst v0  }
0x43: {  	[tilespmem:s14+$0x5160] =	vst v0  }
0x44: {  	[tilespmem:s14+$0x5140] =	vst v0  }
0x45: {  	[tilespmem:s14+$0x5150] =	vst v0;
	s7 =	rddreg [dreg:$0x5]  }
0x46: {  	[spmem:s7] =	stream.linear.scatter [tilespmem:s23], [sflag:$0x9], $0x1900, $0x38;
	[tilespmem:$0x1F140] =	vst v63  }
0x47: {  	_ =	swait.ge [sflag:s17], $0x1900  }
0x48: {  	[sflag:s17] =	ssyncset.done $0x0  }
0x49: {  	s14 =	rddreg [dreg:$0x7];
	[sflag:s17] =	ssyncadd.s32 $0xFFFFE700  }
0x4a: {  	[spmem:s14] =	stream.linear.scatter [tilespmem:s23], [sflag:$0x9], $0x1900, $0x38;
	[tilespmem:$0x1F140] =	vst v63  }
0x4b: {  	_ =	swait.ge [sflag:s17], $0x1900  }
0x4c: {  	[sflag:s17] =	ssyncset.done $0x0  }
0x4d: {  	s16 =	rddreg [dreg:$0x8];
	[sflag:s17] =	ssyncadd.s32 $0xFFFFE700  }
0x4e: {  	[spmem:s16] =	stream.linear.scatter [tilespmem:s23], [sflag:$0x9], $0x1900, $0x38;
	[tilespmem:$0x1F140] =	vst v63  }
0x4f: {  	_ =	swait.ge [sflag:s17], $0x1900  }
0x50: {  	[sflag:s17] =	ssyncset.done $0x0  }
0x51: {  	s28 =	rddreg [dreg:$0x9];
	[sflag:s17] =	ssyncadd.s32 $0xFFFFE700  }
0x52: {  	[spmem:s28] =	stream.linear.scatter [tilespmem:s23], [sflag:$0x9], $0x1900, $0x38;
	[tilespmem:$0x1F140] =	vst v63  }
0x53: {  	_ =	swait.ge [sflag:s17], $0x1900  }
0x54: {  	[sflag:s17] =	ssyncset.done $0x0  }
0x55: {  	s14 =	rddreg [dreg:$0xa];
	[sflag:s17] =	ssyncadd.s32 $0xFFFFE700  }
0x56: {  	[spmem:s14] =	stream.linear.scatter [tilespmem:s23], [sflag:$0x9], $0x1900, $0x38;
	[tilespmem:$0x1F140] =	vst v63  }
0x57: {  	_ =	swait.ge [sflag:s17], $0x1900  }
0x58: {  	[sflag:s17] =	ssyncset.done $0x0  }
0x59: {  	s16 =	rddreg [dreg:$0xb];
	[sflag:s17] =	ssyncadd.s32 $0xFFFFE700  }
0x5a: {  	[spmem:s16] =	stream.linear.scatter [tilespmem:s23], [sflag:$0x9], $0x1900, $0x38;
	[tilespmem:$0x1F140] =	vst v63  }
0x5b: {  	_ =	swait.ge [sflag:s17], $0x1900  }
0x5c: {  	[sflag:s17] =	ssyncset.done $0x0  }
0x5d: {  	s28 =	rddreg [dreg:$0x6];
	[sflag:s17] =	ssyncadd.s32 $0xFFFFE700  }
0x5e: {  	[spmem:s28] =	stream.linear.scatter [tilespmem:s23], [sflag:$0x9], $0x800, $0x38;
	[tilespmem:$0x1F140] =	vst v63  }
0x5f: {  	_ =	swait.ge [sflag:s17], $0x800  }
0x60: {  	[sflag:s17] =	ssyncset.done $0x0  }
0x61: {  	[sflag:s17] =	ssyncadd.s32 $0xFFFFF800  }
.LBB2_6:
0x62: {  	[bflag:$0x0] =	sbarrier.arrive $0xFFFF;
	s14 =	simm.s32 $0x0  }
0x63: {  	[tilespmem:s23], [sflag:$0x1] =	stream.indirect.gather [spmem:s2], $0x40, s14, s22, $0xb8;
	[tilespmem:$0x1F140] =	vst v63  }
0x64: {  	s7 =	simm.s32 $0x68  }
0x65: {  	[tilespmem:s25], [sflag:$0x2] =	stream.indirect.gather [spmem:s2], $0x40, s7, s22, $0xb8;
	[tilespmem:$0x1F140] =	vst v63  }
0x66: {  	_ =	swait.ge [sflag:s26], $0x1900  }
0x67: {  	[sflag:s26] =	ssyncset.done $0x0  }
0x68: {  	[sflag:s26] =	ssyncadd.s32 $0xFFFFE700  }
0x69: {  	[spmem:s3] =	stream.indirect.scatter.add.f32 [tilespmem:s23], [sflag:$0x5], $0x40, s18, s22, $0xb8;
	[tilespmem:$0x1F140] =	vst v63  }
0x6a: {  	s28 =	simm.s32 $0xD0  }
0x6b: {  	[tilespmem:s29], [sflag:$0x3] =	stream.indirect.gather [spmem:s2], $0x40, s28, s22, $0xb8;
	[tilespmem:$0x1F140] =	vst v63  }
0x6c: {  	_ =	swait.ge [sflag:s30], $0x1900  }
0x6d: {  	[sflag:s30] =	ssyncset.done $0x0  }
0x6e: {  	s16 =	simm.s32 $0x2908;
	[sflag:s30] =	ssyncadd.s32 $0xFFFFE700  }
0x6f: {  	[spmem:s3] =	stream.indirect.scatter.add.f32 [tilespmem:s25], [sflag:$0x6], $0x40, s16, s22, $0xb8;
	[tilespmem:$0x1F140] =	vst v63  }
0x70: {  	s28 =	simm.s32 $0x138  }
0x71: {  	[tilespmem:s0], [sflag:$0x4] =	stream.indirect.gather [spmem:s2], $0x40, s28, s22, $0xb8;
	[tilespmem:$0x1F140] =	vst v63  }
0x72: {  	_ =	swait.ge [sflag:s9], $0x1900  }
0x73: {  	[sflag:s9] =	ssyncset.done $0x0  }
0x74: {  	s16 =	simm.s32 $0x2970;
	[sflag:s9] =	ssyncadd.s32 $0xFFFFE700  }
0x75: {  	[spmem:s3] =	stream.indirect.scatter.add.f32 [tilespmem:s29], [sflag:$0x7], $0x40, s16, s22, $0xb8;
	[tilespmem:$0x1F140] =	vst v63  }
0x76: {  	_ =	swait.ge [sflag:s13], $0x1900  }
0x77: {  	[sflag:s13] =	ssyncset.done $0x0  }
0x78: {  	s28 =	simm.s32 $0x1A0;
	[sflag:s13] =	ssyncadd.s32 $0xFFFFE700  }
0x79: {  	[tilespmem:s23], [sflag:$0x1] =	stream.indirect.gather [spmem:s2], $0x40, s28, s22, $0xb8;
	[tilespmem:$0x1F140] =	vst v63  }
0x7a: {  	_ =	swait.ge [sflag:s15], $0x1900  }
0x7b: {  	[sflag:s15] =	ssyncset.done $0x0  }
0x7c: {  	s16 =	simm.s32 $0x29D8;
	[sflag:s15] =	ssyncadd.s32 $0xFFFFE700  }
0x7d: {  	[spmem:s3] =	stream.indirect.scatter.add.f32 [tilespmem:s0], [sflag:$0x8], $0x40, s16, s22, $0xb8;
	[tilespmem:$0x1F140] =	vst v63  }
0x7e: {  	_ =	swait.ge [sflag:s24], $0x1900  }
0x7f: {  	[sflag:s24] =	ssyncset.done $0x0  }
0x80: {  	s28 =	simm.s32 $0x208;
	[sflag:s24] =	ssyncadd.s32 $0xFFFFE700  }
0x81: {  	[tilespmem:s25], [sflag:$0x2] =	stream.indirect.gather [spmem:s2], $0x40, s28, s22, $0xb8;
	[tilespmem:$0x1F140] =	vst v63  }
.LBB2_7:
0x82: {  	_ =	swait.ge [sflag:s26], $0x1900  }
0x83: {  	s16 =	sshra.s32 s14, $0x2;
	[sflag:s26] =	ssyncset.done $0x0  }
0x84: {  	s28 =	sadd.s32 $0x2A40, s16;
	[sflag:s26] =	ssyncadd.s32 $0xFFFFE700  }
0x85: {  	[spmem:s3] =	stream.indirect.scatter.add.f32 [tilespmem:s23], [sflag:$0x5], $0x40, s28, s22, $0xb8;
	[tilespmem:$0x1F140] =	vst v63  }
0x86: {  	_ =	swait.ge [sflag:s31], $0x1900  }
0x87: {  	[sflag:s31] =	ssyncset.done $0x0  }
0x88: {  	s28 =	sadd.s32 $0x270, s16;
	[sflag:s31] =	ssyncadd.s32 $0xFFFFE700  }
0x89: {  	[tilespmem:s29], [sflag:$0x3] =	stream.indirect.gather [spmem:s2], $0x40, s28, s22, $0xb8;
	[tilespmem:$0x1F140] =	vst v63  }
0x8a: {  	_ =	swait.ge [sflag:s30], $0x1900  }
0x8b: {  	[sflag:s30] =	ssyncset.done $0x0  }
0x8c: {  	s28 =	sadd.s32 $0x2AA8, s16;
	[sflag:s30] =	ssyncadd.s32 $0xFFFFE700  }
0x8d: {  	[spmem:s3] =	stream.indirect.scatter.add.f32 [tilespmem:s25], [sflag:$0x6], $0x40, s28, s22, $0xb8;
	[tilespmem:$0x1F140] =	vst v63  }
0x8e: {  	_ =	swait.ge [sflag:s1], $0x1900  }
0x8f: {  	[sflag:s1] =	ssyncset.done $0x0  }
0x90: {  	s28 =	sadd.s32 $0x2D8, s16;
	[sflag:s1] =	ssyncadd.s32 $0xFFFFE700  }
0x91: {  	[tilespmem:s0], [sflag:$0x4] =	stream.indirect.gather [spmem:s2], $0x40, s28, s22, $0xb8;
	[tilespmem:$0x1F140] =	vst v63  }
0x92: {  	_ =	swait.ge [sflag:s9], $0x1900  }
0x93: {  	p1 =	seq.s32 s14, $0x9580;
	[sflag:s9] =	ssyncset.done $0x0  }
.Ltmp5:
0x94: {  	s28 =	sadd.s32 $0x2B10, s16;
	[sflag:s9] =	ssyncadd.s32 $0xFFFFE700;
	(pc) =	sbr.rel @p1 .LBB2_9-.Ltmp5, $4  }
0x95: {  	[spmem:s3] =	stream.indirect.scatter.add.f32 [tilespmem:s29], [sflag:$0x7], $0x40, s28, s22, $0xb8;
	[tilespmem:$0x1F140] =	vst v63  }
0x96: {  	_ =	swait.ge [sflag:s13], $0x1900  }
0x97: {  	[sflag:s13] =	ssyncset.done $0x0  }
0x98: {  	s28 =	sadd.s32 $0x2B78, s16;
	[sflag:s13] =	ssyncadd.s32 $0xFFFFE700  }
0x99: {  	s7 =	sadd.s32 $0x340, s16  }
0x9a: {  	[tilespmem:s23], [sflag:$0x1] =	stream.indirect.gather [spmem:s2], $0x40, s7, s22, $0xb8;
	[tilespmem:$0x1F140] =	vst v63  }
0x9b: {  	_ =	swait.ge [sflag:s15], $0x1900  }
0x9c: {  	[sflag:s15] =	ssyncset.done $0x0  }
0x9d: {  	[sflag:s15] =	ssyncadd.s32 $0xFFFFE700  }
0x9e: {  	[spmem:s3] =	stream.indirect.scatter.add.f32 [tilespmem:s0], [sflag:$0x8], $0x40, s28, s22, $0xb8;
	[tilespmem:$0x1F140] =	vst v63  }
.Ltmp6:
0x9f: {  	_ = 	snop;
	(pc) =	sbr.rel .LBB2_7-.Ltmp6, $4  }
0xa0: {  	_ =	swait.ge [sflag:s24], $0x1900  }
0xa1: {  	[sflag:s24] =	ssyncset.done $0x0  }
0xa2: {  	s14 =	sadd.s32 $0x680, s14;
	s28 =	sadd.s32 $0x3A8, s16;
	[sflag:s24] =	ssyncadd.s32 $0xFFFFE700  }
0xa3: {  	[tilespmem:s25], [sflag:$0x2] =	stream.indirect.gather [spmem:s2], $0x40, s28, s22, $0xb8;
	[tilespmem:$0x1F140] =	vst v63  }
.LBB2_10:
0xa4: {  	_ =	sfence.sel $0x180000  }
0xa5: {  	[bflag:$0x0] =	sbarrier.arrive $0xFFFF  }
0xa6: {  	_ =	strace $0x9000004A  }
0xa7: {  	s0 =	stileid.u32;
	[bflag:$0x2] =	sbarrier.arrive $0xFFFF  }
0xa8: {  	p0 =	sne.s32 s0, $0x0;
	s0 =	rddreg [dreg:$0x4]  }
0xa9: {  	s0 =	sadd.s32 @!p0 $0x100000, s0  }
0xaa: {  	[sflag:s0] =	ssyncadd.tile.s32 @!p0 $0x1;
	_ =	shalt  }
.Lfunc_end2:
_tile_overlayer_lowered:
.L_overlay_start_2:
0xab: {  	(tag) =	ssettag $0x2  }
0xac: {  	s0 =	rddreg [dreg:$0x0];
	s2 =	stileid.u32  }
0xad: {  	s1 =	rddreg [dreg:$0x1];
	p0 =	sne.s32 s2, $0x0  }
0xae: {  	s3 =	rddreg [dreg:$0x2];
	[bflag:$0x3] =	sbarrier.arrive $0xFFFF;
	s2 =	simm.s32 @!p0 $0x1C09  }
0xaf: {  	[timem:s3], [sflag:s2] =	dma.local @!p0 [hbm:s0], s1  }
0xb0: {  	s0 =	simm.s32 @!p0 $0x9  }
0xb1: {  	_ =	swait.ge @!p0 [sflag:s0], s1  }
0xb2: {  	s1 =	ssub.s32 @!p0 $0x0, s1;
	[sflag:s0] =	ssyncset.done @!p0 $0x0  }
0xb3: {  	[sflag:s0] =	ssyncadd.s32 @!p0 s1  }
0xb4: {  	[bflag:$0x3] =	sbarrier.arrive $0xFFFF  }
0xb5: {  	_ =	shalt  }

// kernel: kernel.16.cloned.1.call-start
scs
__scs_entry_jumppad:
0x0: {  	(pc) =	sbr.rel $0x88, $3  }
0x1: {  	(tag) =	ssettag $0x0;
	lr =	simm.s32 $0x1  }
0x2: {  	[smem:$0x3F99] =	sst lr;
	_ =	strace $0xD0000000  }
0x3: {  	_ = 	snop  }
0x4: {  	_ = 	snop  }
0x5: {  	_ = 	snop  }
0x6: {  	_ = 	snop  }
0x7: {  	_ = 	snop  }
__scs_overlays_trampoline_lowered:
0x8: {  	[smem:$0x3FA8] =	sst s0  }
0x9: {  	[smem:$0x3FA9] =	sst s1  }
0xa: {  	[smem:$0x3FAA] =	sst s2  }
0xb: {  	[smem:$0x3FAB] =	sst s3  }
0xc: {  	[smem:$0x3FAC] =	sst s4  }
0xd: {  	[smem:$0x3FAD] =	sst s5  }
0xe: {  	[smem:$0x3FAE] =	sst s6  }
0xf: {  	[smem:$0x3FAF] =	sst s7  }
0x10: {  	[smem:$0x3FB0] =	sst s8  }
0x11: {  	[smem:$0x3FB1] =	sst s9;
	s0 =	simm.s32 @!p0 $0x0  }
0x12: {  	s1 =	sld [smem:$0x3F97];
	s0 =	simm.s32 @p0 $0x1  }
0x13: {  	[smem:$0x3FB2] =	sst s0;
	s0 =	simm.s32 @!p1 $0x0  }
0x14: {  	s2 =	sld [smem:$0x3F96];
	s0 =	simm.s32 @p1 $0x1  }
0x15: {  	[smem:$0x3FB3] =	sst s0;
	s0 =	simm.s32 @!p2 $0x0  }
0x16: {  	s3 =	sld [smem:$0x3FDB];
	s0 =	simm.s32 @p2 $0x1  }
0x17: {  	s4 =	simm.s32 $0x1BF5;
	[smem:$0x3FB5] =	sst s0  }
0x18: {  	s0 =	sld [smem:$0x3F98];
	_ =	swait.ge [sflag:s4], $0x0  }
0x19: {  	s7 =	sld [smem:$0x3F99]  }
0x1a: {  	s8 =	sadd.s32 $0xFFFFE003, lr  }
0x1b: {  	s9 =	sadd.s32 $0xFFFFFEF7, lr;
	s5 =	simm.s32 $0xFFFFFFFF;
	p2 =	slt.u32 s8, $0xFFFFF086  }
0x1c: {  	p1 =	slt.u32 s9, $0xF7A;
	s5 =	simm.s32 @!p2 $0x0  }
0x1d: {  	s5 =	simm.s32 @p1 $0x1;
	p0 =	seq.s32 s7, s2  }
0x1e: {  	s7 =	smul.u32 @!p0 $0xF7A, s2;
	p2 =	seq.s32 @!p0 s5, $0x0  }
0x1f: {  	s9 =	smul.u32 $0xF7A, s1;
	s8 =	simm.s32 @!p0 $0x1BF5;
	p2 =	por !p2, p0  }
0x20: {  	[sflag:s8] =	ssyncset.s32 @!p0 $0xFFFFF086;
	s6 =	sadd.s32 @!p0 s3, s7;
	s7 =	simm.s32 @!p0 $0x108  }
0x21: {  	s3 =	sadd.s32 s3, s9;
	s6 =	sadd.s32 @!p0 $0x88, s6;
	s7 =	simm.s32 @p2 $0x1082  }
0x22: {  	[simem:s7], [sflag:s8] =	dma.local @!p0 [hbm:s6], $0xF7A  }
0x23: {  	s9 =	sor.u32 $0xD0000000, s2;
	s6 =	simm.s32 $0x108;
	_ =	swait.ge @!p0 [sflag:s8], $0x0  }
0x24: {  	s3 =	sadd.s32 $0x88, s3;
	s6 =	simm.s32 @!p1 $0x1082;
	[sflag:s4] =	ssyncset.s32 $0xFFFFF086  }
0x25: {  	[simem:s6], [sflag:s4] =	dma.local [hbm:s3], $0xF7A  }
0x26: {  	[smem:$0x3F99] =	sst s1;
	(tag) =	ssettag s2;
	_ =	strace s9  }
0x27: {  	s1 =	sld [smem:$0x3FA9]  }
0x28: {  	s2 =	sld [smem:$0x3FAA]  }
0x29: {  	s4 =	sld [smem:$0x3FAC]  }
0x2a: {  	p0 =	seq.s32 s5, $0x0;
	s5 =	sld [smem:$0x3FAD]  }
0x2b: {  	s6 =	sld [smem:$0x3FAE]  }
0x2c: {  	s7 =	sld [smem:$0x3FAF]  }
0x2d: {  	s3 =	simm.s32 $0x108;
	s8 =	sld [smem:$0x3FB0]  }
0x2e: {  	s3 =	simm.s32 @!p0 $0x1082;
	s9 =	sld [smem:$0x3FB1]  }
0x2f: {  	lr =	sadd.s32 s0, s3;
	s0 =	sld [smem:$0x3FA8]  }
0x30: {  	s3 =	sld [smem:$0x3FAB]  }
0x31: {  	[smem:$0x3FB4] =	sst s10  }
0x32: {  	s10 =	sld [smem:$0x3FB2];
	_ =	sdelay $0x3  }
0x33: {  	p0 =	seq.s32 s10, $0x1;
	s10 =	sld [smem:$0x3FB4];
	_ =	sdelay $0x3  }
0x34: {  	[smem:$0x3FB4] =	sst s10  }
0x35: {  	s10 =	sld [smem:$0x3FB3];
	_ =	sdelay $0x3  }
0x36: {  	p1 =	seq.s32 s10, $0x1;
	s10 =	sld [smem:$0x3FB4];
	_ =	sdelay $0x3  }
0x37: {  	[smem:$0x3FB4] =	sst s10  }
0x38: {  	s10 =	sld [smem:$0x3FB5]  }
0x39: {  	_ = 	snop;
	(pc) =	sbr.ind lr, $3  }
0x3a: {  	_ = 	snop  }
0x3b: {  	_ = 	snop  }
0x3c: {  	p2 =	seq.s32 s10, $0x1;
	s10 =	sld [smem:$0x3FB4]  }
0x3d: {  	_ =	shalt  }
0x3e: {  	_ =	shalt  }
0x3f: {  	_ =	shalt  }
0x40: {  	_ =	shalt  }
0x41: {  	_ =	shalt  }
0x42: {  	_ =	shalt  }
0x43: {  	_ =	shalt  }
0x44: {  	_ =	shalt  }
0x45: {  	_ =	shalt  }
0x46: {  	_ =	shalt  }
0x47: {  	_ =	shalt  }
0x48: {  	_ =	shalt  }
0x49: {  	_ =	shalt  }
0x4a: {  	_ =	shalt  }
0x4b: {  	_ =	shalt  }
0x4c: {  	_ =	shalt  }
0x4d: {  	_ =	shalt  }
0x4e: {  	_ =	shalt  }
0x4f: {  	_ =	shalt  }
0x50: {  	_ =	shalt  }
0x51: {  	_ =	shalt  }
0x52: {  	_ =	shalt  }
0x53: {  	_ =	shalt  }
0x54: {  	_ =	shalt  }
0x55: {  	_ =	shalt  }
0x56: {  	_ =	shalt  }
0x57: {  	_ =	shalt  }
0x58: {  	_ =	shalt  }
0x59: {  	_ =	shalt  }
0x5a: {  	_ =	shalt  }
0x5b: {  	_ =	shalt  }
0x5c: {  	_ =	shalt  }
0x5d: {  	_ =	shalt  }
0x5e: {  	_ =	shalt  }
0x5f: {  	_ =	shalt  }
0x60: {  	_ =	shalt  }
0x61: {  	_ =	shalt  }
0x62: {  	_ =	shalt  }
0x63: {  	_ =	shalt  }
0x64: {  	_ =	shalt  }
0x65: {  	_ =	shalt  }
0x66: {  	_ =	shalt  }
0x67: {  	_ =	shalt  }
0x68: {  	_ =	shalt  }
0x69: {  	_ =	shalt  }
0x6a: {  	_ =	shalt  }
0x6b: {  	_ =	shalt  }
0x6c: {  	_ =	shalt  }
0x6d: {  	_ =	shalt  }
0x6e: {  	_ =	shalt  }
0x6f: {  	_ =	shalt  }
0x70: {  	_ =	shalt  }
0x71: {  	_ =	shalt  }
0x72: {  	_ =	shalt  }
0x73: {  	_ =	shalt  }
0x74: {  	_ =	shalt  }
0x75: {  	_ =	shalt  }
0x76: {  	_ =	shalt  }
0x77: {  	_ =	shalt  }
0x78: {  	_ =	shalt  }
0x79: {  	_ =	shalt  }
0x7a: {  	_ =	shalt  }
0x7b: {  	_ =	shalt  }
0x7c: {  	_ =	shalt  }
0x7d: {  	_ =	shalt  }
0x7e: {  	_ =	shalt  }
0x7f: {  	_ =	shalt  }
0x80: {  	_ =	shalt  }
0x81: {  	_ =	shalt  }
0x82: {  	_ =	shalt  }
0x83: {  	_ =	shalt  }
0x84: {  	_ =	shalt  }
0x85: {  	_ =	shalt  }
0x86: {  	_ =	shalt  }
0x87: {  	_ =	shalt  }
.Lfunc_end0:
.L_simem_size_0:
called_computation.2_lowered:
.L_overlay_start_0:
0x88: {  	s2 =	sld [smem:$0x3FD9]  }
0x89: {  	s3 =	sld [smem:$0x3FFE];
	_ =	sdelay $0x1  }
0x8a: {  	s1 =	srdreg.scid  }
0x8b: {  	s0 =	sand.u32 $0x1, s1  }
0x8c: {  	s17 =	sshll.u32 s0, $0xA;
	s2 =	sadd.s32 s3, s2  }
0x8d: {  	s2 =	sadd.s32 s2, s17  }
0x8e: {  	[smem:$0x3FC0] =	sst s2  }
0x8f: {  	_ = 	snop  }
0x90: {  	s2 =	sld [smem:$0x3FD0];
	(tm) =	ssettm $0x1  }
0x91: {  	s18 =	sld [smem:$0x3FFB];
	_ =	sdelay $0x3  }
0x92: {  	_ =	strace s18  }
0x93: {  	s3 =	sld [smem:$0x3FFC];
	_ =	sdelay $0x3  }
0x94: {  	_ =	strace s3  }
0x95: {  	s3 =	sld [smem:$0x3FFD];
	_ =	sdelay $0x3  }
0x96: {  	_ =	strace s3  }
0x97: {  	_ =	strace $0x8FFFFFFF  }
0x98: {  	s19 =	sld [smem:$0x3FDB];
	_ =	sdelay $0x1  }
0x99: {  	s4 =	simm.s32 $_scs_section_size  }
0x9a: {  	s5 =	simm.s32 $_size__tile_overlayer_lowered;
	s6 =	simm.s32 $_tile_overlayer_lowered  }
0x9b: {  	s22 =	simm.s32 $0x1BFF;
	s21 =	sshll.u32 s6, $0x1;
	s3 =	sadd.s32 s4, s19  }
0x9c: {  	s7 =	simm.s32 $0x0;
	s20 =	sshll.u32 s5, $0x1;
	s5 =	sadd.s32 s21, s3  }
0x9d: {  	[timem:s7], [sflag:s22] =	dma.local [hbm:s5], s20  }
0x9e: {  	_ =	swait.ge [sflag:s22], s20  }
0x9f: {  	s4 =	ssub.s32 $0x0, s20;
	[sflag:s22] =	ssyncset.done $0x0  }
0xa0: {  	[sflag:s22] =	ssyncadd.s32 s4;
	_ =	sdelay $0x1  }
0xa1: {  	s23 =	simm.s32 $0x1B8B  }
0xa2: {  	_ =	swait.ge [sflag:s23], $0x1  }
0xa3: {  	[sflag:s23] =	ssyncset.done $0x0  }
0xa4: {  	s25 =	simm.s32 $0x1B8E;
	s24 =	sld [smem:$0x3FFE];
	[sflag:s23] =	ssyncadd.s32 $0xFFFFFFFF  }
0xa5: {  	s26 =	simm.s32 $execute0_lowered;
	[smem:$0x3FD2] =	sst s25  }
0xa6: {  	s5 =	sshll.u32 s26, $0x1;
	_ =	strace $0x8000004C;
	[dreg:$0x1] =	wrdreg $0xFFFFFFFF  }
0xa7: {  	s28 =	simm.s32 $_size_execute0_lowered;
	s3 =	sadd.s32 s3, s5;
	[dreg:$0x0] =	wrdreg $0x0  }
0xa8: {  	s5 =	sshll.u32 s28, $0x1;
	[dreg:$0x2] =	wrdreg s3  }
0xa9: {  	[dreg:$0x3] =	wrdreg s5  }
0xaa: {  	[dreg:$0x4] =	wrdreg $0xC0  }
0xab: {  	_ =	task [dreg:s7], $0x5FFFF  }
0xac: {  	[dreg:$0x1] =	wrdreg $0xFFFFFFFF  }
0xad: {  	[dreg:$0x0] =	wrdreg $0x60  }
0xae: {  	[dreg:$0x2] =	wrdreg s24  }
0xaf: {  	[dreg:$0x3] =	wrdreg s2  }
0xb0: {  	[dreg:$0x4] =	wrdreg $0x153400  }
0xb1: {  	[dreg:$0x5] =	wrdreg $0xB5400  }
0xb2: {  	[dreg:$0x6] =	wrdreg $0x9  }
0xb3: {  	_ =	task.clear_ibuf [dreg:s7], $0x7FFFF;
	_ =	strace $0x9000004C  }
0xb4: {  	s29 =	simm.s32 $0x9;
	_ =	strace $0x8000004E  }
0xb5: {  	_ =	swait.ge [sflag:s29], $0x1  }
0xb6: {  	[sflag:s29] =	ssyncadd.s32 $0xFFFFFFFF  }
0xb7: {  	_ =	strace $0x9000004E  }
0xb8: {  	_ =	sfence  }
0xb9: {  	s30 =	sld [smem:$0x0];
	_ =	sdelay $0x2  }
0xba: {  	s31 =	sshll.u32 s1, $0xD;
	s1 =	sshrl.u32 s1, $0x2  }
0xbb: {  	s3 =	sand.u32 $0x4000, s31;
	s1 =	sadd.s32 s1, s30  }
0xbc: {  	s0 =	sor.u32 s3, s0;
	s1 =	sshll.u32 s1, $0x11  }
0xbd: {  	s0 =	sor.u32 s1, s0  }
0xbe: {  	s0 =	sadd.s32 $0x8F2B, s0  }
0xbf: {  	[sflag:s0] =	ssyncadd.remote.s32 $0x1  }
0xc0: {  	_ =	sfence.sel $0xFFFF  }
0xc1: {  	[dreg:$0x0] =	wrdreg $0xFFFFFFFF;
	(pc) =	sbr.abs _section_cstart, $3  }
0xc2: {  	[dreg:$0x1] =	wrdreg $0xFFFFFFFF  }
0xc3: {  	_ =	task.clear_ibuf [dreg:s7], $0x2FFFF;
	_ =	strace $0x9FFFFFFF  }
0xc4: {  	(tm) =	ssettm $0x7FFFFFFF  }
0xc5: {  	_ =	shalt  }
tec
execute0_lowered:
.L_overlay_start_1:
0x0: {  	(tag) =	ssettag $0x1  }
0x1: {  	s0 =	rddreg [dreg:$0x0]  }
0x2: {  	s1 =	srdreg.scid;
	s8 =	rddreg [dreg:$0x1]  }
0x3: {  	s13 =	stileid.u32;
	s2 =	rddreg [dreg:$0x2];
	s17 =	simm.s32 $0x9  }
0x4: {  	s18 =	simm.s32 $0x28A0;
	s29 =	simm.s32 $0x8340;
	s30 =	simm.s32 $0x2  }
0x5: {  	s31 =	simm.s32 $0x7;
	s1 =	sand.u32 $0x1, s1;
	s6 =	smul.u32 $0x278, s13  }
0x6: {  	s3 =	sshll.u32 s13, $0x1;
	s10 =	smul.u32 $0x27800, s13;
	s28 =	sshll.u32 s13, $0x6  }
0x7: {  	s4 =	sor.u32 s1, s3;
	s3 =	rddreg [dreg:$0x3];
	s7 =	smul.u32 $0x2780, s1  }
0x8: {  	s12 =	ssub.s32 $0x2, s1;
	p0 =	sne.s32 s1, $0x0;
	s19 =	sor.u32 $0x1C09, s28  }
0x9: {  	s1 =	simm.s32 $0x8;
	s5 =	smul.u32 $0x514, s4;
	s4 =	simm.s32 $0x0  }
0xa: {  	s14 =	sshrl.u32 s12, $0x1;
	s15 =	sshrl.u32 s10, $0x2;
	[smem:$0x7FF] =	sst s4  }
0xb: {  	s11 =	sadd.s32 s6, s7;
	s7 =	sadd.s32 s15, s3;
	s15 =	simm.s32 $0x4  }
0xc: {  	_ =	strace $0x8000004D;
	s9 =	sadd.s32 s5, s0;
	s5 =	sshll.u32 s11, $0x3  }
0xd: {  	s11 =	ssub.s32 s12, s14;
	s21 =	sadd.s32 $0x9600, s7;
	[dreg:$0x5] =	wrdreg s7  }
0xe: {  	s12 =	smul.u32 $0x9E00, s13;
	s22 =	sadd.s32 $0x1900, s7;
	[dreg:$0x6] =	wrdreg s21  }
0xf: {  	s23 =	sadd.s32 $0x3200, s7;
	s24 =	sadd.s32 $0x4B00, s7;
	[dreg:$0x7] =	wrdreg s22  }
0x10: {  	s25 =	sadd.s32 $0x6400, s7;
	s26 =	sadd.s32 $0x7D00, s7;
	[dreg:$0x8] =	wrdreg s23  }
0x11: {  	s13 =	simm.s32 $0x5;
	s0 =	sadd.s32 s5, s0;
	[dreg:$0x9] =	wrdreg s24  }
0x12: {  	s5 =	sadd.s32 $0xC200, s9;
	s6 =	sadd.s32 $0x1E00, s9;
	[dreg:$0xa] =	wrdreg s25  }
0x13: {  	s11 =	smax.u32 s11, $0x1;
	[dreg:$0xb] =	wrdreg s26;
	s22 =	simm.s32 $0x64  }
.Ltmp0:
0x14: {  	s23 =	simm.s32 $0x5140;
	s25 =	simm.s32 $0x6A40;
	(pc) =	sbr.rel .LBB2_1-.Ltmp0, $4  }
0x15: {  	s26 =	simm.s32 $0x1;
	s9 =	simm.s32 $0x3;
	s24 =	simm.s32 $0x6  }
0x16: {  	s16 =	sadd.s32 s12, s2;
	s20 =	sshrl.u32 s12, $0x3;
	s12 =	sadd.s32 s12, s3  }
0x17: {  	s10 =	sadd.s32 $0x16600, s0;
	s0 =	simm.s32 $0x9C40;
	s8 =	sadd.s32 s8, s20  }
0x18: {  	v0 =	vimm.f32 $0.0e+00;
	s20 =	sshrl.u32 s16, $0x3;
	s21 =	sshrl.u32 s12, $0x3;
	s12 =	simm.s32 $0x0  }
.LBB2_9:
0x19: {  	_ =	swait.ge [sflag:s15], $0x1900  }
0x1a: {  	[sflag:s15] =	ssyncset.done $0x0  }
0x1b: {  	[sflag:s15] =	ssyncadd.s32 $0xFFFFE700  }
0x1c: {  	[spmem:s3] =	stream.indirect.scatter.add.f32 [tilespmem:s0], [sflag:$0x8], $0x40, s28, s22, $0xb8;
	[tilespmem:$0x1F140] =	vst v63  }
0x1d: {  	_ =	swait.ge [sflag:s24], $0x1900  }
0x1e: {  	[sflag:s24] =	ssyncset.done $0x0  }
0x1f: {  	[sflag:s24] =	ssyncadd.s32 $0xFFFFE700  }
0x20: {  	_ =	swait.ge [sflag:s31], $0x1900  }
0x21: {  	[sflag:s31] =	ssyncset.done $0x0  }
0x22: {  	[sflag:s31] =	ssyncadd.s32 $0xFFFFE700  }
0x23: {  	_ =	swait.ge [sflag:s1], $0x1900  }
0x24: {  	s12 =	sadd.s32 $0x1, s12;
	[sflag:s1] =	ssyncset.done $0x0  }
0x25: {  	p1 =	sne.s32 s12, s11;
	[sflag:s1] =	ssyncadd.s32 $0xFFFFE700  }
.Ltmp1:
0x26: {  	[bflag:$0x0] =	sbarrier.arrive $0xFFFF;
	(pc) =	sbr.rel @!p1 .LBB2_10-.Ltmp1, $4  }
0x27: {  	[hbm:s10], [sflag:s19] =	dma.local [spmem:s21], $0x13C0  }
0x28: {  	_ =	swait.ge [sflag:s17], $0x13C0  }
0x29: {  	[sflag:s17] =	ssyncset.done $0x0  }
0x2a: {  	[sflag:s17] =	ssyncadd.s32 $0xFFFFEC40  }
.LBB2_1:
0x2b: {  	[tilespmem:s4], [sflag:$0x9] =	stream.linear.gather [hbm4b:s5+s4], $0x28A0, $0x38;
	[tilespmem:$0x1F140] =	vst v63  }
0x2c: {  	_ =	swait.ge [sflag:s17], $0x28A0  }
0x2d: {  	[sflag:s17] =	ssyncset.done $0x0  }
0x2e: {  	[sflag:s17] =	ssyncadd.s32 $0xFFFFD760  }
0x2f: {  	[tilespmem:s18], [sflag:$0x9] =	stream.linear.gather [hbm4b:s6+s4], $0x28A0, $0x38;
	[tilespmem:$0x1F140] =	vst v63  }
0x30: {  	_ =	swait.ge [sflag:s17], $0x28A0  }
0x31: {  	[sflag:s17] =	ssyncset.done $0x0  }
.Ltmp2:
0x32: {  	[sflag:s17] =	ssyncadd.s32 $0xFFFFD760;
	(pc) =	sbr.rel @p0 .LBB2_3-.Ltmp2, $4  }
0x33: {  	[spmem:s20], [sflag:s19] =	dma.local [hbm:s8], $0x13C0  }
0x34: {  	_ =	swait.ge [sflag:s17], $0x13C0  }
0x35: {  	[sflag:s17] =	ssyncset.done $0x0  }
0x36: {  	[sflag:s17] =	ssyncadd.s32 $0xFFFFEC40  }
.Ltmp3:
0x37: {  	(pc) =	sbr.rel .LBB2_6-.Ltmp3, $4  }
0x38: {  	[spmem:s21], [sflag:s19] =	dma.local [hbm:s8], $0x13C0  }
0x39: {  	_ =	swait.ge [sflag:s17], $0x13C0  }
0x3a: {  	[sflag:s17] =	ssyncset.done $0x0  }
0x3b: {  	[sflag:s17] =	ssyncadd.s32 $0xFFFFEC40  }
.LBB2_3:
0x3c: {  	s16 =	simm.s32 $0x100;
	s14 =	simm.s32 $0x0  }
.LBB2_4:
0x3d: {  	p1 =	sne.s32 s16, $0x6300;
	[tilespmem:s14+$0x5170] =	vst v0;
	s28 =	smov.u32 s16;
	s16 =	sadd.s32 $0x100, s16  }
.Ltmp4:
0x3e: {  	[tilespmem:s14+$0x5160] =	vst v0;
	(pc) =	sbr.rel @p1 .LBB2_4-.Ltmp4, $3  }
0x3f: {  	[tilespmem:s14+$0x5140] =	vst v0  }
0x40: {  	[tilespmem:s14+$0x5150] =	vst v0;
	_ =	sdelay $0x1  }
0x41: {  	s14 =	sshra.s32 s28, $0x2  }
0x42: {  	[tilespmem:s14+$0x5170] =	vst v0  }
0x43: {  	[tilespmem:s14+$0x5160] =	vst v0  }
0x44: {  	[tilespmem:s14+$0x5140] =	vst v0  }
0x45: {  	[tilespmem:s14+$0x5150] =	vst v0;
	s7 =	rddreg [dreg:$0x5]  }
0x46: {  	[spmem:s7] =	stream.linear.scatter [tilespmem:s23], [sflag:$0x9], $0x1900, $0x38;
	[tilespmem:$0x1F140] =	vst v63  }
0x47: {  	_ =	swait.ge [sflag:s17], $0x1900  }
0x48: {  	[sflag:s17] =	ssyncset.done $0x0  }
0x49: {  	s14 =	rddreg [dreg:$0x7];
	[sflag:s17] =	ssyncadd.s32 $0xFFFFE700  }
0x4a: {  	[spmem:s14] =	stream.linear.scatter [tilespmem:s23], [sflag:$0x9], $0x1900, $0x38;
	[tilespmem:$0x1F140] =	vst v63  }
0x4b: {  	_ =	swait.ge [sflag:s17], $0x1900  }
0x4c: {  	[sflag:s17] =	ssyncset.done $0x0  }
0x4d: {  	s16 =	rddreg [dreg:$0x8];
	[sflag:s17] =	ssyncadd.s32 $0xFFFFE700  }
0x4e: {  	[spmem:s16] =	stream.linear.scatter [tilespmem:s23], [sflag:$0x9], $0x1900, $0x38;
	[tilespmem:$0x1F140] =	vst v63  }
0x4f: {  	_ =	swait.ge [sflag:s17], $0x1900  }
0x50: {  	[sflag:s17] =	ssyncset.done $0x0  }
0x51: {  	s28 =	rddreg [dreg:$0x9];
	[sflag:s17] =	ssyncadd.s32 $0xFFFFE700  }
0x52: {  	[spmem:s28] =	stream.linear.scatter [tilespmem:s23], [sflag:$0x9], $0x1900, $0x38;
	[tilespmem:$0x1F140] =	vst v63  }
0x53: {  	_ =	swait.ge [sflag:s17], $0x1900  }
0x54: {  	[sflag:s17] =	ssyncset.done $0x0  }
0x55: {  	s14 =	rddreg [dreg:$0xa];
	[sflag:s17] =	ssyncadd.s32 $0xFFFFE700  }
0x56: {  	[spmem:s14] =	stream.linear.scatter [tilespmem:s23], [sflag:$0x9], $0x1900, $0x38;
	[tilespmem:$0x1F140] =	vst v63  }
0x57: {  	_ =	swait.ge [sflag:s17], $0x1900  }
0x58: {  	[sflag:s17] =	ssyncset.done $0x0  }
0x59: {  	s16 =	rddreg [dreg:$0xb];
	[sflag:s17] =	ssyncadd.s32 $0xFFFFE700  }
0x5a: {  	[spmem:s16] =	stream.linear.scatter [tilespmem:s23], [sflag:$0x9], $0x1900, $0x38;
	[tilespmem:$0x1F140] =	vst v63  }
0x5b: {  	_ =	swait.ge [sflag:s17], $0x1900  }
0x5c: {  	[sflag:s17] =	ssyncset.done $0x0  }
0x5d: {  	s28 =	rddreg [dreg:$0x6];
	[sflag:s17] =	ssyncadd.s32 $0xFFFFE700  }
0x5e: {  	[spmem:s28] =	stream.linear.scatter [tilespmem:s23], [sflag:$0x9], $0x800, $0x38;
	[tilespmem:$0x1F140] =	vst v63  }
0x5f: {  	_ =	swait.ge [sflag:s17], $0x800  }
0x60: {  	[sflag:s17] =	ssyncset.done $0x0  }
0x61: {  	[sflag:s17] =	ssyncadd.s32 $0xFFFFF800  }
.LBB2_6:
0x62: {  	[bflag:$0x0] =	sbarrier.arrive $0xFFFF;
	s14 =	simm.s32 $0x0  }
0x63: {  	[tilespmem:s23], [sflag:$0x1] =	stream.indirect.gather [spmem:s2], $0x40, s14, s22, $0xb8;
	[tilespmem:$0x1F140] =	vst v63  }
0x64: {  	s7 =	simm.s32 $0x68  }
0x65: {  	[tilespmem:s25], [sflag:$0x2] =	stream.indirect.gather [spmem:s2], $0x40, s7, s22, $0xb8;
	[tilespmem:$0x1F140] =	vst v63  }
0x66: {  	_ =	swait.ge [sflag:s26], $0x1900  }
0x67: {  	[sflag:s26] =	ssyncset.done $0x0  }
0x68: {  	[sflag:s26] =	ssyncadd.s32 $0xFFFFE700  }
0x69: {  	[spmem:s3] =	stream.indirect.scatter.add.f32 [tilespmem:s23], [sflag:$0x5], $0x40, s18, s22, $0xb8;
	[tilespmem:$0x1F140] =	vst v63  }
0x6a: {  	s28 =	simm.s32 $0xD0  }
0x6b: {  	[tilespmem:s29], [sflag:$0x3] =	stream.indirect.gather [spmem:s2], $0x40, s28, s22, $0xb8;
	[tilespmem:$0x1F140] =	vst v63  }
0x6c: {  	_ =	swait.ge [sflag:s30], $0x1900  }
0x6d: {  	[sflag:s30] =	ssyncset.done $0x0  }
0x6e: {  	s16 =	simm.s32 $0x2908;
	[sflag:s30] =	ssyncadd.s32 $0xFFFFE700  }
0x6f: {  	[spmem:s3] =	stream.indirect.scatter.add.f32 [tilespmem:s25], [sflag:$0x6], $0x40, s16, s22, $0xb8;
	[tilespmem:$0x1F140] =	vst v63  }
0x70: {  	s28 =	simm.s32 $0x138  }
0x71: {  	[tilespmem:s0], [sflag:$0x4] =	stream.indirect.gather [spmem:s2], $0x40, s28, s22, $0xb8;
	[tilespmem:$0x1F140] =	vst v63  }
0x72: {  	_ =	swait.ge [sflag:s9], $0x1900  }
0x73: {  	[sflag:s9] =	ssyncset.done $0x0  }
0x74: {  	s16 =	simm.s32 $0x2970;
	[sflag:s9] =	ssyncadd.s32 $0xFFFFE700  }
0x75: {  	[spmem:s3] =	stream.indirect.scatter.add.f32 [tilespmem:s29], [sflag:$0x7], $0x40, s16, s22, $0xb8;
	[tilespmem:$0x1F140] =	vst v63  }
0x76: {  	_ =	swait.ge [sflag:s13], $0x1900  }
0x77: {  	[sflag:s13] =	ssyncset.done $0x0  }
0x78: {  	s28 =	simm.s32 $0x1A0;
	[sflag:s13] =	ssyncadd.s32 $0xFFFFE700  }
0x79: {  	[tilespmem:s23], [sflag:$0x1] =	stream.indirect.gather [spmem:s2], $0x40, s28, s22, $0xb8;
	[tilespmem:$0x1F140] =	vst v63  }
0x7a: {  	_ =	swait.ge [sflag:s15], $0x1900  }
0x7b: {  	[sflag:s15] =	ssyncset.done $0x0  }
0x7c: {  	s16 =	simm.s32 $0x29D8;
	[sflag:s15] =	ssyncadd.s32 $0xFFFFE700  }
0x7d: {  	[spmem:s3] =	stream.indirect.scatter.add.f32 [tilespmem:s0], [sflag:$0x8], $0x40, s16, s22, $0xb8;
	[tilespmem:$0x1F140] =	vst v63  }
0x7e: {  	_ =	swait.ge [sflag:s24], $0x1900  }
0x7f: {  	[sflag:s24] =	ssyncset.done $0x0  }
0x80: {  	s28 =	simm.s32 $0x208;
	[sflag:s24] =	ssyncadd.s32 $0xFFFFE700  }
0x81: {  	[tilespmem:s25], [sflag:$0x2] =	stream.indirect.gather [spmem:s2], $0x40, s28, s22, $0xb8;
	[tilespmem:$0x1F140] =	vst v63  }
.LBB2_7:
0x82: {  	_ =	swait.ge [sflag:s26], $0x1900  }
0x83: {  	s16 =	sshra.s32 s14, $0x2;
	[sflag:s26] =	ssyncset.done $0x0  }
0x84: {  	s28 =	sadd.s32 $0x2A40, s16;
	[sflag:s26] =	ssyncadd.s32 $0xFFFFE700  }
0x85: {  	[spmem:s3] =	stream.indirect.scatter.add.f32 [tilespmem:s23], [sflag:$0x5], $0x40, s28, s22, $0xb8;
	[tilespmem:$0x1F140] =	vst v63  }
0x86: {  	_ =	swait.ge [sflag:s31], $0x1900  }
0x87: {  	[sflag:s31] =	ssyncset.done $0x0  }
0x88: {  	s28 =	sadd.s32 $0x270, s16;
	[sflag:s31] =	ssyncadd.s32 $0xFFFFE700  }
0x89: {  	[tilespmem:s29], [sflag:$0x3] =	stream.indirect.gather [spmem:s2], $0x40, s28, s22, $0xb8;
	[tilespmem:$0x1F140] =	vst v63  }
0x8a: {  	_ =	swait.ge [sflag:s30], $0x1900  }
0x8b: {  	[sflag:s30] =	ssyncset.done $0x0  }
0x8c: {  	s28 =	sadd.s32 $0x2AA8, s16;
	[sflag:s30] =	ssyncadd.s32 $0xFFFFE700  }
0x8d: {  	[spmem:s3] =	stream.indirect.scatter.add.f32 [tilespmem:s25], [sflag:$0x6], $0x40, s28, s22, $0xb8;
	[tilespmem:$0x1F140] =	vst v63  }
0x8e: {  	_ =	swait.ge [sflag:s1], $0x1900  }
0x8f: {  	[sflag:s1] =	ssyncset.done $0x0  }
0x90: {  	s28 =	sadd.s32 $0x2D8, s16;
	[sflag:s1] =	ssyncadd.s32 $0xFFFFE700  }
0x91: {  	[tilespmem:s0], [sflag:$0x4] =	stream.indirect.gather [spmem:s2], $0x40, s28, s22, $0xb8;
	[tilespmem:$0x1F140] =	vst v63  }
0x92: {  	_ =	swait.ge [sflag:s9], $0x1900  }
0x93: {  	p1 =	seq.s32 s14, $0x9580;
	[sflag:s9] =	ssyncset.done $0x0  }
.Ltmp5:
0x94: {  	s28 =	sadd.s32 $0x2B10, s16;
	[sflag:s9] =	ssyncadd.s32 $0xFFFFE700;
	(pc) =	sbr.rel @p1 .LBB2_9-.Ltmp5, $4  }
0x95: {  	[spmem:s3] =	stream.indirect.scatter.add.f32 [tilespmem:s29], [sflag:$0x7], $0x40, s28, s22, $0xb8;
	[tilespmem:$0x1F140] =	vst v63  }
0x96: {  	_ =	swait.ge [sflag:s13], $0x1900  }
0x97: {  	[sflag:s13] =	ssyncset.done $0x0  }
0x98: {  	s28 =	sadd.s32 $0x2B78, s16;
	[sflag:s13] =	ssyncadd.s32 $0xFFFFE700  }
0x99: {  	s7 =	sadd.s32 $0x340, s16  }
0x9a: {  	[tilespmem:s23], [sflag:$0x1] =	stream.indirect.gather [spmem:s2], $0x40, s7, s22, $0xb8;
	[tilespmem:$0x1F140] =	vst v63  }
0x9b: {  	_ =	swait.ge [sflag:s15], $0x1900  }
0x9c: {  	[sflag:s15] =	ssyncset.done $0x0  }
0x9d: {  	[sflag:s15] =	ssyncadd.s32 $0xFFFFE700  }
0x9e: {  	[spmem:s3] =	stream.indirect.scatter.add.f32 [tilespmem:s0], [sflag:$0x8], $0x40, s28, s22, $0xb8;
	[tilespmem:$0x1F140] =	vst v63  }
.Ltmp6:
0x9f: {  	_ = 	snop;
	(pc) =	sbr.rel .LBB2_7-.Ltmp6, $4  }
0xa0: {  	_ =	swait.ge [sflag:s24], $0x1900  }
0xa1: {  	[sflag:s24] =	ssyncset.done $0x0  }
0xa2: {  	s14 =	sadd.s32 $0x680, s14;
	s28 =	sadd.s32 $0x3A8, s16;
	[sflag:s24] =	ssyncadd.s32 $0xFFFFE700  }
0xa3: {  	[tilespmem:s25], [sflag:$0x2] =	stream.indirect.gather [spmem:s2], $0x40, s28, s22, $0xb8;
	[tilespmem:$0x1F140] =	vst v63  }
.LBB2_10:
0xa4: {  	_ =	sfence.sel $0x180000  }
0xa5: {  	[bflag:$0x0] =	sbarrier.arrive $0xFFFF  }
0xa6: {  	_ =	strace $0x9000004D  }
0xa7: {  	s0 =	stileid.u32;
	[bflag:$0x2] =	sbarrier.arrive $0xFFFF  }
0xa8: {  	p0 =	sne.s32 s0, $0x0;
	s0 =	rddreg [dreg:$0x4]  }
0xa9: {  	s0 =	sadd.s32 @!p0 $0x100000, s0  }
0xaa: {  	[sflag:s0] =	ssyncadd.tile.s32 @!p0 $0x1;
	_ =	shalt  }
.Lfunc_end2:
_tile_overlayer_lowered:
.L_overlay_start_2:
0xab: {  	(tag) =	ssettag $0x2  }
0xac: {  	s0 =	rddreg [dreg:$0x0];
	s2 =	stileid.u32  }
0xad: {  	s1 =	rddreg [dreg:$0x1];
	p0 =	sne.s32 s2, $0x0  }
0xae: {  	s3 =	rddreg [dreg:$0x2];
	[bflag:$0x3] =	sbarrier.arrive $0xFFFF;
	s2 =	simm.s32 @!p0 $0x1C09  }
0xaf: {  	[timem:s3], [sflag:s2] =	dma.local @!p0 [hbm:s0], s1  }
0xb0: {  	s0 =	simm.s32 @!p0 $0x9  }
0xb1: {  	_ =	swait.ge @!p0 [sflag:s0], s1  }
0xb2: {  	s1 =	ssub.s32 @!p0 $0x0, s1;
	[sflag:s0] =	ssyncset.done @!p0 $0x0  }
0xb3: {  	[sflag:s0] =	ssyncadd.s32 @!p0 s1  }
0xb4: {  	[bflag:$0x3] =	sbarrier.arrive $0xFFFF  }
0xb5: {  	_ =	shalt  }

// kernel: kernel.19.cloned.1.call-start
scs
__scs_entry_jumppad:
0x0: {  	(pc) =	sbr.rel $0x88, $3  }
0x1: {  	(tag) =	ssettag $0x0;
	lr =	simm.s32 $0x1  }
0x2: {  	[smem:$0x3F99] =	sst lr;
	_ =	strace $0xD0000000  }
0x3: {  	_ = 	snop  }
0x4: {  	_ = 	snop  }
0x5: {  	_ = 	snop  }
0x6: {  	_ = 	snop  }
0x7: {  	_ = 	snop  }
__scs_overlays_trampoline_lowered:
0x8: {  	[smem:$0x3FA8] =	sst s0  }
0x9: {  	[smem:$0x3FA9] =	sst s1  }
0xa: {  	[smem:$0x3FAA] =	sst s2  }
0xb: {  	[smem:$0x3FAB] =	sst s3  }
0xc: {  	[smem:$0x3FAC] =	sst s4  }
0xd: {  	[smem:$0x3FAD] =	sst s5  }
0xe: {  	[smem:$0x3FAE] =	sst s6  }
0xf: {  	[smem:$0x3FAF] =	sst s7  }
0x10: {  	[smem:$0x3FB0] =	sst s8  }
0x11: {  	[smem:$0x3FB1] =	sst s9;
	s0 =	simm.s32 @!p0 $0x0  }
0x12: {  	s1 =	sld [smem:$0x3F97];
	s0 =	simm.s32 @p0 $0x1  }
0x13: {  	[smem:$0x3FB2] =	sst s0;
	s0 =	simm.s32 @!p1 $0x0  }
0x14: {  	s2 =	sld [smem:$0x3F96];
	s0 =	simm.s32 @p1 $0x1  }
0x15: {  	[smem:$0x3FB3] =	sst s0;
	s0 =	simm.s32 @!p2 $0x0  }
0x16: {  	s3 =	sld [smem:$0x3FDB];
	s0 =	simm.s32 @p2 $0x1  }
0x17: {  	s4 =	simm.s32 $0x1BF5;
	[smem:$0x3FB5] =	sst s0  }
0x18: {  	s0 =	sld [smem:$0x3F98];
	_ =	swait.ge [sflag:s4], $0x0  }
0x19: {  	s7 =	sld [smem:$0x3F99]  }
0x1a: {  	s8 =	sadd.s32 $0xFFFFE003, lr  }
0x1b: {  	s9 =	sadd.s32 $0xFFFFFEF7, lr;
	s5 =	simm.s32 $0xFFFFFFFF;
	p2 =	slt.u32 s8, $0xFFFFF086  }
0x1c: {  	p1 =	slt.u32 s9, $0xF7A;
	s5 =	simm.s32 @!p2 $0x0  }
0x1d: {  	s5 =	simm.s32 @p1 $0x1;
	p0 =	seq.s32 s7, s2  }
0x1e: {  	s7 =	smul.u32 @!p0 $0xF7A, s2;
	p2 =	seq.s32 @!p0 s5, $0x0  }
0x1f: {  	s9 =	smul.u32 $0xF7A, s1;
	s8 =	simm.s32 @!p0 $0x1BF5;
	p2 =	por !p2, p0  }
0x20: {  	[sflag:s8] =	ssyncset.s32 @!p0 $0xFFFFF086;
	s6 =	sadd.s32 @!p0 s3, s7;
	s7 =	simm.s32 @!p0 $0x108  }
0x21: {  	s3 =	sadd.s32 s3, s9;
	s6 =	sadd.s32 @!p0 $0x88, s6;
	s7 =	simm.s32 @p2 $0x1082  }
0x22: {  	[simem:s7], [sflag:s8] =	dma.local @!p0 [hbm:s6], $0xF7A  }
0x23: {  	s9 =	sor.u32 $0xD0000000, s2;
	s6 =	simm.s32 $0x108;
	_ =	swait.ge @!p0 [sflag:s8], $0x0  }
0x24: {  	s3 =	sadd.s32 $0x88, s3;
	s6 =	simm.s32 @!p1 $0x1082;
	[sflag:s4] =	ssyncset.s32 $0xFFFFF086  }
0x25: {  	[simem:s6], [sflag:s4] =	dma.local [hbm:s3], $0xF7A  }
0x26: {  	[smem:$0x3F99] =	sst s1;
	(tag) =	ssettag s2;
	_ =	strace s9  }
0x27: {  	s1 =	sld [smem:$0x3FA9]  }
0x28: {  	s2 =	sld [smem:$0x3FAA]  }
0x29: {  	s4 =	sld [smem:$0x3FAC]  }
0x2a: {  	p0 =	seq.s32 s5, $0x0;
	s5 =	sld [smem:$0x3FAD]  }
0x2b: {  	s6 =	sld [smem:$0x3FAE]  }
0x2c: {  	s7 =	sld [smem:$0x3FAF]  }
0x2d: {  	s3 =	simm.s32 $0x108;
	s8 =	sld [smem:$0x3FB0]  }
0x2e: {  	s3 =	simm.s32 @!p0 $0x1082;
	s9 =	sld [smem:$0x3FB1]  }
0x2f: {  	lr =	sadd.s32 s0, s3;
	s0 =	sld [smem:$0x3FA8]  }
0x30: {  	s3 =	sld [smem:$0x3FAB]  }
0x31: {  	[smem:$0x3FB4] =	sst s10  }
0x32: {  	s10 =	sld [smem:$0x3FB2];
	_ =	sdelay $0x3  }
0x33: {  	p0 =	seq.s32 s10, $0x1;
	s10 =	sld [smem:$0x3FB4];
	_ =	sdelay $0x3  }
0x34: {  	[smem:$0x3FB4] =	sst s10  }
0x35: {  	s10 =	sld [smem:$0x3FB3];
	_ =	sdelay $0x3  }
0x36: {  	p1 =	seq.s32 s10, $0x1;
	s10 =	sld [smem:$0x3FB4];
	_ =	sdelay $0x3  }
0x37: {  	[smem:$0x3FB4] =	sst s10  }
0x38: {  	s10 =	sld [smem:$0x3FB5]  }
0x39: {  	_ = 	snop;
	(pc) =	sbr.ind lr, $3  }
0x3a: {  	_ = 	snop  }
0x3b: {  	_ = 	snop  }
0x3c: {  	p2 =	seq.s32 s10, $0x1;
	s10 =	sld [smem:$0x3FB4]  }
0x3d: {  	_ =	shalt  }
0x3e: {  	_ =	shalt  }
0x3f: {  	_ =	shalt  }
0x40: {  	_ =	shalt  }
0x41: {  	_ =	shalt  }
0x42: {  	_ =	shalt  }
0x43: {  	_ =	shalt  }
0x44: {  	_ =	shalt  }
0x45: {  	_ =	shalt  }
0x46: {  	_ =	shalt  }
0x47: {  	_ =	shalt  }
0x48: {  	_ =	shalt  }
0x49: {  	_ =	shalt  }
0x4a: {  	_ =	shalt  }
0x4b: {  	_ =	shalt  }
0x4c: {  	_ =	shalt  }
0x4d: {  	_ =	shalt  }
0x4e: {  	_ =	shalt  }
0x4f: {  	_ =	shalt  }
0x50: {  	_ =	shalt  }
0x51: {  	_ =	shalt  }
0x52: {  	_ =	shalt  }
0x53: {  	_ =	shalt  }
0x54: {  	_ =	shalt  }
0x55: {  	_ =	shalt  }
0x56: {  	_ =	shalt  }
0x57: {  	_ =	shalt  }
0x58: {  	_ =	shalt  }
0x59: {  	_ =	shalt  }
0x5a: {  	_ =	shalt  }
0x5b: {  	_ =	shalt  }
0x5c: {  	_ =	shalt  }
0x5d: {  	_ =	shalt  }
0x5e: {  	_ =	shalt  }
0x5f: {  	_ =	shalt  }
0x60: {  	_ =	shalt  }
0x61: {  	_ =	shalt  }
0x62: {  	_ =	shalt  }
0x63: {  	_ =	shalt  }
0x64: {  	_ =	shalt  }
0x65: {  	_ =	shalt  }
0x66: {  	_ =	shalt  }
0x67: {  	_ =	shalt  }
0x68: {  	_ =	shalt  }
0x69: {  	_ =	shalt  }
0x6a: {  	_ =	shalt  }
0x6b: {  	_ =	shalt  }
0x6c: {  	_ =	shalt  }
0x6d: {  	_ =	shalt  }
0x6e: {  	_ =	shalt  }
0x6f: {  	_ =	shalt  }
0x70: {  	_ =	shalt  }
0x71: {  	_ =	shalt  }
0x72: {  	_ =	shalt  }
0x73: {  	_ =	shalt  }
0x74: {  	_ =	shalt  }
0x75: {  	_ =	shalt  }
0x76: {  	_ =	shalt  }
0x77: {  	_ =	shalt  }
0x78: {  	_ =	shalt  }
0x79: {  	_ =	shalt  }
0x7a: {  	_ =	shalt  }
0x7b: {  	_ =	shalt  }
0x7c: {  	_ =	shalt  }
0x7d: {  	_ =	shalt  }
0x7e: {  	_ =	shalt  }
0x7f: {  	_ =	shalt  }
0x80: {  	_ =	shalt  }
0x81: {  	_ =	shalt  }
0x82: {  	_ =	shalt  }
0x83: {  	_ =	shalt  }
0x84: {  	_ =	shalt  }
0x85: {  	_ =	shalt  }
0x86: {  	_ =	shalt  }
0x87: {  	_ =	shalt  }
.Lfunc_end0:
.L_simem_size_0:
called_computation.3_lowered:
.L_overlay_start_0:
0x88: {  	s2 =	sld [smem:$0x3FD9]  }
0x89: {  	s3 =	sld [smem:$0x3FFE];
	_ =	sdelay $0x1  }
0x8a: {  	s1 =	srdreg.scid  }
0x8b: {  	s0 =	sand.u32 $0x1, s1  }
0x8c: {  	s17 =	sshll.u32 s0, $0xA;
	s2 =	sadd.s32 s3, s2  }
0x8d: {  	s2 =	sadd.s32 s2, s17  }
0x8e: {  	[smem:$0x3FC0] =	sst s2  }
0x8f: {  	_ = 	snop  }
0x90: {  	s2 =	sld [smem:$0x3FD0];
	(tm) =	ssettm $0x1  }
0x91: {  	s18 =	sld [smem:$0x3FFB];
	_ =	sdelay $0x3  }
0x92: {  	_ =	strace s18  }
0x93: {  	s3 =	sld [smem:$0x3FFC];
	_ =	sdelay $0x3  }
0x94: {  	_ =	strace s3  }
0x95: {  	s3 =	sld [smem:$0x3FFD];
	_ =	sdelay $0x3  }
0x96: {  	_ =	strace s3  }
0x97: {  	_ =	strace $0x8FFFFFFF  }
0x98: {  	s19 =	sld [smem:$0x3FDB];
	_ =	sdelay $0x1  }
0x99: {  	s4 =	simm.s32 $_scs_section_size  }
0x9a: {  	s5 =	simm.s32 $_size__tile_overlayer_lowered;
	s6 =	simm.s32 $_tile_overlayer_lowered  }
0x9b: {  	s22 =	simm.s32 $0x1BFF;
	s21 =	sshll.u32 s6, $0x1;
	s3 =	sadd.s32 s4, s19  }
0x9c: {  	s7 =	simm.s32 $0x0;
	s20 =	sshll.u32 s5, $0x1;
	s5 =	sadd.s32 s21, s3  }
0x9d: {  	[timem:s7], [sflag:s22] =	dma.local [hbm:s5], s20  }
0x9e: {  	_ =	swait.ge [sflag:s22], s20  }
0x9f: {  	s4 =	ssub.s32 $0x0, s20;
	[sflag:s22] =	ssyncset.done $0x0  }
0xa0: {  	[sflag:s22] =	ssyncadd.s32 s4;
	_ =	sdelay $0x1  }
0xa1: {  	s23 =	simm.s32 $0x1B8B  }
0xa2: {  	_ =	swait.ge [sflag:s23], $0x1  }
0xa3: {  	[sflag:s23] =	ssyncset.done $0x0  }
0xa4: {  	s25 =	simm.s32 $0x1B8E;
	s24 =	sld [smem:$0x3FFE];
	[sflag:s23] =	ssyncadd.s32 $0xFFFFFFFF  }
0xa5: {  	s26 =	simm.s32 $execute0_lowered;
	[smem:$0x3FD2] =	sst s25  }
0xa6: {  	s5 =	sshll.u32 s26, $0x1;
	_ =	strace $0x8000004F;
	[dreg:$0x1] =	wrdreg $0xFFFFFFFF  }
0xa7: {  	s28 =	simm.s32 $_size_execute0_lowered;
	s3 =	sadd.s32 s3, s5;
	[dreg:$0x0] =	wrdreg $0x0  }
0xa8: {  	s5 =	sshll.u32 s28, $0x1;
	[dreg:$0x2] =	wrdreg s3  }
0xa9: {  	[dreg:$0x3] =	wrdreg s5  }
0xaa: {  	[dreg:$0x4] =	wrdreg $0xC0  }
0xab: {  	_ =	task [dreg:s7], $0x5FFFF  }
0xac: {  	[dreg:$0x1] =	wrdreg $0xFFFFFFFF  }
0xad: {  	[dreg:$0x0] =	wrdreg $0x60  }
0xae: {  	[dreg:$0x2] =	wrdreg s24  }
0xaf: {  	[dreg:$0x3] =	wrdreg s2  }
0xb0: {  	[dreg:$0x4] =	wrdreg $0x153400  }
0xb1: {  	[dreg:$0x5] =	wrdreg $0xB5400  }
0xb2: {  	[dreg:$0x6] =	wrdreg $0x9  }
0xb3: {  	_ =	task.clear_ibuf [dreg:s7], $0x7FFFF;
	_ =	strace $0x9000004F  }
0xb4: {  	s29 =	simm.s32 $0x9;
	_ =	strace $0x80000051  }
0xb5: {  	_ =	swait.ge [sflag:s29], $0x1  }
0xb6: {  	[sflag:s29] =	ssyncadd.s32 $0xFFFFFFFF  }
0xb7: {  	_ =	strace $0x90000051  }
0xb8: {  	_ =	sfence  }
0xb9: {  	s30 =	sld [smem:$0x0];
	_ =	sdelay $0x2  }
0xba: {  	s31 =	sshll.u32 s1, $0xD;
	s1 =	sshrl.u32 s1, $0x2  }
0xbb: {  	s3 =	sand.u32 $0x4000, s31;
	s1 =	sadd.s32 s1, s30  }
0xbc: {  	s0 =	sor.u32 s3, s0;
	s1 =	sshll.u32 s1, $0x11  }
0xbd: {  	s0 =	sor.u32 s1, s0  }
0xbe: {  	s0 =	sadd.s32 $0x8F2B, s0  }
0xbf: {  	[sflag:s0] =	ssyncadd.remote.s32 $0x1  }
0xc0: {  	_ =	sfence.sel $0xFFFF  }
0xc1: {  	[dreg:$0x0] =	wrdreg $0xFFFFFFFF;
	(pc) =	sbr.abs _section_cstart, $3  }
0xc2: {  	[dreg:$0x1] =	wrdreg $0xFFFFFFFF  }
0xc3: {  	_ =	task.clear_ibuf [dreg:s7], $0x2FFFF;
	_ =	strace $0x9FFFFFFF  }
0xc4: {  	(tm) =	ssettm $0x7FFFFFFF  }
0xc5: {  	_ =	shalt  }
tec
execute0_lowered:
.L_overlay_start_1:
0x0: {  	(tag) =	ssettag $0x1  }
0x1: {  	s0 =	rddreg [dreg:$0x0]  }
0x2: {  	s1 =	srdreg.scid;
	s8 =	rddreg [dreg:$0x1]  }
0x3: {  	s13 =	stileid.u32;
	s2 =	rddreg [dreg:$0x2];
	s17 =	simm.s32 $0x9  }
0x4: {  	s18 =	simm.s32 $0x28A0;
	s29 =	simm.s32 $0x8340;
	s30 =	simm.s32 $0x2  }
0x5: {  	s31 =	simm.s32 $0x7;
	s1 =	sand.u32 $0x1, s1;
	s6 =	smul.u32 $0x278, s13  }
0x6: {  	s3 =	sshll.u32 s13, $0x1;
	s10 =	smul.u32 $0x27800, s13;
	s28 =	sshll.u32 s13, $0x6  }
0x7: {  	s4 =	sor.u32 s1, s3;
	s3 =	rddreg [dreg:$0x3];
	s7 =	smul.u32 $0x2780, s1  }
0x8: {  	s12 =	ssub.s32 $0x2, s1;
	p0 =	sne.s32 s1, $0x0;
	s19 =	sor.u32 $0x1C09, s28  }
0x9: {  	s1 =	simm.s32 $0x8;
	s5 =	smul.u32 $0x514, s4;
	s4 =	simm.s32 $0x0  }
0xa: {  	s14 =	sshrl.u32 s12, $0x1;
	s15 =	sshrl.u32 s10, $0x2;
	[smem:$0x7FF] =	sst s4  }
0xb: {  	s11 =	sadd.s32 s6, s7;
	s7 =	sadd.s32 s15, s3;
	s15 =	simm.s32 $0x4  }
0xc: {  	_ =	strace $0x80000050;
	s9 =	sadd.s32 s5, s0;
	s5 =	sshll.u32 s11, $0x3  }
0xd: {  	s11 =	ssub.s32 s12, s14;
	s21 =	sadd.s32 $0x9600, s7;
	[dreg:$0x5] =	wrdreg s7  }
0xe: {  	s12 =	smul.u32 $0x9E00, s13;
	s22 =	sadd.s32 $0x1900, s7;
	[dreg:$0x6] =	wrdreg s21  }
0xf: {  	s23 =	sadd.s32 $0x3200, s7;
	s24 =	sadd.s32 $0x4B00, s7;
	[dreg:$0x7] =	wrdreg s22  }
0x10: {  	s25 =	sadd.s32 $0x6400, s7;
	s26 =	sadd.s32 $0x7D00, s7;
	[dreg:$0x8] =	wrdreg s23  }
0x11: {  	s13 =	simm.s32 $0x5;
	s0 =	sadd.s32 s5, s0;
	[dreg:$0x9] =	wrdreg s24  }
0x12: {  	s5 =	sadd.s32 $0xC200, s9;
	s6 =	sadd.s32 $0x1E00, s9;
	[dreg:$0xa] =	wrdreg s25  }
0x13: {  	s11 =	smax.u32 s11, $0x1;
	[dreg:$0xb] =	wrdreg s26;
	s22 =	simm.s32 $0x64  }
.Ltmp0:
0x14: {  	s23 =	simm.s32 $0x5140;
	s25 =	simm.s32 $0x6A40;
	(pc) =	sbr.rel .LBB2_1-.Ltmp0, $4  }
0x15: {  	s26 =	simm.s32 $0x1;
	s9 =	simm.s32 $0x3;
	s24 =	simm.s32 $0x6  }
0x16: {  	s16 =	sadd.s32 s12, s2;
	s20 =	sshrl.u32 s12, $0x3;
	s12 =	sadd.s32 s12, s3  }
0x17: {  	s10 =	sadd.s32 $0x16600, s0;
	s0 =	simm.s32 $0x9C40;
	s8 =	sadd.s32 s8, s20  }
0x18: {  	v0 =	vimm.f32 $0.0e+00;
	s20 =	sshrl.u32 s16, $0x3;
	s21 =	sshrl.u32 s12, $0x3;
	s12 =	simm.s32 $0x0  }
.LBB2_9:
0x19: {  	_ =	swait.ge [sflag:s15], $0x1900  }
0x1a: {  	[sflag:s15] =	ssyncset.done $0x0  }
0x1b: {  	[sflag:s15] =	ssyncadd.s32 $0xFFFFE700  }
0x1c: {  	[spmem:s3] =	stream.indirect.scatter.add.f32 [tilespmem:s0], [sflag:$0x8], $0x40, s28, s22, $0xb8;
	[tilespmem:$0x1F140] =	vst v63  }
0x1d: {  	_ =	swait.ge [sflag:s24], $0x1900  }
0x1e: {  	[sflag:s24] =	ssyncset.done $0x0  }
0x1f: {  	[sflag:s24] =	ssyncadd.s32 $0xFFFFE700  }
0x20: {  	_ =	swait.ge [sflag:s31], $0x1900  }
0x21: {  	[sflag:s31] =	ssyncset.done $0x0  }
0x22: {  	[sflag:s31] =	ssyncadd.s32 $0xFFFFE700  }
0x23: {  	_ =	swait.ge [sflag:s1], $0x1900  }
0x24: {  	s12 =	sadd.s32 $0x1, s12;
	[sflag:s1] =	ssyncset.done $0x0  }
0x25: {  	p1 =	sne.s32 s12, s11;
	[sflag:s1] =	ssyncadd.s32 $0xFFFFE700  }
.Ltmp1:
0x26: {  	[bflag:$0x0] =	sbarrier.arrive $0xFFFF;
	(pc) =	sbr.rel @!p1 .LBB2_10-.Ltmp1, $4  }
0x27: {  	[hbm:s10], [sflag:s19] =	dma.local [spmem:s21], $0x13C0  }
0x28: {  	_ =	swait.ge [sflag:s17], $0x13C0  }
0x29: {  	[sflag:s17] =	ssyncset.done $0x0  }
0x2a: {  	[sflag:s17] =	ssyncadd.s32 $0xFFFFEC40  }
.LBB2_1:
0x2b: {  	[tilespmem:s4], [sflag:$0x9] =	stream.linear.gather [hbm4b:s5+s4], $0x28A0, $0x38;
	[tilespmem:$0x1F140] =	vst v63  }
0x2c: {  	_ =	swait.ge [sflag:s17], $0x28A0  }
0x2d: {  	[sflag:s17] =	ssyncset.done $0x0  }
0x2e: {  	[sflag:s17] =	ssyncadd.s32 $0xFFFFD760  }
0x2f: {  	[tilespmem:s18], [sflag:$0x9] =	stream.linear.gather [hbm4b:s6+s4], $0x28A0, $0x38;
	[tilespmem:$0x1F140] =	vst v63  }
0x30: {  	_ =	swait.ge [sflag:s17], $0x28A0  }
0x31: {  	[sflag:s17] =	ssyncset.done $0x0  }
.Ltmp2:
0x32: {  	[sflag:s17] =	ssyncadd.s32 $0xFFFFD760;
	(pc) =	sbr.rel @p0 .LBB2_3-.Ltmp2, $4  }
0x33: {  	[spmem:s20], [sflag:s19] =	dma.local [hbm:s8], $0x13C0  }
0x34: {  	_ =	swait.ge [sflag:s17], $0x13C0  }
0x35: {  	[sflag:s17] =	ssyncset.done $0x0  }
0x36: {  	[sflag:s17] =	ssyncadd.s32 $0xFFFFEC40  }
.Ltmp3:
0x37: {  	(pc) =	sbr.rel .LBB2_6-.Ltmp3, $4  }
0x38: {  	[spmem:s21], [sflag:s19] =	dma.local [hbm:s8], $0x13C0  }
0x39: {  	_ =	swait.ge [sflag:s17], $0x13C0  }
0x3a: {  	[sflag:s17] =	ssyncset.done $0x0  }
0x3b: {  	[sflag:s17] =	ssyncadd.s32 $0xFFFFEC40  }
.LBB2_3:
0x3c: {  	s16 =	simm.s32 $0x100;
	s14 =	simm.s32 $0x0  }
.LBB2_4:
0x3d: {  	p1 =	sne.s32 s16, $0x6300;
	[tilespmem:s14+$0x5170] =	vst v0;
	s28 =	smov.u32 s16;
	s16 =	sadd.s32 $0x100, s16  }
.Ltmp4:
0x3e: {  	[tilespmem:s14+$0x5160] =	vst v0;
	(pc) =	sbr.rel @p1 .LBB2_4-.Ltmp4, $3  }
0x3f: {  	[tilespmem:s14+$0x5140] =	vst v0  }
0x40: {  	[tilespmem:s14+$0x5150] =	vst v0;
	_ =	sdelay $0x1  }
0x41: {  	s14 =	sshra.s32 s28, $0x2  }
0x42: {  	[tilespmem:s14+$0x5170] =	vst v0  }
0x43: {  	[tilespmem:s14+$0x5160] =	vst v0  }
0x44: {  	[tilespmem:s14+$0x5140] =	vst v0  }
0x45: {  	[tilespmem:s14+$0x5150] =	vst v0;
	s7 =	rddreg [dreg:$0x5]  }
0x46: {  	[spmem:s7] =	stream.linear.scatter [tilespmem:s23], [sflag:$0x9], $0x1900, $0x38;
	[tilespmem:$0x1F140] =	vst v63  }
0x47: {  	_ =	swait.ge [sflag:s17], $0x1900  }
0x48: {  	[sflag:s17] =	ssyncset.done $0x0  }
0x49: {  	s14 =	rddreg [dreg:$0x7];
	[sflag:s17] =	ssyncadd.s32 $0xFFFFE700  }
0x4a: {  	[spmem:s14] =	stream.linear.scatter [tilespmem:s23], [sflag:$0x9], $0x1900, $0x38;
	[tilespmem:$0x1F140] =	vst v63  }
0x4b: {  	_ =	swait.ge [sflag:s17], $0x1900  }
0x4c: {  	[sflag:s17] =	ssyncset.done $0x0  }
0x4d: {  	s16 =	rddreg [dreg:$0x8];
	[sflag:s17] =	ssyncadd.s32 $0xFFFFE700  }
0x4e: {  	[spmem:s16] =	stream.linear.scatter [tilespmem:s23], [sflag:$0x9], $0x1900, $0x38;
	[tilespmem:$0x1F140] =	vst v63  }
0x4f: {  	_ =	swait.ge [sflag:s17], $0x1900  }
0x50: {  	[sflag:s17] =	ssyncset.done $0x0  }
0x51: {  	s28 =	rddreg [dreg:$0x9];
	[sflag:s17] =	ssyncadd.s32 $0xFFFFE700  }
0x52: {  	[spmem:s28] =	stream.linear.scatter [tilespmem:s23], [sflag:$0x9], $0x1900, $0x38;
	[tilespmem:$0x1F140] =	vst v63  }
0x53: {  	_ =	swait.ge [sflag:s17], $0x1900  }
0x54: {  	[sflag:s17] =	ssyncset.done $0x0  }
0x55: {  	s14 =	rddreg [dreg:$0xa];
	[sflag:s17] =	ssyncadd.s32 $0xFFFFE700  }
0x56: {  	[spmem:s14] =	stream.linear.scatter [tilespmem:s23], [sflag:$0x9], $0x1900, $0x38;
	[tilespmem:$0x1F140] =	vst v63  }
0x57: {  	_ =	swait.ge [sflag:s17], $0x1900  }
0x58: {  	[sflag:s17] =	ssyncset.done $0x0  }
0x59: {  	s16 =	rddreg [dreg:$0xb];
	[sflag:s17] =	ssyncadd.s32 $0xFFFFE700  }
0x5a: {  	[spmem:s16] =	stream.linear.scatter [tilespmem:s23], [sflag:$0x9], $0x1900, $0x38;
	[tilespmem:$0x1F140] =	vst v63  }
0x5b: {  	_ =	swait.ge [sflag:s17], $0x1900  }
0x5c: {  	[sflag:s17] =	ssyncset.done $0x0  }
0x5d: {  	s28 =	rddreg [dreg:$0x6];
	[sflag:s17] =	ssyncadd.s32 $0xFFFFE700  }
0x5e: {  	[spmem:s28] =	stream.linear.scatter [tilespmem:s23], [sflag:$0x9], $0x800, $0x38;
	[tilespmem:$0x1F140] =	vst v63  }
0x5f: {  	_ =	swait.ge [sflag:s17], $0x800  }
0x60: {  	[sflag:s17] =	ssyncset.done $0x0  }
0x61: {  	[sflag:s17] =	ssyncadd.s32 $0xFFFFF800  }
.LBB2_6:
0x62: {  	[bflag:$0x0] =	sbarrier.arrive $0xFFFF;
	s14 =	simm.s32 $0x0  }
0x63: {  	[tilespmem:s23], [sflag:$0x1] =	stream.indirect.gather [spmem:s2], $0x40, s14, s22, $0xb8;
	[tilespmem:$0x1F140] =	vst v63  }
0x64: {  	s7 =	simm.s32 $0x68  }
0x65: {  	[tilespmem:s25], [sflag:$0x2] =	stream.indirect.gather [spmem:s2], $0x40, s7, s22, $0xb8;
	[tilespmem:$0x1F140] =	vst v63  }
0x66: {  	_ =	swait.ge [sflag:s26], $0x1900  }
0x67: {  	[sflag:s26] =	ssyncset.done $0x0  }
0x68: {  	[sflag:s26] =	ssyncadd.s32 $0xFFFFE700  }
0x69: {  	[spmem:s3] =	stream.indirect.scatter.add.f32 [tilespmem:s23], [sflag:$0x5], $0x40, s18, s22, $0xb8;
	[tilespmem:$0x1F140] =	vst v63  }
0x6a: {  	s28 =	simm.s32 $0xD0  }
0x6b: {  	[tilespmem:s29], [sflag:$0x3] =	stream.indirect.gather [spmem:s2], $0x40, s28, s22, $0xb8;
	[tilespmem:$0x1F140] =	vst v63  }
0x6c: {  	_ =	swait.ge [sflag:s30], $0x1900  }
0x6d: {  	[sflag:s30] =	ssyncset.done $0x0  }
0x6e: {  	s16 =	simm.s32 $0x2908;
	[sflag:s30] =	ssyncadd.s32 $0xFFFFE700  }
0x6f: {  	[spmem:s3] =	stream.indirect.scatter.add.f32 [tilespmem:s25], [sflag:$0x6], $0x40, s16, s22, $0xb8;
	[tilespmem:$0x1F140] =	vst v63  }
0x70: {  	s28 =	simm.s32 $0x138  }
0x71: {  	[tilespmem:s0], [sflag:$0x4] =	stream.indirect.gather [spmem:s2], $0x40, s28, s22, $0xb8;
	[tilespmem:$0x1F140] =	vst v63  }
0x72: {  	_ =	swait.ge [sflag:s9], $0x1900  }
0x73: {  	[sflag:s9] =	ssyncset.done $0x0  }
0x74: {  	s16 =	simm.s32 $0x2970;
	[sflag:s9] =	ssyncadd.s32 $0xFFFFE700  }
0x75: {  	[spmem:s3] =	stream.indirect.scatter.add.f32 [tilespmem:s29], [sflag:$0x7], $0x40, s16, s22, $0xb8;
	[tilespmem:$0x1F140] =	vst v63  }
0x76: {  	_ =	swait.ge [sflag:s13], $0x1900  }
0x77: {  	[sflag:s13] =	ssyncset.done $0x0  }
0x78: {  	s28 =	simm.s32 $0x1A0;
	[sflag:s13] =	ssyncadd.s32 $0xFFFFE700  }
0x79: {  	[tilespmem:s23], [sflag:$0x1] =	stream.indirect.gather [spmem:s2], $0x40, s28, s22, $0xb8;
	[tilespmem:$0x1F140] =	vst v63  }
0x7a: {  	_ =	swait.ge [sflag:s15], $0x1900  }
0x7b: {  	[sflag:s15] =	ssyncset.done $0x0  }
0x7c: {  	s16 =	simm.s32 $0x29D8;
	[sflag:s15] =	ssyncadd.s32 $0xFFFFE700  }
0x7d: {  	[spmem:s3] =	stream.indirect.scatter.add.f32 [tilespmem:s0], [sflag:$0x8], $0x40, s16, s22, $0xb8;
	[tilespmem:$0x1F140] =	vst v63  }
0x7e: {  	_ =	swait.ge [sflag:s24], $0x1900  }
0x7f: {  	[sflag:s24] =	ssyncset.done $0x0  }
0x80: {  	s28 =	simm.s32 $0x208;
	[sflag:s24] =	ssyncadd.s32 $0xFFFFE700  }
0x81: {  	[tilespmem:s25], [sflag:$0x2] =	stream.indirect.gather [spmem:s2], $0x40, s28, s22, $0xb8;
	[tilespmem:$0x1F140] =	vst v63  }
.LBB2_7:
0x82: {  	_ =	swait.ge [sflag:s26], $0x1900  }
0x83: {  	s16 =	sshra.s32 s14, $0x2;
	[sflag:s26] =	ssyncset.done $0x0  }
0x84: {  	s28 =	sadd.s32 $0x2A40, s16;
	[sflag:s26] =	ssyncadd.s32 $0xFFFFE700  }
0x85: {  	[spmem:s3] =	stream.indirect.scatter.add.f32 [tilespmem:s23], [sflag:$0x5], $0x40, s28, s22, $0xb8;
	[tilespmem:$0x1F140] =	vst v63  }
0x86: {  	_ =	swait.ge [sflag:s31], $0x1900  }
0x87: {  	[sflag:s31] =	ssyncset.done $0x0  }
0x88: {  	s28 =	sadd.s32 $0x270, s16;
	[sflag:s31] =	ssyncadd.s32 $0xFFFFE700  }
0x89: {  	[tilespmem:s29], [sflag:$0x3] =	stream.indirect.gather [spmem:s2], $0x40, s28, s22, $0xb8;
	[tilespmem:$0x1F140] =	vst v63  }
0x8a: {  	_ =	swait.ge [sflag:s30], $0x1900  }
0x8b: {  	[sflag:s30] =	ssyncset.done $0x0  }
0x8c: {  	s28 =	sadd.s32 $0x2AA8, s16;
	[sflag:s30] =	ssyncadd.s32 $0xFFFFE700  }
0x8d: {  	[spmem:s3] =	stream.indirect.scatter.add.f32 [tilespmem:s25], [sflag:$0x6], $0x40, s28, s22, $0xb8;
	[tilespmem:$0x1F140] =	vst v63  }
0x8e: {  	_ =	swait.ge [sflag:s1], $0x1900  }
0x8f: {  	[sflag:s1] =	ssyncset.done $0x0  }
0x90: {  	s28 =	sadd.s32 $0x2D8, s16;
	[sflag:s1] =	ssyncadd.s32 $0xFFFFE700  }
0x91: {  	[tilespmem:s0], [sflag:$0x4] =	stream.indirect.gather [spmem:s2], $0x40, s28, s22, $0xb8;
	[tilespmem:$0x1F140] =	vst v63  }
0x92: {  	_ =	swait.ge [sflag:s9], $0x1900  }
0x93: {  	p1 =	seq.s32 s14, $0x9580;
	[sflag:s9] =	ssyncset.done $0x0  }
.Ltmp5:
0x94: {  	s28 =	sadd.s32 $0x2B10, s16;
	[sflag:s9] =	ssyncadd.s32 $0xFFFFE700;
	(pc) =	sbr.rel @p1 .LBB2_9-.Ltmp5, $4  }
0x95: {  	[spmem:s3] =	stream.indirect.scatter.add.f32 [tilespmem:s29], [sflag:$0x7], $0x40, s28, s22, $0xb8;
	[tilespmem:$0x1F140] =	vst v63  }
0x96: {  	_ =	swait.ge [sflag:s13], $0x1900  }
0x97: {  	[sflag:s13] =	ssyncset.done $0x0  }
0x98: {  	s28 =	sadd.s32 $0x2B78, s16;
	[sflag:s13] =	ssyncadd.s32 $0xFFFFE700  }
0x99: {  	s7 =	sadd.s32 $0x340, s16  }
0x9a: {  	[tilespmem:s23], [sflag:$0x1] =	stream.indirect.gather [spmem:s2], $0x40, s7, s22, $0xb8;
	[tilespmem:$0x1F140] =	vst v63  }
0x9b: {  	_ =	swait.ge [sflag:s15], $0x1900  }
0x9c: {  	[sflag:s15] =	ssyncset.done $0x0  }
0x9d: {  	[sflag:s15] =	ssyncadd.s32 $0xFFFFE700  }
0x9e: {  	[spmem:s3] =	stream.indirect.scatter.add.f32 [tilespmem:s0], [sflag:$0x8], $0x40, s28, s22, $0xb8;
	[tilespmem:$0x1F140] =	vst v63  }
.Ltmp6:
0x9f: {  	_ = 	snop;
	(pc) =	sbr.rel .LBB2_7-.Ltmp6, $4  }
0xa0: {  	_ =	swait.ge [sflag:s24], $0x1900  }
0xa1: {  	[sflag:s24] =	ssyncset.done $0x0  }
0xa2: {  	s14 =	sadd.s32 $0x680, s14;
	s28 =	sadd.s32 $0x3A8, s16;
	[sflag:s24] =	ssyncadd.s32 $0xFFFFE700  }
0xa3: {  	[tilespmem:s25], [sflag:$0x2] =	stream.indirect.gather [spmem:s2], $0x40, s28, s22, $0xb8;
	[tilespmem:$0x1F140] =	vst v63  }
.LBB2_10:
0xa4: {  	_ =	sfence.sel $0x180000  }
0xa5: {  	[bflag:$0x0] =	sbarrier.arrive $0xFFFF  }
0xa6: {  	_ =	strace $0x90000050  }
0xa7: {  	s0 =	stileid.u32;
	[bflag:$0x2] =	sbarrier.arrive $0xFFFF  }
0xa8: {  	p0 =	sne.s32 s0, $0x0;
	s0 =	rddreg [dreg:$0x4]  }
0xa9: {  	s0 =	sadd.s32 @!p0 $0x100000, s0  }
0xaa: {  	[sflag:s0] =	ssyncadd.tile.s32 @!p0 $0x1;
	_ =	shalt  }
.Lfunc_end2:
_tile_overlayer_lowered:
.L_overlay_start_2:
0xab: {  	(tag) =	ssettag $0x2  }
0xac: {  	s0 =	rddreg [dreg:$0x0];
	s2 =	stileid.u32  }
0xad: {  	s1 =	rddreg [dreg:$0x1];
	p0 =	sne.s32 s2, $0x0  }
0xae: {  	s3 =	rddreg [dreg:$0x2];
	[bflag:$0x3] =	sbarrier.arrive $0xFFFF;
	s2 =	simm.s32 @!p0 $0x1C09  }
0xaf: {  	[timem:s3], [sflag:s2] =	dma.local @!p0 [hbm:s0], s1  }
0xb0: {  	s0 =	simm.s32 @!p0 $0x9  }
0xb1: {  	_ =	swait.ge @!p0 [sflag:s0], s1  }
0xb2: {  	s1 =	ssub.s32 @!p0 $0x0, s1;
	[sflag:s0] =	ssyncset.done @!p0 $0x0  }
0xb3: {  	[sflag:s0] =	ssyncadd.s32 @!p0 s1  }
0xb4: {  	[bflag:$0x3] =	sbarrier.arrive $0xFFFF  }
0xb5: {  	_ =	shalt  }

</sc_bundles>
